<compile_context>
chip_gen: v7x
topology: tpu7x:2x2x1
jax: 0.10.2.dev20260603
libtpu: 0.0.44.dev20260713+nightly
codegen_flags: <defaults>
</compile_context>

<pallas_src>
import functools

import jax
import jax.numpy as jnp
from jax import lax
from jax.experimental import pallas as pl
from jax.experimental.pallas import tpu as pltpu
from jax.experimental.pallas import tpu_sc as plsc

N = 10000
E = 320000
HID = 16
HEADS = 8
HC = HID * HEADS
G = 64
N_OUT = 10

NP = 10240
NC = 2
NSUB = 16
NW = NC * NSUB
CH = 128
NCH = 81
PER_W = NCH * CH
E2P = NW * PER_W
ZB = NP // NSUB

BLK_N = 1280
NBLK_N = NP // BLK_N
BLK_E = 4096
NBLK_E = E2P // BLK_E

_HI = lax.Precision.HIGHEST
_f32 = jnp.float32


@functools.cache
def _mesh():
    return plsc.VectorSubcoreMesh(core_axis_name="c", subcore_axis_name="s")


def _elu(v):
    return jnp.where(v > 0, v, jnp.exp(jnp.minimum(v, 0.0)) - 1.0)


def _lrelu(v):
    return jnp.where(v > 0, v, 0.2 * v)



def _sc_gather2_body(xl_hbm, xr_hbm, src2_hbm, dst2_hbm, gxl_hbm, gxr_hbm,
                     sidx, didx, bxl0, bxr0, bxl1, bxr1, bxl2, bxr2,
                     gsem, wsem):
    c = lax.axis_index("c")
    s = lax.axis_index("s")
    w = c * NSUB + s
    pltpu.sync_copy(src2_hbm.at[w], sidx)
    pltpu.sync_copy(dst2_hbm.at[w], didx)
    ebase = w * PER_W
    bufs = ((bxl0, bxr0), (bxl1, bxr1), (bxl2, bxr2))

    @pl.loop(0, NCH, step=3)
    def _(i):
        @pl.when(i > 0)
        def _():
            for _ in range(6):
                pltpu.make_async_copy(bxl0, gxl_hbm.at[pl.ds(ebase, CH)],
                                      wsem).wait()

        gs = []
        for o in range(3):
            bl, br = bufs[o]
            gs.append(pltpu.async_copy(xl_hbm.at[sidx.at[i + o]], bl, gsem))
            gs.append(pltpu.async_copy(xr_hbm.at[didx.at[i + o]], br, gsem))
        for o in range(3):
            bl, br = bufs[o]
            gs[2 * o].wait()
            gs[2 * o + 1].wait()
            off = ebase + (i + o) * CH
            pltpu.async_copy(bl, gxl_hbm.at[pl.ds(off, CH)], wsem)
            pltpu.async_copy(br, gxr_hbm.at[pl.ds(off, CH)], wsem)

    for _ in range(6):
        pltpu.make_async_copy(bxl0, gxl_hbm.at[pl.ds(ebase, CH)], wsem).wait()


def _sc_gather2(xl, xr, src2, dst2):
    fn = functools.partial(
        pl.kernel,
        mesh=_mesh(),
        out_type=[jax.ShapeDtypeStruct((E2P, HC), _f32),
                  jax.ShapeDtypeStruct((E2P, HC), _f32)],
        scratch_types=[pltpu.VMEM((NCH, CH), jnp.int32),
                       pltpu.VMEM((NCH, CH), jnp.int32)]
        + [pltpu.VMEM((CH, HC), _f32)] * 6
        + [pltpu.SemaphoreType.DMA, pltpu.SemaphoreType.DMA],
    )(_sc_gather2_body)
    return fn(xl, xr, src2, dst2)


def _scatter_body(val_hbm, dst2_hbm, z_hbm, out_hbm, didx, b0, b1, acc, lsem):
    c = lax.axis_index("c")
    s = lax.axis_index("s")
    pltpu.sync_copy(z_hbm.at[pl.ds(s * ZB, ZB)], acc.at[pl.ds(s * ZB, ZB)])
    plsc.subcore_barrier()

    w = c * NSUB + s
    pltpu.sync_copy(dst2_hbm.at[w], didx)
    ebase = w * PER_W

    @pl.loop(0, NCH - 1, step=2)
    def _(i):
        l0 = pltpu.async_copy(val_hbm.at[pl.ds(ebase + i * CH, CH)], b0, lsem)
        l1 = pltpu.async_copy(val_hbm.at[pl.ds(ebase + (i + 1) * CH, CH)],
                              b1, lsem)
        l0.wait()
        pltpu.sync_copy(b0, acc.at[didx.at[i]], add=True)
        l1.wait()
        pltpu.sync_copy(b1, acc.at[didx.at[i + 1]], add=True)

    pltpu.sync_copy(val_hbm.at[pl.ds(ebase + (NCH - 1) * CH, CH)], b0)
    pltpu.sync_copy(b0, acc.at[didx.at[NCH - 1]], add=True)

    plsc.subcore_barrier()
    pltpu.sync_copy(acc.at[pl.ds(s * ZB, ZB)],
                    out_hbm.at[c, pl.ds(s * ZB, ZB)])


def _sc_scatter_w(val, dst2, z, width):
    fn = functools.partial(
        pl.kernel,
        mesh=_mesh(),
        out_type=jax.ShapeDtypeStruct((NC, NP, width), _f32),
        scratch_types=[pltpu.VMEM((NCH, CH), jnp.int32)]
        + [pltpu.VMEM((CH, width), _f32)] * 2
        + [pltpu.VMEM_SHARED((NP, width), _f32),
           pltpu.SemaphoreType.DMA],
    )(_scatter_body)
    return fn(val, dst2, z)


def _sc_scatter(msg, a16, dst2, z128, z16):
    p = _sc_scatter_w(msg, dst2, z128, HC)
    sp = _sc_scatter_w(a16, dst2, z16, 16)
    return p, sp



def _rep16(a):
    parts = [jnp.broadcast_to(a[:, h:h + 1], (a.shape[0], HID))
             for h in range(HEADS)]
    return jnp.concatenate(parts, axis=1)


def _combine(p0, p1, s0, s1, bias):
    den = _rep16(s0[:, :HEADS] + s1[:, :HEADS]) + 1e-16
    return _elu((p0 + p1) / den + bias)


def _xlxr(h, wl_ref, bl_ref, wr_ref, br_ref, xl_ref, xr_ref):
    xl_ref[...] = lax.dot_general(h, wl_ref[...], (((1,), (1,)), ((), ())),
                                  precision=_HI) + bl_ref[...]
    xr_ref[...] = lax.dot_general(h, wr_ref[...], (((1,), (1,)), ((), ())),
                                  precision=_HI) + br_ref[...]


def _k_node1_body(x_ref, wpre_ref, bpre_ref, wl_ref, bl_ref, wr_ref, br_ref,
                  xl_ref, xr_ref):
    h0 = lax.dot_general(x_ref[...], wpre_ref[...], (((1,), (1,)), ((), ())),
                         precision=_HI) + bpre_ref[...]
    _xlxr(_elu(h0), wl_ref, bl_ref, wr_ref, br_ref, xl_ref, xr_ref)


def _k_node_mid_body(p0_ref, p1_ref, s0_ref, s1_ref, bprev_ref, wl_ref,
                     bl_ref, wr_ref, br_ref, xl_ref, xr_ref):
    h = _combine(p0_ref[...], p1_ref[...], s0_ref[...], s1_ref[...],
                 bprev_ref[...])
    _xlxr(h, wl_ref, bl_ref, wr_ref, br_ref, xl_ref, xr_ref)


def _full(shape):
    return pl.BlockSpec(shape, lambda i: tuple(0 for _ in shape))


def _nodeblk(width):
    return pl.BlockSpec((BLK_N, width), lambda i: (i, 0))


def _edgeblk(width):
    return pl.BlockSpec((BLK_E, width), lambda i: (i, 0))


def _node1(x_p, W_pre, b_pre, Wl, bl, Wr, br):
    return pl.pallas_call(
        _k_node1_body,
        grid=(NBLK_N,),
        in_specs=[_nodeblk(128), _full((HID, 128)), _full((1, HID)),
                  _full((HC, HID)), _full((1, HC)), _full((HC, HID)),
                  _full((1, HC))],
        out_specs=[_nodeblk(HC), _nodeblk(HC)],
        out_shape=[jax.ShapeDtypeStruct((NP, HC), _f32),
                   jax.ShapeDtypeStruct((NP, HC), _f32)],
    )(x_p, W_pre, b_pre.reshape(1, HID), Wl, bl.reshape(1, HC), Wr,
      br.reshape(1, HC))


def _node_mid(p, sp, bprev, Wl, bl, Wr, br):
    return pl.pallas_call(
        _k_node_mid_body,
        grid=(NBLK_N,),
        in_specs=[_nodeblk(HC), _nodeblk(HC), _nodeblk(16), _nodeblk(16),
                  _full((1, HC)), _full((HC, HC)), _full((1, HC)),
                  _full((HC, HC)), _full((1, HC))],
        out_specs=[_nodeblk(HC), _nodeblk(HC)],
        out_shape=[jax.ShapeDtypeStruct((NP, HC), _f32),
                   jax.ShapeDtypeStruct((NP, HC), _f32)],
    )(p[0], p[1], sp[0], sp[1], bprev.reshape(1, HC), Wl, bl.reshape(1, HC),
      Wr, br.reshape(1, HC))


def _k_edge_body(att_ref, sel_ref, selt_ref, gxl_ref, gxr_ref, msg_ref,
                 a_ref):
    gxl = gxl_ref[...]
    p = _lrelu(gxl + gxr_ref[...]) * att_ref[...]
    lh = lax.dot_general(p, sel_ref[...], (((1,), (0,)), ((), ())))
    a = jnp.exp(lh)
    a_ref[...] = a
    arep = lax.dot_general(a, selt_ref[...], (((1,), (0,)), ((), ())))
    msg_ref[...] = gxl * arep


def _edge(att_flat, sel, selt, gxl, gxr):
    return pl.pallas_call(
        _k_edge_body,
        grid=(NBLK_E,),
        in_specs=[_full((1, HC)), _full((HC, 16)), _full((16, HC)),
                  _edgeblk(HC), _edgeblk(HC)],
        out_specs=[_edgeblk(HC), _edgeblk(16)],
        out_shape=[jax.ShapeDtypeStruct((E2P, HC), _f32),
                   jax.ShapeDtypeStruct((E2P, 16), _f32)],
    )(att_flat, sel, selt, gxl, gxr)


def _k_pool_body(p0_ref, p1_ref, s0_ref, s1_ref, bias_ref, batch_ref,
                 wcls_ref, bcls_ref, out_ref, sums_ref, cnt_ref):
    i = pl.program_id(0)

    @pl.when(i == 0)
    def _():
        sums_ref[...] = jnp.zeros_like(sums_ref)
        cnt_ref[...] = jnp.zeros_like(cnt_ref)

    h = _combine(p0_ref[...], p1_ref[...], s0_ref[...], s1_ref[...],
                 bias_ref[...])
    b = batch_ref[0, 0, :]
    oh = (lax.broadcasted_iota(jnp.int32, (G, BLK_N), 0)
          == b[None, :]).astype(_f32)
    sums_ref[...] += lax.dot_general(oh, h, (((1,), (0,)), ((), ())),
                                     precision=_HI)
    cnt_ref[...] += jnp.broadcast_to(
        jnp.sum(oh, axis=1, keepdims=True), (G, 128))

    @pl.when(i == NBLK_N - 1)
    def _():
        pooled = sums_ref[...] / jnp.maximum(cnt_ref[...], 1.0)
        out_ref[...] = lax.dot_general(
            pooled, wcls_ref[...], (((1,), (1,)), ((), ())),
            precision=_HI) + bcls_ref[...]


def _pool_cls(p, sp, bias, batch3, W_cls, b_cls):
    return pl.pallas_call(
        _k_pool_body,
        grid=(NBLK_N,),
        in_specs=[_nodeblk(HC), _nodeblk(HC), _nodeblk(16), _nodeblk(16),
                  _full((1, HC)),
                  pl.BlockSpec((1, 1, BLK_N), lambda i: (i, 0, 0)),
                  _full((N_OUT, HC)), _full((1, N_OUT))],
        out_specs=pl.BlockSpec((G, N_OUT), lambda i: (0, 0)),
        out_shape=jax.ShapeDtypeStruct((G, N_OUT), _f32),
        scratch_shapes=[pltpu.VMEM((G, 128), _f32),
                        pltpu.VMEM((G, 128), _f32)],
    )(p[0], p[1], sp[0], sp[1], bias.reshape(1, HC), batch3, W_cls,
      b_cls.reshape(1, N_OUT))



def _edge_phase(xl, xr, src2, dst2, att_flat, sel, selt, z128, z16):
    gxl, gxr = _sc_gather2(xl, xr, src2, dst2)
    msg, a16 = _edge(att_flat, sel, selt, gxl, gxr)
    return _sc_scatter(msg, a16, dst2, z128, z16)


def kernel(x, edge_index, batch, W_pre, b_pre, Wl1, bl1, Wr1, br1, att1, bias1,
           Wl2, bl2, Wr2, br2, att2, bias2, Wl3, bl3, Wr3, br3, att3, bias3,
           W_cls, b_cls):
    loop = jnp.arange(N, dtype=jnp.int32)
    pad = jnp.full((E2P - E - N,), NP - 1, dtype=jnp.int32)
    src2 = jnp.concatenate([edge_index[0], loop, pad]).reshape(NW, NCH, CH)
    dst2 = jnp.concatenate([edge_index[1], loop, pad]).reshape(NW, NCH, CH)
    x_p = jnp.concatenate([x, jnp.zeros((NP - N, x.shape[1]), _f32)])
    batch3 = jnp.concatenate(
        [batch, jnp.full((NP - N,), G, jnp.int32)]).reshape(NBLK_N, 1, BLK_N)
    z128 = jnp.zeros((NP, HC), _f32)
    z16 = jnp.zeros((NP, 16), _f32)
    lane = jnp.arange(HC, dtype=jnp.int32) // HID
    sel = (lane[:, None] == jnp.arange(16)[None, :]).astype(_f32)
    selt = sel.T

    a1, a2, a3 = (a.reshape(1, HC) for a in (att1, att2, att3))

    xl, xr = _node1(x_p, W_pre, b_pre, Wl1, bl1, Wr1, br1)
    p, sp = _edge_phase(xl, xr, src2, dst2, a1, sel, selt, z128, z16)
    xl, xr = _node_mid(p, sp, bias1, Wl2, bl2, Wr2, br2)
    p, sp = _edge_phase(xl, xr, src2, dst2, a2, sel, selt, z128, z16)
    xl, xr = _node_mid(p, sp, bias2, Wl3, bl3, Wr3, br3)
    p, sp = _edge_phase(xl, xr, src2, dst2, a3, sel, selt, z128, z16)
    return _pool_cls(p, sp, bias3, batch3, W_cls, b_cls)

# --- scband reference (transcript-rebuilt; emitter-appended) ---
"""Pipeline reference for scband-gat-59193239273527 (READ-ONLY COPY).

The authoritative reference and input builder live on the scoring server;
editing this copy changes nothing except your own understanding.
"""

import jax, jax.numpy as jnp
import numpy as np

N = 10000
E = 320000
D_IN = 128
HID = 16
HEADS = 8
HC = HID * HEADS
G = 64
N_OUT = 10

def _lin(k, out_d, in_d):
    s = 1.0 / np.sqrt(in_d)
    return jax.random.uniform(k, (out_d, in_d), minval=-s, maxval=s, dtype=jnp.float32)

def _vec(k, d, fan):
    s = 1.0 / np.sqrt(fan)
    return jax.random.uniform(k, (d,), minval=-s, maxval=s, dtype=jnp.float32)

def setup_inputs(seed: int = 0):
    key = jax.random.key(seed)
    ks = jax.random.split(key, 30)
    inp = {}
    inp["x"] = jax.random.normal(ks[0], (N, D_IN), dtype=jnp.float32)
    inp["edge_index"] = jax.random.randint(ks[1], (2, E), 0, N, dtype=jnp.int32)
    inp["batch"] = jnp.sort(jax.random.randint(ks[2], (N,), 0, G, dtype=jnp.int32))
    inp["W_pre"] = _lin(ks[3], HID, D_IN)
    inp["b_pre"] = _vec(ks[4], HID, D_IN)
    dims = [HID, HC, HC]
    i = 5
    for li in range(1, 4):
        din = dims[li - 1]
        inp["Wl%d" % li] = _lin(ks[i], HC, din); i += 1
        inp["bl%d" % li] = _vec(ks[i], HC, din); i += 1
        inp["Wr%d" % li] = _lin(ks[i], HC, din); i += 1
        inp["br%d" % li] = _vec(ks[i], HC, din); i += 1
        inp["att%d" % li] = jax.random.normal(ks[i], (HEADS, HID), dtype=jnp.float32) * 0.1; i += 1
        inp["bias%d" % li] = jnp.zeros((HC,), dtype=jnp.float32)
    inp["W_cls"] = _lin(ks[i], N_OUT, HC); i += 1
    inp["b_cls"] = _vec(ks[i], N_OUT, HC)
    return inp

def gatv2(x, edge_index, Wl, bl, Wr, br, att, bias):
    # Faithful GATv2Conv (PyG defaults: add_self_loops=True, negative_slope=0.2, concat=True)
    n = x.shape[0]
    loop = jnp.arange(n, dtype=edge_index.dtype)
    src = jnp.concatenate([edge_index[0], loop])
    dst = jnp.concatenate([edge_index[1], loop])
    xl = (x @ Wl.T + bl).reshape(n, HEADS, HID)
    xr = (x @ Wr.T + br).reshape(n, HEADS, HID)
    e = jax.nn.leaky_relu(xl[src] + xr[dst], 0.2)
    logits = jnp.sum(e * att[None, :, :], axis=-1)  # [E+n, HEADS]
    m = jax.ops.segment_max(logits, dst, num_segments=n)
    m = jax.lax.stop_gradient(m)
    a = jnp.exp(logits - m[dst])
    s = jax.ops.segment_sum(a, dst, num_segments=n)
    alpha = a / (s[dst] + 1e-16)
    msg = xl[src] * alpha[:, :, None]
    out = jax.ops.segment_sum(msg, dst, num_segments=n)
    return out.reshape(n, HC) + bias

def reference(x, edge_index, batch, W_pre, b_pre, Wl1, bl1, Wr1, br1, att1, bias1, Wl2, bl2, Wr2, br2, att2, bias2, Wl3, bl3, Wr3, br3, att3, bias3, W_cls, b_cls):
    # dropout is identity in eval mode (F.dropout with training=False)
    h = jax.nn.elu(x @ W_pre.T + b_pre)
    h = jax.nn.elu(gatv2(h, edge_index, Wl1, bl1, Wr1, br1, att1, bias1))
    h = jax.nn.elu(gatv2(h, edge_index, Wl2, bl2, Wr2, br2, att2, bias2))
    h = jax.nn.elu(gatv2(h, edge_index, Wl3, bl3, Wr3, br3, att3, bias3))
    sums = jax.ops.segment_sum(h, batch, num_segments=G)
    cnt = jax.ops.segment_sum(jnp.ones((h.shape[0], 1), h.dtype), batch, num_segments=G)
    pooled = sums / jnp.maximum(cnt, 1.0)
    return pooled @ W_cls.T + b_cls

if __name__ == "__main__":
    import jax
    _d = setup_inputs()
    print(jax.jit(kernel)(*tuple(_d.values())))

</pallas_src>

<mosaic_0001>
#map = affine_map<(d0, d1) -> (0, 0)>
#map1 = affine_map<(d0, d1) -> (0, 0, 0)>
module attributes {stable_mosaic.version = 14 : i64} {
  func.func @_scatter_body(%arg0: i32, %arg1: i32, %arg2: memref<331776x16xf32, #tpu.memory_space<hbm>>, %arg3: memref<32x81x128xi32, #tpu.memory_space<hbm>>, %arg4: memref<10240x16xf32, #tpu.memory_space<hbm>>, %arg5: memref<2x10240x16xf32, #tpu.memory_space<hbm>>, %arg6: memref<81x128xi32, #tpu.memory_space<vmem>>, %arg7: memref<128x16xf32, #tpu.memory_space<vmem>>, %arg8: memref<128x16xf32, #tpu.memory_space<vmem>>, %arg9: memref<10240x16xf32, #tpu.memory_space<vmem_shared>>, %arg10: memref<!tpu.dma_semaphore, #tpu.memory_space<semaphore_mem>>) attributes {dimension_semantics = [#tpu.dimension_semantics<core_parallel>, #tpu.dimension_semantics<subcore_parallel>], iteration_bounds = array<i64: 2, 16>, scalar_prefetch = 0 : i64, scratch_operands = 5 : i64, tpu.core_type = #tpu.core_type<sc_vector_subcore>, window_params = [{transform_indices = #map}, {transform_indices = #map1}, {transform_indices = #map}, {transform_indices = #map1}]} {
    %mul3A = arith.constant 640 : i32
    %mul3A_0 = arith.muli %arg1, %mul3A : i32
    %mul3A_1 = arith.constant 640 : i32
    %mul3A_2 = arith.muli %arg1, %mul3A_1 : i32
    "tpu.region"() ({
      %run_scoped3A_18 = tpu.sem_alloc : memref<!tpu.dma_semaphore, #tpu.memory_space<semaphore_mem>>
      %dma_start3A = arith.constant 0 : i32
      %dma_start3A_19 = tpu.memref_slice %arg9[%mul3A_2, %dma_start3A] : memref<10240x16xf32, #tpu.memory_space<vmem_shared>> -> memref<640x16xf32, #tpu.memory_space<vmem_shared>>
      %dma_start3A_20 = arith.constant 0 : i32
      %dma_start3A_21 = tpu.memref_slice %arg4[%mul3A_0, %dma_start3A_20] : memref<10240x16xf32, #tpu.memory_space<hbm>> -> memref<640x16xf32, #tpu.memory_space<hbm>>
      tpu.enqueue_dma source(%dma_start3A_21 : memref<640x16xf32, #tpu.memory_space<hbm>>) target(%dma_start3A_19 : memref<640x16xf32, #tpu.memory_space<vmem_shared>>) target_semaphore(%run_scoped3A_18 : memref<!tpu.dma_semaphore, #tpu.memory_space<semaphore_mem>>)
      %dma_wait3A = arith.constant 0 : i32
      %dma_wait3A_22 = tpu.memref_slice %arg9[%mul3A_2, %dma_wait3A] : memref<10240x16xf32, #tpu.memory_space<vmem_shared>> -> memref<640x16xf32, #tpu.memory_space<vmem_shared>>
      %dma_wait3A_23 = arith.constant 0 : i32
      %dma_wait3A_24 = tpu.memref_slice %arg4[%mul3A_0, %dma_wait3A_23] : memref<10240x16xf32, #tpu.memory_space<hbm>> -> memref<640x16xf32, #tpu.memory_space<hbm>>
      tpu.wait_dma2 semaphore(%run_scoped3A_18 : memref<!tpu.dma_semaphore, #tpu.memory_space<semaphore_mem>>) src(%dma_wait3A_24 : memref<640x16xf32, #tpu.memory_space<hbm>>) dst(%dma_wait3A_22 : memref<640x16xf32, #tpu.memory_space<vmem_shared>>)
      tpu.yield
    }) : () -> ()
    %barrier3A = arith.constant 0 : index
    tpu.barrier barrier_id(%barrier3A)
    %mul3A_3 = arith.constant 16 : i32
    %mul3A_4 = arith.muli %arg0, %mul3A_3 : i32
    %add3A = arith.addi %mul3A_4, %arg1 : i32
    "tpu.region"() ({
      %run_scoped3A_18 = tpu.sem_alloc : memref<!tpu.dma_semaphore, #tpu.memory_space<semaphore_mem>>
      %dma_start3A = arith.constant 0 : i32
      %dma_start3A_19 = arith.constant 0 : i32
      %dma_start3A_20 = tpu.memref_slice %arg3[%add3A, %dma_start3A, %dma_start3A_19] : memref<32x81x128xi32, #tpu.memory_space<hbm>> -> memref<1x81x128xi32, #tpu.memory_space<hbm>>
      %dma_start3A_21 = tpu.memref_squeeze %dma_start3A_20 : memref<1x81x128xi32, #tpu.memory_space<hbm>> -> memref<81x128xi32, #tpu.memory_space<hbm>>
      %dma_start3A_22 = arith.constant 0 : i32
      %dma_start3A_23 = arith.constant 0 : i32
      %dma_start3A_24 = tpu.memref_slice %arg3[%add3A, %dma_start3A_22, %dma_start3A_23] : memref<32x81x128xi32, #tpu.memory_space<hbm>> -> memref<1x81x128xi32, #tpu.memory_space<hbm>>
      %dma_start3A_25 = tpu.memref_squeeze %dma_start3A_24 : memref<1x81x128xi32, #tpu.memory_space<hbm>> -> memref<81x128xi32, #tpu.memory_space<hbm>>
      tpu.enqueue_dma source(%dma_start3A_25 : memref<81x128xi32, #tpu.memory_space<hbm>>) target(%arg6 : memref<81x128xi32, #tpu.memory_space<vmem>>) target_semaphore(%run_scoped3A_18 : memref<!tpu.dma_semaphore, #tpu.memory_space<semaphore_mem>>)
      %dma_wait3A = arith.constant 0 : i32
      %dma_wait3A_26 = arith.constant 0 : i32
      %dma_wait3A_27 = tpu.memref_slice %arg3[%add3A, %dma_wait3A, %dma_wait3A_26] : memref<32x81x128xi32, #tpu.memory_space<hbm>> -> memref<1x81x128xi32, #tpu.memory_space<hbm>>
      %dma_wait3A_28 = tpu.memref_squeeze %dma_wait3A_27 : memref<1x81x128xi32, #tpu.memory_space<hbm>> -> memref<81x128xi32, #tpu.memory_space<hbm>>
      %dma_wait3A_29 = arith.constant 0 : i32
      %dma_wait3A_30 = arith.constant 0 : i32
      %dma_wait3A_31 = tpu.memref_slice %arg3[%add3A, %dma_wait3A_29, %dma_wait3A_30] : memref<32x81x128xi32, #tpu.memory_space<hbm>> -> memref<1x81x128xi32, #tpu.memory_space<hbm>>
      %dma_wait3A_32 = tpu.memref_squeeze %dma_wait3A_31 : memref<1x81x128xi32, #tpu.memory_space<hbm>> -> memref<81x128xi32, #tpu.memory_space<hbm>>
      tpu.wait_dma2 semaphore(%run_scoped3A_18 : memref<!tpu.dma_semaphore, #tpu.memory_space<semaphore_mem>>) src(%dma_wait3A_32 : memref<81x128xi32, #tpu.memory_space<hbm>>) dst(%arg6 : memref<81x128xi32, #tpu.memory_space<vmem>>)
      tpu.yield
    }) : () -> ()
    %mul3A_5 = arith.constant 10368 : i32
    %mul3A_6 = arith.muli %add3A, %mul3A_5 : i32
    %scan3A = arith.constant 0 : i32
    %scan3A_7 = arith.constant 40 : i32
    %scan3A_8 = arith.addi %scan3A, %scan3A_7 : i32
    %scan3A_9 = arith.constant 1 : i32
    scf.for %scan3A_18 = %scan3A to %scan3A_8 step %scan3A_9  : i32 {
      %mul3A_19 = arith.constant 2 : i32
      %mul3A_20 = arith.muli %scan3A_18, %mul3A_19 : i32
      %add3A_21 = arith.constant 0 : i32
      %add3A_22 = arith.addi %add3A_21, %mul3A_20 : i32
      %mul3A_23 = arith.constant 128 : i32
      %mul3A_24 = arith.muli %add3A_22, %mul3A_23 : i32
      %add3A_25 = arith.addi %mul3A_6, %mul3A_24 : i32
      %dma_start3A = arith.constant 0 : i32
      %dma_start3A_26 = tpu.memref_slice %arg2[%add3A_25, %dma_start3A] : memref<331776x16xf32, #tpu.memory_space<hbm>> -> memref<128x16xf32, #tpu.memory_space<hbm>>
      %dma_start3A_27 = arith.constant 0 : i32
      %dma_start3A_28 = tpu.memref_slice %arg2[%add3A_25, %dma_start3A_27] : memref<331776x16xf32, #tpu.memory_space<hbm>> -> memref<128x16xf32, #tpu.memory_space<hbm>>
      tpu.enqueue_dma source(%dma_start3A_28 : memref<128x16xf32, #tpu.memory_space<hbm>>) target(%arg7 : memref<128x16xf32, #tpu.memory_space<vmem>>) target_semaphore(%arg10 : memref<!tpu.dma_semaphore, #tpu.memory_space<semaphore_mem>>)
      %add3A_29 = arith.constant 1 : i32
      %add3A_30 = arith.addi %add3A_22, %add3A_29 : i32
      %mul3A_31 = arith.constant 128 : i32
      %mul3A_32 = arith.muli %add3A_30, %mul3A_31 : i32
      %add3A_33 = arith.addi %mul3A_6, %mul3A_32 : i32
      %dma_start3A_34 = arith.constant 0 : i32
      %dma_start3A_35 = tpu.memref_slice %arg2[%add3A_33, %dma_start3A_34] : memref<331776x16xf32, #tpu.memory_space<hbm>> -> memref<128x16xf32, #tpu.memory_space<hbm>>
      %dma_start3A_36 = arith.constant 0 : i32
      %dma_start3A_37 = tpu.memref_slice %arg2[%add3A_33, %dma_start3A_36] : memref<331776x16xf32, #tpu.memory_space<hbm>> -> memref<128x16xf32, #tpu.memory_space<hbm>>
      tpu.enqueue_dma source(%dma_start3A_37 : memref<128x16xf32, #tpu.memory_space<hbm>>) target(%arg8 : memref<128x16xf32, #tpu.memory_space<vmem>>) target_semaphore(%arg10 : memref<!tpu.dma_semaphore, #tpu.memory_space<semaphore_mem>>)
      %dma_wait3A = arith.constant 0 : i32
      %dma_wait3A_38 = tpu.memref_slice %arg2[%add3A_25, %dma_wait3A] : memref<331776x16xf32, #tpu.memory_space<hbm>> -> memref<128x16xf32, #tpu.memory_space<hbm>>
      %dma_wait3A_39 = arith.constant 0 : i32
      %dma_wait3A_40 = tpu.memref_slice %arg2[%add3A_25, %dma_wait3A_39] : memref<331776x16xf32, #tpu.memory_space<hbm>> -> memref<128x16xf32, #tpu.memory_space<hbm>>
      tpu.wait_dma2 semaphore(%arg10 : memref<!tpu.dma_semaphore, #tpu.memory_space<semaphore_mem>>) src(%dma_wait3A_40 : memref<128x16xf32, #tpu.memory_space<hbm>>) dst(%arg7 : memref<128x16xf32, #tpu.memory_space<vmem>>)
      "tpu.region"() ({
        %run_scoped3A_47 = tpu.sem_alloc : memref<!tpu.dma_semaphore, #tpu.memory_space<semaphore_mem>>
        %dma_start3A_48 = arith.constant 0 : i32
        %dma_start3A_49 = tpu.memref_slice %arg6[%add3A_22, %dma_start3A_48] : memref<81x128xi32, #tpu.memory_space<vmem>> -> memref<1x128xi32, #tpu.memory_space<vmem>>
        %dma_start3A_50 = tpu.memref_squeeze %dma_start3A_49 : memref<1x128xi32, #tpu.memory_space<vmem>> -> memref<128xi32, #tpu.memory_space<vmem>>
        %dma_start3A_51 = arith.constant 0 : i32
        %dma_start3A_52 = arith.constant 0 : i32
        %dma_start3A_53 = tpu.memref_slice %arg9[%dma_start3A_51, %dma_start3A_52] : memref<10240x16xf32, #tpu.memory_space<vmem_shared>> -> memref<10240x16xf32, #tpu.memory_space<vmem_shared>>
        tpu.enqueue_indirect_dma source(%arg7 : memref<128x16xf32, #tpu.memory_space<vmem>>) target(%dma_start3A_53 : memref<10240x16xf32, #tpu.memory_space<vmem_shared>>) offsets(%dma_start3A_50 : memref<128xi32, #tpu.memory_space<vmem>>) semaphore(%run_scoped3A_47 : memref<!tpu.dma_semaphore, #tpu.memory_space<semaphore_mem>>) {add = true}
        %dma_wait3A_54 = arith.constant 0 : i32
        %dma_wait3A_55 = tpu.memref_slice %arg6[%add3A_22, %dma_wait3A_54] : memref<81x128xi32, #tpu.memory_space<vmem>> -> memref<1x128xi32, #tpu.memory_space<vmem>>
        %dma_wait3A_56 = tpu.memref_squeeze %dma_wait3A_55 : memref<1x128xi32, #tpu.memory_space<vmem>> -> memref<128xi32, #tpu.memory_space<vmem>>
        %dma_wait3A_57 = arith.constant 0 : i32
        %dma_wait3A_58 = arith.constant 0 : i32
        %dma_wait3A_59 = tpu.memref_slice %arg9[%dma_wait3A_57, %dma_wait3A_58] : memref<10240x16xf32, #tpu.memory_space<vmem_shared>> -> memref<10240x16xf32, #tpu.memory_space<vmem_shared>>
        tpu.wait_indirect_dma semaphore(%run_scoped3A_47 : memref<!tpu.dma_semaphore, #tpu.memory_space<semaphore_mem>>) src(%arg7 : memref<128x16xf32, #tpu.memory_space<vmem>>) dst(%dma_wait3A_59 : memref<10240x16xf32, #tpu.memory_space<vmem_shared>>)
        tpu.yield
      }) : () -> ()
      %dma_wait3A_41 = arith.constant 0 : i32
      %dma_wait3A_42 = tpu.memref_slice %arg2[%add3A_33, %dma_wait3A_41] : memref<331776x16xf32, #tpu.memory_space<hbm>> -> memref<128x16xf32, #tpu.memory_space<hbm>>
      %dma_wait3A_43 = arith.constant 0 : i32
      %dma_wait3A_44 = tpu.memref_slice %arg2[%add3A_33, %dma_wait3A_43] : memref<331776x16xf32, #tpu.memory_space<hbm>> -> memref<128x16xf32, #tpu.memory_space<hbm>>
      tpu.wait_dma2 semaphore(%arg10 : memref<!tpu.dma_semaphore, #tpu.memory_space<semaphore_mem>>) src(%dma_wait3A_44 : memref<128x16xf32, #tpu.memory_space<hbm>>) dst(%arg8 : memref<128x16xf32, #tpu.memory_space<vmem>>)
      %add3A_45 = arith.constant 1 : i32
      %add3A_46 = arith.addi %add3A_22, %add3A_45 : i32
      "tpu.region"() ({
        %run_scoped3A_47 = tpu.sem_alloc : memref<!tpu.dma_semaphore, #tpu.memory_space<semaphore_mem>>
        %dma_start3A_48 = arith.constant 0 : i32
        %dma_start3A_49 = tpu.memref_slice %arg6[%add3A_46, %dma_start3A_48] : memref<81x128xi32, #tpu.memory_space<vmem>> -> memref<1x128xi32, #tpu.memory_space<vmem>>
        %dma_start3A_50 = tpu.memref_squeeze %dma_start3A_49 : memref<1x128xi32, #tpu.memory_space<vmem>> -> memref<128xi32, #tpu.memory_space<vmem>>
        %dma_start3A_51 = arith.constant 0 : i32
        %dma_start3A_52 = arith.constant 0 : i32
        %dma_start3A_53 = tpu.memref_slice %arg9[%dma_start3A_51, %dma_start3A_52] : memref<10240x16xf32, #tpu.memory_space<vmem_shared>> -> memref<10240x16xf32, #tpu.memory_space<vmem_shared>>
        tpu.enqueue_indirect_dma source(%arg8 : memref<128x16xf32, #tpu.memory_space<vmem>>) target(%dma_start3A_53 : memref<10240x16xf32, #tpu.memory_space<vmem_shared>>) offsets(%dma_start3A_50 : memref<128xi32, #tpu.memory_space<vmem>>) semaphore(%run_scoped3A_47 : memref<!tpu.dma_semaphore, #tpu.memory_space<semaphore_mem>>) {add = true}
        %dma_wait3A_54 = arith.constant 0 : i32
        %dma_wait3A_55 = tpu.memref_slice %arg6[%add3A_46, %dma_wait3A_54] : memref<81x128xi32, #tpu.memory_space<vmem>> -> memref<1x128xi32, #tpu.memory_space<vmem>>
        %dma_wait3A_56 = tpu.memref_squeeze %dma_wait3A_55 : memref<1x128xi32, #tpu.memory_space<vmem>> -> memref<128xi32, #tpu.memory_space<vmem>>
        %dma_wait3A_57 = arith.constant 0 : i32
        %dma_wait3A_58 = arith.constant 0 : i32
        %dma_wait3A_59 = tpu.memref_slice %arg9[%dma_wait3A_57, %dma_wait3A_58] : memref<10240x16xf32, #tpu.memory_space<vmem_shared>> -> memref<10240x16xf32, #tpu.memory_space<vmem_shared>>
        tpu.wait_indirect_dma semaphore(%run_scoped3A_47 : memref<!tpu.dma_semaphore, #tpu.memory_space<semaphore_mem>>) src(%arg8 : memref<128x16xf32, #tpu.memory_space<vmem>>) dst(%dma_wait3A_59 : memref<10240x16xf32, #tpu.memory_space<vmem_shared>>)
        tpu.yield
      }) : () -> ()
    }
    %scan3A_10 = arith.constant 40 : i32
    %add3A_11 = arith.constant 10240 : i32
    %add3A_12 = arith.addi %mul3A_6, %add3A_11 : i32
    "tpu.region"() ({
      %run_scoped3A_18 = tpu.sem_alloc : memref<!tpu.dma_semaphore, #tpu.memory_space<semaphore_mem>>
      %dma_start3A = arith.constant 0 : i32
      %dma_start3A_19 = tpu.memref_slice %arg2[%add3A_12, %dma_start3A] : memref<331776x16xf32, #tpu.memory_space<hbm>> -> memref<128x16xf32, #tpu.memory_space<hbm>>
      %dma_start3A_20 = arith.constant 0 : i32
      %dma_start3A_21 = tpu.memref_slice %arg2[%add3A_12, %dma_start3A_20] : memref<331776x16xf32, #tpu.memory_space<hbm>> -> memref<128x16xf32, #tpu.memory_space<hbm>>
      tpu.enqueue_dma source(%dma_start3A_21 : memref<128x16xf32, #tpu.memory_space<hbm>>) target(%arg7 : memref<128x16xf32, #tpu.memory_space<vmem>>) target_semaphore(%run_scoped3A_18 : memref<!tpu.dma_semaphore, #tpu.memory_space<semaphore_mem>>)
      %dma_wait3A = arith.constant 0 : i32
      %dma_wait3A_22 = tpu.memref_slice %arg2[%add3A_12, %dma_wait3A] : memref<331776x16xf32, #tpu.memory_space<hbm>> -> memref<128x16xf32, #tpu.memory_space<hbm>>
      %dma_wait3A_23 = arith.constant 0 : i32
      %dma_wait3A_24 = tpu.memref_slice %arg2[%add3A_12, %dma_wait3A_23] : memref<331776x16xf32, #tpu.memory_space<hbm>> -> memref<128x16xf32, #tpu.memory_space<hbm>>
      tpu.wait_dma2 semaphore(%run_scoped3A_18 : memref<!tpu.dma_semaphore, #tpu.memory_space<semaphore_mem>>) src(%dma_wait3A_24 : memref<128x16xf32, #tpu.memory_space<hbm>>) dst(%arg7 : memref<128x16xf32, #tpu.memory_space<vmem>>)
      tpu.yield
    }) : () -> ()
    %run_scoped3A = arith.constant 80 : i32
    "tpu.region"() ({
      %run_scoped3A_18 = tpu.sem_alloc : memref<!tpu.dma_semaphore, #tpu.memory_space<semaphore_mem>>
      %dma_start3A = arith.constant 0 : i32
      %dma_start3A_19 = tpu.memref_slice %arg6[%run_scoped3A, %dma_start3A] : memref<81x128xi32, #tpu.memory_space<vmem>> -> memref<1x128xi32, #tpu.memory_space<vmem>>
      %dma_start3A_20 = tpu.memref_squeeze %dma_start3A_19 : memref<1x128xi32, #tpu.memory_space<vmem>> -> memref<128xi32, #tpu.memory_space<vmem>>
      %dma_start3A_21 = arith.constant 0 : i32
      %dma_start3A_22 = arith.constant 0 : i32
      %dma_start3A_23 = tpu.memref_slice %arg9[%dma_start3A_21, %dma_start3A_22] : memref<10240x16xf32, #tpu.memory_space<vmem_shared>> -> memref<10240x16xf32, #tpu.memory_space<vmem_shared>>
      tpu.enqueue_indirect_dma source(%arg7 : memref<128x16xf32, #tpu.memory_space<vmem>>) target(%dma_start3A_23 : memref<10240x16xf32, #tpu.memory_space<vmem_shared>>) offsets(%dma_start3A_20 : memref<128xi32, #tpu.memory_space<vmem>>) semaphore(%run_scoped3A_18 : memref<!tpu.dma_semaphore, #tpu.memory_space<semaphore_mem>>) {add = true}
      %dma_wait3A = arith.constant 0 : i32
      %dma_wait3A_24 = tpu.memref_slice %arg6[%run_scoped3A, %dma_wait3A] : memref<81x128xi32, #tpu.memory_space<vmem>> -> memref<1x128xi32, #tpu.memory_space<vmem>>
      %dma_wait3A_25 = tpu.memref_squeeze %dma_wait3A_24 : memref<1x128xi32, #tpu.memory_space<vmem>> -> memref<128xi32, #tpu.memory_space<vmem>>
      %dma_wait3A_26 = arith.constant 0 : i32
      %dma_wait3A_27 = arith.constant 0 : i32
      %dma_wait3A_28 = tpu.memref_slice %arg9[%dma_wait3A_26, %dma_wait3A_27] : memref<10240x16xf32, #tpu.memory_space<vmem_shared>> -> memref<10240x16xf32, #tpu.memory_space<vmem_shared>>
      tpu.wait_indirect_dma semaphore(%run_scoped3A_18 : memref<!tpu.dma_semaphore, #tpu.memory_space<semaphore_mem>>) src(%arg7 : memref<128x16xf32, #tpu.memory_space<vmem>>) dst(%dma_wait3A_28 : memref<10240x16xf32, #tpu.memory_space<vmem_shared>>)
      tpu.yield
    }) : () -> ()
    %barrier3A_13 = arith.constant 0 : index
    tpu.barrier barrier_id(%barrier3A_13)
    %mul3A_14 = arith.constant 640 : i32
    %mul3A_15 = arith.muli %arg1, %mul3A_14 : i32
    %mul3A_16 = arith.constant 640 : i32
    %mul3A_17 = arith.muli %arg1, %mul3A_16 : i32
    "tpu.region"() ({
      %run_scoped3A_18 = tpu.sem_alloc : memref<!tpu.dma_semaphore, #tpu.memory_space<semaphore_mem>>
      %dma_start3A = arith.constant 0 : i32
      %dma_start3A_19 = tpu.memref_slice %arg5[%arg0, %mul3A_17, %dma_start3A] : memref<2x10240x16xf32, #tpu.memory_space<hbm>> -> memref<1x640x16xf32, #tpu.memory_space<hbm>>
      %dma_start3A_20 = tpu.memref_squeeze %dma_start3A_19 : memref<1x640x16xf32, #tpu.memory_space<hbm>> -> memref<640x16xf32, #tpu.memory_space<hbm>>
      %dma_start3A_21 = arith.constant 0 : i32
      %dma_start3A_22 = tpu.memref_slice %arg9[%mul3A_15, %dma_start3A_21] : memref<10240x16xf32, #tpu.memory_space<vmem_shared>> -> memref<640x16xf32, #tpu.memory_space<vmem_shared>>
      tpu.enqueue_dma source(%dma_start3A_22 : memref<640x16xf32, #tpu.memory_space<vmem_shared>>) target(%dma_start3A_20 : memref<640x16xf32, #tpu.memory_space<hbm>>) target_semaphore(%run_scoped3A_18 : memref<!tpu.dma_semaphore, #tpu.memory_space<semaphore_mem>>)
      %dma_wait3A = arith.constant 0 : i32
      %dma_wait3A_23 = tpu.memref_slice %arg5[%arg0, %mul3A_17, %dma_wait3A] : memref<2x10240x16xf32, #tpu.memory_space<hbm>> -> memref<1x640x16xf32, #tpu.memory_space<hbm>>
      %dma_wait3A_24 = tpu.memref_squeeze %dma_wait3A_23 : memref<1x640x16xf32, #tpu.memory_space<hbm>> -> memref<640x16xf32, #tpu.memory_space<hbm>>
      %dma_wait3A_25 = arith.constant 0 : i32
      %dma_wait3A_26 = tpu.memref_slice %arg9[%mul3A_15, %dma_wait3A_25] : memref<10240x16xf32, #tpu.memory_space<vmem_shared>> -> memref<640x16xf32, #tpu.memory_space<vmem_shared>>
      tpu.wait_dma2 semaphore(%run_scoped3A_18 : memref<!tpu.dma_semaphore, #tpu.memory_space<semaphore_mem>>) src(%dma_wait3A_26 : memref<640x16xf32, #tpu.memory_space<vmem_shared>>) dst(%dma_wait3A_24 : memref<640x16xf32, #tpu.memory_space<hbm>>)
      tpu.yield
    }) : () -> ()
    return
  }
}

#map = affine_map<(d0, d1) -> (0, 0)>
#map1 = affine_map<(d0, d1) -> (0, 0, 0)>
module attributes {stable_mosaic.version = 14 : i64} {
  func.func @_sc_gather2_body(%arg0: i32, %arg1: i32, %arg2: memref<10240x128xf32, #tpu.memory_space<hbm>>, %arg3: memref<10240x128xf32, #tpu.memory_space<hbm>>, %arg4: memref<32x81x128xi32, #tpu.memory_space<hbm>>, %arg5: memref<32x81x128xi32, #tpu.memory_space<hbm>>, %arg6: memref<331776x128xf32, #tpu.memory_space<hbm>>, %arg7: memref<331776x128xf32, #tpu.memory_space<hbm>>, %arg8: memref<81x128xi32, #tpu.memory_space<vmem>>, %arg9: memref<81x128xi32, #tpu.memory_space<vmem>>, %arg10: memref<128x128xf32, #tpu.memory_space<vmem>>, %arg11: memref<128x128xf32, #tpu.memory_space<vmem>>, %arg12: memref<128x128xf32, #tpu.memory_space<vmem>>, %arg13: memref<128x128xf32, #tpu.memory_space<vmem>>, %arg14: memref<128x128xf32, #tpu.memory_space<vmem>>, %arg15: memref<128x128xf32, #tpu.memory_space<vmem>>, %arg16: memref<!tpu.dma_semaphore, #tpu.memory_space<semaphore_mem>>, %arg17: memref<!tpu.dma_semaphore, #tpu.memory_space<semaphore_mem>>) attributes {dimension_semantics = [#tpu.dimension_semantics<core_parallel>, #tpu.dimension_semantics<subcore_parallel>], iteration_bounds = array<i64: 2, 16>, scalar_prefetch = 0 : i64, scratch_operands = 10 : i64, tpu.core_type = #tpu.core_type<sc_vector_subcore>, window_params = [{transform_indices = #map}, {transform_indices = #map}, {transform_indices = #map1}, {transform_indices = #map1}, {transform_indices = #map}, {transform_indices = #map}]} {
    %mul3A = arith.constant 16 : i32
    %mul3A_0 = arith.muli %arg0, %mul3A : i32
    %add3A = arith.addi %mul3A_0, %arg1 : i32
    "tpu.region"() ({
      %run_scoped3A = tpu.sem_alloc : memref<!tpu.dma_semaphore, #tpu.memory_space<semaphore_mem>>
      %dma_start3A = arith.constant 0 : i32
      %dma_start3A_30 = arith.constant 0 : i32
      %dma_start3A_31 = tpu.memref_slice %arg4[%add3A, %dma_start3A, %dma_start3A_30] : memref<32x81x128xi32, #tpu.memory_space<hbm>> -> memref<1x81x128xi32, #tpu.memory_space<hbm>>
      %dma_start3A_32 = tpu.memref_squeeze %dma_start3A_31 : memref<1x81x128xi32, #tpu.memory_space<hbm>> -> memref<81x128xi32, #tpu.memory_space<hbm>>
      %dma_start3A_33 = arith.constant 0 : i32
      %dma_start3A_34 = arith.constant 0 : i32
      %dma_start3A_35 = tpu.memref_slice %arg4[%add3A, %dma_start3A_33, %dma_start3A_34] : memref<32x81x128xi32, #tpu.memory_space<hbm>> -> memref<1x81x128xi32, #tpu.memory_space<hbm>>
      %dma_start3A_36 = tpu.memref_squeeze %dma_start3A_35 : memref<1x81x128xi32, #tpu.memory_space<hbm>> -> memref<81x128xi32, #tpu.memory_space<hbm>>
      tpu.enqueue_dma source(%dma_start3A_36 : memref<81x128xi32, #tpu.memory_space<hbm>>) target(%arg8 : memref<81x128xi32, #tpu.memory_space<vmem>>) target_semaphore(%run_scoped3A : memref<!tpu.dma_semaphore, #tpu.memory_space<semaphore_mem>>)
      %dma_wait3A_37 = arith.constant 0 : i32
      %dma_wait3A_38 = arith.constant 0 : i32
      %dma_wait3A_39 = tpu.memref_slice %arg4[%add3A, %dma_wait3A_37, %dma_wait3A_38] : memref<32x81x128xi32, #tpu.memory_space<hbm>> -> memref<1x81x128xi32, #tpu.memory_space<hbm>>
      %dma_wait3A_40 = tpu.memref_squeeze %dma_wait3A_39 : memref<1x81x128xi32, #tpu.memory_space<hbm>> -> memref<81x128xi32, #tpu.memory_space<hbm>>
      %dma_wait3A_41 = arith.constant 0 : i32
      %dma_wait3A_42 = arith.constant 0 : i32
      %dma_wait3A_43 = tpu.memref_slice %arg4[%add3A, %dma_wait3A_41, %dma_wait3A_42] : memref<32x81x128xi32, #tpu.memory_space<hbm>> -> memref<1x81x128xi32, #tpu.memory_space<hbm>>
      %dma_wait3A_44 = tpu.memref_squeeze %dma_wait3A_43 : memref<1x81x128xi32, #tpu.memory_space<hbm>> -> memref<81x128xi32, #tpu.memory_space<hbm>>
      tpu.wait_dma2 semaphore(%run_scoped3A : memref<!tpu.dma_semaphore, #tpu.memory_space<semaphore_mem>>) src(%dma_wait3A_44 : memref<81x128xi32, #tpu.memory_space<hbm>>) dst(%arg8 : memref<81x128xi32, #tpu.memory_space<vmem>>)
      tpu.yield
    }) : () -> ()
    "tpu.region"() ({
      %run_scoped3A = tpu.sem_alloc : memref<!tpu.dma_semaphore, #tpu.memory_space<semaphore_mem>>
      %dma_start3A = arith.constant 0 : i32
      %dma_start3A_30 = arith.constant 0 : i32
      %dma_start3A_31 = tpu.memref_slice %arg5[%add3A, %dma_start3A, %dma_start3A_30] : memref<32x81x128xi32, #tpu.memory_space<hbm>> -> memref<1x81x128xi32, #tpu.memory_space<hbm>>
      %dma_start3A_32 = tpu.memref_squeeze %dma_start3A_31 : memref<1x81x128xi32, #tpu.memory_space<hbm>> -> memref<81x128xi32, #tpu.memory_space<hbm>>
      %dma_start3A_33 = arith.constant 0 : i32
      %dma_start3A_34 = arith.constant 0 : i32
      %dma_start3A_35 = tpu.memref_slice %arg5[%add3A, %dma_start3A_33, %dma_start3A_34] : memref<32x81x128xi32, #tpu.memory_space<hbm>> -> memref<1x81x128xi32, #tpu.memory_space<hbm>>
      %dma_start3A_36 = tpu.memref_squeeze %dma_start3A_35 : memref<1x81x128xi32, #tpu.memory_space<hbm>> -> memref<81x128xi32, #tpu.memory_space<hbm>>
      tpu.enqueue_dma source(%dma_start3A_36 : memref<81x128xi32, #tpu.memory_space<hbm>>) target(%arg9 : memref<81x128xi32, #tpu.memory_space<vmem>>) target_semaphore(%run_scoped3A : memref<!tpu.dma_semaphore, #tpu.memory_space<semaphore_mem>>)
      %dma_wait3A_37 = arith.constant 0 : i32
      %dma_wait3A_38 = arith.constant 0 : i32
      %dma_wait3A_39 = tpu.memref_slice %arg5[%add3A, %dma_wait3A_37, %dma_wait3A_38] : memref<32x81x128xi32, #tpu.memory_space<hbm>> -> memref<1x81x128xi32, #tpu.memory_space<hbm>>
      %dma_wait3A_40 = tpu.memref_squeeze %dma_wait3A_39 : memref<1x81x128xi32, #tpu.memory_space<hbm>> -> memref<81x128xi32, #tpu.memory_space<hbm>>
      %dma_wait3A_41 = arith.constant 0 : i32
      %dma_wait3A_42 = arith.constant 0 : i32
      %dma_wait3A_43 = tpu.memref_slice %arg5[%add3A, %dma_wait3A_41, %dma_wait3A_42] : memref<32x81x128xi32, #tpu.memory_space<hbm>> -> memref<1x81x128xi32, #tpu.memory_space<hbm>>
      %dma_wait3A_44 = tpu.memref_squeeze %dma_wait3A_43 : memref<1x81x128xi32, #tpu.memory_space<hbm>> -> memref<81x128xi32, #tpu.memory_space<hbm>>
      tpu.wait_dma2 semaphore(%run_scoped3A : memref<!tpu.dma_semaphore, #tpu.memory_space<semaphore_mem>>) src(%dma_wait3A_44 : memref<81x128xi32, #tpu.memory_space<hbm>>) dst(%arg9 : memref<81x128xi32, #tpu.memory_space<vmem>>)
      tpu.yield
    }) : () -> ()
    %mul3A_1 = arith.constant 10368 : i32
    %mul3A_2 = arith.muli %add3A, %mul3A_1 : i32
    %scan3A = arith.constant 0 : i32
    %scan3A_3 = arith.constant 27 : i32
    %scan3A_4 = arith.addi %scan3A, %scan3A_3 : i32
    %scan3A_5 = arith.constant 1 : i32
    scf.for %scan3A_30 = %scan3A to %scan3A_4 step %scan3A_5  : i32 {
      %mul3A_31 = arith.constant 3 : i32
      %mul3A_32 = arith.muli %scan3A_30, %mul3A_31 : i32
      %add3A_33 = arith.constant 0 : i32
      %add3A_34 = arith.addi %add3A_33, %mul3A_32 : i32
      %gt3A = arith.constant 0 : i32
      %gt3A_35 = arith.cmpi sgt, %add3A_34, %gt3A : i32
      %convert_element_type3A = arith.extui %gt3A_35 : i1 to i32
      %cond3A = arith.constant 0 : i32
      %cond3A_36 = arith.cmpi ne, %convert_element_type3A, %cond3A : i32
      scf.if %cond3A_36 {
        %dma_wait3A_159 = arith.constant 0 : i32
        %dma_wait3A_160 = tpu.memref_slice %arg6[%mul3A_2, %dma_wait3A_159] : memref<331776x128xf32, #tpu.memory_space<hbm>> -> memref<128x128xf32, #tpu.memory_space<hbm>>
        %dma_wait3A_161 = arith.constant 0 : i32
        %dma_wait3A_162 = tpu.memref_slice %arg6[%mul3A_2, %dma_wait3A_161] : memref<331776x128xf32, #tpu.memory_space<hbm>> -> memref<128x128xf32, #tpu.memory_space<hbm>>
        tpu.wait_dma2 semaphore(%arg17 : memref<!tpu.dma_semaphore, #tpu.memory_space<semaphore_mem>>) src(%arg10 : memref<128x128xf32, #tpu.memory_space<vmem>>) dst(%dma_wait3A_162 : memref<128x128xf32, #tpu.memory_space<hbm>>)
        %dma_wait3A_163 = arith.constant 0 : i32
        %dma_wait3A_164 = tpu.memref_slice %arg6[%mul3A_2, %dma_wait3A_163] : memref<331776x128xf32, #tpu.memory_space<hbm>> -> memref<128x128xf32, #tpu.memory_space<hbm>>
        %dma_wait3A_165 = arith.constant 0 : i32
        %dma_wait3A_166 = tpu.memref_slice %arg6[%mul3A_2, %dma_wait3A_165] : memref<331776x128xf32, #tpu.memory_space<hbm>> -> memref<128x128xf32, #tpu.memory_space<hbm>>
        tpu.wait_dma2 semaphore(%arg17 : memref<!tpu.dma_semaphore, #tpu.memory_space<semaphore_mem>>) src(%arg10 : memref<128x128xf32, #tpu.memory_space<vmem>>) dst(%dma_wait3A_166 : memref<128x128xf32, #tpu.memory_space<hbm>>)
        %dma_wait3A_167 = arith.constant 0 : i32
        %dma_wait3A_168 = tpu.memref_slice %arg6[%mul3A_2, %dma_wait3A_167] : memref<331776x128xf32, #tpu.memory_space<hbm>> -> memref<128x128xf32, #tpu.memory_space<hbm>>
        %dma_wait3A_169 = arith.constant 0 : i32
        %dma_wait3A_170 = tpu.memref_slice %arg6[%mul3A_2, %dma_wait3A_169] : memref<331776x128xf32, #tpu.memory_space<hbm>> -> memref<128x128xf32, #tpu.memory_space<hbm>>
        tpu.wait_dma2 semaphore(%arg17 : memref<!tpu.dma_semaphore, #tpu.memory_space<semaphore_mem>>) src(%arg10 : memref<128x128xf32, #tpu.memory_space<vmem>>) dst(%dma_wait3A_170 : memref<128x128xf32, #tpu.memory_space<hbm>>)
        %dma_wait3A_171 = arith.constant 0 : i32
        %dma_wait3A_172 = tpu.memref_slice %arg6[%mul3A_2, %dma_wait3A_171] : memref<331776x128xf32, #tpu.memory_space<hbm>> -> memref<128x128xf32, #tpu.memory_space<hbm>>
        %dma_wait3A_173 = arith.constant 0 : i32
        %dma_wait3A_174 = tpu.memref_slice %arg6[%mul3A_2, %dma_wait3A_173] : memref<331776x128xf32, #tpu.memory_space<hbm>> -> memref<128x128xf32, #tpu.memory_space<hbm>>
        tpu.wait_dma2 semaphore(%arg17 : memref<!tpu.dma_semaphore, #tpu.memory_space<semaphore_mem>>) src(%arg10 : memref<128x128xf32, #tpu.memory_space<vmem>>) dst(%dma_wait3A_174 : memref<128x128xf32, #tpu.memory_space<hbm>>)
        %dma_wait3A_175 = arith.constant 0 : i32
        %dma_wait3A_176 = tpu.memref_slice %arg6[%mul3A_2, %dma_wait3A_175] : memref<331776x128xf32, #tpu.memory_space<hbm>> -> memref<128x128xf32, #tpu.memory_space<hbm>>
        %dma_wait3A_177 = arith.constant 0 : i32
        %dma_wait3A_178 = tpu.memref_slice %arg6[%mul3A_2, %dma_wait3A_177] : memref<331776x128xf32, #tpu.memory_space<hbm>> -> memref<128x128xf32, #tpu.memory_space<hbm>>
        tpu.wait_dma2 semaphore(%arg17 : memref<!tpu.dma_semaphore, #tpu.memory_space<semaphore_mem>>) src(%arg10 : memref<128x128xf32, #tpu.memory_space<vmem>>) dst(%dma_wait3A_178 : memref<128x128xf32, #tpu.memory_space<hbm>>)
        %dma_wait3A_179 = arith.constant 0 : i32
        %dma_wait3A_180 = tpu.memref_slice %arg6[%mul3A_2, %dma_wait3A_179] : memref<331776x128xf32, #tpu.memory_space<hbm>> -> memref<128x128xf32, #tpu.memory_space<hbm>>
        %dma_wait3A_181 = arith.constant 0 : i32
        %dma_wait3A_182 = tpu.memref_slice %arg6[%mul3A_2, %dma_wait3A_181] : memref<331776x128xf32, #tpu.memory_space<hbm>> -> memref<128x128xf32, #tpu.memory_space<hbm>>
        tpu.wait_dma2 semaphore(%arg17 : memref<!tpu.dma_semaphore, #tpu.memory_space<semaphore_mem>>) src(%arg10 : memref<128x128xf32, #tpu.memory_space<vmem>>) dst(%dma_wait3A_182 : memref<128x128xf32, #tpu.memory_space<hbm>>)
      } else {
      }
      %add3A_37 = arith.constant 0 : i32
      %add3A_38 = arith.addi %add3A_34, %add3A_37 : i32
      %dma_start3A = arith.constant 0 : i32
      %dma_start3A_39 = tpu.memref_slice %arg8[%add3A_38, %dma_start3A] : memref<81x128xi32, #tpu.memory_space<vmem>> -> memref<1x128xi32, #tpu.memory_space<vmem>>
      %dma_start3A_40 = tpu.memref_squeeze %dma_start3A_39 : memref<1x128xi32, #tpu.memory_space<vmem>> -> memref<128xi32, #tpu.memory_space<vmem>>
      %dma_start3A_41 = arith.constant 0 : i32
      %dma_start3A_42 = arith.constant 0 : i32
      %dma_start3A_43 = tpu.memref_slice %arg2[%dma_start3A_41, %dma_start3A_42] : memref<10240x128xf32, #tpu.memory_space<hbm>> -> memref<10240x128xf32, #tpu.memory_space<hbm>>
      tpu.enqueue_indirect_dma source(%dma_start3A_43 : memref<10240x128xf32, #tpu.memory_space<hbm>>) target(%arg10 : memref<128x128xf32, #tpu.memory_space<vmem>>) offsets(%dma_start3A_40 : memref<128xi32, #tpu.memory_space<vmem>>) semaphore(%arg16 : memref<!tpu.dma_semaphore, #tpu.memory_space<semaphore_mem>>)
      %add3A_44 = arith.constant 0 : i32
      %add3A_45 = arith.addi %add3A_34, %add3A_44 : i32
      %dma_start3A_46 = arith.constant 0 : i32
      %dma_start3A_47 = tpu.memref_slice %arg9[%add3A_45, %dma_start3A_46] : memref<81x128xi32, #tpu.memory_space<vmem>> -> memref<1x128xi32, #tpu.memory_space<vmem>>
      %dma_start3A_48 = tpu.memref_squeeze %dma_start3A_47 : memref<1x128xi32, #tpu.memory_space<vmem>> -> memref<128xi32, #tpu.memory_space<vmem>>
      %dma_start3A_49 = arith.constant 0 : i32
      %dma_start3A_50 = arith.constant 0 : i32
      %dma_start3A_51 = tpu.memref_slice %arg3[%dma_start3A_49, %dma_start3A_50] : memref<10240x128xf32, #tpu.memory_space<hbm>> -> memref<10240x128xf32, #tpu.memory_space<hbm>>
      tpu.enqueue_indirect_dma source(%dma_start3A_51 : memref<10240x128xf32, #tpu.memory_space<hbm>>) target(%arg11 : memref<128x128xf32, #tpu.memory_space<vmem>>) offsets(%dma_start3A_48 : memref<128xi32, #tpu.memory_space<vmem>>) semaphore(%arg16 : memref<!tpu.dma_semaphore, #tpu.memory_space<semaphore_mem>>)
      %add3A_52 = arith.constant 1 : i32
      %add3A_53 = arith.addi %add3A_34, %add3A_52 : i32
      %dma_start3A_54 = arith.constant 0 : i32
      %dma_start3A_55 = tpu.memref_slice %arg8[%add3A_53, %dma_start3A_54] : memref<81x128xi32, #tpu.memory_space<vmem>> -> memref<1x128xi32, #tpu.memory_space<vmem>>
      %dma_start3A_56 = tpu.memref_squeeze %dma_start3A_55 : memref<1x128xi32, #tpu.memory_space<vmem>> -> memref<128xi32, #tpu.memory_space<vmem>>
      %dma_start3A_57 = arith.constant 0 : i32
      %dma_start3A_58 = arith.constant 0 : i32
      %dma_start3A_59 = tpu.memref_slice %arg2[%dma_start3A_57, %dma_start3A_58] : memref<10240x128xf32, #tpu.memory_space<hbm>> -> memref<10240x128xf32, #tpu.memory_space<hbm>>
      tpu.enqueue_indirect_dma source(%dma_start3A_59 : memref<10240x128xf32, #tpu.memory_space<hbm>>) target(%arg12 : memref<128x128xf32, #tpu.memory_space<vmem>>) offsets(%dma_start3A_56 : memref<128xi32, #tpu.memory_space<vmem>>) semaphore(%arg16 : memref<!tpu.dma_semaphore, #tpu.memory_space<semaphore_mem>>)
      %add3A_60 = arith.constant 1 : i32
      %add3A_61 = arith.addi %add3A_34, %add3A_60 : i32
      %dma_start3A_62 = arith.constant 0 : i32
      %dma_start3A_63 = tpu.memref_slice %arg9[%add3A_61, %dma_start3A_62] : memref<81x128xi32, #tpu.memory_space<vmem>> -> memref<1x128xi32, #tpu.memory_space<vmem>>
      %dma_start3A_64 = tpu.memref_squeeze %dma_start3A_63 : memref<1x128xi32, #tpu.memory_space<vmem>> -> memref<128xi32, #tpu.memory_space<vmem>>
      %dma_start3A_65 = arith.constant 0 : i32
      %dma_start3A_66 = arith.constant 0 : i32
      %dma_start3A_67 = tpu.memref_slice %arg3[%dma_start3A_65, %dma_start3A_66] : memref<10240x128xf32, #tpu.memory_space<hbm>> -> memref<10240x128xf32, #tpu.memory_space<hbm>>
      tpu.enqueue_indirect_dma source(%dma_start3A_67 : memref<10240x128xf32, #tpu.memory_space<hbm>>) target(%arg13 : memref<128x128xf32, #tpu.memory_space<vmem>>) offsets(%dma_start3A_64 : memref<128xi32, #tpu.memory_space<vmem>>) semaphore(%arg16 : memref<!tpu.dma_semaphore, #tpu.memory_space<semaphore_mem>>)
      %add3A_68 = arith.constant 2 : i32
      %add3A_69 = arith.addi %add3A_34, %add3A_68 : i32
      %dma_start3A_70 = arith.constant 0 : i32
      %dma_start3A_71 = tpu.memref_slice %arg8[%add3A_69, %dma_start3A_70] : memref<81x128xi32, #tpu.memory_space<vmem>> -> memref<1x128xi32, #tpu.memory_space<vmem>>
      %dma_start3A_72 = tpu.memref_squeeze %dma_start3A_71 : memref<1x128xi32, #tpu.memory_space<vmem>> -> memref<128xi32, #tpu.memory_space<vmem>>
      %dma_start3A_73 = arith.constant 0 : i32
      %dma_start3A_74 = arith.constant 0 : i32
      %dma_start3A_75 = tpu.memref_slice %arg2[%dma_start3A_73, %dma_start3A_74] : memref<10240x128xf32, #tpu.memory_space<hbm>> -> memref<10240x128xf32, #tpu.memory_space<hbm>>
      tpu.enqueue_indirect_dma source(%dma_start3A_75 : memref<10240x128xf32, #tpu.memory_space<hbm>>) target(%arg14 : memref<128x128xf32, #tpu.memory_space<vmem>>) offsets(%dma_start3A_72 : memref<128xi32, #tpu.memory_space<vmem>>) semaphore(%arg16 : memref<!tpu.dma_semaphore, #tpu.memory_space<semaphore_mem>>)
      %add3A_76 = arith.constant 2 : i32
      %add3A_77 = arith.addi %add3A_34, %add3A_76 : i32
      %dma_start3A_78 = arith.constant 0 : i32
      %dma_start3A_79 = tpu.memref_slice %arg9[%add3A_77, %dma_start3A_78] : memref<81x128xi32, #tpu.memory_space<vmem>> -> memref<1x128xi32, #tpu.memory_space<vmem>>
      %dma_start3A_80 = tpu.memref_squeeze %dma_start3A_79 : memref<1x128xi32, #tpu.memory_space<vmem>> -> memref<128xi32, #tpu.memory_space<vmem>>
      %dma_start3A_81 = arith.constant 0 : i32
      %dma_start3A_82 = arith.constant 0 : i32
      %dma_start3A_83 = tpu.memref_slice %arg3[%dma_start3A_81, %dma_start3A_82] : memref<10240x128xf32, #tpu.memory_space<hbm>> -> memref<10240x128xf32, #tpu.memory_space<hbm>>
      tpu.enqueue_indirect_dma source(%dma_start3A_83 : memref<10240x128xf32, #tpu.memory_space<hbm>>) target(%arg15 : memref<128x128xf32, #tpu.memory_space<vmem>>) offsets(%dma_start3A_80 : memref<128xi32, #tpu.memory_space<vmem>>) semaphore(%arg16 : memref<!tpu.dma_semaphore, #tpu.memory_space<semaphore_mem>>)
      %dma_wait3A_84 = arith.constant 0 : i32
      %dma_wait3A_85 = tpu.memref_slice %arg8[%add3A_38, %dma_wait3A_84] : memref<81x128xi32, #tpu.memory_space<vmem>> -> memref<1x128xi32, #tpu.memory_space<vmem>>
      %dma_wait3A_86 = tpu.memref_squeeze %dma_wait3A_85 : memref<1x128xi32, #tpu.memory_space<vmem>> -> memref<128xi32, #tpu.memory_space<vmem>>
      %dma_wait3A_87 = arith.constant 0 : i32
      %dma_wait3A_88 = arith.constant 0 : i32
      %dma_wait3A_89 = tpu.memref_slice %arg2[%dma_wait3A_87, %dma_wait3A_88] : memref<10240x128xf32, #tpu.memory_space<hbm>> -> memref<10240x128xf32, #tpu.memory_space<hbm>>
      tpu.wait_indirect_dma semaphore(%arg16 : memref<!tpu.dma_semaphore, #tpu.memory_space<semaphore_mem>>) src(%dma_wait3A_89 : memref<10240x128xf32, #tpu.memory_space<hbm>>) dst(%arg10 : memref<128x128xf32, #tpu.memory_space<vmem>>)
      %dma_wait3A_90 = arith.constant 0 : i32
      %dma_wait3A_91 = tpu.memref_slice %arg9[%add3A_45, %dma_wait3A_90] : memref<81x128xi32, #tpu.memory_space<vmem>> -> memref<1x128xi32, #tpu.memory_space<vmem>>
      %dma_wait3A_92 = tpu.memref_squeeze %dma_wait3A_91 : memref<1x128xi32, #tpu.memory_space<vmem>> -> memref<128xi32, #tpu.memory_space<vmem>>
      %dma_wait3A_93 = arith.constant 0 : i32
      %dma_wait3A_94 = arith.constant 0 : i32
      %dma_wait3A_95 = tpu.memref_slice %arg3[%dma_wait3A_93, %dma_wait3A_94] : memref<10240x128xf32, #tpu.memory_space<hbm>> -> memref<10240x128xf32, #tpu.memory_space<hbm>>
      tpu.wait_indirect_dma semaphore(%arg16 : memref<!tpu.dma_semaphore, #tpu.memory_space<semaphore_mem>>) src(%dma_wait3A_95 : memref<10240x128xf32, #tpu.memory_space<hbm>>) dst(%arg11 : memref<128x128xf32, #tpu.memory_space<vmem>>)
      %add3A_96 = arith.constant 0 : i32
      %add3A_97 = arith.addi %add3A_34, %add3A_96 : i32
      %mul3A_98 = arith.constant 128 : i32
      %mul3A_99 = arith.muli %add3A_97, %mul3A_98 : i32
      %add3A_100 = arith.addi %mul3A_2, %mul3A_99 : i32
      %dma_start3A_101 = arith.constant 0 : i32
      %dma_start3A_102 = tpu.memref_slice %arg6[%add3A_100, %dma_start3A_101] : memref<331776x128xf32, #tpu.memory_space<hbm>> -> memref<128x128xf32, #tpu.memory_space<hbm>>
      %dma_start3A_103 = arith.constant 0 : i32
      %dma_start3A_104 = tpu.memref_slice %arg6[%add3A_100, %dma_start3A_103] : memref<331776x128xf32, #tpu.memory_space<hbm>> -> memref<128x128xf32, #tpu.memory_space<hbm>>
      tpu.enqueue_dma source(%arg10 : memref<128x128xf32, #tpu.memory_space<vmem>>) target(%dma_start3A_104 : memref<128x128xf32, #tpu.memory_space<hbm>>) target_semaphore(%arg17 : memref<!tpu.dma_semaphore, #tpu.memory_space<semaphore_mem>>)
      %dma_start3A_105 = arith.constant 0 : i32
      %dma_start3A_106 = tpu.memref_slice %arg7[%add3A_100, %dma_start3A_105] : memref<331776x128xf32, #tpu.memory_space<hbm>> -> memref<128x128xf32, #tpu.memory_space<hbm>>
      %dma_start3A_107 = arith.constant 0 : i32
      %dma_start3A_108 = tpu.memref_slice %arg7[%add3A_100, %dma_start3A_107] : memref<331776x128xf32, #tpu.memory_space<hbm>> -> memref<128x128xf32, #tpu.memory_space<hbm>>
      tpu.enqueue_dma source(%arg11 : memref<128x128xf32, #tpu.memory_space<vmem>>) target(%dma_start3A_108 : memref<128x128xf32, #tpu.memory_space<hbm>>) target_semaphore(%arg17 : memref<!tpu.dma_semaphore, #tpu.memory_space<semaphore_mem>>)
      %dma_wait3A_109 = arith.constant 0 : i32
      %dma_wait3A_110 = tpu.memref_slice %arg8[%add3A_53, %dma_wait3A_109] : memref<81x128xi32, #tpu.memory_space<vmem>> -> memref<1x128xi32, #tpu.memory_space<vmem>>
      %dma_wait3A_111 = tpu.memref_squeeze %dma_wait3A_110 : memref<1x128xi32, #tpu.memory_space<vmem>> -> memref<128xi32, #tpu.memory_space<vmem>>
      %dma_wait3A_112 = arith.constant 0 : i32
      %dma_wait3A_113 = arith.constant 0 : i32
      %dma_wait3A_114 = tpu.memref_slice %arg2[%dma_wait3A_112, %dma_wait3A_113] : memref<10240x128xf32, #tpu.memory_space<hbm>> -> memref<10240x128xf32, #tpu.memory_space<hbm>>
      tpu.wait_indirect_dma semaphore(%arg16 : memref<!tpu.dma_semaphore, #tpu.memory_space<semaphore_mem>>) src(%dma_wait3A_114 : memref<10240x128xf32, #tpu.memory_space<hbm>>) dst(%arg12 : memref<128x128xf32, #tpu.memory_space<vmem>>)
      %dma_wait3A_115 = arith.constant 0 : i32
      %dma_wait3A_116 = tpu.memref_slice %arg9[%add3A_61, %dma_wait3A_115] : memref<81x128xi32, #tpu.memory_space<vmem>> -> memref<1x128xi32, #tpu.memory_space<vmem>>
      %dma_wait3A_117 = tpu.memref_squeeze %dma_wait3A_116 : memref<1x128xi32, #tpu.memory_space<vmem>> -> memref<128xi32, #tpu.memory_space<vmem>>
      %dma_wait3A_118 = arith.constant 0 : i32
      %dma_wait3A_119 = arith.constant 0 : i32
      %dma_wait3A_120 = tpu.memref_slice %arg3[%dma_wait3A_118, %dma_wait3A_119] : memref<10240x128xf32, #tpu.memory_space<hbm>> -> memref<10240x128xf32, #tpu.memory_space<hbm>>
      tpu.wait_indirect_dma semaphore(%arg16 : memref<!tpu.dma_semaphore, #tpu.memory_space<semaphore_mem>>) src(%dma_wait3A_120 : memref<10240x128xf32, #tpu.memory_space<hbm>>) dst(%arg13 : memref<128x128xf32, #tpu.memory_space<vmem>>)
      %add3A_121 = arith.constant 1 : i32
      %add3A_122 = arith.addi %add3A_34, %add3A_121 : i32
      %mul3A_123 = arith.constant 128 : i32
      %mul3A_124 = arith.muli %add3A_122, %mul3A_123 : i32
      %add3A_125 = arith.addi %mul3A_2, %mul3A_124 : i32
      %dma_start3A_126 = arith.constant 0 : i32
      %dma_start3A_127 = tpu.memref_slice %arg6[%add3A_125, %dma_start3A_126] : memref<331776x128xf32, #tpu.memory_space<hbm>> -> memref<128x128xf32, #tpu.memory_space<hbm>>
      %dma_start3A_128 = arith.constant 0 : i32
      %dma_start3A_129 = tpu.memref_slice %arg6[%add3A_125, %dma_start3A_128] : memref<331776x128xf32, #tpu.memory_space<hbm>> -> memref<128x128xf32, #tpu.memory_space<hbm>>
      tpu.enqueue_dma source(%arg12 : memref<128x128xf32, #tpu.memory_space<vmem>>) target(%dma_start3A_129 : memref<128x128xf32, #tpu.memory_space<hbm>>) target_semaphore(%arg17 : memref<!tpu.dma_semaphore, #tpu.memory_space<semaphore_mem>>)
      %dma_start3A_130 = arith.constant 0 : i32
      %dma_start3A_131 = tpu.memref_slice %arg7[%add3A_125, %dma_start3A_130] : memref<331776x128xf32, #tpu.memory_space<hbm>> -> memref<128x128xf32, #tpu.memory_space<hbm>>
      %dma_start3A_132 = arith.constant 0 : i32
      %dma_start3A_133 = tpu.memref_slice %arg7[%add3A_125, %dma_start3A_132] : memref<331776x128xf32, #tpu.memory_space<hbm>> -> memref<128x128xf32, #tpu.memory_space<hbm>>
      tpu.enqueue_dma source(%arg13 : memref<128x128xf32, #tpu.memory_space<vmem>>) target(%dma_start3A_133 : memref<128x128xf32, #tpu.memory_space<hbm>>) target_semaphore(%arg17 : memref<!tpu.dma_semaphore, #tpu.memory_space<semaphore_mem>>)
      %dma_wait3A_134 = arith.constant 0 : i32
      %dma_wait3A_135 = tpu.memref_slice %arg8[%add3A_69, %dma_wait3A_134] : memref<81x128xi32, #tpu.memory_space<vmem>> -> memref<1x128xi32, #tpu.memory_space<vmem>>
      %dma_wait3A_136 = tpu.memref_squeeze %dma_wait3A_135 : memref<1x128xi32, #tpu.memory_space<vmem>> -> memref<128xi32, #tpu.memory_space<vmem>>
      %dma_wait3A_137 = arith.constant 0 : i32
      %dma_wait3A_138 = arith.constant 0 : i32
      %dma_wait3A_139 = tpu.memref_slice %arg2[%dma_wait3A_137, %dma_wait3A_138] : memref<10240x128xf32, #tpu.memory_space<hbm>> -> memref<10240x128xf32, #tpu.memory_space<hbm>>
      tpu.wait_indirect_dma semaphore(%arg16 : memref<!tpu.dma_semaphore, #tpu.memory_space<semaphore_mem>>) src(%dma_wait3A_139 : memref<10240x128xf32, #tpu.memory_space<hbm>>) dst(%arg14 : memref<128x128xf32, #tpu.memory_space<vmem>>)
      %dma_wait3A_140 = arith.constant 0 : i32
      %dma_wait3A_141 = tpu.memref_slice %arg9[%add3A_77, %dma_wait3A_140] : memref<81x128xi32, #tpu.memory_space<vmem>> -> memref<1x128xi32, #tpu.memory_space<vmem>>
      %dma_wait3A_142 = tpu.memref_squeeze %dma_wait3A_141 : memref<1x128xi32, #tpu.memory_space<vmem>> -> memref<128xi32, #tpu.memory_space<vmem>>
      %dma_wait3A_143 = arith.constant 0 : i32
      %dma_wait3A_144 = arith.constant 0 : i32
      %dma_wait3A_145 = tpu.memref_slice %arg3[%dma_wait3A_143, %dma_wait3A_144] : memref<10240x128xf32, #tpu.memory_space<hbm>> -> memref<10240x128xf32, #tpu.memory_space<hbm>>
      tpu.wait_indirect_dma semaphore(%arg16 : memref<!tpu.dma_semaphore, #tpu.memory_space<semaphore_mem>>) src(%dma_wait3A_145 : memref<10240x128xf32, #tpu.memory_space<hbm>>) dst(%arg15 : memref<128x128xf32, #tpu.memory_space<vmem>>)
      %add3A_146 = arith.constant 2 : i32
      %add3A_147 = arith.addi %add3A_34, %add3A_146 : i32
      %mul3A_148 = arith.constant 128 : i32
      %mul3A_149 = arith.muli %add3A_147, %mul3A_148 : i32
      %add3A_150 = arith.addi %mul3A_2, %mul3A_149 : i32
      %dma_start3A_151 = arith.constant 0 : i32
      %dma_start3A_152 = tpu.memref_slice %arg6[%add3A_150, %dma_start3A_151] : memref<331776x128xf32, #tpu.memory_space<hbm>> -> memref<128x128xf32, #tpu.memory_space<hbm>>
      %dma_start3A_153 = arith.constant 0 : i32
      %dma_start3A_154 = tpu.memref_slice %arg6[%add3A_150, %dma_start3A_153] : memref<331776x128xf32, #tpu.memory_space<hbm>> -> memref<128x128xf32, #tpu.memory_space<hbm>>
      tpu.enqueue_dma source(%arg14 : memref<128x128xf32, #tpu.memory_space<vmem>>) target(%dma_start3A_154 : memref<128x128xf32, #tpu.memory_space<hbm>>) target_semaphore(%arg17 : memref<!tpu.dma_semaphore, #tpu.memory_space<semaphore_mem>>)
      %dma_start3A_155 = arith.constant 0 : i32
      %dma_start3A_156 = tpu.memref_slice %arg7[%add3A_150, %dma_start3A_155] : memref<331776x128xf32, #tpu.memory_space<hbm>> -> memref<128x128xf32, #tpu.memory_space<hbm>>
      %dma_start3A_157 = arith.constant 0 : i32
      %dma_start3A_158 = tpu.memref_slice %arg7[%add3A_150, %dma_start3A_157] : memref<331776x128xf32, #tpu.memory_space<hbm>> -> memref<128x128xf32, #tpu.memory_space<hbm>>
      tpu.enqueue_dma source(%arg15 : memref<128x128xf32, #tpu.memory_space<vmem>>) target(%dma_start3A_158 : memref<128x128xf32, #tpu.memory_space<hbm>>) target_semaphore(%arg17 : memref<!tpu.dma_semaphore, #tpu.memory_space<semaphore_mem>>)
    }
    %scan3A_6 = arith.constant 27 : i32
    %dma_wait3A = arith.constant 0 : i32
    %dma_wait3A_7 = tpu.memref_slice %arg6[%mul3A_2, %dma_wait3A] : memref<331776x128xf32, #tpu.memory_space<hbm>> -> memref<128x128xf32, #tpu.memory_space<hbm>>
    %dma_wait3A_8 = arith.constant 0 : i32
    %dma_wait3A_9 = tpu.memref_slice %arg6[%mul3A_2, %dma_wait3A_8] : memref<331776x128xf32, #tpu.memory_space<hbm>> -> memref<128x128xf32, #tpu.memory_space<hbm>>
    tpu.wait_dma2 semaphore(%arg17 : memref<!tpu.dma_semaphore, #tpu.memory_space<semaphore_mem>>) src(%arg10 : memref<128x128xf32, #tpu.memory_space<vmem>>) dst(%dma_wait3A_9 : memref<128x128xf32, #tpu.memory_space<hbm>>)
    %dma_wait3A_10 = arith.constant 0 : i32
    %dma_wait3A_11 = tpu.memref_slice %arg6[%mul3A_2, %dma_wait3A_10] : memref<331776x128xf32, #tpu.memory_space<hbm>> -> memref<128x128xf32, #tpu.memory_space<hbm>>
    %dma_wait3A_12 = arith.constant 0 : i32
    %dma_wait3A_13 = tpu.memref_slice %arg6[%mul3A_2, %dma_wait3A_12] : memref<331776x128xf32, #tpu.memory_space<hbm>> -> memref<128x128xf32, #tpu.memory_space<hbm>>
    tpu.wait_dma2 semaphore(%arg17 : memref<!tpu.dma_semaphore, #tpu.memory_space<semaphore_mem>>) src(%arg10 : memref<128x128xf32, #tpu.memory_space<vmem>>) dst(%dma_wait3A_13 : memref<128x128xf32, #tpu.memory_space<hbm>>)
    %dma_wait3A_14 = arith.constant 0 : i32
    %dma_wait3A_15 = tpu.memref_slice %arg6[%mul3A_2, %dma_wait3A_14] : memref<331776x128xf32, #tpu.memory_space<hbm>> -> memref<128x128xf32, #tpu.memory_space<hbm>>
    %dma_wait3A_16 = arith.constant 0 : i32
    %dma_wait3A_17 = tpu.memref_slice %arg6[%mul3A_2, %dma_wait3A_16] : memref<331776x128xf32, #tpu.memory_space<hbm>> -> memref<128x128xf32, #tpu.memory_space<hbm>>
    tpu.wait_dma2 semaphore(%arg17 : memref<!tpu.dma_semaphore, #tpu.memory_space<semaphore_mem>>) src(%arg10 : memref<128x128xf32, #tpu.memory_space<vmem>>) dst(%dma_wait3A_17 : memref<128x128xf32, #tpu.memory_space<hbm>>)
    %dma_wait3A_18 = arith.constant 0 : i32
    %dma_wait3A_19 = tpu.memref_slice %arg6[%mul3A_2, %dma_wait3A_18] : memref<331776x128xf32, #tpu.memory_space<hbm>> -> memref<128x128xf32, #tpu.memory_space<hbm>>
    %dma_wait3A_20 = arith.constant 0 : i32
    %dma_wait3A_21 = tpu.memref_slice %arg6[%mul3A_2, %dma_wait3A_20] : memref<331776x128xf32, #tpu.memory_space<hbm>> -> memref<128x128xf32, #tpu.memory_space<hbm>>
    tpu.wait_dma2 semaphore(%arg17 : memref<!tpu.dma_semaphore, #tpu.memory_space<semaphore_mem>>) src(%arg10 : memref<128x128xf32, #tpu.memory_space<vmem>>) dst(%dma_wait3A_21 : memref<128x128xf32, #tpu.memory_space<hbm>>)
    %dma_wait3A_22 = arith.constant 0 : i32
    %dma_wait3A_23 = tpu.memref_slice %arg6[%mul3A_2, %dma_wait3A_22] : memref<331776x128xf32, #tpu.memory_space<hbm>> -> memref<128x128xf32, #tpu.memory_space<hbm>>
    %dma_wait3A_24 = arith.constant 0 : i32
    %dma_wait3A_25 = tpu.memref_slice %arg6[%mul3A_2, %dma_wait3A_24] : memref<331776x128xf32, #tpu.memory_space<hbm>> -> memref<128x128xf32, #tpu.memory_space<hbm>>
    tpu.wait_dma2 semaphore(%arg17 : memref<!tpu.dma_semaphore, #tpu.memory_space<semaphore_mem>>) src(%arg10 : memref<128x128xf32, #tpu.memory_space<vmem>>) dst(%dma_wait3A_25 : memref<128x128xf32, #tpu.memory_space<hbm>>)
    %dma_wait3A_26 = arith.constant 0 : i32
    %dma_wait3A_27 = tpu.memref_slice %arg6[%mul3A_2, %dma_wait3A_26] : memref<331776x128xf32, #tpu.memory_space<hbm>> -> memref<128x128xf32, #tpu.memory_space<hbm>>
    %dma_wait3A_28 = arith.constant 0 : i32
    %dma_wait3A_29 = tpu.memref_slice %arg6[%mul3A_2, %dma_wait3A_28] : memref<331776x128xf32, #tpu.memory_space<hbm>> -> memref<128x128xf32, #tpu.memory_space<hbm>>
    tpu.wait_dma2 semaphore(%arg17 : memref<!tpu.dma_semaphore, #tpu.memory_space<semaphore_mem>>) src(%arg10 : memref<128x128xf32, #tpu.memory_space<vmem>>) dst(%dma_wait3A_29 : memref<128x128xf32, #tpu.memory_space<hbm>>)
    return
  }
}

#map = affine_map<(d0, d1) -> (0, 0)>
#map1 = affine_map<(d0, d1) -> (0, 0, 0)>
module attributes {stable_mosaic.version = 14 : i64} {
  func.func @_sc_gather2_body(%arg0: i32, %arg1: i32, %arg2: memref<10240x128xf32, #tpu.memory_space<hbm>>, %arg3: memref<10240x128xf32, #tpu.memory_space<hbm>>, %arg4: memref<32x81x128xi32, #tpu.memory_space<hbm>>, %arg5: memref<32x81x128xi32, #tpu.memory_space<hbm>>, %arg6: memref<331776x128xf32, #tpu.memory_space<hbm>>, %arg7: memref<331776x128xf32, #tpu.memory_space<hbm>>, %arg8: memref<81x128xi32, #tpu.memory_space<vmem>>, %arg9: memref<81x128xi32, #tpu.memory_space<vmem>>, %arg10: memref<128x128xf32, #tpu.memory_space<vmem>>, %arg11: memref<128x128xf32, #tpu.memory_space<vmem>>, %arg12: memref<128x128xf32, #tpu.memory_space<vmem>>, %arg13: memref<128x128xf32, #tpu.memory_space<vmem>>, %arg14: memref<128x128xf32, #tpu.memory_space<vmem>>, %arg15: memref<128x128xf32, #tpu.memory_space<vmem>>, %arg16: memref<!tpu.dma_semaphore, #tpu.memory_space<semaphore_mem>>, %arg17: memref<!tpu.dma_semaphore, #tpu.memory_space<semaphore_mem>>) attributes {dimension_semantics = [#tpu.dimension_semantics<core_parallel>, #tpu.dimension_semantics<subcore_parallel>], iteration_bounds = array<i64: 2, 16>, scalar_prefetch = 0 : i64, scratch_operands = 10 : i64, tpu.core_type = #tpu.core_type<sc_vector_subcore>, window_params = [{transform_indices = #map}, {transform_indices = #map}, {transform_indices = #map1}, {transform_indices = #map1}, {transform_indices = #map}, {transform_indices = #map}]} {
    %mul3A = arith.constant 16 : i32
    %mul3A_0 = arith.muli %arg0, %mul3A : i32
    %add3A = arith.addi %mul3A_0, %arg1 : i32
    "tpu.region"() ({
      %run_scoped3A = tpu.sem_alloc : memref<!tpu.dma_semaphore, #tpu.memory_space<semaphore_mem>>
      %dma_start3A = arith.constant 0 : i32
      %dma_start3A_30 = arith.constant 0 : i32
      %dma_start3A_31 = tpu.memref_slice %arg4[%add3A, %dma_start3A, %dma_start3A_30] : memref<32x81x128xi32, #tpu.memory_space<hbm>> -> memref<1x81x128xi32, #tpu.memory_space<hbm>>
      %dma_start3A_32 = tpu.memref_squeeze %dma_start3A_31 : memref<1x81x128xi32, #tpu.memory_space<hbm>> -> memref<81x128xi32, #tpu.memory_space<hbm>>
      %dma_start3A_33 = arith.constant 0 : i32
      %dma_start3A_34 = arith.constant 0 : i32
      %dma_start3A_35 = tpu.memref_slice %arg4[%add3A, %dma_start3A_33, %dma_start3A_34] : memref<32x81x128xi32, #tpu.memory_space<hbm>> -> memref<1x81x128xi32, #tpu.memory_space<hbm>>
      %dma_start3A_36 = tpu.memref_squeeze %dma_start3A_35 : memref<1x81x128xi32, #tpu.memory_space<hbm>> -> memref<81x128xi32, #tpu.memory_space<hbm>>
      tpu.enqueue_dma source(%dma_start3A_36 : memref<81x128xi32, #tpu.memory_space<hbm>>) target(%arg8 : memref<81x128xi32, #tpu.memory_space<vmem>>) target_semaphore(%run_scoped3A : memref<!tpu.dma_semaphore, #tpu.memory_space<semaphore_mem>>)
      %dma_wait3A_37 = arith.constant 0 : i32
      %dma_wait3A_38 = arith.constant 0 : i32
      %dma_wait3A_39 = tpu.memref_slice %arg4[%add3A, %dma_wait3A_37, %dma_wait3A_38] : memref<32x81x128xi32, #tpu.memory_space<hbm>> -> memref<1x81x128xi32, #tpu.memory_space<hbm>>
      %dma_wait3A_40 = tpu.memref_squeeze %dma_wait3A_39 : memref<1x81x128xi32, #tpu.memory_space<hbm>> -> memref<81x128xi32, #tpu.memory_space<hbm>>
      %dma_wait3A_41 = arith.constant 0 : i32
      %dma_wait3A_42 = arith.constant 0 : i32
      %dma_wait3A_43 = tpu.memref_slice %arg4[%add3A, %dma_wait3A_41, %dma_wait3A_42] : memref<32x81x128xi32, #tpu.memory_space<hbm>> -> memref<1x81x128xi32, #tpu.memory_space<hbm>>
      %dma_wait3A_44 = tpu.memref_squeeze %dma_wait3A_43 : memref<1x81x128xi32, #tpu.memory_space<hbm>> -> memref<81x128xi32, #tpu.memory_space<hbm>>
      tpu.wait_dma2 semaphore(%run_scoped3A : memref<!tpu.dma_semaphore, #tpu.memory_space<semaphore_mem>>) src(%dma_wait3A_44 : memref<81x128xi32, #tpu.memory_space<hbm>>) dst(%arg8 : memref<81x128xi32, #tpu.memory_space<vmem>>)
      tpu.yield
    }) : () -> ()
    "tpu.region"() ({
      %run_scoped3A = tpu.sem_alloc : memref<!tpu.dma_semaphore, #tpu.memory_space<semaphore_mem>>
      %dma_start3A = arith.constant 0 : i32
      %dma_start3A_30 = arith.constant 0 : i32
      %dma_start3A_31 = tpu.memref_slice %arg5[%add3A, %dma_start3A, %dma_start3A_30] : memref<32x81x128xi32, #tpu.memory_space<hbm>> -> memref<1x81x128xi32, #tpu.memory_space<hbm>>
      %dma_start3A_32 = tpu.memref_squeeze %dma_start3A_31 : memref<1x81x128xi32, #tpu.memory_space<hbm>> -> memref<81x128xi32, #tpu.memory_space<hbm>>
      %dma_start3A_33 = arith.constant 0 : i32
      %dma_start3A_34 = arith.constant 0 : i32
      %dma_start3A_35 = tpu.memref_slice %arg5[%add3A, %dma_start3A_33, %dma_start3A_34] : memref<32x81x128xi32, #tpu.memory_space<hbm>> -> memref<1x81x128xi32, #tpu.memory_space<hbm>>
      %dma_start3A_36 = tpu.memref_squeeze %dma_start3A_35 : memref<1x81x128xi32, #tpu.memory_space<hbm>> -> memref<81x128xi32, #tpu.memory_space<hbm>>
      tpu.enqueue_dma source(%dma_start3A_36 : memref<81x128xi32, #tpu.memory_space<hbm>>) target(%arg9 : memref<81x128xi32, #tpu.memory_space<vmem>>) target_semaphore(%run_scoped3A : memref<!tpu.dma_semaphore, #tpu.memory_space<semaphore_mem>>)
      %dma_wait3A_37 = arith.constant 0 : i32
      %dma_wait3A_38 = arith.constant 0 : i32
      %dma_wait3A_39 = tpu.memref_slice %arg5[%add3A, %dma_wait3A_37, %dma_wait3A_38] : memref<32x81x128xi32, #tpu.memory_space<hbm>> -> memref<1x81x128xi32, #tpu.memory_space<hbm>>
      %dma_wait3A_40 = tpu.memref_squeeze %dma_wait3A_39 : memref<1x81x128xi32, #tpu.memory_space<hbm>> -> memref<81x128xi32, #tpu.memory_space<hbm>>
      %dma_wait3A_41 = arith.constant 0 : i32
      %dma_wait3A_42 = arith.constant 0 : i32
      %dma_wait3A_43 = tpu.memref_slice %arg5[%add3A, %dma_wait3A_41, %dma_wait3A_42] : memref<32x81x128xi32, #tpu.memory_space<hbm>> -> memref<1x81x128xi32, #tpu.memory_space<hbm>>
      %dma_wait3A_44 = tpu.memref_squeeze %dma_wait3A_43 : memref<1x81x128xi32, #tpu.memory_space<hbm>> -> memref<81x128xi32, #tpu.memory_space<hbm>>
      tpu.wait_dma2 semaphore(%run_scoped3A : memref<!tpu.dma_semaphore, #tpu.memory_space<semaphore_mem>>) src(%dma_wait3A_44 : memref<81x128xi32, #tpu.memory_space<hbm>>) dst(%arg9 : memref<81x128xi32, #tpu.memory_space<vmem>>)
      tpu.yield
    }) : () -> ()
    %mul3A_1 = arith.constant 10368 : i32
    %mul3A_2 = arith.muli %add3A, %mul3A_1 : i32
    %scan3A = arith.constant 0 : i32
    %scan3A_3 = arith.constant 27 : i32
    %scan3A_4 = arith.addi %scan3A, %scan3A_3 : i32
    %scan3A_5 = arith.constant 1 : i32
    scf.for %scan3A_30 = %scan3A to %scan3A_4 step %scan3A_5  : i32 {
      %mul3A_31 = arith.constant 3 : i32
      %mul3A_32 = arith.muli %scan3A_30, %mul3A_31 : i32
      %add3A_33 = arith.constant 0 : i32
      %add3A_34 = arith.addi %add3A_33, %mul3A_32 : i32
      %gt3A = arith.constant 0 : i32
      %gt3A_35 = arith.cmpi sgt, %add3A_34, %gt3A : i32
      %convert_element_type3A = arith.extui %gt3A_35 : i1 to i32
      %cond3A = arith.constant 0 : i32
      %cond3A_36 = arith.cmpi ne, %convert_element_type3A, %cond3A : i32
      scf.if %cond3A_36 {
        %dma_wait3A_159 = arith.constant 0 : i32
        %dma_wait3A_160 = tpu.memref_slice %arg6[%mul3A_2, %dma_wait3A_159] : memref<331776x128xf32, #tpu.memory_space<hbm>> -> memref<128x128xf32, #tpu.memory_space<hbm>>
        %dma_wait3A_161 = arith.constant 0 : i32
        %dma_wait3A_162 = tpu.memref_slice %arg6[%mul3A_2, %dma_wait3A_161] : memref<331776x128xf32, #tpu.memory_space<hbm>> -> memref<128x128xf32, #tpu.memory_space<hbm>>
        tpu.wait_dma2 semaphore(%arg17 : memref<!tpu.dma_semaphore, #tpu.memory_space<semaphore_mem>>) src(%arg10 : memref<128x128xf32, #tpu.memory_space<vmem>>) dst(%dma_wait3A_162 : memref<128x128xf32, #tpu.memory_space<hbm>>)
        %dma_wait3A_163 = arith.constant 0 : i32
        %dma_wait3A_164 = tpu.memref_slice %arg6[%mul3A_2, %dma_wait3A_163] : memref<331776x128xf32, #tpu.memory_space<hbm>> -> memref<128x128xf32, #tpu.memory_space<hbm>>
        %dma_wait3A_165 = arith.constant 0 : i32
        %dma_wait3A_166 = tpu.memref_slice %arg6[%mul3A_2, %dma_wait3A_165] : memref<331776x128xf32, #tpu.memory_space<hbm>> -> memref<128x128xf32, #tpu.memory_space<hbm>>
        tpu.wait_dma2 semaphore(%arg17 : memref<!tpu.dma_semaphore, #tpu.memory_space<semaphore_mem>>) src(%arg10 : memref<128x128xf32, #tpu.memory_space<vmem>>) dst(%dma_wait3A_166 : memref<128x128xf32, #tpu.memory_space<hbm>>)
        %dma_wait3A_167 = arith.constant 0 : i32
        %dma_wait3A_168 = tpu.memref_slice %arg6[%mul3A_2, %dma_wait3A_167] : memref<331776x128xf32, #tpu.memory_space<hbm>> -> memref<128x128xf32, #tpu.memory_space<hbm>>
        %dma_wait3A_169 = arith.constant 0 : i32
        %dma_wait3A_170 = tpu.memref_slice %arg6[%mul3A_2, %dma_wait3A_169] : memref<331776x128xf32, #tpu.memory_space<hbm>> -> memref<128x128xf32, #tpu.memory_space<hbm>>
        tpu.wait_dma2 semaphore(%arg17 : memref<!tpu.dma_semaphore, #tpu.memory_space<semaphore_mem>>) src(%arg10 : memref<128x128xf32, #tpu.memory_space<vmem>>) dst(%dma_wait3A_170 : memref<128x128xf32, #tpu.memory_space<hbm>>)
        %dma_wait3A_171 = arith.constant 0 : i32
        %dma_wait3A_172 = tpu.memref_slice %arg6[%mul3A_2, %dma_wait3A_171] : memref<331776x128xf32, #tpu.memory_space<hbm>> -> memref<128x128xf32, #tpu.memory_space<hbm>>
        %dma_wait3A_173 = arith.constant 0 : i32
        %dma_wait3A_174 = tpu.memref_slice %arg6[%mul3A_2, %dma_wait3A_173] : memref<331776x128xf32, #tpu.memory_space<hbm>> -> memref<128x128xf32, #tpu.memory_space<hbm>>
        tpu.wait_dma2 semaphore(%arg17 : memref<!tpu.dma_semaphore, #tpu.memory_space<semaphore_mem>>) src(%arg10 : memref<128x128xf32, #tpu.memory_space<vmem>>) dst(%dma_wait3A_174 : memref<128x128xf32, #tpu.memory_space<hbm>>)
        %dma_wait3A_175 = arith.constant 0 : i32
        %dma_wait3A_176 = tpu.memref_slice %arg6[%mul3A_2, %dma_wait3A_175] : memref<331776x128xf32, #tpu.memory_space<hbm>> -> memref<128x128xf32, #tpu.memory_space<hbm>>
        %dma_wait3A_177 = arith.constant 0 : i32
        %dma_wait3A_178 = tpu.memref_slice %arg6[%mul3A_2, %dma_wait3A_177] : memref<331776x128xf32, #tpu.memory_space<hbm>> -> memref<128x128xf32, #tpu.memory_space<hbm>>
        tpu.wait_dma2 semaphore(%arg17 : memref<!tpu.dma_semaphore, #tpu.memory_space<semaphore_mem>>) src(%arg10 : memref<128x128xf32, #tpu.memory_space<vmem>>) dst(%dma_wait3A_178 : memref<128x128xf32, #tpu.memory_space<hbm>>)
        %dma_wait3A_179 = arith.constant 0 : i32
        %dma_wait3A_180 = tpu.memref_slice %arg6[%mul3A_2, %dma_wait3A_179] : memref<331776x128xf32, #tpu.memory_space<hbm>> -> memref<128x128xf32, #tpu.memory_space<hbm>>
        %dma_wait3A_181 = arith.constant 0 : i32
        %dma_wait3A_182 = tpu.memref_slice %arg6[%mul3A_2, %dma_wait3A_181] : memref<331776x128xf32, #tpu.memory_space<hbm>> -> memref<128x128xf32, #tpu.memory_space<hbm>>
        tpu.wait_dma2 semaphore(%arg17 : memref<!tpu.dma_semaphore, #tpu.memory_space<semaphore_mem>>) src(%arg10 : memref<128x128xf32, #tpu.memory_space<vmem>>) dst(%dma_wait3A_182 : memref<128x128xf32, #tpu.memory_space<hbm>>)
      } else {
      }
      %add3A_37 = arith.constant 0 : i32
      %add3A_38 = arith.addi %add3A_34, %add3A_37 : i32
      %dma_start3A = arith.constant 0 : i32
      %dma_start3A_39 = tpu.memref_slice %arg8[%add3A_38, %dma_start3A] : memref<81x128xi32, #tpu.memory_space<vmem>> -> memref<1x128xi32, #tpu.memory_space<vmem>>
      %dma_start3A_40 = tpu.memref_squeeze %dma_start3A_39 : memref<1x128xi32, #tpu.memory_space<vmem>> -> memref<128xi32, #tpu.memory_space<vmem>>
      %dma_start3A_41 = arith.constant 0 : i32
      %dma_start3A_42 = arith.constant 0 : i32
      %dma_start3A_43 = tpu.memref_slice %arg2[%dma_start3A_41, %dma_start3A_42] : memref<10240x128xf32, #tpu.memory_space<hbm>> -> memref<10240x128xf32, #tpu.memory_space<hbm>>
      tpu.enqueue_indirect_dma source(%dma_start3A_43 : memref<10240x128xf32, #tpu.memory_space<hbm>>) target(%arg10 : memref<128x128xf32, #tpu.memory_space<vmem>>) offsets(%dma_start3A_40 : memref<128xi32, #tpu.memory_space<vmem>>) semaphore(%arg16 : memref<!tpu.dma_semaphore, #tpu.memory_space<semaphore_mem>>)
      %add3A_44 = arith.constant 0 : i32
      %add3A_45 = arith.addi %add3A_34, %add3A_44 : i32
      %dma_start3A_46 = arith.constant 0 : i32
      %dma_start3A_47 = tpu.memref_slice %arg9[%add3A_45, %dma_start3A_46] : memref<81x128xi32, #tpu.memory_space<vmem>> -> memref<1x128xi32, #tpu.memory_space<vmem>>
      %dma_start3A_48 = tpu.memref_squeeze %dma_start3A_47 : memref<1x128xi32, #tpu.memory_space<vmem>> -> memref<128xi32, #tpu.memory_space<vmem>>
      %dma_start3A_49 = arith.constant 0 : i32
      %dma_start3A_50 = arith.constant 0 : i32
      %dma_start3A_51 = tpu.memref_slice %arg3[%dma_start3A_49, %dma_start3A_50] : memref<10240x128xf32, #tpu.memory_space<hbm>> -> memref<10240x128xf32, #tpu.memory_space<hbm>>
      tpu.enqueue_indirect_dma source(%dma_start3A_51 : memref<10240x128xf32, #tpu.memory_space<hbm>>) target(%arg11 : memref<128x128xf32, #tpu.memory_space<vmem>>) offsets(%dma_start3A_48 : memref<128xi32, #tpu.memory_space<vmem>>) semaphore(%arg16 : memref<!tpu.dma_semaphore, #tpu.memory_space<semaphore_mem>>)
      %add3A_52 = arith.constant 1 : i32
      %add3A_53 = arith.addi %add3A_34, %add3A_52 : i32
      %dma_start3A_54 = arith.constant 0 : i32
      %dma_start3A_55 = tpu.memref_slice %arg8[%add3A_53, %dma_start3A_54] : memref<81x128xi32, #tpu.memory_space<vmem>> -> memref<1x128xi32, #tpu.memory_space<vmem>>
      %dma_start3A_56 = tpu.memref_squeeze %dma_start3A_55 : memref<1x128xi32, #tpu.memory_space<vmem>> -> memref<128xi32, #tpu.memory_space<vmem>>
      %dma_start3A_57 = arith.constant 0 : i32
      %dma_start3A_58 = arith.constant 0 : i32
      %dma_start3A_59 = tpu.memref_slice %arg2[%dma_start3A_57, %dma_start3A_58] : memref<10240x128xf32, #tpu.memory_space<hbm>> -> memref<10240x128xf32, #tpu.memory_space<hbm>>
      tpu.enqueue_indirect_dma source(%dma_start3A_59 : memref<10240x128xf32, #tpu.memory_space<hbm>>) target(%arg12 : memref<128x128xf32, #tpu.memory_space<vmem>>) offsets(%dma_start3A_56 : memref<128xi32, #tpu.memory_space<vmem>>) semaphore(%arg16 : memref<!tpu.dma_semaphore, #tpu.memory_space<semaphore_mem>>)
      %add3A_60 = arith.constant 1 : i32
      %add3A_61 = arith.addi %add3A_34, %add3A_60 : i32
      %dma_start3A_62 = arith.constant 0 : i32
      %dma_start3A_63 = tpu.memref_slice %arg9[%add3A_61, %dma_start3A_62] : memref<81x128xi32, #tpu.memory_space<vmem>> -> memref<1x128xi32, #tpu.memory_space<vmem>>
      %dma_start3A_64 = tpu.memref_squeeze %dma_start3A_63 : memref<1x128xi32, #tpu.memory_space<vmem>> -> memref<128xi32, #tpu.memory_space<vmem>>
      %dma_start3A_65 = arith.constant 0 : i32
      %dma_start3A_66 = arith.constant 0 : i32
      %dma_start3A_67 = tpu.memref_slice %arg3[%dma_start3A_65, %dma_start3A_66] : memref<10240x128xf32, #tpu.memory_space<hbm>> -> memref<10240x128xf32, #tpu.memory_space<hbm>>
      tpu.enqueue_indirect_dma source(%dma_start3A_67 : memref<10240x128xf32, #tpu.memory_space<hbm>>) target(%arg13 : memref<128x128xf32, #tpu.memory_space<vmem>>) offsets(%dma_start3A_64 : memref<128xi32, #tpu.memory_space<vmem>>) semaphore(%arg16 : memref<!tpu.dma_semaphore, #tpu.memory_space<semaphore_mem>>)
      %add3A_68 = arith.constant 2 : i32
      %add3A_69 = arith.addi %add3A_34, %add3A_68 : i32
      %dma_start3A_70 = arith.constant 0 : i32
      %dma_start3A_71 = tpu.memref_slice %arg8[%add3A_69, %dma_start3A_70] : memref<81x128xi32, #tpu.memory_space<vmem>> -> memref<1x128xi32, #tpu.memory_space<vmem>>
      %dma_start3A_72 = tpu.memref_squeeze %dma_start3A_71 : memref<1x128xi32, #tpu.memory_space<vmem>> -> memref<128xi32, #tpu.memory_space<vmem>>
      %dma_start3A_73 = arith.constant 0 : i32
      %dma_start3A_74 = arith.constant 0 : i32
      %dma_start3A_75 = tpu.memref_slice %arg2[%dma_start3A_73, %dma_start3A_74] : memref<10240x128xf32, #tpu.memory_space<hbm>> -> memref<10240x128xf32, #tpu.memory_space<hbm>>
      tpu.enqueue_indirect_dma source(%dma_start3A_75 : memref<10240x128xf32, #tpu.memory_space<hbm>>) target(%arg14 : memref<128x128xf32, #tpu.memory_space<vmem>>) offsets(%dma_start3A_72 : memref<128xi32, #tpu.memory_space<vmem>>) semaphore(%arg16 : memref<!tpu.dma_semaphore, #tpu.memory_space<semaphore_mem>>)
      %add3A_76 = arith.constant 2 : i32
      %add3A_77 = arith.addi %add3A_34, %add3A_76 : i32
      %dma_start3A_78 = arith.constant 0 : i32
      %dma_start3A_79 = tpu.memref_slice %arg9[%add3A_77, %dma_start3A_78] : memref<81x128xi32, #tpu.memory_space<vmem>> -> memref<1x128xi32, #tpu.memory_space<vmem>>
      %dma_start3A_80 = tpu.memref_squeeze %dma_start3A_79 : memref<1x128xi32, #tpu.memory_space<vmem>> -> memref<128xi32, #tpu.memory_space<vmem>>
      %dma_start3A_81 = arith.constant 0 : i32
      %dma_start3A_82 = arith.constant 0 : i32
      %dma_start3A_83 = tpu.memref_slice %arg3[%dma_start3A_81, %dma_start3A_82] : memref<10240x128xf32, #tpu.memory_space<hbm>> -> memref<10240x128xf32, #tpu.memory_space<hbm>>
      tpu.enqueue_indirect_dma source(%dma_start3A_83 : memref<10240x128xf32, #tpu.memory_space<hbm>>) target(%arg15 : memref<128x128xf32, #tpu.memory_space<vmem>>) offsets(%dma_start3A_80 : memref<128xi32, #tpu.memory_space<vmem>>) semaphore(%arg16 : memref<!tpu.dma_semaphore, #tpu.memory_space<semaphore_mem>>)
      %dma_wait3A_84 = arith.constant 0 : i32
      %dma_wait3A_85 = tpu.memref_slice %arg8[%add3A_38, %dma_wait3A_84] : memref<81x128xi32, #tpu.memory_space<vmem>> -> memref<1x128xi32, #tpu.memory_space<vmem>>
      %dma_wait3A_86 = tpu.memref_squeeze %dma_wait3A_85 : memref<1x128xi32, #tpu.memory_space<vmem>> -> memref<128xi32, #tpu.memory_space<vmem>>
      %dma_wait3A_87 = arith.constant 0 : i32
      %dma_wait3A_88 = arith.constant 0 : i32
      %dma_wait3A_89 = tpu.memref_slice %arg2[%dma_wait3A_87, %dma_wait3A_88] : memref<10240x128xf32, #tpu.memory_space<hbm>> -> memref<10240x128xf32, #tpu.memory_space<hbm>>
      tpu.wait_indirect_dma semaphore(%arg16 : memref<!tpu.dma_semaphore, #tpu.memory_space<semaphore_mem>>) src(%dma_wait3A_89 : memref<10240x128xf32, #tpu.memory_space<hbm>>) dst(%arg10 : memref<128x128xf32, #tpu.memory_space<vmem>>)
      %dma_wait3A_90 = arith.constant 0 : i32
      %dma_wait3A_91 = tpu.memref_slice %arg9[%add3A_45, %dma_wait3A_90] : memref<81x128xi32, #tpu.memory_space<vmem>> -> memref<1x128xi32, #tpu.memory_space<vmem>>
      %dma_wait3A_92 = tpu.memref_squeeze %dma_wait3A_91 : memref<1x128xi32, #tpu.memory_space<vmem>> -> memref<128xi32, #tpu.memory_space<vmem>>
      %dma_wait3A_93 = arith.constant 0 : i32
      %dma_wait3A_94 = arith.constant 0 : i32
      %dma_wait3A_95 = tpu.memref_slice %arg3[%dma_wait3A_93, %dma_wait3A_94] : memref<10240x128xf32, #tpu.memory_space<hbm>> -> memref<10240x128xf32, #tpu.memory_space<hbm>>
      tpu.wait_indirect_dma semaphore(%arg16 : memref<!tpu.dma_semaphore, #tpu.memory_space<semaphore_mem>>) src(%dma_wait3A_95 : memref<10240x128xf32, #tpu.memory_space<hbm>>) dst(%arg11 : memref<128x128xf32, #tpu.memory_space<vmem>>)
      %add3A_96 = arith.constant 0 : i32
      %add3A_97 = arith.addi %add3A_34, %add3A_96 : i32
      %mul3A_98 = arith.constant 128 : i32
      %mul3A_99 = arith.muli %add3A_97, %mul3A_98 : i32
      %add3A_100 = arith.addi %mul3A_2, %mul3A_99 : i32
      %dma_start3A_101 = arith.constant 0 : i32
      %dma_start3A_102 = tpu.memref_slice %arg6[%add3A_100, %dma_start3A_101] : memref<331776x128xf32, #tpu.memory_space<hbm>> -> memref<128x128xf32, #tpu.memory_space<hbm>>
      %dma_start3A_103 = arith.constant 0 : i32
      %dma_start3A_104 = tpu.memref_slice %arg6[%add3A_100, %dma_start3A_103] : memref<331776x128xf32, #tpu.memory_space<hbm>> -> memref<128x128xf32, #tpu.memory_space<hbm>>
      tpu.enqueue_dma source(%arg10 : memref<128x128xf32, #tpu.memory_space<vmem>>) target(%dma_start3A_104 : memref<128x128xf32, #tpu.memory_space<hbm>>) target_semaphore(%arg17 : memref<!tpu.dma_semaphore, #tpu.memory_space<semaphore_mem>>)
      %dma_start3A_105 = arith.constant 0 : i32
      %dma_start3A_106 = tpu.memref_slice %arg7[%add3A_100, %dma_start3A_105] : memref<331776x128xf32, #tpu.memory_space<hbm>> -> memref<128x128xf32, #tpu.memory_space<hbm>>
      %dma_start3A_107 = arith.constant 0 : i32
      %dma_start3A_108 = tpu.memref_slice %arg7[%add3A_100, %dma_start3A_107] : memref<331776x128xf32, #tpu.memory_space<hbm>> -> memref<128x128xf32, #tpu.memory_space<hbm>>
      tpu.enqueue_dma source(%arg11 : memref<128x128xf32, #tpu.memory_space<vmem>>) target(%dma_start3A_108 : memref<128x128xf32, #tpu.memory_space<hbm>>) target_semaphore(%arg17 : memref<!tpu.dma_semaphore, #tpu.memory_space<semaphore_mem>>)
      %dma_wait3A_109 = arith.constant 0 : i32
      %dma_wait3A_110 = tpu.memref_slice %arg8[%add3A_53, %dma_wait3A_109] : memref<81x128xi32, #tpu.memory_space<vmem>> -> memref<1x128xi32, #tpu.memory_space<vmem>>
      %dma_wait3A_111 = tpu.memref_squeeze %dma_wait3A_110 : memref<1x128xi32, #tpu.memory_space<vmem>> -> memref<128xi32, #tpu.memory_space<vmem>>
      %dma_wait3A_112 = arith.constant 0 : i32
      %dma_wait3A_113 = arith.constant 0 : i32
      %dma_wait3A_114 = tpu.memref_slice %arg2[%dma_wait3A_112, %dma_wait3A_113] : memref<10240x128xf32, #tpu.memory_space<hbm>> -> memref<10240x128xf32, #tpu.memory_space<hbm>>
      tpu.wait_indirect_dma semaphore(%arg16 : memref<!tpu.dma_semaphore, #tpu.memory_space<semaphore_mem>>) src(%dma_wait3A_114 : memref<10240x128xf32, #tpu.memory_space<hbm>>) dst(%arg12 : memref<128x128xf32, #tpu.memory_space<vmem>>)
      %dma_wait3A_115 = arith.constant 0 : i32
      %dma_wait3A_116 = tpu.memref_slice %arg9[%add3A_61, %dma_wait3A_115] : memref<81x128xi32, #tpu.memory_space<vmem>> -> memref<1x128xi32, #tpu.memory_space<vmem>>
      %dma_wait3A_117 = tpu.memref_squeeze %dma_wait3A_116 : memref<1x128xi32, #tpu.memory_space<vmem>> -> memref<128xi32, #tpu.memory_space<vmem>>
      %dma_wait3A_118 = arith.constant 0 : i32
      %dma_wait3A_119 = arith.constant 0 : i32
      %dma_wait3A_120 = tpu.memref_slice %arg3[%dma_wait3A_118, %dma_wait3A_119] : memref<10240x128xf32, #tpu.memory_space<hbm>> -> memref<10240x128xf32, #tpu.memory_space<hbm>>
      tpu.wait_indirect_dma semaphore(%arg16 : memref<!tpu.dma_semaphore, #tpu.memory_space<semaphore_mem>>) src(%dma_wait3A_120 : memref<10240x128xf32, #tpu.memory_space<hbm>>) dst(%arg13 : memref<128x128xf32, #tpu.memory_space<vmem>>)
      %add3A_121 = arith.constant 1 : i32
      %add3A_122 = arith.addi %add3A_34, %add3A_121 : i32
      %mul3A_123 = arith.constant 128 : i32
      %mul3A_124 = arith.muli %add3A_122, %mul3A_123 : i32
      %add3A_125 = arith.addi %mul3A_2, %mul3A_124 : i32
      %dma_start3A_126 = arith.constant 0 : i32
      %dma_start3A_127 = tpu.memref_slice %arg6[%add3A_125, %dma_start3A_126] : memref<331776x128xf32, #tpu.memory_space<hbm>> -> memref<128x128xf32, #tpu.memory_space<hbm>>
      %dma_start3A_128 = arith.constant 0 : i32
      %dma_start3A_129 = tpu.memref_slice %arg6[%add3A_125, %dma_start3A_128] : memref<331776x128xf32, #tpu.memory_space<hbm>> -> memref<128x128xf32, #tpu.memory_space<hbm>>
      tpu.enqueue_dma source(%arg12 : memref<128x128xf32, #tpu.memory_space<vmem>>) target(%dma_start3A_129 : memref<128x128xf32, #tpu.memory_space<hbm>>) target_semaphore(%arg17 : memref<!tpu.dma_semaphore, #tpu.memory_space<semaphore_mem>>)
      %dma_start3A_130 = arith.constant 0 : i32
      %dma_start3A_131 = tpu.memref_slice %arg7[%add3A_125, %dma_start3A_130] : memref<331776x128xf32, #tpu.memory_space<hbm>> -> memref<128x128xf32, #tpu.memory_space<hbm>>
      %dma_start3A_132 = arith.constant 0 : i32
      %dma_start3A_133 = tpu.memref_slice %arg7[%add3A_125, %dma_start3A_132] : memref<331776x128xf32, #tpu.memory_space<hbm>> -> memref<128x128xf32, #tpu.memory_space<hbm>>
      tpu.enqueue_dma source(%arg13 : memref<128x128xf32, #tpu.memory_space<vmem>>) target(%dma_start3A_133 : memref<128x128xf32, #tpu.memory_space<hbm>>) target_semaphore(%arg17 : memref<!tpu.dma_semaphore, #tpu.memory_space<semaphore_mem>>)
      %dma_wait3A_134 = arith.constant 0 : i32
      %dma_wait3A_135 = tpu.memref_slice %arg8[%add3A_69, %dma_wait3A_134] : memref<81x128xi32, #tpu.memory_space<vmem>> -> memref<1x128xi32, #tpu.memory_space<vmem>>
      %dma_wait3A_136 = tpu.memref_squeeze %dma_wait3A_135 : memref<1x128xi32, #tpu.memory_space<vmem>> -> memref<128xi32, #tpu.memory_space<vmem>>
      %dma_wait3A_137 = arith.constant 0 : i32
      %dma_wait3A_138 = arith.constant 0 : i32
      %dma_wait3A_139 = tpu.memref_slice %arg2[%dma_wait3A_137, %dma_wait3A_138] : memref<10240x128xf32, #tpu.memory_space<hbm>> -> memref<10240x128xf32, #tpu.memory_space<hbm>>
      tpu.wait_indirect_dma semaphore(%arg16 : memref<!tpu.dma_semaphore, #tpu.memory_space<semaphore_mem>>) src(%dma_wait3A_139 : memref<10240x128xf32, #tpu.memory_space<hbm>>) dst(%arg14 : memref<128x128xf32, #tpu.memory_space<vmem>>)
      %dma_wait3A_140 = arith.constant 0 : i32
      %dma_wait3A_141 = tpu.memref_slice %arg9[%add3A_77, %dma_wait3A_140] : memref<81x128xi32, #tpu.memory_space<vmem>> -> memref<1x128xi32, #tpu.memory_space<vmem>>
      %dma_wait3A_142 = tpu.memref_squeeze %dma_wait3A_141 : memref<1x128xi32, #tpu.memory_space<vmem>> -> memref<128xi32, #tpu.memory_space<vmem>>
      %dma_wait3A_143 = arith.constant 0 : i32
      %dma_wait3A_144 = arith.constant 0 : i32
      %dma_wait3A_145 = tpu.memref_slice %arg3[%dma_wait3A_143, %dma_wait3A_144] : memref<10240x128xf32, #tpu.memory_space<hbm>> -> memref<10240x128xf32, #tpu.memory_space<hbm>>
      tpu.wait_indirect_dma semaphore(%arg16 : memref<!tpu.dma_semaphore, #tpu.memory_space<semaphore_mem>>) src(%dma_wait3A_145 : memref<10240x128xf32, #tpu.memory_space<hbm>>) dst(%arg15 : memref<128x128xf32, #tpu.memory_space<vmem>>)
      %add3A_146 = arith.constant 2 : i32
      %add3A_147 = arith.addi %add3A_34, %add3A_146 : i32
      %mul3A_148 = arith.constant 128 : i32
      %mul3A_149 = arith.muli %add3A_147, %mul3A_148 : i32
      %add3A_150 = arith.addi %mul3A_2, %mul3A_149 : i32
      %dma_start3A_151 = arith.constant 0 : i32
      %dma_start3A_152 = tpu.memref_slice %arg6[%add3A_150, %dma_start3A_151] : memref<331776x128xf32, #tpu.memory_space<hbm>> -> memref<128x128xf32, #tpu.memory_space<hbm>>
      %dma_start3A_153 = arith.constant 0 : i32
      %dma_start3A_154 = tpu.memref_slice %arg6[%add3A_150, %dma_start3A_153] : memref<331776x128xf32, #tpu.memory_space<hbm>> -> memref<128x128xf32, #tpu.memory_space<hbm>>
      tpu.enqueue_dma source(%arg14 : memref<128x128xf32, #tpu.memory_space<vmem>>) target(%dma_start3A_154 : memref<128x128xf32, #tpu.memory_space<hbm>>) target_semaphore(%arg17 : memref<!tpu.dma_semaphore, #tpu.memory_space<semaphore_mem>>)
      %dma_start3A_155 = arith.constant 0 : i32
      %dma_start3A_156 = tpu.memref_slice %arg7[%add3A_150, %dma_start3A_155] : memref<331776x128xf32, #tpu.memory_space<hbm>> -> memref<128x128xf32, #tpu.memory_space<hbm>>
      %dma_start3A_157 = arith.constant 0 : i32
      %dma_start3A_158 = tpu.memref_slice %arg7[%add3A_150, %dma_start3A_157] : memref<331776x128xf32, #tpu.memory_space<hbm>> -> memref<128x128xf32, #tpu.memory_space<hbm>>
      tpu.enqueue_dma source(%arg15 : memref<128x128xf32, #tpu.memory_space<vmem>>) target(%dma_start3A_158 : memref<128x128xf32, #tpu.memory_space<hbm>>) target_semaphore(%arg17 : memref<!tpu.dma_semaphore, #tpu.memory_space<semaphore_mem>>)
    }
    %scan3A_6 = arith.constant 27 : i32
    %dma_wait3A = arith.constant 0 : i32
    %dma_wait3A_7 = tpu.memref_slice %arg6[%mul3A_2, %dma_wait3A] : memref<331776x128xf32, #tpu.memory_space<hbm>> -> memref<128x128xf32, #tpu.memory_space<hbm>>
    %dma_wait3A_8 = arith.constant 0 : i32
    %dma_wait3A_9 = tpu.memref_slice %arg6[%mul3A_2, %dma_wait3A_8] : memref<331776x128xf32, #tpu.memory_space<hbm>> -> memref<128x128xf32, #tpu.memory_space<hbm>>
    tpu.wait_dma2 semaphore(%arg17 : memref<!tpu.dma_semaphore, #tpu.memory_space<semaphore_mem>>) src(%arg10 : memref<128x128xf32, #tpu.memory_space<vmem>>) dst(%dma_wait3A_9 : memref<128x128xf32, #tpu.memory_space<hbm>>)
    %dma_wait3A_10 = arith.constant 0 : i32
    %dma_wait3A_11 = tpu.memref_slice %arg6[%mul3A_2, %dma_wait3A_10] : memref<331776x128xf32, #tpu.memory_space<hbm>> -> memref<128x128xf32, #tpu.memory_space<hbm>>
    %dma_wait3A_12 = arith.constant 0 : i32
    %dma_wait3A_13 = tpu.memref_slice %arg6[%mul3A_2, %dma_wait3A_12] : memref<331776x128xf32, #tpu.memory_space<hbm>> -> memref<128x128xf32, #tpu.memory_space<hbm>>
    tpu.wait_dma2 semaphore(%arg17 : memref<!tpu.dma_semaphore, #tpu.memory_space<semaphore_mem>>) src(%arg10 : memref<128x128xf32, #tpu.memory_space<vmem>>) dst(%dma_wait3A_13 : memref<128x128xf32, #tpu.memory_space<hbm>>)
    %dma_wait3A_14 = arith.constant 0 : i32
    %dma_wait3A_15 = tpu.memref_slice %arg6[%mul3A_2, %dma_wait3A_14] : memref<331776x128xf32, #tpu.memory_space<hbm>> -> memref<128x128xf32, #tpu.memory_space<hbm>>
    %dma_wait3A_16 = arith.constant 0 : i32
    %dma_wait3A_17 = tpu.memref_slice %arg6[%mul3A_2, %dma_wait3A_16] : memref<331776x128xf32, #tpu.memory_space<hbm>> -> memref<128x128xf32, #tpu.memory_space<hbm>>
    tpu.wait_dma2 semaphore(%arg17 : memref<!tpu.dma_semaphore, #tpu.memory_space<semaphore_mem>>) src(%arg10 : memref<128x128xf32, #tpu.memory_space<vmem>>) dst(%dma_wait3A_17 : memref<128x128xf32, #tpu.memory_space<hbm>>)
    %dma_wait3A_18 = arith.constant 0 : i32
    %dma_wait3A_19 = tpu.memref_slice %arg6[%mul3A_2, %dma_wait3A_18] : memref<331776x128xf32, #tpu.memory_space<hbm>> -> memref<128x128xf32, #tpu.memory_space<hbm>>
    %dma_wait3A_20 = arith.constant 0 : i32
    %dma_wait3A_21 = tpu.memref_slice %arg6[%mul3A_2, %dma_wait3A_20] : memref<331776x128xf32, #tpu.memory_space<hbm>> -> memref<128x128xf32, #tpu.memory_space<hbm>>
    tpu.wait_dma2 semaphore(%arg17 : memref<!tpu.dma_semaphore, #tpu.memory_space<semaphore_mem>>) src(%arg10 : memref<128x128xf32, #tpu.memory_space<vmem>>) dst(%dma_wait3A_21 : memref<128x128xf32, #tpu.memory_space<hbm>>)
    %dma_wait3A_22 = arith.constant 0 : i32
    %dma_wait3A_23 = tpu.memref_slice %arg6[%mul3A_2, %dma_wait3A_22] : memref<331776x128xf32, #tpu.memory_space<hbm>> -> memref<128x128xf32, #tpu.memory_space<hbm>>
    %dma_wait3A_24 = arith.constant 0 : i32
    %dma_wait3A_25 = tpu.memref_slice %arg6[%mul3A_2, %dma_wait3A_24] : memref<331776x128xf32, #tpu.memory_space<hbm>> -> memref<128x128xf32, #tpu.memory_space<hbm>>
    tpu.wait_dma2 semaphore(%arg17 : memref<!tpu.dma_semaphore, #tpu.memory_space<semaphore_mem>>) src(%arg10 : memref<128x128xf32, #tpu.memory_space<vmem>>) dst(%dma_wait3A_25 : memref<128x128xf32, #tpu.memory_space<hbm>>)
    %dma_wait3A_26 = arith.constant 0 : i32
    %dma_wait3A_27 = tpu.memref_slice %arg6[%mul3A_2, %dma_wait3A_26] : memref<331776x128xf32, #tpu.memory_space<hbm>> -> memref<128x128xf32, #tpu.memory_space<hbm>>
    %dma_wait3A_28 = arith.constant 0 : i32
    %dma_wait3A_29 = tpu.memref_slice %arg6[%mul3A_2, %dma_wait3A_28] : memref<331776x128xf32, #tpu.memory_space<hbm>> -> memref<128x128xf32, #tpu.memory_space<hbm>>
    tpu.wait_dma2 semaphore(%arg17 : memref<!tpu.dma_semaphore, #tpu.memory_space<semaphore_mem>>) src(%arg10 : memref<128x128xf32, #tpu.memory_space<vmem>>) dst(%dma_wait3A_29 : memref<128x128xf32, #tpu.memory_space<hbm>>)
    return
  }
}

#map = affine_map<(d0, d1) -> (0, 0)>
#map1 = affine_map<(d0, d1) -> (0, 0, 0)>
module attributes {stable_mosaic.version = 14 : i64} {
  func.func @_scatter_body(%arg0: i32, %arg1: i32, %arg2: memref<331776x128xf32, #tpu.memory_space<hbm>>, %arg3: memref<32x81x128xi32, #tpu.memory_space<hbm>>, %arg4: memref<10240x128xf32, #tpu.memory_space<hbm>>, %arg5: memref<2x10240x128xf32, #tpu.memory_space<hbm>>, %arg6: memref<81x128xi32, #tpu.memory_space<vmem>>, %arg7: memref<128x128xf32, #tpu.memory_space<vmem>>, %arg8: memref<128x128xf32, #tpu.memory_space<vmem>>, %arg9: memref<10240x128xf32, #tpu.memory_space<vmem_shared>>, %arg10: memref<!tpu.dma_semaphore, #tpu.memory_space<semaphore_mem>>) attributes {dimension_semantics = [#tpu.dimension_semantics<core_parallel>, #tpu.dimension_semantics<subcore_parallel>], iteration_bounds = array<i64: 2, 16>, scalar_prefetch = 0 : i64, scratch_operands = 5 : i64, tpu.core_type = #tpu.core_type<sc_vector_subcore>, window_params = [{transform_indices = #map}, {transform_indices = #map1}, {transform_indices = #map}, {transform_indices = #map1}]} {
    %mul3A = arith.constant 640 : i32
    %mul3A_0 = arith.muli %arg1, %mul3A : i32
    %mul3A_1 = arith.constant 640 : i32
    %mul3A_2 = arith.muli %arg1, %mul3A_1 : i32
    "tpu.region"() ({
      %run_scoped3A_18 = tpu.sem_alloc : memref<!tpu.dma_semaphore, #tpu.memory_space<semaphore_mem>>
      %dma_start3A = arith.constant 0 : i32
      %dma_start3A_19 = tpu.memref_slice %arg9[%mul3A_2, %dma_start3A] : memref<10240x128xf32, #tpu.memory_space<vmem_shared>> -> memref<640x128xf32, #tpu.memory_space<vmem_shared>>
      %dma_start3A_20 = arith.constant 0 : i32
      %dma_start3A_21 = tpu.memref_slice %arg4[%mul3A_0, %dma_start3A_20] : memref<10240x128xf32, #tpu.memory_space<hbm>> -> memref<640x128xf32, #tpu.memory_space<hbm>>
      tpu.enqueue_dma source(%dma_start3A_21 : memref<640x128xf32, #tpu.memory_space<hbm>>) target(%dma_start3A_19 : memref<640x128xf32, #tpu.memory_space<vmem_shared>>) target_semaphore(%run_scoped3A_18 : memref<!tpu.dma_semaphore, #tpu.memory_space<semaphore_mem>>)
      %dma_wait3A = arith.constant 0 : i32
      %dma_wait3A_22 = tpu.memref_slice %arg9[%mul3A_2, %dma_wait3A] : memref<10240x128xf32, #tpu.memory_space<vmem_shared>> -> memref<640x128xf32, #tpu.memory_space<vmem_shared>>
      %dma_wait3A_23 = arith.constant 0 : i32
      %dma_wait3A_24 = tpu.memref_slice %arg4[%mul3A_0, %dma_wait3A_23] : memref<10240x128xf32, #tpu.memory_space<hbm>> -> memref<640x128xf32, #tpu.memory_space<hbm>>
      tpu.wait_dma2 semaphore(%run_scoped3A_18 : memref<!tpu.dma_semaphore, #tpu.memory_space<semaphore_mem>>) src(%dma_wait3A_24 : memref<640x128xf32, #tpu.memory_space<hbm>>) dst(%dma_wait3A_22 : memref<640x128xf32, #tpu.memory_space<vmem_shared>>)
      tpu.yield
    }) : () -> ()
    %barrier3A = arith.constant 0 : index
    tpu.barrier barrier_id(%barrier3A)
    %mul3A_3 = arith.constant 16 : i32
    %mul3A_4 = arith.muli %arg0, %mul3A_3 : i32
    %add3A = arith.addi %mul3A_4, %arg1 : i32
    "tpu.region"() ({
      %run_scoped3A_18 = tpu.sem_alloc : memref<!tpu.dma_semaphore, #tpu.memory_space<semaphore_mem>>
      %dma_start3A = arith.constant 0 : i32
      %dma_start3A_19 = arith.constant 0 : i32
      %dma_start3A_20 = tpu.memref_slice %arg3[%add3A, %dma_start3A, %dma_start3A_19] : memref<32x81x128xi32, #tpu.memory_space<hbm>> -> memref<1x81x128xi32, #tpu.memory_space<hbm>>
      %dma_start3A_21 = tpu.memref_squeeze %dma_start3A_20 : memref<1x81x128xi32, #tpu.memory_space<hbm>> -> memref<81x128xi32, #tpu.memory_space<hbm>>
      %dma_start3A_22 = arith.constant 0 : i32
      %dma_start3A_23 = arith.constant 0 : i32
      %dma_start3A_24 = tpu.memref_slice %arg3[%add3A, %dma_start3A_22, %dma_start3A_23] : memref<32x81x128xi32, #tpu.memory_space<hbm>> -> memref<1x81x128xi32, #tpu.memory_space<hbm>>
      %dma_start3A_25 = tpu.memref_squeeze %dma_start3A_24 : memref<1x81x128xi32, #tpu.memory_space<hbm>> -> memref<81x128xi32, #tpu.memory_space<hbm>>
      tpu.enqueue_dma source(%dma_start3A_25 : memref<81x128xi32, #tpu.memory_space<hbm>>) target(%arg6 : memref<81x128xi32, #tpu.memory_space<vmem>>) target_semaphore(%run_scoped3A_18 : memref<!tpu.dma_semaphore, #tpu.memory_space<semaphore_mem>>)
      %dma_wait3A = arith.constant 0 : i32
      %dma_wait3A_26 = arith.constant 0 : i32
      %dma_wait3A_27 = tpu.memref_slice %arg3[%add3A, %dma_wait3A, %dma_wait3A_26] : memref<32x81x128xi32, #tpu.memory_space<hbm>> -> memref<1x81x128xi32, #tpu.memory_space<hbm>>
      %dma_wait3A_28 = tpu.memref_squeeze %dma_wait3A_27 : memref<1x81x128xi32, #tpu.memory_space<hbm>> -> memref<81x128xi32, #tpu.memory_space<hbm>>
      %dma_wait3A_29 = arith.constant 0 : i32
      %dma_wait3A_30 = arith.constant 0 : i32
      %dma_wait3A_31 = tpu.memref_slice %arg3[%add3A, %dma_wait3A_29, %dma_wait3A_30] : memref<32x81x128xi32, #tpu.memory_space<hbm>> -> memref<1x81x128xi32, #tpu.memory_space<hbm>>
      %dma_wait3A_32 = tpu.memref_squeeze %dma_wait3A_31 : memref<1x81x128xi32, #tpu.memory_space<hbm>> -> memref<81x128xi32, #tpu.memory_space<hbm>>
      tpu.wait_dma2 semaphore(%run_scoped3A_18 : memref<!tpu.dma_semaphore, #tpu.memory_space<semaphore_mem>>) src(%dma_wait3A_32 : memref<81x128xi32, #tpu.memory_space<hbm>>) dst(%arg6 : memref<81x128xi32, #tpu.memory_space<vmem>>)
      tpu.yield
    }) : () -> ()
    %mul3A_5 = arith.constant 10368 : i32
    %mul3A_6 = arith.muli %add3A, %mul3A_5 : i32
    %scan3A = arith.constant 0 : i32
    %scan3A_7 = arith.constant 40 : i32
    %scan3A_8 = arith.addi %scan3A, %scan3A_7 : i32
    %scan3A_9 = arith.constant 1 : i32
    scf.for %scan3A_18 = %scan3A to %scan3A_8 step %scan3A_9  : i32 {
      %mul3A_19 = arith.constant 2 : i32
      %mul3A_20 = arith.muli %scan3A_18, %mul3A_19 : i32
      %add3A_21 = arith.constant 0 : i32
      %add3A_22 = arith.addi %add3A_21, %mul3A_20 : i32
      %mul3A_23 = arith.constant 128 : i32
      %mul3A_24 = arith.muli %add3A_22, %mul3A_23 : i32
      %add3A_25 = arith.addi %mul3A_6, %mul3A_24 : i32
      %dma_start3A = arith.constant 0 : i32
      %dma_start3A_26 = tpu.memref_slice %arg2[%add3A_25, %dma_start3A] : memref<331776x128xf32, #tpu.memory_space<hbm>> -> memref<128x128xf32, #tpu.memory_space<hbm>>
      %dma_start3A_27 = arith.constant 0 : i32
      %dma_start3A_28 = tpu.memref_slice %arg2[%add3A_25, %dma_start3A_27] : memref<331776x128xf32, #tpu.memory_space<hbm>> -> memref<128x128xf32, #tpu.memory_space<hbm>>
      tpu.enqueue_dma source(%dma_start3A_28 : memref<128x128xf32, #tpu.memory_space<hbm>>) target(%arg7 : memref<128x128xf32, #tpu.memory_space<vmem>>) target_semaphore(%arg10 : memref<!tpu.dma_semaphore, #tpu.memory_space<semaphore_mem>>)
      %add3A_29 = arith.constant 1 : i32
      %add3A_30 = arith.addi %add3A_22, %add3A_29 : i32
      %mul3A_31 = arith.constant 128 : i32
      %mul3A_32 = arith.muli %add3A_30, %mul3A_31 : i32
      %add3A_33 = arith.addi %mul3A_6, %mul3A_32 : i32
      %dma_start3A_34 = arith.constant 0 : i32
      %dma_start3A_35 = tpu.memref_slice %arg2[%add3A_33, %dma_start3A_34] : memref<331776x128xf32, #tpu.memory_space<hbm>> -> memref<128x128xf32, #tpu.memory_space<hbm>>
      %dma_start3A_36 = arith.constant 0 : i32
      %dma_start3A_37 = tpu.memref_slice %arg2[%add3A_33, %dma_start3A_36] : memref<331776x128xf32, #tpu.memory_space<hbm>> -> memref<128x128xf32, #tpu.memory_space<hbm>>
      tpu.enqueue_dma source(%dma_start3A_37 : memref<128x128xf32, #tpu.memory_space<hbm>>) target(%arg8 : memref<128x128xf32, #tpu.memory_space<vmem>>) target_semaphore(%arg10 : memref<!tpu.dma_semaphore, #tpu.memory_space<semaphore_mem>>)
      %dma_wait3A = arith.constant 0 : i32
      %dma_wait3A_38 = tpu.memref_slice %arg2[%add3A_25, %dma_wait3A] : memref<331776x128xf32, #tpu.memory_space<hbm>> -> memref<128x128xf32, #tpu.memory_space<hbm>>
      %dma_wait3A_39 = arith.constant 0 : i32
      %dma_wait3A_40 = tpu.memref_slice %arg2[%add3A_25, %dma_wait3A_39] : memref<331776x128xf32, #tpu.memory_space<hbm>> -> memref<128x128xf32, #tpu.memory_space<hbm>>
      tpu.wait_dma2 semaphore(%arg10 : memref<!tpu.dma_semaphore, #tpu.memory_space<semaphore_mem>>) src(%dma_wait3A_40 : memref<128x128xf32, #tpu.memory_space<hbm>>) dst(%arg7 : memref<128x128xf32, #tpu.memory_space<vmem>>)
      "tpu.region"() ({
        %run_scoped3A_47 = tpu.sem_alloc : memref<!tpu.dma_semaphore, #tpu.memory_space<semaphore_mem>>
        %dma_start3A_48 = arith.constant 0 : i32
        %dma_start3A_49 = tpu.memref_slice %arg6[%add3A_22, %dma_start3A_48] : memref<81x128xi32, #tpu.memory_space<vmem>> -> memref<1x128xi32, #tpu.memory_space<vmem>>
        %dma_start3A_50 = tpu.memref_squeeze %dma_start3A_49 : memref<1x128xi32, #tpu.memory_space<vmem>> -> memref<128xi32, #tpu.memory_space<vmem>>
        %dma_start3A_51 = arith.constant 0 : i32
        %dma_start3A_52 = arith.constant 0 : i32
        %dma_start3A_53 = tpu.memref_slice %arg9[%dma_start3A_51, %dma_start3A_52] : memref<10240x128xf32, #tpu.memory_space<vmem_shared>> -> memref<10240x128xf32, #tpu.memory_space<vmem_shared>>
        tpu.enqueue_indirect_dma source(%arg7 : memref<128x128xf32, #tpu.memory_space<vmem>>) target(%dma_start3A_53 : memref<10240x128xf32, #tpu.memory_space<vmem_shared>>) offsets(%dma_start3A_50 : memref<128xi32, #tpu.memory_space<vmem>>) semaphore(%run_scoped3A_47 : memref<!tpu.dma_semaphore, #tpu.memory_space<semaphore_mem>>) {add = true}
        %dma_wait3A_54 = arith.constant 0 : i32
        %dma_wait3A_55 = tpu.memref_slice %arg6[%add3A_22, %dma_wait3A_54] : memref<81x128xi32, #tpu.memory_space<vmem>> -> memref<1x128xi32, #tpu.memory_space<vmem>>
        %dma_wait3A_56 = tpu.memref_squeeze %dma_wait3A_55 : memref<1x128xi32, #tpu.memory_space<vmem>> -> memref<128xi32, #tpu.memory_space<vmem>>
        %dma_wait3A_57 = arith.constant 0 : i32
        %dma_wait3A_58 = arith.constant 0 : i32
        %dma_wait3A_59 = tpu.memref_slice %arg9[%dma_wait3A_57, %dma_wait3A_58] : memref<10240x128xf32, #tpu.memory_space<vmem_shared>> -> memref<10240x128xf32, #tpu.memory_space<vmem_shared>>
        tpu.wait_indirect_dma semaphore(%run_scoped3A_47 : memref<!tpu.dma_semaphore, #tpu.memory_space<semaphore_mem>>) src(%arg7 : memref<128x128xf32, #tpu.memory_space<vmem>>) dst(%dma_wait3A_59 : memref<10240x128xf32, #tpu.memory_space<vmem_shared>>)
        tpu.yield
      }) : () -> ()
      %dma_wait3A_41 = arith.constant 0 : i32
      %dma_wait3A_42 = tpu.memref_slice %arg2[%add3A_33, %dma_wait3A_41] : memref<331776x128xf32, #tpu.memory_space<hbm>> -> memref<128x128xf32, #tpu.memory_space<hbm>>
      %dma_wait3A_43 = arith.constant 0 : i32
      %dma_wait3A_44 = tpu.memref_slice %arg2[%add3A_33, %dma_wait3A_43] : memref<331776x128xf32, #tpu.memory_space<hbm>> -> memref<128x128xf32, #tpu.memory_space<hbm>>
      tpu.wait_dma2 semaphore(%arg10 : memref<!tpu.dma_semaphore, #tpu.memory_space<semaphore_mem>>) src(%dma_wait3A_44 : memref<128x128xf32, #tpu.memory_space<hbm>>) dst(%arg8 : memref<128x128xf32, #tpu.memory_space<vmem>>)
      %add3A_45 = arith.constant 1 : i32
      %add3A_46 = arith.addi %add3A_22, %add3A_45 : i32
      "tpu.region"() ({
        %run_scoped3A_47 = tpu.sem_alloc : memref<!tpu.dma_semaphore, #tpu.memory_space<semaphore_mem>>
        %dma_start3A_48 = arith.constant 0 : i32
        %dma_start3A_49 = tpu.memref_slice %arg6[%add3A_46, %dma_start3A_48] : memref<81x128xi32, #tpu.memory_space<vmem>> -> memref<1x128xi32, #tpu.memory_space<vmem>>
        %dma_start3A_50 = tpu.memref_squeeze %dma_start3A_49 : memref<1x128xi32, #tpu.memory_space<vmem>> -> memref<128xi32, #tpu.memory_space<vmem>>
        %dma_start3A_51 = arith.constant 0 : i32
        %dma_start3A_52 = arith.constant 0 : i32
        %dma_start3A_53 = tpu.memref_slice %arg9[%dma_start3A_51, %dma_start3A_52] : memref<10240x128xf32, #tpu.memory_space<vmem_shared>> -> memref<10240x128xf32, #tpu.memory_space<vmem_shared>>
        tpu.enqueue_indirect_dma source(%arg8 : memref<128x128xf32, #tpu.memory_space<vmem>>) target(%dma_start3A_53 : memref<10240x128xf32, #tpu.memory_space<vmem_shared>>) offsets(%dma_start3A_50 : memref<128xi32, #tpu.memory_space<vmem>>) semaphore(%run_scoped3A_47 : memref<!tpu.dma_semaphore, #tpu.memory_space<semaphore_mem>>) {add = true}
        %dma_wait3A_54 = arith.constant 0 : i32
        %dma_wait3A_55 = tpu.memref_slice %arg6[%add3A_46, %dma_wait3A_54] : memref<81x128xi32, #tpu.memory_space<vmem>> -> memref<1x128xi32, #tpu.memory_space<vmem>>
        %dma_wait3A_56 = tpu.memref_squeeze %dma_wait3A_55 : memref<1x128xi32, #tpu.memory_space<vmem>> -> memref<128xi32, #tpu.memory_space<vmem>>
        %dma_wait3A_57 = arith.constant 0 : i32
        %dma_wait3A_58 = arith.constant 0 : i32
        %dma_wait3A_59 = tpu.memref_slice %arg9[%dma_wait3A_57, %dma_wait3A_58] : memref<10240x128xf32, #tpu.memory_space<vmem_shared>> -> memref<10240x128xf32, #tpu.memory_space<vmem_shared>>
        tpu.wait_indirect_dma semaphore(%run_scoped3A_47 : memref<!tpu.dma_semaphore, #tpu.memory_space<semaphore_mem>>) src(%arg8 : memref<128x128xf32, #tpu.memory_space<vmem>>) dst(%dma_wait3A_59 : memref<10240x128xf32, #tpu.memory_space<vmem_shared>>)
        tpu.yield
      }) : () -> ()
    }
    %scan3A_10 = arith.constant 40 : i32
    %add3A_11 = arith.constant 10240 : i32
    %add3A_12 = arith.addi %mul3A_6, %add3A_11 : i32
    "tpu.region"() ({
      %run_scoped3A_18 = tpu.sem_alloc : memref<!tpu.dma_semaphore, #tpu.memory_space<semaphore_mem>>
      %dma_start3A = arith.constant 0 : i32
      %dma_start3A_19 = tpu.memref_slice %arg2[%add3A_12, %dma_start3A] : memref<331776x128xf32, #tpu.memory_space<hbm>> -> memref<128x128xf32, #tpu.memory_space<hbm>>
      %dma_start3A_20 = arith.constant 0 : i32
      %dma_start3A_21 = tpu.memref_slice %arg2[%add3A_12, %dma_start3A_20] : memref<331776x128xf32, #tpu.memory_space<hbm>> -> memref<128x128xf32, #tpu.memory_space<hbm>>
      tpu.enqueue_dma source(%dma_start3A_21 : memref<128x128xf32, #tpu.memory_space<hbm>>) target(%arg7 : memref<128x128xf32, #tpu.memory_space<vmem>>) target_semaphore(%run_scoped3A_18 : memref<!tpu.dma_semaphore, #tpu.memory_space<semaphore_mem>>)
      %dma_wait3A = arith.constant 0 : i32
      %dma_wait3A_22 = tpu.memref_slice %arg2[%add3A_12, %dma_wait3A] : memref<331776x128xf32, #tpu.memory_space<hbm>> -> memref<128x128xf32, #tpu.memory_space<hbm>>
      %dma_wait3A_23 = arith.constant 0 : i32
      %dma_wait3A_24 = tpu.memref_slice %arg2[%add3A_12, %dma_wait3A_23] : memref<331776x128xf32, #tpu.memory_space<hbm>> -> memref<128x128xf32, #tpu.memory_space<hbm>>
      tpu.wait_dma2 semaphore(%run_scoped3A_18 : memref<!tpu.dma_semaphore, #tpu.memory_space<semaphore_mem>>) src(%dma_wait3A_24 : memref<128x128xf32, #tpu.memory_space<hbm>>) dst(%arg7 : memref<128x128xf32, #tpu.memory_space<vmem>>)
      tpu.yield
    }) : () -> ()
    %run_scoped3A = arith.constant 80 : i32
    "tpu.region"() ({
      %run_scoped3A_18 = tpu.sem_alloc : memref<!tpu.dma_semaphore, #tpu.memory_space<semaphore_mem>>
      %dma_start3A = arith.constant 0 : i32
      %dma_start3A_19 = tpu.memref_slice %arg6[%run_scoped3A, %dma_start3A] : memref<81x128xi32, #tpu.memory_space<vmem>> -> memref<1x128xi32, #tpu.memory_space<vmem>>
      %dma_start3A_20 = tpu.memref_squeeze %dma_start3A_19 : memref<1x128xi32, #tpu.memory_space<vmem>> -> memref<128xi32, #tpu.memory_space<vmem>>
      %dma_start3A_21 = arith.constant 0 : i32
      %dma_start3A_22 = arith.constant 0 : i32
      %dma_start3A_23 = tpu.memref_slice %arg9[%dma_start3A_21, %dma_start3A_22] : memref<10240x128xf32, #tpu.memory_space<vmem_shared>> -> memref<10240x128xf32, #tpu.memory_space<vmem_shared>>
      tpu.enqueue_indirect_dma source(%arg7 : memref<128x128xf32, #tpu.memory_space<vmem>>) target(%dma_start3A_23 : memref<10240x128xf32, #tpu.memory_space<vmem_shared>>) offsets(%dma_start3A_20 : memref<128xi32, #tpu.memory_space<vmem>>) semaphore(%run_scoped3A_18 : memref<!tpu.dma_semaphore, #tpu.memory_space<semaphore_mem>>) {add = true}
      %dma_wait3A = arith.constant 0 : i32
      %dma_wait3A_24 = tpu.memref_slice %arg6[%run_scoped3A, %dma_wait3A] : memref<81x128xi32, #tpu.memory_space<vmem>> -> memref<1x128xi32, #tpu.memory_space<vmem>>
      %dma_wait3A_25 = tpu.memref_squeeze %dma_wait3A_24 : memref<1x128xi32, #tpu.memory_space<vmem>> -> memref<128xi32, #tpu.memory_space<vmem>>
      %dma_wait3A_26 = arith.constant 0 : i32
      %dma_wait3A_27 = arith.constant 0 : i32
      %dma_wait3A_28 = tpu.memref_slice %arg9[%dma_wait3A_26, %dma_wait3A_27] : memref<10240x128xf32, #tpu.memory_space<vmem_shared>> -> memref<10240x128xf32, #tpu.memory_space<vmem_shared>>
      tpu.wait_indirect_dma semaphore(%run_scoped3A_18 : memref<!tpu.dma_semaphore, #tpu.memory_space<semaphore_mem>>) src(%arg7 : memref<128x128xf32, #tpu.memory_space<vmem>>) dst(%dma_wait3A_28 : memref<10240x128xf32, #tpu.memory_space<vmem_shared>>)
      tpu.yield
    }) : () -> ()
    %barrier3A_13 = arith.constant 0 : index
    tpu.barrier barrier_id(%barrier3A_13)
    %mul3A_14 = arith.constant 640 : i32
    %mul3A_15 = arith.muli %arg1, %mul3A_14 : i32
    %mul3A_16 = arith.constant 640 : i32
    %mul3A_17 = arith.muli %arg1, %mul3A_16 : i32
    "tpu.region"() ({
      %run_scoped3A_18 = tpu.sem_alloc : memref<!tpu.dma_semaphore, #tpu.memory_space<semaphore_mem>>
      %dma_start3A = arith.constant 0 : i32
      %dma_start3A_19 = tpu.memref_slice %arg5[%arg0, %mul3A_17, %dma_start3A] : memref<2x10240x128xf32, #tpu.memory_space<hbm>> -> memref<1x640x128xf32, #tpu.memory_space<hbm>>
      %dma_start3A_20 = tpu.memref_squeeze %dma_start3A_19 : memref<1x640x128xf32, #tpu.memory_space<hbm>> -> memref<640x128xf32, #tpu.memory_space<hbm>>
      %dma_start3A_21 = arith.constant 0 : i32
      %dma_start3A_22 = tpu.memref_slice %arg9[%mul3A_15, %dma_start3A_21] : memref<10240x128xf32, #tpu.memory_space<vmem_shared>> -> memref<640x128xf32, #tpu.memory_space<vmem_shared>>
      tpu.enqueue_dma source(%dma_start3A_22 : memref<640x128xf32, #tpu.memory_space<vmem_shared>>) target(%dma_start3A_20 : memref<640x128xf32, #tpu.memory_space<hbm>>) target_semaphore(%run_scoped3A_18 : memref<!tpu.dma_semaphore, #tpu.memory_space<semaphore_mem>>)
      %dma_wait3A = arith.constant 0 : i32
      %dma_wait3A_23 = tpu.memref_slice %arg5[%arg0, %mul3A_17, %dma_wait3A] : memref<2x10240x128xf32, #tpu.memory_space<hbm>> -> memref<1x640x128xf32, #tpu.memory_space<hbm>>
      %dma_wait3A_24 = tpu.memref_squeeze %dma_wait3A_23 : memref<1x640x128xf32, #tpu.memory_space<hbm>> -> memref<640x128xf32, #tpu.memory_space<hbm>>
      %dma_wait3A_25 = arith.constant 0 : i32
      %dma_wait3A_26 = tpu.memref_slice %arg9[%mul3A_15, %dma_wait3A_25] : memref<10240x128xf32, #tpu.memory_space<vmem_shared>> -> memref<640x128xf32, #tpu.memory_space<vmem_shared>>
      tpu.wait_dma2 semaphore(%run_scoped3A_18 : memref<!tpu.dma_semaphore, #tpu.memory_space<semaphore_mem>>) src(%dma_wait3A_26 : memref<640x128xf32, #tpu.memory_space<vmem_shared>>) dst(%dma_wait3A_24 : memref<640x128xf32, #tpu.memory_space<hbm>>)
      tpu.yield
    }) : () -> ()
    return
  }
}

#map = affine_map<(d0, d1) -> (0, 0)>
#map1 = affine_map<(d0, d1) -> (0, 0, 0)>
module attributes {stable_mosaic.version = 14 : i64} {
  func.func @_scatter_body(%arg0: i32, %arg1: i32, %arg2: memref<331776x16xf32, #tpu.memory_space<hbm>>, %arg3: memref<32x81x128xi32, #tpu.memory_space<hbm>>, %arg4: memref<10240x16xf32, #tpu.memory_space<hbm>>, %arg5: memref<2x10240x16xf32, #tpu.memory_space<hbm>>, %arg6: memref<81x128xi32, #tpu.memory_space<vmem>>, %arg7: memref<128x16xf32, #tpu.memory_space<vmem>>, %arg8: memref<128x16xf32, #tpu.memory_space<vmem>>, %arg9: memref<10240x16xf32, #tpu.memory_space<vmem_shared>>, %arg10: memref<!tpu.dma_semaphore, #tpu.memory_space<semaphore_mem>>) attributes {dimension_semantics = [#tpu.dimension_semantics<core_parallel>, #tpu.dimension_semantics<subcore_parallel>], iteration_bounds = array<i64: 2, 16>, scalar_prefetch = 0 : i64, scratch_operands = 5 : i64, tpu.core_type = #tpu.core_type<sc_vector_subcore>, window_params = [{transform_indices = #map}, {transform_indices = #map1}, {transform_indices = #map}, {transform_indices = #map1}]} {
    %mul3A = arith.constant 640 : i32
    %mul3A_0 = arith.muli %arg1, %mul3A : i32
    %mul3A_1 = arith.constant 640 : i32
    %mul3A_2 = arith.muli %arg1, %mul3A_1 : i32
    "tpu.region"() ({
      %run_scoped3A_18 = tpu.sem_alloc : memref<!tpu.dma_semaphore, #tpu.memory_space<semaphore_mem>>
      %dma_start3A = arith.constant 0 : i32
      %dma_start3A_19 = tpu.memref_slice %arg9[%mul3A_2, %dma_start3A] : memref<10240x16xf32, #tpu.memory_space<vmem_shared>> -> memref<640x16xf32, #tpu.memory_space<vmem_shared>>
      %dma_start3A_20 = arith.constant 0 : i32
      %dma_start3A_21 = tpu.memref_slice %arg4[%mul3A_0, %dma_start3A_20] : memref<10240x16xf32, #tpu.memory_space<hbm>> -> memref<640x16xf32, #tpu.memory_space<hbm>>
      tpu.enqueue_dma source(%dma_start3A_21 : memref<640x16xf32, #tpu.memory_space<hbm>>) target(%dma_start3A_19 : memref<640x16xf32, #tpu.memory_space<vmem_shared>>) target_semaphore(%run_scoped3A_18 : memref<!tpu.dma_semaphore, #tpu.memory_space<semaphore_mem>>)
      %dma_wait3A = arith.constant 0 : i32
      %dma_wait3A_22 = tpu.memref_slice %arg9[%mul3A_2, %dma_wait3A] : memref<10240x16xf32, #tpu.memory_space<vmem_shared>> -> memref<640x16xf32, #tpu.memory_space<vmem_shared>>
      %dma_wait3A_23 = arith.constant 0 : i32
      %dma_wait3A_24 = tpu.memref_slice %arg4[%mul3A_0, %dma_wait3A_23] : memref<10240x16xf32, #tpu.memory_space<hbm>> -> memref<640x16xf32, #tpu.memory_space<hbm>>
      tpu.wait_dma2 semaphore(%run_scoped3A_18 : memref<!tpu.dma_semaphore, #tpu.memory_space<semaphore_mem>>) src(%dma_wait3A_24 : memref<640x16xf32, #tpu.memory_space<hbm>>) dst(%dma_wait3A_22 : memref<640x16xf32, #tpu.memory_space<vmem_shared>>)
      tpu.yield
    }) : () -> ()
    %barrier3A = arith.constant 0 : index
    tpu.barrier barrier_id(%barrier3A)
    %mul3A_3 = arith.constant 16 : i32
    %mul3A_4 = arith.muli %arg0, %mul3A_3 : i32
    %add3A = arith.addi %mul3A_4, %arg1 : i32
    "tpu.region"() ({
      %run_scoped3A_18 = tpu.sem_alloc : memref<!tpu.dma_semaphore, #tpu.memory_space<semaphore_mem>>
      %dma_start3A = arith.constant 0 : i32
      %dma_start3A_19 = arith.constant 0 : i32
      %dma_start3A_20 = tpu.memref_slice %arg3[%add3A, %dma_start3A, %dma_start3A_19] : memref<32x81x128xi32, #tpu.memory_space<hbm>> -> memref<1x81x128xi32, #tpu.memory_space<hbm>>
      %dma_start3A_21 = tpu.memref_squeeze %dma_start3A_20 : memref<1x81x128xi32, #tpu.memory_space<hbm>> -> memref<81x128xi32, #tpu.memory_space<hbm>>
      %dma_start3A_22 = arith.constant 0 : i32
      %dma_start3A_23 = arith.constant 0 : i32
      %dma_start3A_24 = tpu.memref_slice %arg3[%add3A, %dma_start3A_22, %dma_start3A_23] : memref<32x81x128xi32, #tpu.memory_space<hbm>> -> memref<1x81x128xi32, #tpu.memory_space<hbm>>
      %dma_start3A_25 = tpu.memref_squeeze %dma_start3A_24 : memref<1x81x128xi32, #tpu.memory_space<hbm>> -> memref<81x128xi32, #tpu.memory_space<hbm>>
      tpu.enqueue_dma source(%dma_start3A_25 : memref<81x128xi32, #tpu.memory_space<hbm>>) target(%arg6 : memref<81x128xi32, #tpu.memory_space<vmem>>) target_semaphore(%run_scoped3A_18 : memref<!tpu.dma_semaphore, #tpu.memory_space<semaphore_mem>>)
      %dma_wait3A = arith.constant 0 : i32
      %dma_wait3A_26 = arith.constant 0 : i32
      %dma_wait3A_27 = tpu.memref_slice %arg3[%add3A, %dma_wait3A, %dma_wait3A_26] : memref<32x81x128xi32, #tpu.memory_space<hbm>> -> memref<1x81x128xi32, #tpu.memory_space<hbm>>
      %dma_wait3A_28 = tpu.memref_squeeze %dma_wait3A_27 : memref<1x81x128xi32, #tpu.memory_space<hbm>> -> memref<81x128xi32, #tpu.memory_space<hbm>>
      %dma_wait3A_29 = arith.constant 0 : i32
      %dma_wait3A_30 = arith.constant 0 : i32
      %dma_wait3A_31 = tpu.memref_slice %arg3[%add3A, %dma_wait3A_29, %dma_wait3A_30] : memref<32x81x128xi32, #tpu.memory_space<hbm>> -> memref<1x81x128xi32, #tpu.memory_space<hbm>>
      %dma_wait3A_32 = tpu.memref_squeeze %dma_wait3A_31 : memref<1x81x128xi32, #tpu.memory_space<hbm>> -> memref<81x128xi32, #tpu.memory_space<hbm>>
      tpu.wait_dma2 semaphore(%run_scoped3A_18 : memref<!tpu.dma_semaphore, #tpu.memory_space<semaphore_mem>>) src(%dma_wait3A_32 : memref<81x128xi32, #tpu.memory_space<hbm>>) dst(%arg6 : memref<81x128xi32, #tpu.memory_space<vmem>>)
      tpu.yield
    }) : () -> ()
    %mul3A_5 = arith.constant 10368 : i32
    %mul3A_6 = arith.muli %add3A, %mul3A_5 : i32
    %scan3A = arith.constant 0 : i32
    %scan3A_7 = arith.constant 40 : i32
    %scan3A_8 = arith.addi %scan3A, %scan3A_7 : i32
    %scan3A_9 = arith.constant 1 : i32
    scf.for %scan3A_18 = %scan3A to %scan3A_8 step %scan3A_9  : i32 {
      %mul3A_19 = arith.constant 2 : i32
      %mul3A_20 = arith.muli %scan3A_18, %mul3A_19 : i32
      %add3A_21 = arith.constant 0 : i32
      %add3A_22 = arith.addi %add3A_21, %mul3A_20 : i32
      %mul3A_23 = arith.constant 128 : i32
      %mul3A_24 = arith.muli %add3A_22, %mul3A_23 : i32
      %add3A_25 = arith.addi %mul3A_6, %mul3A_24 : i32
      %dma_start3A = arith.constant 0 : i32
      %dma_start3A_26 = tpu.memref_slice %arg2[%add3A_25, %dma_start3A] : memref<331776x16xf32, #tpu.memory_space<hbm>> -> memref<128x16xf32, #tpu.memory_space<hbm>>
      %dma_start3A_27 = arith.constant 0 : i32
      %dma_start3A_28 = tpu.memref_slice %arg2[%add3A_25, %dma_start3A_27] : memref<331776x16xf32, #tpu.memory_space<hbm>> -> memref<128x16xf32, #tpu.memory_space<hbm>>
      tpu.enqueue_dma source(%dma_start3A_28 : memref<128x16xf32, #tpu.memory_space<hbm>>) target(%arg7 : memref<128x16xf32, #tpu.memory_space<vmem>>) target_semaphore(%arg10 : memref<!tpu.dma_semaphore, #tpu.memory_space<semaphore_mem>>)
      %add3A_29 = arith.constant 1 : i32
      %add3A_30 = arith.addi %add3A_22, %add3A_29 : i32
      %mul3A_31 = arith.constant 128 : i32
      %mul3A_32 = arith.muli %add3A_30, %mul3A_31 : i32
      %add3A_33 = arith.addi %mul3A_6, %mul3A_32 : i32
      %dma_start3A_34 = arith.constant 0 : i32
      %dma_start3A_35 = tpu.memref_slice %arg2[%add3A_33, %dma_start3A_34] : memref<331776x16xf32, #tpu.memory_space<hbm>> -> memref<128x16xf32, #tpu.memory_space<hbm>>
      %dma_start3A_36 = arith.constant 0 : i32
      %dma_start3A_37 = tpu.memref_slice %arg2[%add3A_33, %dma_start3A_36] : memref<331776x16xf32, #tpu.memory_space<hbm>> -> memref<128x16xf32, #tpu.memory_space<hbm>>
      tpu.enqueue_dma source(%dma_start3A_37 : memref<128x16xf32, #tpu.memory_space<hbm>>) target(%arg8 : memref<128x16xf32, #tpu.memory_space<vmem>>) target_semaphore(%arg10 : memref<!tpu.dma_semaphore, #tpu.memory_space<semaphore_mem>>)
      %dma_wait3A = arith.constant 0 : i32
      %dma_wait3A_38 = tpu.memref_slice %arg2[%add3A_25, %dma_wait3A] : memref<331776x16xf32, #tpu.memory_space<hbm>> -> memref<128x16xf32, #tpu.memory_space<hbm>>
      %dma_wait3A_39 = arith.constant 0 : i32
      %dma_wait3A_40 = tpu.memref_slice %arg2[%add3A_25, %dma_wait3A_39] : memref<331776x16xf32, #tpu.memory_space<hbm>> -> memref<128x16xf32, #tpu.memory_space<hbm>>
      tpu.wait_dma2 semaphore(%arg10 : memref<!tpu.dma_semaphore, #tpu.memory_space<semaphore_mem>>) src(%dma_wait3A_40 : memref<128x16xf32, #tpu.memory_space<hbm>>) dst(%arg7 : memref<128x16xf32, #tpu.memory_space<vmem>>)
      "tpu.region"() ({
        %run_scoped3A_47 = tpu.sem_alloc : memref<!tpu.dma_semaphore, #tpu.memory_space<semaphore_mem>>
        %dma_start3A_48 = arith.constant 0 : i32
        %dma_start3A_49 = tpu.memref_slice %arg6[%add3A_22, %dma_start3A_48] : memref<81x128xi32, #tpu.memory_space<vmem>> -> memref<1x128xi32, #tpu.memory_space<vmem>>
        %dma_start3A_50 = tpu.memref_squeeze %dma_start3A_49 : memref<1x128xi32, #tpu.memory_space<vmem>> -> memref<128xi32, #tpu.memory_space<vmem>>
        %dma_start3A_51 = arith.constant 0 : i32
        %dma_start3A_52 = arith.constant 0 : i32
        %dma_start3A_53 = tpu.memref_slice %arg9[%dma_start3A_51, %dma_start3A_52] : memref<10240x16xf32, #tpu.memory_space<vmem_shared>> -> memref<10240x16xf32, #tpu.memory_space<vmem_shared>>
        tpu.enqueue_indirect_dma source(%arg7 : memref<128x16xf32, #tpu.memory_space<vmem>>) target(%dma_start3A_53 : memref<10240x16xf32, #tpu.memory_space<vmem_shared>>) offsets(%dma_start3A_50 : memref<128xi32, #tpu.memory_space<vmem>>) semaphore(%run_scoped3A_47 : memref<!tpu.dma_semaphore, #tpu.memory_space<semaphore_mem>>) {add = true}
        %dma_wait3A_54 = arith.constant 0 : i32
        %dma_wait3A_55 = tpu.memref_slice %arg6[%add3A_22, %dma_wait3A_54] : memref<81x128xi32, #tpu.memory_space<vmem>> -> memref<1x128xi32, #tpu.memory_space<vmem>>
        %dma_wait3A_56 = tpu.memref_squeeze %dma_wait3A_55 : memref<1x128xi32, #tpu.memory_space<vmem>> -> memref<128xi32, #tpu.memory_space<vmem>>
        %dma_wait3A_57 = arith.constant 0 : i32
        %dma_wait3A_58 = arith.constant 0 : i32
        %dma_wait3A_59 = tpu.memref_slice %arg9[%dma_wait3A_57, %dma_wait3A_58] : memref<10240x16xf32, #tpu.memory_space<vmem_shared>> -> memref<10240x16xf32, #tpu.memory_space<vmem_shared>>
        tpu.wait_indirect_dma semaphore(%run_scoped3A_47 : memref<!tpu.dma_semaphore, #tpu.memory_space<semaphore_mem>>) src(%arg7 : memref<128x16xf32, #tpu.memory_space<vmem>>) dst(%dma_wait3A_59 : memref<10240x16xf32, #tpu.memory_space<vmem_shared>>)
        tpu.yield
      }) : () -> ()
      %dma_wait3A_41 = arith.constant 0 : i32
      %dma_wait3A_42 = tpu.memref_slice %arg2[%add3A_33, %dma_wait3A_41] : memref<331776x16xf32, #tpu.memory_space<hbm>> -> memref<128x16xf32, #tpu.memory_space<hbm>>
      %dma_wait3A_43 = arith.constant 0 : i32
      %dma_wait3A_44 = tpu.memref_slice %arg2[%add3A_33, %dma_wait3A_43] : memref<331776x16xf32, #tpu.memory_space<hbm>> -> memref<128x16xf32, #tpu.memory_space<hbm>>
      tpu.wait_dma2 semaphore(%arg10 : memref<!tpu.dma_semaphore, #tpu.memory_space<semaphore_mem>>) src(%dma_wait3A_44 : memref<128x16xf32, #tpu.memory_space<hbm>>) dst(%arg8 : memref<128x16xf32, #tpu.memory_space<vmem>>)
      %add3A_45 = arith.constant 1 : i32
      %add3A_46 = arith.addi %add3A_22, %add3A_45 : i32
      "tpu.region"() ({
        %run_scoped3A_47 = tpu.sem_alloc : memref<!tpu.dma_semaphore, #tpu.memory_space<semaphore_mem>>
        %dma_start3A_48 = arith.constant 0 : i32
        %dma_start3A_49 = tpu.memref_slice %arg6[%add3A_46, %dma_start3A_48] : memref<81x128xi32, #tpu.memory_space<vmem>> -> memref<1x128xi32, #tpu.memory_space<vmem>>
        %dma_start3A_50 = tpu.memref_squeeze %dma_start3A_49 : memref<1x128xi32, #tpu.memory_space<vmem>> -> memref<128xi32, #tpu.memory_space<vmem>>
        %dma_start3A_51 = arith.constant 0 : i32
        %dma_start3A_52 = arith.constant 0 : i32
        %dma_start3A_53 = tpu.memref_slice %arg9[%dma_start3A_51, %dma_start3A_52] : memref<10240x16xf32, #tpu.memory_space<vmem_shared>> -> memref<10240x16xf32, #tpu.memory_space<vmem_shared>>
        tpu.enqueue_indirect_dma source(%arg8 : memref<128x16xf32, #tpu.memory_space<vmem>>) target(%dma_start3A_53 : memref<10240x16xf32, #tpu.memory_space<vmem_shared>>) offsets(%dma_start3A_50 : memref<128xi32, #tpu.memory_space<vmem>>) semaphore(%run_scoped3A_47 : memref<!tpu.dma_semaphore, #tpu.memory_space<semaphore_mem>>) {add = true}
        %dma_wait3A_54 = arith.constant 0 : i32
        %dma_wait3A_55 = tpu.memref_slice %arg6[%add3A_46, %dma_wait3A_54] : memref<81x128xi32, #tpu.memory_space<vmem>> -> memref<1x128xi32, #tpu.memory_space<vmem>>
        %dma_wait3A_56 = tpu.memref_squeeze %dma_wait3A_55 : memref<1x128xi32, #tpu.memory_space<vmem>> -> memref<128xi32, #tpu.memory_space<vmem>>
        %dma_wait3A_57 = arith.constant 0 : i32
        %dma_wait3A_58 = arith.constant 0 : i32
        %dma_wait3A_59 = tpu.memref_slice %arg9[%dma_wait3A_57, %dma_wait3A_58] : memref<10240x16xf32, #tpu.memory_space<vmem_shared>> -> memref<10240x16xf32, #tpu.memory_space<vmem_shared>>
        tpu.wait_indirect_dma semaphore(%run_scoped3A_47 : memref<!tpu.dma_semaphore, #tpu.memory_space<semaphore_mem>>) src(%arg8 : memref<128x16xf32, #tpu.memory_space<vmem>>) dst(%dma_wait3A_59 : memref<10240x16xf32, #tpu.memory_space<vmem_shared>>)
        tpu.yield
      }) : () -> ()
    }
    %scan3A_10 = arith.constant 40 : i32
    %add3A_11 = arith.constant 10240 : i32
    %add3A_12 = arith.addi %mul3A_6, %add3A_11 : i32
    "tpu.region"() ({
      %run_scoped3A_18 = tpu.sem_alloc : memref<!tpu.dma_semaphore, #tpu.memory_space<semaphore_mem>>
      %dma_start3A = arith.constant 0 : i32
      %dma_start3A_19 = tpu.memref_slice %arg2[%add3A_12, %dma_start3A] : memref<331776x16xf32, #tpu.memory_space<hbm>> -> memref<128x16xf32, #tpu.memory_space<hbm>>
      %dma_start3A_20 = arith.constant 0 : i32
      %dma_start3A_21 = tpu.memref_slice %arg2[%add3A_12, %dma_start3A_20] : memref<331776x16xf32, #tpu.memory_space<hbm>> -> memref<128x16xf32, #tpu.memory_space<hbm>>
      tpu.enqueue_dma source(%dma_start3A_21 : memref<128x16xf32, #tpu.memory_space<hbm>>) target(%arg7 : memref<128x16xf32, #tpu.memory_space<vmem>>) target_semaphore(%run_scoped3A_18 : memref<!tpu.dma_semaphore, #tpu.memory_space<semaphore_mem>>)
      %dma_wait3A = arith.constant 0 : i32
      %dma_wait3A_22 = tpu.memref_slice %arg2[%add3A_12, %dma_wait3A] : memref<331776x16xf32, #tpu.memory_space<hbm>> -> memref<128x16xf32, #tpu.memory_space<hbm>>
      %dma_wait3A_23 = arith.constant 0 : i32
      %dma_wait3A_24 = tpu.memref_slice %arg2[%add3A_12, %dma_wait3A_23] : memref<331776x16xf32, #tpu.memory_space<hbm>> -> memref<128x16xf32, #tpu.memory_space<hbm>>
      tpu.wait_dma2 semaphore(%run_scoped3A_18 : memref<!tpu.dma_semaphore, #tpu.memory_space<semaphore_mem>>) src(%dma_wait3A_24 : memref<128x16xf32, #tpu.memory_space<hbm>>) dst(%arg7 : memref<128x16xf32, #tpu.memory_space<vmem>>)
      tpu.yield
    }) : () -> ()
    %run_scoped3A = arith.constant 80 : i32
    "tpu.region"() ({
      %run_scoped3A_18 = tpu.sem_alloc : memref<!tpu.dma_semaphore, #tpu.memory_space<semaphore_mem>>
      %dma_start3A = arith.constant 0 : i32
      %dma_start3A_19 = tpu.memref_slice %arg6[%run_scoped3A, %dma_start3A] : memref<81x128xi32, #tpu.memory_space<vmem>> -> memref<1x128xi32, #tpu.memory_space<vmem>>
      %dma_start3A_20 = tpu.memref_squeeze %dma_start3A_19 : memref<1x128xi32, #tpu.memory_space<vmem>> -> memref<128xi32, #tpu.memory_space<vmem>>
      %dma_start3A_21 = arith.constant 0 : i32
      %dma_start3A_22 = arith.constant 0 : i32
      %dma_start3A_23 = tpu.memref_slice %arg9[%dma_start3A_21, %dma_start3A_22] : memref<10240x16xf32, #tpu.memory_space<vmem_shared>> -> memref<10240x16xf32, #tpu.memory_space<vmem_shared>>
      tpu.enqueue_indirect_dma source(%arg7 : memref<128x16xf32, #tpu.memory_space<vmem>>) target(%dma_start3A_23 : memref<10240x16xf32, #tpu.memory_space<vmem_shared>>) offsets(%dma_start3A_20 : memref<128xi32, #tpu.memory_space<vmem>>) semaphore(%run_scoped3A_18 : memref<!tpu.dma_semaphore, #tpu.memory_space<semaphore_mem>>) {add = true}
      %dma_wait3A = arith.constant 0 : i32
      %dma_wait3A_24 = tpu.memref_slice %arg6[%run_scoped3A, %dma_wait3A] : memref<81x128xi32, #tpu.memory_space<vmem>> -> memref<1x128xi32, #tpu.memory_space<vmem>>
      %dma_wait3A_25 = tpu.memref_squeeze %dma_wait3A_24 : memref<1x128xi32, #tpu.memory_space<vmem>> -> memref<128xi32, #tpu.memory_space<vmem>>
      %dma_wait3A_26 = arith.constant 0 : i32
      %dma_wait3A_27 = arith.constant 0 : i32
      %dma_wait3A_28 = tpu.memref_slice %arg9[%dma_wait3A_26, %dma_wait3A_27] : memref<10240x16xf32, #tpu.memory_space<vmem_shared>> -> memref<10240x16xf32, #tpu.memory_space<vmem_shared>>
      tpu.wait_indirect_dma semaphore(%run_scoped3A_18 : memref<!tpu.dma_semaphore, #tpu.memory_space<semaphore_mem>>) src(%arg7 : memref<128x16xf32, #tpu.memory_space<vmem>>) dst(%dma_wait3A_28 : memref<10240x16xf32, #tpu.memory_space<vmem_shared>>)
      tpu.yield
    }) : () -> ()
    %barrier3A_13 = arith.constant 0 : index
    tpu.barrier barrier_id(%barrier3A_13)
    %mul3A_14 = arith.constant 640 : i32
    %mul3A_15 = arith.muli %arg1, %mul3A_14 : i32
    %mul3A_16 = arith.constant 640 : i32
    %mul3A_17 = arith.muli %arg1, %mul3A_16 : i32
    "tpu.region"() ({
      %run_scoped3A_18 = tpu.sem_alloc : memref<!tpu.dma_semaphore, #tpu.memory_space<semaphore_mem>>
      %dma_start3A = arith.constant 0 : i32
      %dma_start3A_19 = tpu.memref_slice %arg5[%arg0, %mul3A_17, %dma_start3A] : memref<2x10240x16xf32, #tpu.memory_space<hbm>> -> memref<1x640x16xf32, #tpu.memory_space<hbm>>
      %dma_start3A_20 = tpu.memref_squeeze %dma_start3A_19 : memref<1x640x16xf32, #tpu.memory_space<hbm>> -> memref<640x16xf32, #tpu.memory_space<hbm>>
      %dma_start3A_21 = arith.constant 0 : i32
      %dma_start3A_22 = tpu.memref_slice %arg9[%mul3A_15, %dma_start3A_21] : memref<10240x16xf32, #tpu.memory_space<vmem_shared>> -> memref<640x16xf32, #tpu.memory_space<vmem_shared>>
      tpu.enqueue_dma source(%dma_start3A_22 : memref<640x16xf32, #tpu.memory_space<vmem_shared>>) target(%dma_start3A_20 : memref<640x16xf32, #tpu.memory_space<hbm>>) target_semaphore(%run_scoped3A_18 : memref<!tpu.dma_semaphore, #tpu.memory_space<semaphore_mem>>)
      %dma_wait3A = arith.constant 0 : i32
      %dma_wait3A_23 = tpu.memref_slice %arg5[%arg0, %mul3A_17, %dma_wait3A] : memref<2x10240x16xf32, #tpu.memory_space<hbm>> -> memref<1x640x16xf32, #tpu.memory_space<hbm>>
      %dma_wait3A_24 = tpu.memref_squeeze %dma_wait3A_23 : memref<1x640x16xf32, #tpu.memory_space<hbm>> -> memref<640x16xf32, #tpu.memory_space<hbm>>
      %dma_wait3A_25 = arith.constant 0 : i32
      %dma_wait3A_26 = tpu.memref_slice %arg9[%mul3A_15, %dma_wait3A_25] : memref<10240x16xf32, #tpu.memory_space<vmem_shared>> -> memref<640x16xf32, #tpu.memory_space<vmem_shared>>
      tpu.wait_dma2 semaphore(%run_scoped3A_18 : memref<!tpu.dma_semaphore, #tpu.memory_space<semaphore_mem>>) src(%dma_wait3A_26 : memref<640x16xf32, #tpu.memory_space<vmem_shared>>) dst(%dma_wait3A_24 : memref<640x16xf32, #tpu.memory_space<hbm>>)
      tpu.yield
    }) : () -> ()
    return
  }
}

#map = affine_map<(d0, d1) -> (0, 0)>
#map1 = affine_map<(d0, d1) -> (0, 0, 0)>
module attributes {stable_mosaic.version = 14 : i64} {
  func.func @_scatter_body(%arg0: i32, %arg1: i32, %arg2: memref<331776x128xf32, #tpu.memory_space<hbm>>, %arg3: memref<32x81x128xi32, #tpu.memory_space<hbm>>, %arg4: memref<10240x128xf32, #tpu.memory_space<hbm>>, %arg5: memref<2x10240x128xf32, #tpu.memory_space<hbm>>, %arg6: memref<81x128xi32, #tpu.memory_space<vmem>>, %arg7: memref<128x128xf32, #tpu.memory_space<vmem>>, %arg8: memref<128x128xf32, #tpu.memory_space<vmem>>, %arg9: memref<10240x128xf32, #tpu.memory_space<vmem_shared>>, %arg10: memref<!tpu.dma_semaphore, #tpu.memory_space<semaphore_mem>>) attributes {dimension_semantics = [#tpu.dimension_semantics<core_parallel>, #tpu.dimension_semantics<subcore_parallel>], iteration_bounds = array<i64: 2, 16>, scalar_prefetch = 0 : i64, scratch_operands = 5 : i64, tpu.core_type = #tpu.core_type<sc_vector_subcore>, window_params = [{transform_indices = #map}, {transform_indices = #map1}, {transform_indices = #map}, {transform_indices = #map1}]} {
    %mul3A = arith.constant 640 : i32
    %mul3A_0 = arith.muli %arg1, %mul3A : i32
    %mul3A_1 = arith.constant 640 : i32
    %mul3A_2 = arith.muli %arg1, %mul3A_1 : i32
    "tpu.region"() ({
      %run_scoped3A_18 = tpu.sem_alloc : memref<!tpu.dma_semaphore, #tpu.memory_space<semaphore_mem>>
      %dma_start3A = arith.constant 0 : i32
      %dma_start3A_19 = tpu.memref_slice %arg9[%mul3A_2, %dma_start3A] : memref<10240x128xf32, #tpu.memory_space<vmem_shared>> -> memref<640x128xf32, #tpu.memory_space<vmem_shared>>
      %dma_start3A_20 = arith.constant 0 : i32
      %dma_start3A_21 = tpu.memref_slice %arg4[%mul3A_0, %dma_start3A_20] : memref<10240x128xf32, #tpu.memory_space<hbm>> -> memref<640x128xf32, #tpu.memory_space<hbm>>
      tpu.enqueue_dma source(%dma_start3A_21 : memref<640x128xf32, #tpu.memory_space<hbm>>) target(%dma_start3A_19 : memref<640x128xf32, #tpu.memory_space<vmem_shared>>) target_semaphore(%run_scoped3A_18 : memref<!tpu.dma_semaphore, #tpu.memory_space<semaphore_mem>>)
      %dma_wait3A = arith.constant 0 : i32
      %dma_wait3A_22 = tpu.memref_slice %arg9[%mul3A_2, %dma_wait3A] : memref<10240x128xf32, #tpu.memory_space<vmem_shared>> -> memref<640x128xf32, #tpu.memory_space<vmem_shared>>
      %dma_wait3A_23 = arith.constant 0 : i32
      %dma_wait3A_24 = tpu.memref_slice %arg4[%mul3A_0, %dma_wait3A_23] : memref<10240x128xf32, #tpu.memory_space<hbm>> -> memref<640x128xf32, #tpu.memory_space<hbm>>
      tpu.wait_dma2 semaphore(%run_scoped3A_18 : memref<!tpu.dma_semaphore, #tpu.memory_space<semaphore_mem>>) src(%dma_wait3A_24 : memref<640x128xf32, #tpu.memory_space<hbm>>) dst(%dma_wait3A_22 : memref<640x128xf32, #tpu.memory_space<vmem_shared>>)
      tpu.yield
    }) : () -> ()
    %barrier3A = arith.constant 0 : index
    tpu.barrier barrier_id(%barrier3A)
    %mul3A_3 = arith.constant 16 : i32
    %mul3A_4 = arith.muli %arg0, %mul3A_3 : i32
    %add3A = arith.addi %mul3A_4, %arg1 : i32
    "tpu.region"() ({
      %run_scoped3A_18 = tpu.sem_alloc : memref<!tpu.dma_semaphore, #tpu.memory_space<semaphore_mem>>
      %dma_start3A = arith.constant 0 : i32
      %dma_start3A_19 = arith.constant 0 : i32
      %dma_start3A_20 = tpu.memref_slice %arg3[%add3A, %dma_start3A, %dma_start3A_19] : memref<32x81x128xi32, #tpu.memory_space<hbm>> -> memref<1x81x128xi32, #tpu.memory_space<hbm>>
      %dma_start3A_21 = tpu.memref_squeeze %dma_start3A_20 : memref<1x81x128xi32, #tpu.memory_space<hbm>> -> memref<81x128xi32, #tpu.memory_space<hbm>>
      %dma_start3A_22 = arith.constant 0 : i32
      %dma_start3A_23 = arith.constant 0 : i32
      %dma_start3A_24 = tpu.memref_slice %arg3[%add3A, %dma_start3A_22, %dma_start3A_23] : memref<32x81x128xi32, #tpu.memory_space<hbm>> -> memref<1x81x128xi32, #tpu.memory_space<hbm>>
      %dma_start3A_25 = tpu.memref_squeeze %dma_start3A_24 : memref<1x81x128xi32, #tpu.memory_space<hbm>> -> memref<81x128xi32, #tpu.memory_space<hbm>>
      tpu.enqueue_dma source(%dma_start3A_25 : memref<81x128xi32, #tpu.memory_space<hbm>>) target(%arg6 : memref<81x128xi32, #tpu.memory_space<vmem>>) target_semaphore(%run_scoped3A_18 : memref<!tpu.dma_semaphore, #tpu.memory_space<semaphore_mem>>)
      %dma_wait3A = arith.constant 0 : i32
      %dma_wait3A_26 = arith.constant 0 : i32
      %dma_wait3A_27 = tpu.memref_slice %arg3[%add3A, %dma_wait3A, %dma_wait3A_26] : memref<32x81x128xi32, #tpu.memory_space<hbm>> -> memref<1x81x128xi32, #tpu.memory_space<hbm>>
      %dma_wait3A_28 = tpu.memref_squeeze %dma_wait3A_27 : memref<1x81x128xi32, #tpu.memory_space<hbm>> -> memref<81x128xi32, #tpu.memory_space<hbm>>
      %dma_wait3A_29 = arith.constant 0 : i32
      %dma_wait3A_30 = arith.constant 0 : i32
      %dma_wait3A_31 = tpu.memref_slice %arg3[%add3A, %dma_wait3A_29, %dma_wait3A_30] : memref<32x81x128xi32, #tpu.memory_space<hbm>> -> memref<1x81x128xi32, #tpu.memory_space<hbm>>
      %dma_wait3A_32 = tpu.memref_squeeze %dma_wait3A_31 : memref<1x81x128xi32, #tpu.memory_space<hbm>> -> memref<81x128xi32, #tpu.memory_space<hbm>>
      tpu.wait_dma2 semaphore(%run_scoped3A_18 : memref<!tpu.dma_semaphore, #tpu.memory_space<semaphore_mem>>) src(%dma_wait3A_32 : memref<81x128xi32, #tpu.memory_space<hbm>>) dst(%arg6 : memref<81x128xi32, #tpu.memory_space<vmem>>)
      tpu.yield
    }) : () -> ()
    %mul3A_5 = arith.constant 10368 : i32
    %mul3A_6 = arith.muli %add3A, %mul3A_5 : i32
    %scan3A = arith.constant 0 : i32
    %scan3A_7 = arith.constant 40 : i32
    %scan3A_8 = arith.addi %scan3A, %scan3A_7 : i32
    %scan3A_9 = arith.constant 1 : i32
    scf.for %scan3A_18 = %scan3A to %scan3A_8 step %scan3A_9  : i32 {
      %mul3A_19 = arith.constant 2 : i32
      %mul3A_20 = arith.muli %scan3A_18, %mul3A_19 : i32
      %add3A_21 = arith.constant 0 : i32
      %add3A_22 = arith.addi %add3A_21, %mul3A_20 : i32
      %mul3A_23 = arith.constant 128 : i32
      %mul3A_24 = arith.muli %add3A_22, %mul3A_23 : i32
      %add3A_25 = arith.addi %mul3A_6, %mul3A_24 : i32
      %dma_start3A = arith.constant 0 : i32
      %dma_start3A_26 = tpu.memref_slice %arg2[%add3A_25, %dma_start3A] : memref<331776x128xf32, #tpu.memory_space<hbm>> -> memref<128x128xf32, #tpu.memory_space<hbm>>
      %dma_start3A_27 = arith.constant 0 : i32
      %dma_start3A_28 = tpu.memref_slice %arg2[%add3A_25, %dma_start3A_27] : memref<331776x128xf32, #tpu.memory_space<hbm>> -> memref<128x128xf32, #tpu.memory_space<hbm>>
      tpu.enqueue_dma source(%dma_start3A_28 : memref<128x128xf32, #tpu.memory_space<hbm>>) target(%arg7 : memref<128x128xf32, #tpu.memory_space<vmem>>) target_semaphore(%arg10 : memref<!tpu.dma_semaphore, #tpu.memory_space<semaphore_mem>>)
      %add3A_29 = arith.constant 1 : i32
      %add3A_30 = arith.addi %add3A_22, %add3A_29 : i32
      %mul3A_31 = arith.constant 128 : i32
      %mul3A_32 = arith.muli %add3A_30, %mul3A_31 : i32
      %add3A_33 = arith.addi %mul3A_6, %mul3A_32 : i32
      %dma_start3A_34 = arith.constant 0 : i32
      %dma_start3A_35 = tpu.memref_slice %arg2[%add3A_33, %dma_start3A_34] : memref<331776x128xf32, #tpu.memory_space<hbm>> -> memref<128x128xf32, #tpu.memory_space<hbm>>
      %dma_start3A_36 = arith.constant 0 : i32
      %dma_start3A_37 = tpu.memref_slice %arg2[%add3A_33, %dma_start3A_36] : memref<331776x128xf32, #tpu.memory_space<hbm>> -> memref<128x128xf32, #tpu.memory_space<hbm>>
      tpu.enqueue_dma source(%dma_start3A_37 : memref<128x128xf32, #tpu.memory_space<hbm>>) target(%arg8 : memref<128x128xf32, #tpu.memory_space<vmem>>) target_semaphore(%arg10 : memref<!tpu.dma_semaphore, #tpu.memory_space<semaphore_mem>>)
      %dma_wait3A = arith.constant 0 : i32
      %dma_wait3A_38 = tpu.memref_slice %arg2[%add3A_25, %dma_wait3A] : memref<331776x128xf32, #tpu.memory_space<hbm>> -> memref<128x128xf32, #tpu.memory_space<hbm>>
      %dma_wait3A_39 = arith.constant 0 : i32
      %dma_wait3A_40 = tpu.memref_slice %arg2[%add3A_25, %dma_wait3A_39] : memref<331776x128xf32, #tpu.memory_space<hbm>> -> memref<128x128xf32, #tpu.memory_space<hbm>>
      tpu.wait_dma2 semaphore(%arg10 : memref<!tpu.dma_semaphore, #tpu.memory_space<semaphore_mem>>) src(%dma_wait3A_40 : memref<128x128xf32, #tpu.memory_space<hbm>>) dst(%arg7 : memref<128x128xf32, #tpu.memory_space<vmem>>)
      "tpu.region"() ({
        %run_scoped3A_47 = tpu.sem_alloc : memref<!tpu.dma_semaphore, #tpu.memory_space<semaphore_mem>>
        %dma_start3A_48 = arith.constant 0 : i32
        %dma_start3A_49 = tpu.memref_slice %arg6[%add3A_22, %dma_start3A_48] : memref<81x128xi32, #tpu.memory_space<vmem>> -> memref<1x128xi32, #tpu.memory_space<vmem>>
        %dma_start3A_50 = tpu.memref_squeeze %dma_start3A_49 : memref<1x128xi32, #tpu.memory_space<vmem>> -> memref<128xi32, #tpu.memory_space<vmem>>
        %dma_start3A_51 = arith.constant 0 : i32
        %dma_start3A_52 = arith.constant 0 : i32
        %dma_start3A_53 = tpu.memref_slice %arg9[%dma_start3A_51, %dma_start3A_52] : memref<10240x128xf32, #tpu.memory_space<vmem_shared>> -> memref<10240x128xf32, #tpu.memory_space<vmem_shared>>
        tpu.enqueue_indirect_dma source(%arg7 : memref<128x128xf32, #tpu.memory_space<vmem>>) target(%dma_start3A_53 : memref<10240x128xf32, #tpu.memory_space<vmem_shared>>) offsets(%dma_start3A_50 : memref<128xi32, #tpu.memory_space<vmem>>) semaphore(%run_scoped3A_47 : memref<!tpu.dma_semaphore, #tpu.memory_space<semaphore_mem>>) {add = true}
        %dma_wait3A_54 = arith.constant 0 : i32
        %dma_wait3A_55 = tpu.memref_slice %arg6[%add3A_22, %dma_wait3A_54] : memref<81x128xi32, #tpu.memory_space<vmem>> -> memref<1x128xi32, #tpu.memory_space<vmem>>
        %dma_wait3A_56 = tpu.memref_squeeze %dma_wait3A_55 : memref<1x128xi32, #tpu.memory_space<vmem>> -> memref<128xi32, #tpu.memory_space<vmem>>
        %dma_wait3A_57 = arith.constant 0 : i32
        %dma_wait3A_58 = arith.constant 0 : i32
        %dma_wait3A_59 = tpu.memref_slice %arg9[%dma_wait3A_57, %dma_wait3A_58] : memref<10240x128xf32, #tpu.memory_space<vmem_shared>> -> memref<10240x128xf32, #tpu.memory_space<vmem_shared>>
        tpu.wait_indirect_dma semaphore(%run_scoped3A_47 : memref<!tpu.dma_semaphore, #tpu.memory_space<semaphore_mem>>) src(%arg7 : memref<128x128xf32, #tpu.memory_space<vmem>>) dst(%dma_wait3A_59 : memref<10240x128xf32, #tpu.memory_space<vmem_shared>>)
        tpu.yield
      }) : () -> ()
      %dma_wait3A_41 = arith.constant 0 : i32
      %dma_wait3A_42 = tpu.memref_slice %arg2[%add3A_33, %dma_wait3A_41] : memref<331776x128xf32, #tpu.memory_space<hbm>> -> memref<128x128xf32, #tpu.memory_space<hbm>>
      %dma_wait3A_43 = arith.constant 0 : i32
      %dma_wait3A_44 = tpu.memref_slice %arg2[%add3A_33, %dma_wait3A_43] : memref<331776x128xf32, #tpu.memory_space<hbm>> -> memref<128x128xf32, #tpu.memory_space<hbm>>
      tpu.wait_dma2 semaphore(%arg10 : memref<!tpu.dma_semaphore, #tpu.memory_space<semaphore_mem>>) src(%dma_wait3A_44 : memref<128x128xf32, #tpu.memory_space<hbm>>) dst(%arg8 : memref<128x128xf32, #tpu.memory_space<vmem>>)
      %add3A_45 = arith.constant 1 : i32
      %add3A_46 = arith.addi %add3A_22, %add3A_45 : i32
      "tpu.region"() ({
        %run_scoped3A_47 = tpu.sem_alloc : memref<!tpu.dma_semaphore, #tpu.memory_space<semaphore_mem>>
        %dma_start3A_48 = arith.constant 0 : i32
        %dma_start3A_49 = tpu.memref_slice %arg6[%add3A_46, %dma_start3A_48] : memref<81x128xi32, #tpu.memory_space<vmem>> -> memref<1x128xi32, #tpu.memory_space<vmem>>
        %dma_start3A_50 = tpu.memref_squeeze %dma_start3A_49 : memref<1x128xi32, #tpu.memory_space<vmem>> -> memref<128xi32, #tpu.memory_space<vmem>>
        %dma_start3A_51 = arith.constant 0 : i32
        %dma_start3A_52 = arith.constant 0 : i32
        %dma_start3A_53 = tpu.memref_slice %arg9[%dma_start3A_51, %dma_start3A_52] : memref<10240x128xf32, #tpu.memory_space<vmem_shared>> -> memref<10240x128xf32, #tpu.memory_space<vmem_shared>>
        tpu.enqueue_indirect_dma source(%arg8 : memref<128x128xf32, #tpu.memory_space<vmem>>) target(%dma_start3A_53 : memref<10240x128xf32, #tpu.memory_space<vmem_shared>>) offsets(%dma_start3A_50 : memref<128xi32, #tpu.memory_space<vmem>>) semaphore(%run_scoped3A_47 : memref<!tpu.dma_semaphore, #tpu.memory_space<semaphore_mem>>) {add = true}
        %dma_wait3A_54 = arith.constant 0 : i32
        %dma_wait3A_55 = tpu.memref_slice %arg6[%add3A_46, %dma_wait3A_54] : memref<81x128xi32, #tpu.memory_space<vmem>> -> memref<1x128xi32, #tpu.memory_space<vmem>>
        %dma_wait3A_56 = tpu.memref_squeeze %dma_wait3A_55 : memref<1x128xi32, #tpu.memory_space<vmem>> -> memref<128xi32, #tpu.memory_space<vmem>>
        %dma_wait3A_57 = arith.constant 0 : i32
        %dma_wait3A_58 = arith.constant 0 : i32
        %dma_wait3A_59 = tpu.memref_slice %arg9[%dma_wait3A_57, %dma_wait3A_58] : memref<10240x128xf32, #tpu.memory_space<vmem_shared>> -> memref<10240x128xf32, #tpu.memory_space<vmem_shared>>
        tpu.wait_indirect_dma semaphore(%run_scoped3A_47 : memref<!tpu.dma_semaphore, #tpu.memory_space<semaphore_mem>>) src(%arg8 : memref<128x128xf32, #tpu.memory_space<vmem>>) dst(%dma_wait3A_59 : memref<10240x128xf32, #tpu.memory_space<vmem_shared>>)
        tpu.yield
      }) : () -> ()
    }
    %scan3A_10 = arith.constant 40 : i32
    %add3A_11 = arith.constant 10240 : i32
    %add3A_12 = arith.addi %mul3A_6, %add3A_11 : i32
    "tpu.region"() ({
      %run_scoped3A_18 = tpu.sem_alloc : memref<!tpu.dma_semaphore, #tpu.memory_space<semaphore_mem>>
      %dma_start3A = arith.constant 0 : i32
      %dma_start3A_19 = tpu.memref_slice %arg2[%add3A_12, %dma_start3A] : memref<331776x128xf32, #tpu.memory_space<hbm>> -> memref<128x128xf32, #tpu.memory_space<hbm>>
      %dma_start3A_20 = arith.constant 0 : i32
      %dma_start3A_21 = tpu.memref_slice %arg2[%add3A_12, %dma_start3A_20] : memref<331776x128xf32, #tpu.memory_space<hbm>> -> memref<128x128xf32, #tpu.memory_space<hbm>>
      tpu.enqueue_dma source(%dma_start3A_21 : memref<128x128xf32, #tpu.memory_space<hbm>>) target(%arg7 : memref<128x128xf32, #tpu.memory_space<vmem>>) target_semaphore(%run_scoped3A_18 : memref<!tpu.dma_semaphore, #tpu.memory_space<semaphore_mem>>)
      %dma_wait3A = arith.constant 0 : i32
      %dma_wait3A_22 = tpu.memref_slice %arg2[%add3A_12, %dma_wait3A] : memref<331776x128xf32, #tpu.memory_space<hbm>> -> memref<128x128xf32, #tpu.memory_space<hbm>>
      %dma_wait3A_23 = arith.constant 0 : i32
      %dma_wait3A_24 = tpu.memref_slice %arg2[%add3A_12, %dma_wait3A_23] : memref<331776x128xf32, #tpu.memory_space<hbm>> -> memref<128x128xf32, #tpu.memory_space<hbm>>
      tpu.wait_dma2 semaphore(%run_scoped3A_18 : memref<!tpu.dma_semaphore, #tpu.memory_space<semaphore_mem>>) src(%dma_wait3A_24 : memref<128x128xf32, #tpu.memory_space<hbm>>) dst(%arg7 : memref<128x128xf32, #tpu.memory_space<vmem>>)
      tpu.yield
    }) : () -> ()
    %run_scoped3A = arith.constant 80 : i32
    "tpu.region"() ({
      %run_scoped3A_18 = tpu.sem_alloc : memref<!tpu.dma_semaphore, #tpu.memory_space<semaphore_mem>>
      %dma_start3A = arith.constant 0 : i32
      %dma_start3A_19 = tpu.memref_slice %arg6[%run_scoped3A, %dma_start3A] : memref<81x128xi32, #tpu.memory_space<vmem>> -> memref<1x128xi32, #tpu.memory_space<vmem>>
      %dma_start3A_20 = tpu.memref_squeeze %dma_start3A_19 : memref<1x128xi32, #tpu.memory_space<vmem>> -> memref<128xi32, #tpu.memory_space<vmem>>
      %dma_start3A_21 = arith.constant 0 : i32
      %dma_start3A_22 = arith.constant 0 : i32
      %dma_start3A_23 = tpu.memref_slice %arg9[%dma_start3A_21, %dma_start3A_22] : memref<10240x128xf32, #tpu.memory_space<vmem_shared>> -> memref<10240x128xf32, #tpu.memory_space<vmem_shared>>
      tpu.enqueue_indirect_dma source(%arg7 : memref<128x128xf32, #tpu.memory_space<vmem>>) target(%dma_start3A_23 : memref<10240x128xf32, #tpu.memory_space<vmem_shared>>) offsets(%dma_start3A_20 : memref<128xi32, #tpu.memory_space<vmem>>) semaphore(%run_scoped3A_18 : memref<!tpu.dma_semaphore, #tpu.memory_space<semaphore_mem>>) {add = true}
      %dma_wait3A = arith.constant 0 : i32
      %dma_wait3A_24 = tpu.memref_slice %arg6[%run_scoped3A, %dma_wait3A] : memref<81x128xi32, #tpu.memory_space<vmem>> -> memref<1x128xi32, #tpu.memory_space<vmem>>
      %dma_wait3A_25 = tpu.memref_squeeze %dma_wait3A_24 : memref<1x128xi32, #tpu.memory_space<vmem>> -> memref<128xi32, #tpu.memory_space<vmem>>
      %dma_wait3A_26 = arith.constant 0 : i32
      %dma_wait3A_27 = arith.constant 0 : i32
      %dma_wait3A_28 = tpu.memref_slice %arg9[%dma_wait3A_26, %dma_wait3A_27] : memref<10240x128xf32, #tpu.memory_space<vmem_shared>> -> memref<10240x128xf32, #tpu.memory_space<vmem_shared>>
      tpu.wait_indirect_dma semaphore(%run_scoped3A_18 : memref<!tpu.dma_semaphore, #tpu.memory_space<semaphore_mem>>) src(%arg7 : memref<128x128xf32, #tpu.memory_space<vmem>>) dst(%dma_wait3A_28 : memref<10240x128xf32, #tpu.memory_space<vmem_shared>>)
      tpu.yield
    }) : () -> ()
    %barrier3A_13 = arith.constant 0 : index
    tpu.barrier barrier_id(%barrier3A_13)
    %mul3A_14 = arith.constant 640 : i32
    %mul3A_15 = arith.muli %arg1, %mul3A_14 : i32
    %mul3A_16 = arith.constant 640 : i32
    %mul3A_17 = arith.muli %arg1, %mul3A_16 : i32
    "tpu.region"() ({
      %run_scoped3A_18 = tpu.sem_alloc : memref<!tpu.dma_semaphore, #tpu.memory_space<semaphore_mem>>
      %dma_start3A = arith.constant 0 : i32
      %dma_start3A_19 = tpu.memref_slice %arg5[%arg0, %mul3A_17, %dma_start3A] : memref<2x10240x128xf32, #tpu.memory_space<hbm>> -> memref<1x640x128xf32, #tpu.memory_space<hbm>>
      %dma_start3A_20 = tpu.memref_squeeze %dma_start3A_19 : memref<1x640x128xf32, #tpu.memory_space<hbm>> -> memref<640x128xf32, #tpu.memory_space<hbm>>
      %dma_start3A_21 = arith.constant 0 : i32
      %dma_start3A_22 = tpu.memref_slice %arg9[%mul3A_15, %dma_start3A_21] : memref<10240x128xf32, #tpu.memory_space<vmem_shared>> -> memref<640x128xf32, #tpu.memory_space<vmem_shared>>
      tpu.enqueue_dma source(%dma_start3A_22 : memref<640x128xf32, #tpu.memory_space<vmem_shared>>) target(%dma_start3A_20 : memref<640x128xf32, #tpu.memory_space<hbm>>) target_semaphore(%run_scoped3A_18 : memref<!tpu.dma_semaphore, #tpu.memory_space<semaphore_mem>>)
      %dma_wait3A = arith.constant 0 : i32
      %dma_wait3A_23 = tpu.memref_slice %arg5[%arg0, %mul3A_17, %dma_wait3A] : memref<2x10240x128xf32, #tpu.memory_space<hbm>> -> memref<1x640x128xf32, #tpu.memory_space<hbm>>
      %dma_wait3A_24 = tpu.memref_squeeze %dma_wait3A_23 : memref<1x640x128xf32, #tpu.memory_space<hbm>> -> memref<640x128xf32, #tpu.memory_space<hbm>>
      %dma_wait3A_25 = arith.constant 0 : i32
      %dma_wait3A_26 = tpu.memref_slice %arg9[%mul3A_15, %dma_wait3A_25] : memref<10240x128xf32, #tpu.memory_space<vmem_shared>> -> memref<640x128xf32, #tpu.memory_space<vmem_shared>>
      tpu.wait_dma2 semaphore(%run_scoped3A_18 : memref<!tpu.dma_semaphore, #tpu.memory_space<semaphore_mem>>) src(%dma_wait3A_26 : memref<640x128xf32, #tpu.memory_space<vmem_shared>>) dst(%dma_wait3A_24 : memref<640x128xf32, #tpu.memory_space<hbm>>)
      tpu.yield
    }) : () -> ()
    return
  }
}

#map = affine_map<(d0, d1) -> (0, 0)>
#map1 = affine_map<(d0, d1) -> (0, 0, 0)>
module attributes {stable_mosaic.version = 14 : i64} {
  func.func @_sc_gather2_body(%arg0: i32, %arg1: i32, %arg2: memref<10240x128xf32, #tpu.memory_space<hbm>>, %arg3: memref<10240x128xf32, #tpu.memory_space<hbm>>, %arg4: memref<32x81x128xi32, #tpu.memory_space<hbm>>, %arg5: memref<32x81x128xi32, #tpu.memory_space<hbm>>, %arg6: memref<331776x128xf32, #tpu.memory_space<hbm>>, %arg7: memref<331776x128xf32, #tpu.memory_space<hbm>>, %arg8: memref<81x128xi32, #tpu.memory_space<vmem>>, %arg9: memref<81x128xi32, #tpu.memory_space<vmem>>, %arg10: memref<128x128xf32, #tpu.memory_space<vmem>>, %arg11: memref<128x128xf32, #tpu.memory_space<vmem>>, %arg12: memref<128x128xf32, #tpu.memory_space<vmem>>, %arg13: memref<128x128xf32, #tpu.memory_space<vmem>>, %arg14: memref<128x128xf32, #tpu.memory_space<vmem>>, %arg15: memref<128x128xf32, #tpu.memory_space<vmem>>, %arg16: memref<!tpu.dma_semaphore, #tpu.memory_space<semaphore_mem>>, %arg17: memref<!tpu.dma_semaphore, #tpu.memory_space<semaphore_mem>>) attributes {dimension_semantics = [#tpu.dimension_semantics<core_parallel>, #tpu.dimension_semantics<subcore_parallel>], iteration_bounds = array<i64: 2, 16>, scalar_prefetch = 0 : i64, scratch_operands = 10 : i64, tpu.core_type = #tpu.core_type<sc_vector_subcore>, window_params = [{transform_indices = #map}, {transform_indices = #map}, {transform_indices = #map1}, {transform_indices = #map1}, {transform_indices = #map}, {transform_indices = #map}]} {
    %mul3A = arith.constant 16 : i32
    %mul3A_0 = arith.muli %arg0, %mul3A : i32
    %add3A = arith.addi %mul3A_0, %arg1 : i32
    "tpu.region"() ({
      %run_scoped3A = tpu.sem_alloc : memref<!tpu.dma_semaphore, #tpu.memory_space<semaphore_mem>>
      %dma_start3A = arith.constant 0 : i32
      %dma_start3A_30 = arith.constant 0 : i32
      %dma_start3A_31 = tpu.memref_slice %arg4[%add3A, %dma_start3A, %dma_start3A_30] : memref<32x81x128xi32, #tpu.memory_space<hbm>> -> memref<1x81x128xi32, #tpu.memory_space<hbm>>
      %dma_start3A_32 = tpu.memref_squeeze %dma_start3A_31 : memref<1x81x128xi32, #tpu.memory_space<hbm>> -> memref<81x128xi32, #tpu.memory_space<hbm>>
      %dma_start3A_33 = arith.constant 0 : i32
      %dma_start3A_34 = arith.constant 0 : i32
      %dma_start3A_35 = tpu.memref_slice %arg4[%add3A, %dma_start3A_33, %dma_start3A_34] : memref<32x81x128xi32, #tpu.memory_space<hbm>> -> memref<1x81x128xi32, #tpu.memory_space<hbm>>
      %dma_start3A_36 = tpu.memref_squeeze %dma_start3A_35 : memref<1x81x128xi32, #tpu.memory_space<hbm>> -> memref<81x128xi32, #tpu.memory_space<hbm>>
      tpu.enqueue_dma source(%dma_start3A_36 : memref<81x128xi32, #tpu.memory_space<hbm>>) target(%arg8 : memref<81x128xi32, #tpu.memory_space<vmem>>) target_semaphore(%run_scoped3A : memref<!tpu.dma_semaphore, #tpu.memory_space<semaphore_mem>>)
      %dma_wait3A_37 = arith.constant 0 : i32
      %dma_wait3A_38 = arith.constant 0 : i32
      %dma_wait3A_39 = tpu.memref_slice %arg4[%add3A, %dma_wait3A_37, %dma_wait3A_38] : memref<32x81x128xi32, #tpu.memory_space<hbm>> -> memref<1x81x128xi32, #tpu.memory_space<hbm>>
      %dma_wait3A_40 = tpu.memref_squeeze %dma_wait3A_39 : memref<1x81x128xi32, #tpu.memory_space<hbm>> -> memref<81x128xi32, #tpu.memory_space<hbm>>
      %dma_wait3A_41 = arith.constant 0 : i32
      %dma_wait3A_42 = arith.constant 0 : i32
      %dma_wait3A_43 = tpu.memref_slice %arg4[%add3A, %dma_wait3A_41, %dma_wait3A_42] : memref<32x81x128xi32, #tpu.memory_space<hbm>> -> memref<1x81x128xi32, #tpu.memory_space<hbm>>
      %dma_wait3A_44 = tpu.memref_squeeze %dma_wait3A_43 : memref<1x81x128xi32, #tpu.memory_space<hbm>> -> memref<81x128xi32, #tpu.memory_space<hbm>>
      tpu.wait_dma2 semaphore(%run_scoped3A : memref<!tpu.dma_semaphore, #tpu.memory_space<semaphore_mem>>) src(%dma_wait3A_44 : memref<81x128xi32, #tpu.memory_space<hbm>>) dst(%arg8 : memref<81x128xi32, #tpu.memory_space<vmem>>)
      tpu.yield
    }) : () -> ()
    "tpu.region"() ({
      %run_scoped3A = tpu.sem_alloc : memref<!tpu.dma_semaphore, #tpu.memory_space<semaphore_mem>>
      %dma_start3A = arith.constant 0 : i32
      %dma_start3A_30 = arith.constant 0 : i32
      %dma_start3A_31 = tpu.memref_slice %arg5[%add3A, %dma_start3A, %dma_start3A_30] : memref<32x81x128xi32, #tpu.memory_space<hbm>> -> memref<1x81x128xi32, #tpu.memory_space<hbm>>
      %dma_start3A_32 = tpu.memref_squeeze %dma_start3A_31 : memref<1x81x128xi32, #tpu.memory_space<hbm>> -> memref<81x128xi32, #tpu.memory_space<hbm>>
      %dma_start3A_33 = arith.constant 0 : i32
      %dma_start3A_34 = arith.constant 0 : i32
      %dma_start3A_35 = tpu.memref_slice %arg5[%add3A, %dma_start3A_33, %dma_start3A_34] : memref<32x81x128xi32, #tpu.memory_space<hbm>> -> memref<1x81x128xi32, #tpu.memory_space<hbm>>
      %dma_start3A_36 = tpu.memref_squeeze %dma_start3A_35 : memref<1x81x128xi32, #tpu.memory_space<hbm>> -> memref<81x128xi32, #tpu.memory_space<hbm>>
      tpu.enqueue_dma source(%dma_start3A_36 : memref<81x128xi32, #tpu.memory_space<hbm>>) target(%arg9 : memref<81x128xi32, #tpu.memory_space<vmem>>) target_semaphore(%run_scoped3A : memref<!tpu.dma_semaphore, #tpu.memory_space<semaphore_mem>>)
      %dma_wait3A_37 = arith.constant 0 : i32
      %dma_wait3A_38 = arith.constant 0 : i32
      %dma_wait3A_39 = tpu.memref_slice %arg5[%add3A, %dma_wait3A_37, %dma_wait3A_38] : memref<32x81x128xi32, #tpu.memory_space<hbm>> -> memref<1x81x128xi32, #tpu.memory_space<hbm>>
      %dma_wait3A_40 = tpu.memref_squeeze %dma_wait3A_39 : memref<1x81x128xi32, #tpu.memory_space<hbm>> -> memref<81x128xi32, #tpu.memory_space<hbm>>
      %dma_wait3A_41 = arith.constant 0 : i32
      %dma_wait3A_42 = arith.constant 0 : i32
      %dma_wait3A_43 = tpu.memref_slice %arg5[%add3A, %dma_wait3A_41, %dma_wait3A_42] : memref<32x81x128xi32, #tpu.memory_space<hbm>> -> memref<1x81x128xi32, #tpu.memory_space<hbm>>
      %dma_wait3A_44 = tpu.memref_squeeze %dma_wait3A_43 : memref<1x81x128xi32, #tpu.memory_space<hbm>> -> memref<81x128xi32, #tpu.memory_space<hbm>>
      tpu.wait_dma2 semaphore(%run_scoped3A : memref<!tpu.dma_semaphore, #tpu.memory_space<semaphore_mem>>) src(%dma_wait3A_44 : memref<81x128xi32, #tpu.memory_space<hbm>>) dst(%arg9 : memref<81x128xi32, #tpu.memory_space<vmem>>)
      tpu.yield
    }) : () -> ()
    %mul3A_1 = arith.constant 10368 : i32
    %mul3A_2 = arith.muli %add3A, %mul3A_1 : i32
    %scan3A = arith.constant 0 : i32
    %scan3A_3 = arith.constant 27 : i32
    %scan3A_4 = arith.addi %scan3A, %scan3A_3 : i32
    %scan3A_5 = arith.constant 1 : i32
    scf.for %scan3A_30 = %scan3A to %scan3A_4 step %scan3A_5  : i32 {
      %mul3A_31 = arith.constant 3 : i32
      %mul3A_32 = arith.muli %scan3A_30, %mul3A_31 : i32
      %add3A_33 = arith.constant 0 : i32
      %add3A_34 = arith.addi %add3A_33, %mul3A_32 : i32
      %gt3A = arith.constant 0 : i32
      %gt3A_35 = arith.cmpi sgt, %add3A_34, %gt3A : i32
      %convert_element_type3A = arith.extui %gt3A_35 : i1 to i32
      %cond3A = arith.constant 0 : i32
      %cond3A_36 = arith.cmpi ne, %convert_element_type3A, %cond3A : i32
      scf.if %cond3A_36 {
        %dma_wait3A_159 = arith.constant 0 : i32
        %dma_wait3A_160 = tpu.memref_slice %arg6[%mul3A_2, %dma_wait3A_159] : memref<331776x128xf32, #tpu.memory_space<hbm>> -> memref<128x128xf32, #tpu.memory_space<hbm>>
        %dma_wait3A_161 = arith.constant 0 : i32
        %dma_wait3A_162 = tpu.memref_slice %arg6[%mul3A_2, %dma_wait3A_161] : memref<331776x128xf32, #tpu.memory_space<hbm>> -> memref<128x128xf32, #tpu.memory_space<hbm>>
        tpu.wait_dma2 semaphore(%arg17 : memref<!tpu.dma_semaphore, #tpu.memory_space<semaphore_mem>>) src(%arg10 : memref<128x128xf32, #tpu.memory_space<vmem>>) dst(%dma_wait3A_162 : memref<128x128xf32, #tpu.memory_space<hbm>>)
        %dma_wait3A_163 = arith.constant 0 : i32
        %dma_wait3A_164 = tpu.memref_slice %arg6[%mul3A_2, %dma_wait3A_163] : memref<331776x128xf32, #tpu.memory_space<hbm>> -> memref<128x128xf32, #tpu.memory_space<hbm>>
        %dma_wait3A_165 = arith.constant 0 : i32
        %dma_wait3A_166 = tpu.memref_slice %arg6[%mul3A_2, %dma_wait3A_165] : memref<331776x128xf32, #tpu.memory_space<hbm>> -> memref<128x128xf32, #tpu.memory_space<hbm>>
        tpu.wait_dma2 semaphore(%arg17 : memref<!tpu.dma_semaphore, #tpu.memory_space<semaphore_mem>>) src(%arg10 : memref<128x128xf32, #tpu.memory_space<vmem>>) dst(%dma_wait3A_166 : memref<128x128xf32, #tpu.memory_space<hbm>>)
        %dma_wait3A_167 = arith.constant 0 : i32
        %dma_wait3A_168 = tpu.memref_slice %arg6[%mul3A_2, %dma_wait3A_167] : memref<331776x128xf32, #tpu.memory_space<hbm>> -> memref<128x128xf32, #tpu.memory_space<hbm>>
        %dma_wait3A_169 = arith.constant 0 : i32
        %dma_wait3A_170 = tpu.memref_slice %arg6[%mul3A_2, %dma_wait3A_169] : memref<331776x128xf32, #tpu.memory_space<hbm>> -> memref<128x128xf32, #tpu.memory_space<hbm>>
        tpu.wait_dma2 semaphore(%arg17 : memref<!tpu.dma_semaphore, #tpu.memory_space<semaphore_mem>>) src(%arg10 : memref<128x128xf32, #tpu.memory_space<vmem>>) dst(%dma_wait3A_170 : memref<128x128xf32, #tpu.memory_space<hbm>>)
        %dma_wait3A_171 = arith.constant 0 : i32
        %dma_wait3A_172 = tpu.memref_slice %arg6[%mul3A_2, %dma_wait3A_171] : memref<331776x128xf32, #tpu.memory_space<hbm>> -> memref<128x128xf32, #tpu.memory_space<hbm>>
        %dma_wait3A_173 = arith.constant 0 : i32
        %dma_wait3A_174 = tpu.memref_slice %arg6[%mul3A_2, %dma_wait3A_173] : memref<331776x128xf32, #tpu.memory_space<hbm>> -> memref<128x128xf32, #tpu.memory_space<hbm>>
        tpu.wait_dma2 semaphore(%arg17 : memref<!tpu.dma_semaphore, #tpu.memory_space<semaphore_mem>>) src(%arg10 : memref<128x128xf32, #tpu.memory_space<vmem>>) dst(%dma_wait3A_174 : memref<128x128xf32, #tpu.memory_space<hbm>>)
        %dma_wait3A_175 = arith.constant 0 : i32
        %dma_wait3A_176 = tpu.memref_slice %arg6[%mul3A_2, %dma_wait3A_175] : memref<331776x128xf32, #tpu.memory_space<hbm>> -> memref<128x128xf32, #tpu.memory_space<hbm>>
        %dma_wait3A_177 = arith.constant 0 : i32
        %dma_wait3A_178 = tpu.memref_slice %arg6[%mul3A_2, %dma_wait3A_177] : memref<331776x128xf32, #tpu.memory_space<hbm>> -> memref<128x128xf32, #tpu.memory_space<hbm>>
        tpu.wait_dma2 semaphore(%arg17 : memref<!tpu.dma_semaphore, #tpu.memory_space<semaphore_mem>>) src(%arg10 : memref<128x128xf32, #tpu.memory_space<vmem>>) dst(%dma_wait3A_178 : memref<128x128xf32, #tpu.memory_space<hbm>>)
        %dma_wait3A_179 = arith.constant 0 : i32
        %dma_wait3A_180 = tpu.memref_slice %arg6[%mul3A_2, %dma_wait3A_179] : memref<331776x128xf32, #tpu.memory_space<hbm>> -> memref<128x128xf32, #tpu.memory_space<hbm>>
        %dma_wait3A_181 = arith.constant 0 : i32
        %dma_wait3A_182 = tpu.memref_slice %arg6[%mul3A_2, %dma_wait3A_181] : memref<331776x128xf32, #tpu.memory_space<hbm>> -> memref<128x128xf32, #tpu.memory_space<hbm>>
        tpu.wait_dma2 semaphore(%arg17 : memref<!tpu.dma_semaphore, #tpu.memory_space<semaphore_mem>>) src(%arg10 : memref<128x128xf32, #tpu.memory_space<vmem>>) dst(%dma_wait3A_182 : memref<128x128xf32, #tpu.memory_space<hbm>>)
      } else {
      }
      %add3A_37 = arith.constant 0 : i32
      %add3A_38 = arith.addi %add3A_34, %add3A_37 : i32
      %dma_start3A = arith.constant 0 : i32
      %dma_start3A_39 = tpu.memref_slice %arg8[%add3A_38, %dma_start3A] : memref<81x128xi32, #tpu.memory_space<vmem>> -> memref<1x128xi32, #tpu.memory_space<vmem>>
      %dma_start3A_40 = tpu.memref_squeeze %dma_start3A_39 : memref<1x128xi32, #tpu.memory_space<vmem>> -> memref<128xi32, #tpu.memory_space<vmem>>
      %dma_start3A_41 = arith.constant 0 : i32
      %dma_start3A_42 = arith.constant 0 : i32
      %dma_start3A_43 = tpu.memref_slice %arg2[%dma_start3A_41, %dma_start3A_42] : memref<10240x128xf32, #tpu.memory_space<hbm>> -> memref<10240x128xf32, #tpu.memory_space<hbm>>
      tpu.enqueue_indirect_dma source(%dma_start3A_43 : memref<10240x128xf32, #tpu.memory_space<hbm>>) target(%arg10 : memref<128x128xf32, #tpu.memory_space<vmem>>) offsets(%dma_start3A_40 : memref<128xi32, #tpu.memory_space<vmem>>) semaphore(%arg16 : memref<!tpu.dma_semaphore, #tpu.memory_space<semaphore_mem>>)
      %add3A_44 = arith.constant 0 : i32
      %add3A_45 = arith.addi %add3A_34, %add3A_44 : i32
      %dma_start3A_46 = arith.constant 0 : i32
      %dma_start3A_47 = tpu.memref_slice %arg9[%add3A_45, %dma_start3A_46] : memref<81x128xi32, #tpu.memory_space<vmem>> -> memref<1x128xi32, #tpu.memory_space<vmem>>
      %dma_start3A_48 = tpu.memref_squeeze %dma_start3A_47 : memref<1x128xi32, #tpu.memory_space<vmem>> -> memref<128xi32, #tpu.memory_space<vmem>>
      %dma_start3A_49 = arith.constant 0 : i32
      %dma_start3A_50 = arith.constant 0 : i32
      %dma_start3A_51 = tpu.memref_slice %arg3[%dma_start3A_49, %dma_start3A_50] : memref<10240x128xf32, #tpu.memory_space<hbm>> -> memref<10240x128xf32, #tpu.memory_space<hbm>>
      tpu.enqueue_indirect_dma source(%dma_start3A_51 : memref<10240x128xf32, #tpu.memory_space<hbm>>) target(%arg11 : memref<128x128xf32, #tpu.memory_space<vmem>>) offsets(%dma_start3A_48 : memref<128xi32, #tpu.memory_space<vmem>>) semaphore(%arg16 : memref<!tpu.dma_semaphore, #tpu.memory_space<semaphore_mem>>)
      %add3A_52 = arith.constant 1 : i32
      %add3A_53 = arith.addi %add3A_34, %add3A_52 : i32
      %dma_start3A_54 = arith.constant 0 : i32
      %dma_start3A_55 = tpu.memref_slice %arg8[%add3A_53, %dma_start3A_54] : memref<81x128xi32, #tpu.memory_space<vmem>> -> memref<1x128xi32, #tpu.memory_space<vmem>>
      %dma_start3A_56 = tpu.memref_squeeze %dma_start3A_55 : memref<1x128xi32, #tpu.memory_space<vmem>> -> memref<128xi32, #tpu.memory_space<vmem>>
      %dma_start3A_57 = arith.constant 0 : i32
      %dma_start3A_58 = arith.constant 0 : i32
      %dma_start3A_59 = tpu.memref_slice %arg2[%dma_start3A_57, %dma_start3A_58] : memref<10240x128xf32, #tpu.memory_space<hbm>> -> memref<10240x128xf32, #tpu.memory_space<hbm>>
      tpu.enqueue_indirect_dma source(%dma_start3A_59 : memref<10240x128xf32, #tpu.memory_space<hbm>>) target(%arg12 : memref<128x128xf32, #tpu.memory_space<vmem>>) offsets(%dma_start3A_56 : memref<128xi32, #tpu.memory_space<vmem>>) semaphore(%arg16 : memref<!tpu.dma_semaphore, #tpu.memory_space<semaphore_mem>>)
      %add3A_60 = arith.constant 1 : i32
      %add3A_61 = arith.addi %add3A_34, %add3A_60 : i32
      %dma_start3A_62 = arith.constant 0 : i32
      %dma_start3A_63 = tpu.memref_slice %arg9[%add3A_61, %dma_start3A_62] : memref<81x128xi32, #tpu.memory_space<vmem>> -> memref<1x128xi32, #tpu.memory_space<vmem>>
      %dma_start3A_64 = tpu.memref_squeeze %dma_start3A_63 : memref<1x128xi32, #tpu.memory_space<vmem>> -> memref<128xi32, #tpu.memory_space<vmem>>
      %dma_start3A_65 = arith.constant 0 : i32
      %dma_start3A_66 = arith.constant 0 : i32
      %dma_start3A_67 = tpu.memref_slice %arg3[%dma_start3A_65, %dma_start3A_66] : memref<10240x128xf32, #tpu.memory_space<hbm>> -> memref<10240x128xf32, #tpu.memory_space<hbm>>
      tpu.enqueue_indirect_dma source(%dma_start3A_67 : memref<10240x128xf32, #tpu.memory_space<hbm>>) target(%arg13 : memref<128x128xf32, #tpu.memory_space<vmem>>) offsets(%dma_start3A_64 : memref<128xi32, #tpu.memory_space<vmem>>) semaphore(%arg16 : memref<!tpu.dma_semaphore, #tpu.memory_space<semaphore_mem>>)
      %add3A_68 = arith.constant 2 : i32
      %add3A_69 = arith.addi %add3A_34, %add3A_68 : i32
      %dma_start3A_70 = arith.constant 0 : i32
      %dma_start3A_71 = tpu.memref_slice %arg8[%add3A_69, %dma_start3A_70] : memref<81x128xi32, #tpu.memory_space<vmem>> -> memref<1x128xi32, #tpu.memory_space<vmem>>
      %dma_start3A_72 = tpu.memref_squeeze %dma_start3A_71 : memref<1x128xi32, #tpu.memory_space<vmem>> -> memref<128xi32, #tpu.memory_space<vmem>>
      %dma_start3A_73 = arith.constant 0 : i32
      %dma_start3A_74 = arith.constant 0 : i32
      %dma_start3A_75 = tpu.memref_slice %arg2[%dma_start3A_73, %dma_start3A_74] : memref<10240x128xf32, #tpu.memory_space<hbm>> -> memref<10240x128xf32, #tpu.memory_space<hbm>>
      tpu.enqueue_indirect_dma source(%dma_start3A_75 : memref<10240x128xf32, #tpu.memory_space<hbm>>) target(%arg14 : memref<128x128xf32, #tpu.memory_space<vmem>>) offsets(%dma_start3A_72 : memref<128xi32, #tpu.memory_space<vmem>>) semaphore(%arg16 : memref<!tpu.dma_semaphore, #tpu.memory_space<semaphore_mem>>)
      %add3A_76 = arith.constant 2 : i32
      %add3A_77 = arith.addi %add3A_34, %add3A_76 : i32
      %dma_start3A_78 = arith.constant 0 : i32
      %dma_start3A_79 = tpu.memref_slice %arg9[%add3A_77, %dma_start3A_78] : memref<81x128xi32, #tpu.memory_space<vmem>> -> memref<1x128xi32, #tpu.memory_space<vmem>>
      %dma_start3A_80 = tpu.memref_squeeze %dma_start3A_79 : memref<1x128xi32, #tpu.memory_space<vmem>> -> memref<128xi32, #tpu.memory_space<vmem>>
      %dma_start3A_81 = arith.constant 0 : i32
      %dma_start3A_82 = arith.constant 0 : i32
      %dma_start3A_83 = tpu.memref_slice %arg3[%dma_start3A_81, %dma_start3A_82] : memref<10240x128xf32, #tpu.memory_space<hbm>> -> memref<10240x128xf32, #tpu.memory_space<hbm>>
      tpu.enqueue_indirect_dma source(%dma_start3A_83 : memref<10240x128xf32, #tpu.memory_space<hbm>>) target(%arg15 : memref<128x128xf32, #tpu.memory_space<vmem>>) offsets(%dma_start3A_80 : memref<128xi32, #tpu.memory_space<vmem>>) semaphore(%arg16 : memref<!tpu.dma_semaphore, #tpu.memory_space<semaphore_mem>>)
      %dma_wait3A_84 = arith.constant 0 : i32
      %dma_wait3A_85 = tpu.memref_slice %arg8[%add3A_38, %dma_wait3A_84] : memref<81x128xi32, #tpu.memory_space<vmem>> -> memref<1x128xi32, #tpu.memory_space<vmem>>
      %dma_wait3A_86 = tpu.memref_squeeze %dma_wait3A_85 : memref<1x128xi32, #tpu.memory_space<vmem>> -> memref<128xi32, #tpu.memory_space<vmem>>
      %dma_wait3A_87 = arith.constant 0 : i32
      %dma_wait3A_88 = arith.constant 0 : i32
      %dma_wait3A_89 = tpu.memref_slice %arg2[%dma_wait3A_87, %dma_wait3A_88] : memref<10240x128xf32, #tpu.memory_space<hbm>> -> memref<10240x128xf32, #tpu.memory_space<hbm>>
      tpu.wait_indirect_dma semaphore(%arg16 : memref<!tpu.dma_semaphore, #tpu.memory_space<semaphore_mem>>) src(%dma_wait3A_89 : memref<10240x128xf32, #tpu.memory_space<hbm>>) dst(%arg10 : memref<128x128xf32, #tpu.memory_space<vmem>>)
      %dma_wait3A_90 = arith.constant 0 : i32
      %dma_wait3A_91 = tpu.memref_slice %arg9[%add3A_45, %dma_wait3A_90] : memref<81x128xi32, #tpu.memory_space<vmem>> -> memref<1x128xi32, #tpu.memory_space<vmem>>
      %dma_wait3A_92 = tpu.memref_squeeze %dma_wait3A_91 : memref<1x128xi32, #tpu.memory_space<vmem>> -> memref<128xi32, #tpu.memory_space<vmem>>
      %dma_wait3A_93 = arith.constant 0 : i32
      %dma_wait3A_94 = arith.constant 0 : i32
      %dma_wait3A_95 = tpu.memref_slice %arg3[%dma_wait3A_93, %dma_wait3A_94] : memref<10240x128xf32, #tpu.memory_space<hbm>> -> memref<10240x128xf32, #tpu.memory_space<hbm>>
      tpu.wait_indirect_dma semaphore(%arg16 : memref<!tpu.dma_semaphore, #tpu.memory_space<semaphore_mem>>) src(%dma_wait3A_95 : memref<10240x128xf32, #tpu.memory_space<hbm>>) dst(%arg11 : memref<128x128xf32, #tpu.memory_space<vmem>>)
      %add3A_96 = arith.constant 0 : i32
      %add3A_97 = arith.addi %add3A_34, %add3A_96 : i32
      %mul3A_98 = arith.constant 128 : i32
      %mul3A_99 = arith.muli %add3A_97, %mul3A_98 : i32
      %add3A_100 = arith.addi %mul3A_2, %mul3A_99 : i32
      %dma_start3A_101 = arith.constant 0 : i32
      %dma_start3A_102 = tpu.memref_slice %arg6[%add3A_100, %dma_start3A_101] : memref<331776x128xf32, #tpu.memory_space<hbm>> -> memref<128x128xf32, #tpu.memory_space<hbm>>
      %dma_start3A_103 = arith.constant 0 : i32
      %dma_start3A_104 = tpu.memref_slice %arg6[%add3A_100, %dma_start3A_103] : memref<331776x128xf32, #tpu.memory_space<hbm>> -> memref<128x128xf32, #tpu.memory_space<hbm>>
      tpu.enqueue_dma source(%arg10 : memref<128x128xf32, #tpu.memory_space<vmem>>) target(%dma_start3A_104 : memref<128x128xf32, #tpu.memory_space<hbm>>) target_semaphore(%arg17 : memref<!tpu.dma_semaphore, #tpu.memory_space<semaphore_mem>>)
      %dma_start3A_105 = arith.constant 0 : i32
      %dma_start3A_106 = tpu.memref_slice %arg7[%add3A_100, %dma_start3A_105] : memref<331776x128xf32, #tpu.memory_space<hbm>> -> memref<128x128xf32, #tpu.memory_space<hbm>>
      %dma_start3A_107 = arith.constant 0 : i32
      %dma_start3A_108 = tpu.memref_slice %arg7[%add3A_100, %dma_start3A_107] : memref<331776x128xf32, #tpu.memory_space<hbm>> -> memref<128x128xf32, #tpu.memory_space<hbm>>
      tpu.enqueue_dma source(%arg11 : memref<128x128xf32, #tpu.memory_space<vmem>>) target(%dma_start3A_108 : memref<128x128xf32, #tpu.memory_space<hbm>>) target_semaphore(%arg17 : memref<!tpu.dma_semaphore, #tpu.memory_space<semaphore_mem>>)
      %dma_wait3A_109 = arith.constant 0 : i32
      %dma_wait3A_110 = tpu.memref_slice %arg8[%add3A_53, %dma_wait3A_109] : memref<81x128xi32, #tpu.memory_space<vmem>> -> memref<1x128xi32, #tpu.memory_space<vmem>>
      %dma_wait3A_111 = tpu.memref_squeeze %dma_wait3A_110 : memref<1x128xi32, #tpu.memory_space<vmem>> -> memref<128xi32, #tpu.memory_space<vmem>>
      %dma_wait3A_112 = arith.constant 0 : i32
      %dma_wait3A_113 = arith.constant 0 : i32
      %dma_wait3A_114 = tpu.memref_slice %arg2[%dma_wait3A_112, %dma_wait3A_113] : memref<10240x128xf32, #tpu.memory_space<hbm>> -> memref<10240x128xf32, #tpu.memory_space<hbm>>
      tpu.wait_indirect_dma semaphore(%arg16 : memref<!tpu.dma_semaphore, #tpu.memory_space<semaphore_mem>>) src(%dma_wait3A_114 : memref<10240x128xf32, #tpu.memory_space<hbm>>) dst(%arg12 : memref<128x128xf32, #tpu.memory_space<vmem>>)
      %dma_wait3A_115 = arith.constant 0 : i32
      %dma_wait3A_116 = tpu.memref_slice %arg9[%add3A_61, %dma_wait3A_115] : memref<81x128xi32, #tpu.memory_space<vmem>> -> memref<1x128xi32, #tpu.memory_space<vmem>>
      %dma_wait3A_117 = tpu.memref_squeeze %dma_wait3A_116 : memref<1x128xi32, #tpu.memory_space<vmem>> -> memref<128xi32, #tpu.memory_space<vmem>>
      %dma_wait3A_118 = arith.constant 0 : i32
      %dma_wait3A_119 = arith.constant 0 : i32
      %dma_wait3A_120 = tpu.memref_slice %arg3[%dma_wait3A_118, %dma_wait3A_119] : memref<10240x128xf32, #tpu.memory_space<hbm>> -> memref<10240x128xf32, #tpu.memory_space<hbm>>
      tpu.wait_indirect_dma semaphore(%arg16 : memref<!tpu.dma_semaphore, #tpu.memory_space<semaphore_mem>>) src(%dma_wait3A_120 : memref<10240x128xf32, #tpu.memory_space<hbm>>) dst(%arg13 : memref<128x128xf32, #tpu.memory_space<vmem>>)
      %add3A_121 = arith.constant 1 : i32
      %add3A_122 = arith.addi %add3A_34, %add3A_121 : i32
      %mul3A_123 = arith.constant 128 : i32
      %mul3A_124 = arith.muli %add3A_122, %mul3A_123 : i32
      %add3A_125 = arith.addi %mul3A_2, %mul3A_124 : i32
      %dma_start3A_126 = arith.constant 0 : i32
      %dma_start3A_127 = tpu.memref_slice %arg6[%add3A_125, %dma_start3A_126] : memref<331776x128xf32, #tpu.memory_space<hbm>> -> memref<128x128xf32, #tpu.memory_space<hbm>>
      %dma_start3A_128 = arith.constant 0 : i32
      %dma_start3A_129 = tpu.memref_slice %arg6[%add3A_125, %dma_start3A_128] : memref<331776x128xf32, #tpu.memory_space<hbm>> -> memref<128x128xf32, #tpu.memory_space<hbm>>
      tpu.enqueue_dma source(%arg12 : memref<128x128xf32, #tpu.memory_space<vmem>>) target(%dma_start3A_129 : memref<128x128xf32, #tpu.memory_space<hbm>>) target_semaphore(%arg17 : memref<!tpu.dma_semaphore, #tpu.memory_space<semaphore_mem>>)
      %dma_start3A_130 = arith.constant 0 : i32
      %dma_start3A_131 = tpu.memref_slice %arg7[%add3A_125, %dma_start3A_130] : memref<331776x128xf32, #tpu.memory_space<hbm>> -> memref<128x128xf32, #tpu.memory_space<hbm>>
      %dma_start3A_132 = arith.constant 0 : i32
      %dma_start3A_133 = tpu.memref_slice %arg7[%add3A_125, %dma_start3A_132] : memref<331776x128xf32, #tpu.memory_space<hbm>> -> memref<128x128xf32, #tpu.memory_space<hbm>>
      tpu.enqueue_dma source(%arg13 : memref<128x128xf32, #tpu.memory_space<vmem>>) target(%dma_start3A_133 : memref<128x128xf32, #tpu.memory_space<hbm>>) target_semaphore(%arg17 : memref<!tpu.dma_semaphore, #tpu.memory_space<semaphore_mem>>)
      %dma_wait3A_134 = arith.constant 0 : i32
      %dma_wait3A_135 = tpu.memref_slice %arg8[%add3A_69, %dma_wait3A_134] : memref<81x128xi32, #tpu.memory_space<vmem>> -> memref<1x128xi32, #tpu.memory_space<vmem>>
      %dma_wait3A_136 = tpu.memref_squeeze %dma_wait3A_135 : memref<1x128xi32, #tpu.memory_space<vmem>> -> memref<128xi32, #tpu.memory_space<vmem>>
      %dma_wait3A_137 = arith.constant 0 : i32
      %dma_wait3A_138 = arith.constant 0 : i32
      %dma_wait3A_139 = tpu.memref_slice %arg2[%dma_wait3A_137, %dma_wait3A_138] : memref<10240x128xf32, #tpu.memory_space<hbm>> -> memref<10240x128xf32, #tpu.memory_space<hbm>>
      tpu.wait_indirect_dma semaphore(%arg16 : memref<!tpu.dma_semaphore, #tpu.memory_space<semaphore_mem>>) src(%dma_wait3A_139 : memref<10240x128xf32, #tpu.memory_space<hbm>>) dst(%arg14 : memref<128x128xf32, #tpu.memory_space<vmem>>)
      %dma_wait3A_140 = arith.constant 0 : i32
      %dma_wait3A_141 = tpu.memref_slice %arg9[%add3A_77, %dma_wait3A_140] : memref<81x128xi32, #tpu.memory_space<vmem>> -> memref<1x128xi32, #tpu.memory_space<vmem>>
      %dma_wait3A_142 = tpu.memref_squeeze %dma_wait3A_141 : memref<1x128xi32, #tpu.memory_space<vmem>> -> memref<128xi32, #tpu.memory_space<vmem>>
      %dma_wait3A_143 = arith.constant 0 : i32
      %dma_wait3A_144 = arith.constant 0 : i32
      %dma_wait3A_145 = tpu.memref_slice %arg3[%dma_wait3A_143, %dma_wait3A_144] : memref<10240x128xf32, #tpu.memory_space<hbm>> -> memref<10240x128xf32, #tpu.memory_space<hbm>>
      tpu.wait_indirect_dma semaphore(%arg16 : memref<!tpu.dma_semaphore, #tpu.memory_space<semaphore_mem>>) src(%dma_wait3A_145 : memref<10240x128xf32, #tpu.memory_space<hbm>>) dst(%arg15 : memref<128x128xf32, #tpu.memory_space<vmem>>)
      %add3A_146 = arith.constant 2 : i32
      %add3A_147 = arith.addi %add3A_34, %add3A_146 : i32
      %mul3A_148 = arith.constant 128 : i32
      %mul3A_149 = arith.muli %add3A_147, %mul3A_148 : i32
      %add3A_150 = arith.addi %mul3A_2, %mul3A_149 : i32
      %dma_start3A_151 = arith.constant 0 : i32
      %dma_start3A_152 = tpu.memref_slice %arg6[%add3A_150, %dma_start3A_151] : memref<331776x128xf32, #tpu.memory_space<hbm>> -> memref<128x128xf32, #tpu.memory_space<hbm>>
      %dma_start3A_153 = arith.constant 0 : i32
      %dma_start3A_154 = tpu.memref_slice %arg6[%add3A_150, %dma_start3A_153] : memref<331776x128xf32, #tpu.memory_space<hbm>> -> memref<128x128xf32, #tpu.memory_space<hbm>>
      tpu.enqueue_dma source(%arg14 : memref<128x128xf32, #tpu.memory_space<vmem>>) target(%dma_start3A_154 : memref<128x128xf32, #tpu.memory_space<hbm>>) target_semaphore(%arg17 : memref<!tpu.dma_semaphore, #tpu.memory_space<semaphore_mem>>)
      %dma_start3A_155 = arith.constant 0 : i32
      %dma_start3A_156 = tpu.memref_slice %arg7[%add3A_150, %dma_start3A_155] : memref<331776x128xf32, #tpu.memory_space<hbm>> -> memref<128x128xf32, #tpu.memory_space<hbm>>
      %dma_start3A_157 = arith.constant 0 : i32
      %dma_start3A_158 = tpu.memref_slice %arg7[%add3A_150, %dma_start3A_157] : memref<331776x128xf32, #tpu.memory_space<hbm>> -> memref<128x128xf32, #tpu.memory_space<hbm>>
      tpu.enqueue_dma source(%arg15 : memref<128x128xf32, #tpu.memory_space<vmem>>) target(%dma_start3A_158 : memref<128x128xf32, #tpu.memory_space<hbm>>) target_semaphore(%arg17 : memref<!tpu.dma_semaphore, #tpu.memory_space<semaphore_mem>>)
    }
    %scan3A_6 = arith.constant 27 : i32
    %dma_wait3A = arith.constant 0 : i32
    %dma_wait3A_7 = tpu.memref_slice %arg6[%mul3A_2, %dma_wait3A] : memref<331776x128xf32, #tpu.memory_space<hbm>> -> memref<128x128xf32, #tpu.memory_space<hbm>>
    %dma_wait3A_8 = arith.constant 0 : i32
    %dma_wait3A_9 = tpu.memref_slice %arg6[%mul3A_2, %dma_wait3A_8] : memref<331776x128xf32, #tpu.memory_space<hbm>> -> memref<128x128xf32, #tpu.memory_space<hbm>>
    tpu.wait_dma2 semaphore(%arg17 : memref<!tpu.dma_semaphore, #tpu.memory_space<semaphore_mem>>) src(%arg10 : memref<128x128xf32, #tpu.memory_space<vmem>>) dst(%dma_wait3A_9 : memref<128x128xf32, #tpu.memory_space<hbm>>)
    %dma_wait3A_10 = arith.constant 0 : i32
    %dma_wait3A_11 = tpu.memref_slice %arg6[%mul3A_2, %dma_wait3A_10] : memref<331776x128xf32, #tpu.memory_space<hbm>> -> memref<128x128xf32, #tpu.memory_space<hbm>>
    %dma_wait3A_12 = arith.constant 0 : i32
    %dma_wait3A_13 = tpu.memref_slice %arg6[%mul3A_2, %dma_wait3A_12] : memref<331776x128xf32, #tpu.memory_space<hbm>> -> memref<128x128xf32, #tpu.memory_space<hbm>>
    tpu.wait_dma2 semaphore(%arg17 : memref<!tpu.dma_semaphore, #tpu.memory_space<semaphore_mem>>) src(%arg10 : memref<128x128xf32, #tpu.memory_space<vmem>>) dst(%dma_wait3A_13 : memref<128x128xf32, #tpu.memory_space<hbm>>)
    %dma_wait3A_14 = arith.constant 0 : i32
    %dma_wait3A_15 = tpu.memref_slice %arg6[%mul3A_2, %dma_wait3A_14] : memref<331776x128xf32, #tpu.memory_space<hbm>> -> memref<128x128xf32, #tpu.memory_space<hbm>>
    %dma_wait3A_16 = arith.constant 0 : i32
    %dma_wait3A_17 = tpu.memref_slice %arg6[%mul3A_2, %dma_wait3A_16] : memref<331776x128xf32, #tpu.memory_space<hbm>> -> memref<128x128xf32, #tpu.memory_space<hbm>>
    tpu.wait_dma2 semaphore(%arg17 : memref<!tpu.dma_semaphore, #tpu.memory_space<semaphore_mem>>) src(%arg10 : memref<128x128xf32, #tpu.memory_space<vmem>>) dst(%dma_wait3A_17 : memref<128x128xf32, #tpu.memory_space<hbm>>)
    %dma_wait3A_18 = arith.constant 0 : i32
    %dma_wait3A_19 = tpu.memref_slice %arg6[%mul3A_2, %dma_wait3A_18] : memref<331776x128xf32, #tpu.memory_space<hbm>> -> memref<128x128xf32, #tpu.memory_space<hbm>>
    %dma_wait3A_20 = arith.constant 0 : i32
    %dma_wait3A_21 = tpu.memref_slice %arg6[%mul3A_2, %dma_wait3A_20] : memref<331776x128xf32, #tpu.memory_space<hbm>> -> memref<128x128xf32, #tpu.memory_space<hbm>>
    tpu.wait_dma2 semaphore(%arg17 : memref<!tpu.dma_semaphore, #tpu.memory_space<semaphore_mem>>) src(%arg10 : memref<128x128xf32, #tpu.memory_space<vmem>>) dst(%dma_wait3A_21 : memref<128x128xf32, #tpu.memory_space<hbm>>)
    %dma_wait3A_22 = arith.constant 0 : i32
    %dma_wait3A_23 = tpu.memref_slice %arg6[%mul3A_2, %dma_wait3A_22] : memref<331776x128xf32, #tpu.memory_space<hbm>> -> memref<128x128xf32, #tpu.memory_space<hbm>>
    %dma_wait3A_24 = arith.constant 0 : i32
    %dma_wait3A_25 = tpu.memref_slice %arg6[%mul3A_2, %dma_wait3A_24] : memref<331776x128xf32, #tpu.memory_space<hbm>> -> memref<128x128xf32, #tpu.memory_space<hbm>>
    tpu.wait_dma2 semaphore(%arg17 : memref<!tpu.dma_semaphore, #tpu.memory_space<semaphore_mem>>) src(%arg10 : memref<128x128xf32, #tpu.memory_space<vmem>>) dst(%dma_wait3A_25 : memref<128x128xf32, #tpu.memory_space<hbm>>)
    %dma_wait3A_26 = arith.constant 0 : i32
    %dma_wait3A_27 = tpu.memref_slice %arg6[%mul3A_2, %dma_wait3A_26] : memref<331776x128xf32, #tpu.memory_space<hbm>> -> memref<128x128xf32, #tpu.memory_space<hbm>>
    %dma_wait3A_28 = arith.constant 0 : i32
    %dma_wait3A_29 = tpu.memref_slice %arg6[%mul3A_2, %dma_wait3A_28] : memref<331776x128xf32, #tpu.memory_space<hbm>> -> memref<128x128xf32, #tpu.memory_space<hbm>>
    tpu.wait_dma2 semaphore(%arg17 : memref<!tpu.dma_semaphore, #tpu.memory_space<semaphore_mem>>) src(%arg10 : memref<128x128xf32, #tpu.memory_space<vmem>>) dst(%dma_wait3A_29 : memref<128x128xf32, #tpu.memory_space<hbm>>)
    return
  }
}

#map = affine_map<(d0, d1) -> (0, 0)>
#map1 = affine_map<(d0, d1) -> (0, 0, 0)>
module attributes {stable_mosaic.version = 14 : i64} {
  func.func @_scatter_body(%arg0: i32, %arg1: i32, %arg2: memref<331776x16xf32, #tpu.memory_space<hbm>>, %arg3: memref<32x81x128xi32, #tpu.memory_space<hbm>>, %arg4: memref<10240x16xf32, #tpu.memory_space<hbm>>, %arg5: memref<2x10240x16xf32, #tpu.memory_space<hbm>>, %arg6: memref<81x128xi32, #tpu.memory_space<vmem>>, %arg7: memref<128x16xf32, #tpu.memory_space<vmem>>, %arg8: memref<128x16xf32, #tpu.memory_space<vmem>>, %arg9: memref<10240x16xf32, #tpu.memory_space<vmem_shared>>, %arg10: memref<!tpu.dma_semaphore, #tpu.memory_space<semaphore_mem>>) attributes {dimension_semantics = [#tpu.dimension_semantics<core_parallel>, #tpu.dimension_semantics<subcore_parallel>], iteration_bounds = array<i64: 2, 16>, scalar_prefetch = 0 : i64, scratch_operands = 5 : i64, tpu.core_type = #tpu.core_type<sc_vector_subcore>, window_params = [{transform_indices = #map}, {transform_indices = #map1}, {transform_indices = #map}, {transform_indices = #map1}]} {
    %mul3A = arith.constant 640 : i32
    %mul3A_0 = arith.muli %arg1, %mul3A : i32
    %mul3A_1 = arith.constant 640 : i32
    %mul3A_2 = arith.muli %arg1, %mul3A_1 : i32
    "tpu.region"() ({
      %run_scoped3A_18 = tpu.sem_alloc : memref<!tpu.dma_semaphore, #tpu.memory_space<semaphore_mem>>
      %dma_start3A = arith.constant 0 : i32
      %dma_start3A_19 = tpu.memref_slice %arg9[%mul3A_2, %dma_start3A] : memref<10240x16xf32, #tpu.memory_space<vmem_shared>> -> memref<640x16xf32, #tpu.memory_space<vmem_shared>>
      %dma_start3A_20 = arith.constant 0 : i32
      %dma_start3A_21 = tpu.memref_slice %arg4[%mul3A_0, %dma_start3A_20] : memref<10240x16xf32, #tpu.memory_space<hbm>> -> memref<640x16xf32, #tpu.memory_space<hbm>>
      tpu.enqueue_dma source(%dma_start3A_21 : memref<640x16xf32, #tpu.memory_space<hbm>>) target(%dma_start3A_19 : memref<640x16xf32, #tpu.memory_space<vmem_shared>>) target_semaphore(%run_scoped3A_18 : memref<!tpu.dma_semaphore, #tpu.memory_space<semaphore_mem>>)
      %dma_wait3A = arith.constant 0 : i32
      %dma_wait3A_22 = tpu.memref_slice %arg9[%mul3A_2, %dma_wait3A] : memref<10240x16xf32, #tpu.memory_space<vmem_shared>> -> memref<640x16xf32, #tpu.memory_space<vmem_shared>>
      %dma_wait3A_23 = arith.constant 0 : i32
      %dma_wait3A_24 = tpu.memref_slice %arg4[%mul3A_0, %dma_wait3A_23] : memref<10240x16xf32, #tpu.memory_space<hbm>> -> memref<640x16xf32, #tpu.memory_space<hbm>>
      tpu.wait_dma2 semaphore(%run_scoped3A_18 : memref<!tpu.dma_semaphore, #tpu.memory_space<semaphore_mem>>) src(%dma_wait3A_24 : memref<640x16xf32, #tpu.memory_space<hbm>>) dst(%dma_wait3A_22 : memref<640x16xf32, #tpu.memory_space<vmem_shared>>)
      tpu.yield
    }) : () -> ()
    %barrier3A = arith.constant 0 : index
    tpu.barrier barrier_id(%barrier3A)
    %mul3A_3 = arith.constant 16 : i32
    %mul3A_4 = arith.muli %arg0, %mul3A_3 : i32
    %add3A = arith.addi %mul3A_4, %arg1 : i32
    "tpu.region"() ({
      %run_scoped3A_18 = tpu.sem_alloc : memref<!tpu.dma_semaphore, #tpu.memory_space<semaphore_mem>>
      %dma_start3A = arith.constant 0 : i32
      %dma_start3A_19 = arith.constant 0 : i32
      %dma_start3A_20 = tpu.memref_slice %arg3[%add3A, %dma_start3A, %dma_start3A_19] : memref<32x81x128xi32, #tpu.memory_space<hbm>> -> memref<1x81x128xi32, #tpu.memory_space<hbm>>
      %dma_start3A_21 = tpu.memref_squeeze %dma_start3A_20 : memref<1x81x128xi32, #tpu.memory_space<hbm>> -> memref<81x128xi32, #tpu.memory_space<hbm>>
      %dma_start3A_22 = arith.constant 0 : i32
      %dma_start3A_23 = arith.constant 0 : i32
      %dma_start3A_24 = tpu.memref_slice %arg3[%add3A, %dma_start3A_22, %dma_start3A_23] : memref<32x81x128xi32, #tpu.memory_space<hbm>> -> memref<1x81x128xi32, #tpu.memory_space<hbm>>
      %dma_start3A_25 = tpu.memref_squeeze %dma_start3A_24 : memref<1x81x128xi32, #tpu.memory_space<hbm>> -> memref<81x128xi32, #tpu.memory_space<hbm>>
      tpu.enqueue_dma source(%dma_start3A_25 : memref<81x128xi32, #tpu.memory_space<hbm>>) target(%arg6 : memref<81x128xi32, #tpu.memory_space<vmem>>) target_semaphore(%run_scoped3A_18 : memref<!tpu.dma_semaphore, #tpu.memory_space<semaphore_mem>>)
      %dma_wait3A = arith.constant 0 : i32
      %dma_wait3A_26 = arith.constant 0 : i32
      %dma_wait3A_27 = tpu.memref_slice %arg3[%add3A, %dma_wait3A, %dma_wait3A_26] : memref<32x81x128xi32, #tpu.memory_space<hbm>> -> memref<1x81x128xi32, #tpu.memory_space<hbm>>
      %dma_wait3A_28 = tpu.memref_squeeze %dma_wait3A_27 : memref<1x81x128xi32, #tpu.memory_space<hbm>> -> memref<81x128xi32, #tpu.memory_space<hbm>>
      %dma_wait3A_29 = arith.constant 0 : i32
      %dma_wait3A_30 = arith.constant 0 : i32
      %dma_wait3A_31 = tpu.memref_slice %arg3[%add3A, %dma_wait3A_29, %dma_wait3A_30] : memref<32x81x128xi32, #tpu.memory_space<hbm>> -> memref<1x81x128xi32, #tpu.memory_space<hbm>>
      %dma_wait3A_32 = tpu.memref_squeeze %dma_wait3A_31 : memref<1x81x128xi32, #tpu.memory_space<hbm>> -> memref<81x128xi32, #tpu.memory_space<hbm>>
      tpu.wait_dma2 semaphore(%run_scoped3A_18 : memref<!tpu.dma_semaphore, #tpu.memory_space<semaphore_mem>>) src(%dma_wait3A_32 : memref<81x128xi32, #tpu.memory_space<hbm>>) dst(%arg6 : memref<81x128xi32, #tpu.memory_space<vmem>>)
      tpu.yield
    }) : () -> ()
    %mul3A_5 = arith.constant 10368 : i32
    %mul3A_6 = arith.muli %add3A, %mul3A_5 : i32
    %scan3A = arith.constant 0 : i32
    %scan3A_7 = arith.constant 40 : i32
    %scan3A_8 = arith.addi %scan3A, %scan3A_7 : i32
    %scan3A_9 = arith.constant 1 : i32
    scf.for %scan3A_18 = %scan3A to %scan3A_8 step %scan3A_9  : i32 {
      %mul3A_19 = arith.constant 2 : i32
      %mul3A_20 = arith.muli %scan3A_18, %mul3A_19 : i32
      %add3A_21 = arith.constant 0 : i32
      %add3A_22 = arith.addi %add3A_21, %mul3A_20 : i32
      %mul3A_23 = arith.constant 128 : i32
      %mul3A_24 = arith.muli %add3A_22, %mul3A_23 : i32
      %add3A_25 = arith.addi %mul3A_6, %mul3A_24 : i32
      %dma_start3A = arith.constant 0 : i32
      %dma_start3A_26 = tpu.memref_slice %arg2[%add3A_25, %dma_start3A] : memref<331776x16xf32, #tpu.memory_space<hbm>> -> memref<128x16xf32, #tpu.memory_space<hbm>>
      %dma_start3A_27 = arith.constant 0 : i32
      %dma_start3A_28 = tpu.memref_slice %arg2[%add3A_25, %dma_start3A_27] : memref<331776x16xf32, #tpu.memory_space<hbm>> -> memref<128x16xf32, #tpu.memory_space<hbm>>
      tpu.enqueue_dma source(%dma_start3A_28 : memref<128x16xf32, #tpu.memory_space<hbm>>) target(%arg7 : memref<128x16xf32, #tpu.memory_space<vmem>>) target_semaphore(%arg10 : memref<!tpu.dma_semaphore, #tpu.memory_space<semaphore_mem>>)
      %add3A_29 = arith.constant 1 : i32
      %add3A_30 = arith.addi %add3A_22, %add3A_29 : i32
      %mul3A_31 = arith.constant 128 : i32
      %mul3A_32 = arith.muli %add3A_30, %mul3A_31 : i32
      %add3A_33 = arith.addi %mul3A_6, %mul3A_32 : i32
      %dma_start3A_34 = arith.constant 0 : i32
      %dma_start3A_35 = tpu.memref_slice %arg2[%add3A_33, %dma_start3A_34] : memref<331776x16xf32, #tpu.memory_space<hbm>> -> memref<128x16xf32, #tpu.memory_space<hbm>>
      %dma_start3A_36 = arith.constant 0 : i32
      %dma_start3A_37 = tpu.memref_slice %arg2[%add3A_33, %dma_start3A_36] : memref<331776x16xf32, #tpu.memory_space<hbm>> -> memref<128x16xf32, #tpu.memory_space<hbm>>
      tpu.enqueue_dma source(%dma_start3A_37 : memref<128x16xf32, #tpu.memory_space<hbm>>) target(%arg8 : memref<128x16xf32, #tpu.memory_space<vmem>>) target_semaphore(%arg10 : memref<!tpu.dma_semaphore, #tpu.memory_space<semaphore_mem>>)
      %dma_wait3A = arith.constant 0 : i32
      %dma_wait3A_38 = tpu.memref_slice %arg2[%add3A_25, %dma_wait3A] : memref<331776x16xf32, #tpu.memory_space<hbm>> -> memref<128x16xf32, #tpu.memory_space<hbm>>
      %dma_wait3A_39 = arith.constant 0 : i32
      %dma_wait3A_40 = tpu.memref_slice %arg2[%add3A_25, %dma_wait3A_39] : memref<331776x16xf32, #tpu.memory_space<hbm>> -> memref<128x16xf32, #tpu.memory_space<hbm>>
      tpu.wait_dma2 semaphore(%arg10 : memref<!tpu.dma_semaphore, #tpu.memory_space<semaphore_mem>>) src(%dma_wait3A_40 : memref<128x16xf32, #tpu.memory_space<hbm>>) dst(%arg7 : memref<128x16xf32, #tpu.memory_space<vmem>>)
      "tpu.region"() ({
        %run_scoped3A_47 = tpu.sem_alloc : memref<!tpu.dma_semaphore, #tpu.memory_space<semaphore_mem>>
        %dma_start3A_48 = arith.constant 0 : i32
        %dma_start3A_49 = tpu.memref_slice %arg6[%add3A_22, %dma_start3A_48] : memref<81x128xi32, #tpu.memory_space<vmem>> -> memref<1x128xi32, #tpu.memory_space<vmem>>
        %dma_start3A_50 = tpu.memref_squeeze %dma_start3A_49 : memref<1x128xi32, #tpu.memory_space<vmem>> -> memref<128xi32, #tpu.memory_space<vmem>>
        %dma_start3A_51 = arith.constant 0 : i32
        %dma_start3A_52 = arith.constant 0 : i32
        %dma_start3A_53 = tpu.memref_slice %arg9[%dma_start3A_51, %dma_start3A_52] : memref<10240x16xf32, #tpu.memory_space<vmem_shared>> -> memref<10240x16xf32, #tpu.memory_space<vmem_shared>>
        tpu.enqueue_indirect_dma source(%arg7 : memref<128x16xf32, #tpu.memory_space<vmem>>) target(%dma_start3A_53 : memref<10240x16xf32, #tpu.memory_space<vmem_shared>>) offsets(%dma_start3A_50 : memref<128xi32, #tpu.memory_space<vmem>>) semaphore(%run_scoped3A_47 : memref<!tpu.dma_semaphore, #tpu.memory_space<semaphore_mem>>) {add = true}
        %dma_wait3A_54 = arith.constant 0 : i32
        %dma_wait3A_55 = tpu.memref_slice %arg6[%add3A_22, %dma_wait3A_54] : memref<81x128xi32, #tpu.memory_space<vmem>> -> memref<1x128xi32, #tpu.memory_space<vmem>>
        %dma_wait3A_56 = tpu.memref_squeeze %dma_wait3A_55 : memref<1x128xi32, #tpu.memory_space<vmem>> -> memref<128xi32, #tpu.memory_space<vmem>>
        %dma_wait3A_57 = arith.constant 0 : i32
        %dma_wait3A_58 = arith.constant 0 : i32
        %dma_wait3A_59 = tpu.memref_slice %arg9[%dma_wait3A_57, %dma_wait3A_58] : memref<10240x16xf32, #tpu.memory_space<vmem_shared>> -> memref<10240x16xf32, #tpu.memory_space<vmem_shared>>
        tpu.wait_indirect_dma semaphore(%run_scoped3A_47 : memref<!tpu.dma_semaphore, #tpu.memory_space<semaphore_mem>>) src(%arg7 : memref<128x16xf32, #tpu.memory_space<vmem>>) dst(%dma_wait3A_59 : memref<10240x16xf32, #tpu.memory_space<vmem_shared>>)
        tpu.yield
      }) : () -> ()
      %dma_wait3A_41 = arith.constant 0 : i32
      %dma_wait3A_42 = tpu.memref_slice %arg2[%add3A_33, %dma_wait3A_41] : memref<331776x16xf32, #tpu.memory_space<hbm>> -> memref<128x16xf32, #tpu.memory_space<hbm>>
      %dma_wait3A_43 = arith.constant 0 : i32
      %dma_wait3A_44 = tpu.memref_slice %arg2[%add3A_33, %dma_wait3A_43] : memref<331776x16xf32, #tpu.memory_space<hbm>> -> memref<128x16xf32, #tpu.memory_space<hbm>>
      tpu.wait_dma2 semaphore(%arg10 : memref<!tpu.dma_semaphore, #tpu.memory_space<semaphore_mem>>) src(%dma_wait3A_44 : memref<128x16xf32, #tpu.memory_space<hbm>>) dst(%arg8 : memref<128x16xf32, #tpu.memory_space<vmem>>)
      %add3A_45 = arith.constant 1 : i32
      %add3A_46 = arith.addi %add3A_22, %add3A_45 : i32
      "tpu.region"() ({
        %run_scoped3A_47 = tpu.sem_alloc : memref<!tpu.dma_semaphore, #tpu.memory_space<semaphore_mem>>
        %dma_start3A_48 = arith.constant 0 : i32
        %dma_start3A_49 = tpu.memref_slice %arg6[%add3A_46, %dma_start3A_48] : memref<81x128xi32, #tpu.memory_space<vmem>> -> memref<1x128xi32, #tpu.memory_space<vmem>>
        %dma_start3A_50 = tpu.memref_squeeze %dma_start3A_49 : memref<1x128xi32, #tpu.memory_space<vmem>> -> memref<128xi32, #tpu.memory_space<vmem>>
        %dma_start3A_51 = arith.constant 0 : i32
        %dma_start3A_52 = arith.constant 0 : i32
        %dma_start3A_53 = tpu.memref_slice %arg9[%dma_start3A_51, %dma_start3A_52] : memref<10240x16xf32, #tpu.memory_space<vmem_shared>> -> memref<10240x16xf32, #tpu.memory_space<vmem_shared>>
        tpu.enqueue_indirect_dma source(%arg8 : memref<128x16xf32, #tpu.memory_space<vmem>>) target(%dma_start3A_53 : memref<10240x16xf32, #tpu.memory_space<vmem_shared>>) offsets(%dma_start3A_50 : memref<128xi32, #tpu.memory_space<vmem>>) semaphore(%run_scoped3A_47 : memref<!tpu.dma_semaphore, #tpu.memory_space<semaphore_mem>>) {add = true}
        %dma_wait3A_54 = arith.constant 0 : i32
        %dma_wait3A_55 = tpu.memref_slice %arg6[%add3A_46, %dma_wait3A_54] : memref<81x128xi32, #tpu.memory_space<vmem>> -> memref<1x128xi32, #tpu.memory_space<vmem>>
        %dma_wait3A_56 = tpu.memref_squeeze %dma_wait3A_55 : memref<1x128xi32, #tpu.memory_space<vmem>> -> memref<128xi32, #tpu.memory_space<vmem>>
        %dma_wait3A_57 = arith.constant 0 : i32
        %dma_wait3A_58 = arith.constant 0 : i32
        %dma_wait3A_59 = tpu.memref_slice %arg9[%dma_wait3A_57, %dma_wait3A_58] : memref<10240x16xf32, #tpu.memory_space<vmem_shared>> -> memref<10240x16xf32, #tpu.memory_space<vmem_shared>>
        tpu.wait_indirect_dma semaphore(%run_scoped3A_47 : memref<!tpu.dma_semaphore, #tpu.memory_space<semaphore_mem>>) src(%arg8 : memref<128x16xf32, #tpu.memory_space<vmem>>) dst(%dma_wait3A_59 : memref<10240x16xf32, #tpu.memory_space<vmem_shared>>)
        tpu.yield
      }) : () -> ()
    }
    %scan3A_10 = arith.constant 40 : i32
    %add3A_11 = arith.constant 10240 : i32
    %add3A_12 = arith.addi %mul3A_6, %add3A_11 : i32
    "tpu.region"() ({
      %run_scoped3A_18 = tpu.sem_alloc : memref<!tpu.dma_semaphore, #tpu.memory_space<semaphore_mem>>
      %dma_start3A = arith.constant 0 : i32
      %dma_start3A_19 = tpu.memref_slice %arg2[%add3A_12, %dma_start3A] : memref<331776x16xf32, #tpu.memory_space<hbm>> -> memref<128x16xf32, #tpu.memory_space<hbm>>
      %dma_start3A_20 = arith.constant 0 : i32
      %dma_start3A_21 = tpu.memref_slice %arg2[%add3A_12, %dma_start3A_20] : memref<331776x16xf32, #tpu.memory_space<hbm>> -> memref<128x16xf32, #tpu.memory_space<hbm>>
      tpu.enqueue_dma source(%dma_start3A_21 : memref<128x16xf32, #tpu.memory_space<hbm>>) target(%arg7 : memref<128x16xf32, #tpu.memory_space<vmem>>) target_semaphore(%run_scoped3A_18 : memref<!tpu.dma_semaphore, #tpu.memory_space<semaphore_mem>>)
      %dma_wait3A = arith.constant 0 : i32
      %dma_wait3A_22 = tpu.memref_slice %arg2[%add3A_12, %dma_wait3A] : memref<331776x16xf32, #tpu.memory_space<hbm>> -> memref<128x16xf32, #tpu.memory_space<hbm>>
      %dma_wait3A_23 = arith.constant 0 : i32
      %dma_wait3A_24 = tpu.memref_slice %arg2[%add3A_12, %dma_wait3A_23] : memref<331776x16xf32, #tpu.memory_space<hbm>> -> memref<128x16xf32, #tpu.memory_space<hbm>>
      tpu.wait_dma2 semaphore(%run_scoped3A_18 : memref<!tpu.dma_semaphore, #tpu.memory_space<semaphore_mem>>) src(%dma_wait3A_24 : memref<128x16xf32, #tpu.memory_space<hbm>>) dst(%arg7 : memref<128x16xf32, #tpu.memory_space<vmem>>)
      tpu.yield
    }) : () -> ()
    %run_scoped3A = arith.constant 80 : i32
    "tpu.region"() ({
      %run_scoped3A_18 = tpu.sem_alloc : memref<!tpu.dma_semaphore, #tpu.memory_space<semaphore_mem>>
      %dma_start3A = arith.constant 0 : i32
      %dma_start3A_19 = tpu.memref_slice %arg6[%run_scoped3A, %dma_start3A] : memref<81x128xi32, #tpu.memory_space<vmem>> -> memref<1x128xi32, #tpu.memory_space<vmem>>
      %dma_start3A_20 = tpu.memref_squeeze %dma_start3A_19 : memref<1x128xi32, #tpu.memory_space<vmem>> -> memref<128xi32, #tpu.memory_space<vmem>>
      %dma_start3A_21 = arith.constant 0 : i32
      %dma_start3A_22 = arith.constant 0 : i32
      %dma_start3A_23 = tpu.memref_slice %arg9[%dma_start3A_21, %dma_start3A_22] : memref<10240x16xf32, #tpu.memory_space<vmem_shared>> -> memref<10240x16xf32, #tpu.memory_space<vmem_shared>>
      tpu.enqueue_indirect_dma source(%arg7 : memref<128x16xf32, #tpu.memory_space<vmem>>) target(%dma_start3A_23 : memref<10240x16xf32, #tpu.memory_space<vmem_shared>>) offsets(%dma_start3A_20 : memref<128xi32, #tpu.memory_space<vmem>>) semaphore(%run_scoped3A_18 : memref<!tpu.dma_semaphore, #tpu.memory_space<semaphore_mem>>) {add = true}
      %dma_wait3A = arith.constant 0 : i32
      %dma_wait3A_24 = tpu.memref_slice %arg6[%run_scoped3A, %dma_wait3A] : memref<81x128xi32, #tpu.memory_space<vmem>> -> memref<1x128xi32, #tpu.memory_space<vmem>>
      %dma_wait3A_25 = tpu.memref_squeeze %dma_wait3A_24 : memref<1x128xi32, #tpu.memory_space<vmem>> -> memref<128xi32, #tpu.memory_space<vmem>>
      %dma_wait3A_26 = arith.constant 0 : i32
      %dma_wait3A_27 = arith.constant 0 : i32
      %dma_wait3A_28 = tpu.memref_slice %arg9[%dma_wait3A_26, %dma_wait3A_27] : memref<10240x16xf32, #tpu.memory_space<vmem_shared>> -> memref<10240x16xf32, #tpu.memory_space<vmem_shared>>
      tpu.wait_indirect_dma semaphore(%run_scoped3A_18 : memref<!tpu.dma_semaphore, #tpu.memory_space<semaphore_mem>>) src(%arg7 : memref<128x16xf32, #tpu.memory_space<vmem>>) dst(%dma_wait3A_28 : memref<10240x16xf32, #tpu.memory_space<vmem_shared>>)
      tpu.yield
    }) : () -> ()
    %barrier3A_13 = arith.constant 0 : index
    tpu.barrier barrier_id(%barrier3A_13)
    %mul3A_14 = arith.constant 640 : i32
    %mul3A_15 = arith.muli %arg1, %mul3A_14 : i32
    %mul3A_16 = arith.constant 640 : i32
    %mul3A_17 = arith.muli %arg1, %mul3A_16 : i32
    "tpu.region"() ({
      %run_scoped3A_18 = tpu.sem_alloc : memref<!tpu.dma_semaphore, #tpu.memory_space<semaphore_mem>>
      %dma_start3A = arith.constant 0 : i32
      %dma_start3A_19 = tpu.memref_slice %arg5[%arg0, %mul3A_17, %dma_start3A] : memref<2x10240x16xf32, #tpu.memory_space<hbm>> -> memref<1x640x16xf32, #tpu.memory_space<hbm>>
      %dma_start3A_20 = tpu.memref_squeeze %dma_start3A_19 : memref<1x640x16xf32, #tpu.memory_space<hbm>> -> memref<640x16xf32, #tpu.memory_space<hbm>>
      %dma_start3A_21 = arith.constant 0 : i32
      %dma_start3A_22 = tpu.memref_slice %arg9[%mul3A_15, %dma_start3A_21] : memref<10240x16xf32, #tpu.memory_space<vmem_shared>> -> memref<640x16xf32, #tpu.memory_space<vmem_shared>>
      tpu.enqueue_dma source(%dma_start3A_22 : memref<640x16xf32, #tpu.memory_space<vmem_shared>>) target(%dma_start3A_20 : memref<640x16xf32, #tpu.memory_space<hbm>>) target_semaphore(%run_scoped3A_18 : memref<!tpu.dma_semaphore, #tpu.memory_space<semaphore_mem>>)
      %dma_wait3A = arith.constant 0 : i32
      %dma_wait3A_23 = tpu.memref_slice %arg5[%arg0, %mul3A_17, %dma_wait3A] : memref<2x10240x16xf32, #tpu.memory_space<hbm>> -> memref<1x640x16xf32, #tpu.memory_space<hbm>>
      %dma_wait3A_24 = tpu.memref_squeeze %dma_wait3A_23 : memref<1x640x16xf32, #tpu.memory_space<hbm>> -> memref<640x16xf32, #tpu.memory_space<hbm>>
      %dma_wait3A_25 = arith.constant 0 : i32
      %dma_wait3A_26 = tpu.memref_slice %arg9[%mul3A_15, %dma_wait3A_25] : memref<10240x16xf32, #tpu.memory_space<vmem_shared>> -> memref<640x16xf32, #tpu.memory_space<vmem_shared>>
      tpu.wait_dma2 semaphore(%run_scoped3A_18 : memref<!tpu.dma_semaphore, #tpu.memory_space<semaphore_mem>>) src(%dma_wait3A_26 : memref<640x16xf32, #tpu.memory_space<vmem_shared>>) dst(%dma_wait3A_24 : memref<640x16xf32, #tpu.memory_space<hbm>>)
      tpu.yield
    }) : () -> ()
    return
  }
}

#map = affine_map<(d0, d1) -> (0, 0)>
#map1 = affine_map<(d0, d1) -> (0, 0, 0)>
module attributes {stable_mosaic.version = 14 : i64} {
  func.func @_scatter_body(%arg0: i32, %arg1: i32, %arg2: memref<331776x128xf32, #tpu.memory_space<hbm>>, %arg3: memref<32x81x128xi32, #tpu.memory_space<hbm>>, %arg4: memref<10240x128xf32, #tpu.memory_space<hbm>>, %arg5: memref<2x10240x128xf32, #tpu.memory_space<hbm>>, %arg6: memref<81x128xi32, #tpu.memory_space<vmem>>, %arg7: memref<128x128xf32, #tpu.memory_space<vmem>>, %arg8: memref<128x128xf32, #tpu.memory_space<vmem>>, %arg9: memref<10240x128xf32, #tpu.memory_space<vmem_shared>>, %arg10: memref<!tpu.dma_semaphore, #tpu.memory_space<semaphore_mem>>) attributes {dimension_semantics = [#tpu.dimension_semantics<core_parallel>, #tpu.dimension_semantics<subcore_parallel>], iteration_bounds = array<i64: 2, 16>, scalar_prefetch = 0 : i64, scratch_operands = 5 : i64, tpu.core_type = #tpu.core_type<sc_vector_subcore>, window_params = [{transform_indices = #map}, {transform_indices = #map1}, {transform_indices = #map}, {transform_indices = #map1}]} {
    %mul3A = arith.constant 640 : i32
    %mul3A_0 = arith.muli %arg1, %mul3A : i32
    %mul3A_1 = arith.constant 640 : i32
    %mul3A_2 = arith.muli %arg1, %mul3A_1 : i32
    "tpu.region"() ({
      %run_scoped3A_18 = tpu.sem_alloc : memref<!tpu.dma_semaphore, #tpu.memory_space<semaphore_mem>>
      %dma_start3A = arith.constant 0 : i32
      %dma_start3A_19 = tpu.memref_slice %arg9[%mul3A_2, %dma_start3A] : memref<10240x128xf32, #tpu.memory_space<vmem_shared>> -> memref<640x128xf32, #tpu.memory_space<vmem_shared>>
      %dma_start3A_20 = arith.constant 0 : i32
      %dma_start3A_21 = tpu.memref_slice %arg4[%mul3A_0, %dma_start3A_20] : memref<10240x128xf32, #tpu.memory_space<hbm>> -> memref<640x128xf32, #tpu.memory_space<hbm>>
      tpu.enqueue_dma source(%dma_start3A_21 : memref<640x128xf32, #tpu.memory_space<hbm>>) target(%dma_start3A_19 : memref<640x128xf32, #tpu.memory_space<vmem_shared>>) target_semaphore(%run_scoped3A_18 : memref<!tpu.dma_semaphore, #tpu.memory_space<semaphore_mem>>)
      %dma_wait3A = arith.constant 0 : i32
      %dma_wait3A_22 = tpu.memref_slice %arg9[%mul3A_2, %dma_wait3A] : memref<10240x128xf32, #tpu.memory_space<vmem_shared>> -> memref<640x128xf32, #tpu.memory_space<vmem_shared>>
      %dma_wait3A_23 = arith.constant 0 : i32
      %dma_wait3A_24 = tpu.memref_slice %arg4[%mul3A_0, %dma_wait3A_23] : memref<10240x128xf32, #tpu.memory_space<hbm>> -> memref<640x128xf32, #tpu.memory_space<hbm>>
      tpu.wait_dma2 semaphore(%run_scoped3A_18 : memref<!tpu.dma_semaphore, #tpu.memory_space<semaphore_mem>>) src(%dma_wait3A_24 : memref<640x128xf32, #tpu.memory_space<hbm>>) dst(%dma_wait3A_22 : memref<640x128xf32, #tpu.memory_space<vmem_shared>>)
      tpu.yield
    }) : () -> ()
    %barrier3A = arith.constant 0 : index
    tpu.barrier barrier_id(%barrier3A)
    %mul3A_3 = arith.constant 16 : i32
    %mul3A_4 = arith.muli %arg0, %mul3A_3 : i32
    %add3A = arith.addi %mul3A_4, %arg1 : i32
    "tpu.region"() ({
      %run_scoped3A_18 = tpu.sem_alloc : memref<!tpu.dma_semaphore, #tpu.memory_space<semaphore_mem>>
      %dma_start3A = arith.constant 0 : i32
      %dma_start3A_19 = arith.constant 0 : i32
      %dma_start3A_20 = tpu.memref_slice %arg3[%add3A, %dma_start3A, %dma_start3A_19] : memref<32x81x128xi32, #tpu.memory_space<hbm>> -> memref<1x81x128xi32, #tpu.memory_space<hbm>>
      %dma_start3A_21 = tpu.memref_squeeze %dma_start3A_20 : memref<1x81x128xi32, #tpu.memory_space<hbm>> -> memref<81x128xi32, #tpu.memory_space<hbm>>
      %dma_start3A_22 = arith.constant 0 : i32
      %dma_start3A_23 = arith.constant 0 : i32
      %dma_start3A_24 = tpu.memref_slice %arg3[%add3A, %dma_start3A_22, %dma_start3A_23] : memref<32x81x128xi32, #tpu.memory_space<hbm>> -> memref<1x81x128xi32, #tpu.memory_space<hbm>>
      %dma_start3A_25 = tpu.memref_squeeze %dma_start3A_24 : memref<1x81x128xi32, #tpu.memory_space<hbm>> -> memref<81x128xi32, #tpu.memory_space<hbm>>
      tpu.enqueue_dma source(%dma_start3A_25 : memref<81x128xi32, #tpu.memory_space<hbm>>) target(%arg6 : memref<81x128xi32, #tpu.memory_space<vmem>>) target_semaphore(%run_scoped3A_18 : memref<!tpu.dma_semaphore, #tpu.memory_space<semaphore_mem>>)
      %dma_wait3A = arith.constant 0 : i32
      %dma_wait3A_26 = arith.constant 0 : i32
      %dma_wait3A_27 = tpu.memref_slice %arg3[%add3A, %dma_wait3A, %dma_wait3A_26] : memref<32x81x128xi32, #tpu.memory_space<hbm>> -> memref<1x81x128xi32, #tpu.memory_space<hbm>>
      %dma_wait3A_28 = tpu.memref_squeeze %dma_wait3A_27 : memref<1x81x128xi32, #tpu.memory_space<hbm>> -> memref<81x128xi32, #tpu.memory_space<hbm>>
      %dma_wait3A_29 = arith.constant 0 : i32
      %dma_wait3A_30 = arith.constant 0 : i32
      %dma_wait3A_31 = tpu.memref_slice %arg3[%add3A, %dma_wait3A_29, %dma_wait3A_30] : memref<32x81x128xi32, #tpu.memory_space<hbm>> -> memref<1x81x128xi32, #tpu.memory_space<hbm>>
      %dma_wait3A_32 = tpu.memref_squeeze %dma_wait3A_31 : memref<1x81x128xi32, #tpu.memory_space<hbm>> -> memref<81x128xi32, #tpu.memory_space<hbm>>
      tpu.wait_dma2 semaphore(%run_scoped3A_18 : memref<!tpu.dma_semaphore, #tpu.memory_space<semaphore_mem>>) src(%dma_wait3A_32 : memref<81x128xi32, #tpu.memory_space<hbm>>) dst(%arg6 : memref<81x128xi32, #tpu.memory_space<vmem>>)
      tpu.yield
    }) : () -> ()
    %mul3A_5 = arith.constant 10368 : i32
    %mul3A_6 = arith.muli %add3A, %mul3A_5 : i32
    %scan3A = arith.constant 0 : i32
    %scan3A_7 = arith.constant 40 : i32
    %scan3A_8 = arith.addi %scan3A, %scan3A_7 : i32
    %scan3A_9 = arith.constant 1 : i32
    scf.for %scan3A_18 = %scan3A to %scan3A_8 step %scan3A_9  : i32 {
      %mul3A_19 = arith.constant 2 : i32
      %mul3A_20 = arith.muli %scan3A_18, %mul3A_19 : i32
      %add3A_21 = arith.constant 0 : i32
      %add3A_22 = arith.addi %add3A_21, %mul3A_20 : i32
      %mul3A_23 = arith.constant 128 : i32
      %mul3A_24 = arith.muli %add3A_22, %mul3A_23 : i32
      %add3A_25 = arith.addi %mul3A_6, %mul3A_24 : i32
      %dma_start3A = arith.constant 0 : i32
      %dma_start3A_26 = tpu.memref_slice %arg2[%add3A_25, %dma_start3A] : memref<331776x128xf32, #tpu.memory_space<hbm>> -> memref<128x128xf32, #tpu.memory_space<hbm>>
      %dma_start3A_27 = arith.constant 0 : i32
      %dma_start3A_28 = tpu.memref_slice %arg2[%add3A_25, %dma_start3A_27] : memref<331776x128xf32, #tpu.memory_space<hbm>> -> memref<128x128xf32, #tpu.memory_space<hbm>>
      tpu.enqueue_dma source(%dma_start3A_28 : memref<128x128xf32, #tpu.memory_space<hbm>>) target(%arg7 : memref<128x128xf32, #tpu.memory_space<vmem>>) target_semaphore(%arg10 : memref<!tpu.dma_semaphore, #tpu.memory_space<semaphore_mem>>)
      %add3A_29 = arith.constant 1 : i32
      %add3A_30 = arith.addi %add3A_22, %add3A_29 : i32
      %mul3A_31 = arith.constant 128 : i32
      %mul3A_32 = arith.muli %add3A_30, %mul3A_31 : i32
      %add3A_33 = arith.addi %mul3A_6, %mul3A_32 : i32
      %dma_start3A_34 = arith.constant 0 : i32
      %dma_start3A_35 = tpu.memref_slice %arg2[%add3A_33, %dma_start3A_34] : memref<331776x128xf32, #tpu.memory_space<hbm>> -> memref<128x128xf32, #tpu.memory_space<hbm>>
      %dma_start3A_36 = arith.constant 0 : i32
      %dma_start3A_37 = tpu.memref_slice %arg2[%add3A_33, %dma_start3A_36] : memref<331776x128xf32, #tpu.memory_space<hbm>> -> memref<128x128xf32, #tpu.memory_space<hbm>>
      tpu.enqueue_dma source(%dma_start3A_37 : memref<128x128xf32, #tpu.memory_space<hbm>>) target(%arg8 : memref<128x128xf32, #tpu.memory_space<vmem>>) target_semaphore(%arg10 : memref<!tpu.dma_semaphore, #tpu.memory_space<semaphore_mem>>)
      %dma_wait3A = arith.constant 0 : i32
      %dma_wait3A_38 = tpu.memref_slice %arg2[%add3A_25, %dma_wait3A] : memref<331776x128xf32, #tpu.memory_space<hbm>> -> memref<128x128xf32, #tpu.memory_space<hbm>>
      %dma_wait3A_39 = arith.constant 0 : i32
      %dma_wait3A_40 = tpu.memref_slice %arg2[%add3A_25, %dma_wait3A_39] : memref<331776x128xf32, #tpu.memory_space<hbm>> -> memref<128x128xf32, #tpu.memory_space<hbm>>
      tpu.wait_dma2 semaphore(%arg10 : memref<!tpu.dma_semaphore, #tpu.memory_space<semaphore_mem>>) src(%dma_wait3A_40 : memref<128x128xf32, #tpu.memory_space<hbm>>) dst(%arg7 : memref<128x128xf32, #tpu.memory_space<vmem>>)
      "tpu.region"() ({
        %run_scoped3A_47 = tpu.sem_alloc : memref<!tpu.dma_semaphore, #tpu.memory_space<semaphore_mem>>
        %dma_start3A_48 = arith.constant 0 : i32
        %dma_start3A_49 = tpu.memref_slice %arg6[%add3A_22, %dma_start3A_48] : memref<81x128xi32, #tpu.memory_space<vmem>> -> memref<1x128xi32, #tpu.memory_space<vmem>>
        %dma_start3A_50 = tpu.memref_squeeze %dma_start3A_49 : memref<1x128xi32, #tpu.memory_space<vmem>> -> memref<128xi32, #tpu.memory_space<vmem>>
        %dma_start3A_51 = arith.constant 0 : i32
        %dma_start3A_52 = arith.constant 0 : i32
        %dma_start3A_53 = tpu.memref_slice %arg9[%dma_start3A_51, %dma_start3A_52] : memref<10240x128xf32, #tpu.memory_space<vmem_shared>> -> memref<10240x128xf32, #tpu.memory_space<vmem_shared>>
        tpu.enqueue_indirect_dma source(%arg7 : memref<128x128xf32, #tpu.memory_space<vmem>>) target(%dma_start3A_53 : memref<10240x128xf32, #tpu.memory_space<vmem_shared>>) offsets(%dma_start3A_50 : memref<128xi32, #tpu.memory_space<vmem>>) semaphore(%run_scoped3A_47 : memref<!tpu.dma_semaphore, #tpu.memory_space<semaphore_mem>>) {add = true}
        %dma_wait3A_54 = arith.constant 0 : i32
        %dma_wait3A_55 = tpu.memref_slice %arg6[%add3A_22, %dma_wait3A_54] : memref<81x128xi32, #tpu.memory_space<vmem>> -> memref<1x128xi32, #tpu.memory_space<vmem>>
        %dma_wait3A_56 = tpu.memref_squeeze %dma_wait3A_55 : memref<1x128xi32, #tpu.memory_space<vmem>> -> memref<128xi32, #tpu.memory_space<vmem>>
        %dma_wait3A_57 = arith.constant 0 : i32
        %dma_wait3A_58 = arith.constant 0 : i32
        %dma_wait3A_59 = tpu.memref_slice %arg9[%dma_wait3A_57, %dma_wait3A_58] : memref<10240x128xf32, #tpu.memory_space<vmem_shared>> -> memref<10240x128xf32, #tpu.memory_space<vmem_shared>>
        tpu.wait_indirect_dma semaphore(%run_scoped3A_47 : memref<!tpu.dma_semaphore, #tpu.memory_space<semaphore_mem>>) src(%arg7 : memref<128x128xf32, #tpu.memory_space<vmem>>) dst(%dma_wait3A_59 : memref<10240x128xf32, #tpu.memory_space<vmem_shared>>)
        tpu.yield
      }) : () -> ()
      %dma_wait3A_41 = arith.constant 0 : i32
      %dma_wait3A_42 = tpu.memref_slice %arg2[%add3A_33, %dma_wait3A_41] : memref<331776x128xf32, #tpu.memory_space<hbm>> -> memref<128x128xf32, #tpu.memory_space<hbm>>
      %dma_wait3A_43 = arith.constant 0 : i32
      %dma_wait3A_44 = tpu.memref_slice %arg2[%add3A_33, %dma_wait3A_43] : memref<331776x128xf32, #tpu.memory_space<hbm>> -> memref<128x128xf32, #tpu.memory_space<hbm>>
      tpu.wait_dma2 semaphore(%arg10 : memref<!tpu.dma_semaphore, #tpu.memory_space<semaphore_mem>>) src(%dma_wait3A_44 : memref<128x128xf32, #tpu.memory_space<hbm>>) dst(%arg8 : memref<128x128xf32, #tpu.memory_space<vmem>>)
      %add3A_45 = arith.constant 1 : i32
      %add3A_46 = arith.addi %add3A_22, %add3A_45 : i32
      "tpu.region"() ({
        %run_scoped3A_47 = tpu.sem_alloc : memref<!tpu.dma_semaphore, #tpu.memory_space<semaphore_mem>>
        %dma_start3A_48 = arith.constant 0 : i32
        %dma_start3A_49 = tpu.memref_slice %arg6[%add3A_46, %dma_start3A_48] : memref<81x128xi32, #tpu.memory_space<vmem>> -> memref<1x128xi32, #tpu.memory_space<vmem>>
        %dma_start3A_50 = tpu.memref_squeeze %dma_start3A_49 : memref<1x128xi32, #tpu.memory_space<vmem>> -> memref<128xi32, #tpu.memory_space<vmem>>
        %dma_start3A_51 = arith.constant 0 : i32
        %dma_start3A_52 = arith.constant 0 : i32
        %dma_start3A_53 = tpu.memref_slice %arg9[%dma_start3A_51, %dma_start3A_52] : memref<10240x128xf32, #tpu.memory_space<vmem_shared>> -> memref<10240x128xf32, #tpu.memory_space<vmem_shared>>
        tpu.enqueue_indirect_dma source(%arg8 : memref<128x128xf32, #tpu.memory_space<vmem>>) target(%dma_start3A_53 : memref<10240x128xf32, #tpu.memory_space<vmem_shared>>) offsets(%dma_start3A_50 : memref<128xi32, #tpu.memory_space<vmem>>) semaphore(%run_scoped3A_47 : memref<!tpu.dma_semaphore, #tpu.memory_space<semaphore_mem>>) {add = true}
        %dma_wait3A_54 = arith.constant 0 : i32
        %dma_wait3A_55 = tpu.memref_slice %arg6[%add3A_46, %dma_wait3A_54] : memref<81x128xi32, #tpu.memory_space<vmem>> -> memref<1x128xi32, #tpu.memory_space<vmem>>
        %dma_wait3A_56 = tpu.memref_squeeze %dma_wait3A_55 : memref<1x128xi32, #tpu.memory_space<vmem>> -> memref<128xi32, #tpu.memory_space<vmem>>
        %dma_wait3A_57 = arith.constant 0 : i32
        %dma_wait3A_58 = arith.constant 0 : i32
        %dma_wait3A_59 = tpu.memref_slice %arg9[%dma_wait3A_57, %dma_wait3A_58] : memref<10240x128xf32, #tpu.memory_space<vmem_shared>> -> memref<10240x128xf32, #tpu.memory_space<vmem_shared>>
        tpu.wait_indirect_dma semaphore(%run_scoped3A_47 : memref<!tpu.dma_semaphore, #tpu.memory_space<semaphore_mem>>) src(%arg8 : memref<128x128xf32, #tpu.memory_space<vmem>>) dst(%dma_wait3A_59 : memref<10240x128xf32, #tpu.memory_space<vmem_shared>>)
        tpu.yield
      }) : () -> ()
    }
    %scan3A_10 = arith.constant 40 : i32
    %add3A_11 = arith.constant 10240 : i32
    %add3A_12 = arith.addi %mul3A_6, %add3A_11 : i32
    "tpu.region"() ({
      %run_scoped3A_18 = tpu.sem_alloc : memref<!tpu.dma_semaphore, #tpu.memory_space<semaphore_mem>>
      %dma_start3A = arith.constant 0 : i32
      %dma_start3A_19 = tpu.memref_slice %arg2[%add3A_12, %dma_start3A] : memref<331776x128xf32, #tpu.memory_space<hbm>> -> memref<128x128xf32, #tpu.memory_space<hbm>>
      %dma_start3A_20 = arith.constant 0 : i32
      %dma_start3A_21 = tpu.memref_slice %arg2[%add3A_12, %dma_start3A_20] : memref<331776x128xf32, #tpu.memory_space<hbm>> -> memref<128x128xf32, #tpu.memory_space<hbm>>
      tpu.enqueue_dma source(%dma_start3A_21 : memref<128x128xf32, #tpu.memory_space<hbm>>) target(%arg7 : memref<128x128xf32, #tpu.memory_space<vmem>>) target_semaphore(%run_scoped3A_18 : memref<!tpu.dma_semaphore, #tpu.memory_space<semaphore_mem>>)
      %dma_wait3A = arith.constant 0 : i32
      %dma_wait3A_22 = tpu.memref_slice %arg2[%add3A_12, %dma_wait3A] : memref<331776x128xf32, #tpu.memory_space<hbm>> -> memref<128x128xf32, #tpu.memory_space<hbm>>
      %dma_wait3A_23 = arith.constant 0 : i32
      %dma_wait3A_24 = tpu.memref_slice %arg2[%add3A_12, %dma_wait3A_23] : memref<331776x128xf32, #tpu.memory_space<hbm>> -> memref<128x128xf32, #tpu.memory_space<hbm>>
      tpu.wait_dma2 semaphore(%run_scoped3A_18 : memref<!tpu.dma_semaphore, #tpu.memory_space<semaphore_mem>>) src(%dma_wait3A_24 : memref<128x128xf32, #tpu.memory_space<hbm>>) dst(%arg7 : memref<128x128xf32, #tpu.memory_space<vmem>>)
      tpu.yield
    }) : () -> ()
    %run_scoped3A = arith.constant 80 : i32
    "tpu.region"() ({
      %run_scoped3A_18 = tpu.sem_alloc : memref<!tpu.dma_semaphore, #tpu.memory_space<semaphore_mem>>
      %dma_start3A = arith.constant 0 : i32
      %dma_start3A_19 = tpu.memref_slice %arg6[%run_scoped3A, %dma_start3A] : memref<81x128xi32, #tpu.memory_space<vmem>> -> memref<1x128xi32, #tpu.memory_space<vmem>>
      %dma_start3A_20 = tpu.memref_squeeze %dma_start3A_19 : memref<1x128xi32, #tpu.memory_space<vmem>> -> memref<128xi32, #tpu.memory_space<vmem>>
      %dma_start3A_21 = arith.constant 0 : i32
      %dma_start3A_22 = arith.constant 0 : i32
      %dma_start3A_23 = tpu.memref_slice %arg9[%dma_start3A_21, %dma_start3A_22] : memref<10240x128xf32, #tpu.memory_space<vmem_shared>> -> memref<10240x128xf32, #tpu.memory_space<vmem_shared>>
      tpu.enqueue_indirect_dma source(%arg7 : memref<128x128xf32, #tpu.memory_space<vmem>>) target(%dma_start3A_23 : memref<10240x128xf32, #tpu.memory_space<vmem_shared>>) offsets(%dma_start3A_20 : memref<128xi32, #tpu.memory_space<vmem>>) semaphore(%run_scoped3A_18 : memref<!tpu.dma_semaphore, #tpu.memory_space<semaphore_mem>>) {add = true}
      %dma_wait3A = arith.constant 0 : i32
      %dma_wait3A_24 = tpu.memref_slice %arg6[%run_scoped3A, %dma_wait3A] : memref<81x128xi32, #tpu.memory_space<vmem>> -> memref<1x128xi32, #tpu.memory_space<vmem>>
      %dma_wait3A_25 = tpu.memref_squeeze %dma_wait3A_24 : memref<1x128xi32, #tpu.memory_space<vmem>> -> memref<128xi32, #tpu.memory_space<vmem>>
      %dma_wait3A_26 = arith.constant 0 : i32
      %dma_wait3A_27 = arith.constant 0 : i32
      %dma_wait3A_28 = tpu.memref_slice %arg9[%dma_wait3A_26, %dma_wait3A_27] : memref<10240x128xf32, #tpu.memory_space<vmem_shared>> -> memref<10240x128xf32, #tpu.memory_space<vmem_shared>>
      tpu.wait_indirect_dma semaphore(%run_scoped3A_18 : memref<!tpu.dma_semaphore, #tpu.memory_space<semaphore_mem>>) src(%arg7 : memref<128x128xf32, #tpu.memory_space<vmem>>) dst(%dma_wait3A_28 : memref<10240x128xf32, #tpu.memory_space<vmem_shared>>)
      tpu.yield
    }) : () -> ()
    %barrier3A_13 = arith.constant 0 : index
    tpu.barrier barrier_id(%barrier3A_13)
    %mul3A_14 = arith.constant 640 : i32
    %mul3A_15 = arith.muli %arg1, %mul3A_14 : i32
    %mul3A_16 = arith.constant 640 : i32
    %mul3A_17 = arith.muli %arg1, %mul3A_16 : i32
    "tpu.region"() ({
      %run_scoped3A_18 = tpu.sem_alloc : memref<!tpu.dma_semaphore, #tpu.memory_space<semaphore_mem>>
      %dma_start3A = arith.constant 0 : i32
      %dma_start3A_19 = tpu.memref_slice %arg5[%arg0, %mul3A_17, %dma_start3A] : memref<2x10240x128xf32, #tpu.memory_space<hbm>> -> memref<1x640x128xf32, #tpu.memory_space<hbm>>
      %dma_start3A_20 = tpu.memref_squeeze %dma_start3A_19 : memref<1x640x128xf32, #tpu.memory_space<hbm>> -> memref<640x128xf32, #tpu.memory_space<hbm>>
      %dma_start3A_21 = arith.constant 0 : i32
      %dma_start3A_22 = tpu.memref_slice %arg9[%mul3A_15, %dma_start3A_21] : memref<10240x128xf32, #tpu.memory_space<vmem_shared>> -> memref<640x128xf32, #tpu.memory_space<vmem_shared>>
      tpu.enqueue_dma source(%dma_start3A_22 : memref<640x128xf32, #tpu.memory_space<vmem_shared>>) target(%dma_start3A_20 : memref<640x128xf32, #tpu.memory_space<hbm>>) target_semaphore(%run_scoped3A_18 : memref<!tpu.dma_semaphore, #tpu.memory_space<semaphore_mem>>)
      %dma_wait3A = arith.constant 0 : i32
      %dma_wait3A_23 = tpu.memref_slice %arg5[%arg0, %mul3A_17, %dma_wait3A] : memref<2x10240x128xf32, #tpu.memory_space<hbm>> -> memref<1x640x128xf32, #tpu.memory_space<hbm>>
      %dma_wait3A_24 = tpu.memref_squeeze %dma_wait3A_23 : memref<1x640x128xf32, #tpu.memory_space<hbm>> -> memref<640x128xf32, #tpu.memory_space<hbm>>
      %dma_wait3A_25 = arith.constant 0 : i32
      %dma_wait3A_26 = tpu.memref_slice %arg9[%mul3A_15, %dma_wait3A_25] : memref<10240x128xf32, #tpu.memory_space<vmem_shared>> -> memref<640x128xf32, #tpu.memory_space<vmem_shared>>
      tpu.wait_dma2 semaphore(%run_scoped3A_18 : memref<!tpu.dma_semaphore, #tpu.memory_space<semaphore_mem>>) src(%dma_wait3A_26 : memref<640x128xf32, #tpu.memory_space<vmem_shared>>) dst(%dma_wait3A_24 : memref<640x128xf32, #tpu.memory_space<hbm>>)
      tpu.yield
    }) : () -> ()
    return
  }
}

module attributes {stable_mosaic.version = 14 : i64} {
  func.func @_k_node1_body(%arg0: i32, %arg1: memref<1280x128xf32, #tpu.memory_space<vmem>>, %arg2: memref<16x128xf32, #tpu.memory_space<vmem>>, %arg3: memref<1x16xf32, #tpu.memory_space<vmem>>, %arg4: memref<128x16xf32, #tpu.memory_space<vmem>>, %arg5: memref<1x128xf32, #tpu.memory_space<vmem>>, %arg6: memref<128x16xf32, #tpu.memory_space<vmem>>, %arg7: memref<1x128xf32, #tpu.memory_space<vmem>>, %arg8: memref<1280x128xf32, #tpu.memory_space<vmem>>, %arg9: memref<1280x128xf32, #tpu.memory_space<vmem>>) attributes {dimension_semantics = [#tpu.dimension_semantics<arbitrary>], iteration_bounds = array<i64: 8>, scalar_prefetch = 0 : i64, scratch_operands = 0 : i64, tpu.core_type = #tpu.core_type<tc>, window_params = [{transform_indices = @transform_0, window_bounds = array<i64: 1280, 128>}, {pipeline_mode = #tpu.pipeline_mode<synchronous>, transform_indices = @transform_1, window_bounds = array<i64: 16, 128>}, {pipeline_mode = #tpu.pipeline_mode<synchronous>, transform_indices = @transform_2, window_bounds = array<i64: 1, 16>}, {pipeline_mode = #tpu.pipeline_mode<synchronous>, transform_indices = @transform_3, window_bounds = array<i64: 128, 16>}, {pipeline_mode = #tpu.pipeline_mode<synchronous>, transform_indices = @transform_4, window_bounds = array<i64: 1, 128>}, {pipeline_mode = #tpu.pipeline_mode<synchronous>, transform_indices = @transform_5, window_bounds = array<i64: 128, 16>}, {pipeline_mode = #tpu.pipeline_mode<synchronous>, transform_indices = @transform_6, window_bounds = array<i64: 1, 128>}, {transform_indices = @transform_7, window_bounds = array<i64: 1280, 128>}, {transform_indices = @transform_8, window_bounds = array<i64: 1280, 128>}]} {
    %get3A = arith.constant 0 : index
    %get3A_0 = arith.constant 0 : index
    %get3A_1 = vector.load %arg1[%get3A, %get3A_0] : memref<1280x128xf32, #tpu.memory_space<vmem>>, vector<1280x128xf32>
    %get3A_2 = arith.constant 0 : index
    %get3A_3 = arith.constant 0 : index
    %get3A_4 = vector.load %arg2[%get3A_2, %get3A_3] : memref<16x128xf32, #tpu.memory_space<vmem>>, vector<16x128xf32>
    %dot_general3A = arith.constant dense<0.000000e+00> : vector<1280x16xf32>
    %dot_general3A_5 = tpu.matmul %get3A_1, %get3A_4, %dot_general3A {dimension_numbers = #tpu.dot_dimension_numbers<[1], [1], [0], [0], [0, 0, 1, 0], [], []>, precision = #tpu.contract_precision<fp32>, transpose_lhs_hint = false} : vector<1280x128xf32>, vector<16x128xf32>, vector<1280x16xf32> -> vector<1280x16xf32>
    %get3A_6 = arith.constant 0 : index
    %get3A_7 = arith.constant 0 : index
    %get3A_8 = vector.load %arg3[%get3A_6, %get3A_7] : memref<1x16xf32, #tpu.memory_space<vmem>>, vector<1x16xf32>
    %add3A = vector.broadcast %get3A_8 : vector<1x16xf32> to vector<1280x16xf32>
    %add3A_9 = arith.addf %dot_general3A_5, %add3A : vector<1280x16xf32>
    %gt3A = arith.constant 0.000000e+00 : f32
    %gt3A_10 = vector.broadcast %gt3A : f32 to vector<1280x16xf32>
    %gt3A_11 = arith.cmpf ogt, %add3A_9, %gt3A_10 : vector<1280x16xf32>
    %min3A = arith.constant 0.000000e+00 : f32
    %min3A_12 = vector.broadcast %min3A : f32 to vector<1280x16xf32>
    %min3A_13 = arith.minimumf %add3A_9, %min3A_12 : vector<1280x16xf32>
    %exp3A = math.exp %min3A_13 : vector<1280x16xf32>
    %sub3A = arith.constant 1.000000e+00 : f32
    %sub3A_14 = vector.broadcast %sub3A : f32 to vector<1280x16xf32>
    %sub3A_15 = arith.subf %exp3A, %sub3A_14 : vector<1280x16xf32>
    %select_n3A = arith.select %gt3A_11, %add3A_9, %sub3A_15 : vector<1280x16xi1>, vector<1280x16xf32>
    %get3A_16 = arith.constant 0 : index
    %get3A_17 = arith.constant 0 : index
    %get3A_18 = vector.load %arg4[%get3A_16, %get3A_17] : memref<128x16xf32, #tpu.memory_space<vmem>>, vector<128x16xf32>
    %dot_general3A_19 = arith.constant dense<0.000000e+00> : vector<1280x128xf32>
    %dot_general3A_20 = tpu.matmul %select_n3A, %get3A_18, %dot_general3A_19 {dimension_numbers = #tpu.dot_dimension_numbers<[1], [1], [0], [0], [0, 0, 1, 0], [], []>, precision = #tpu.contract_precision<fp32>, transpose_lhs_hint = false} : vector<1280x16xf32>, vector<128x16xf32>, vector<1280x128xf32> -> vector<1280x128xf32>
    %get3A_21 = arith.constant 0 : index
    %get3A_22 = arith.constant 0 : index
    %get3A_23 = vector.load %arg5[%get3A_21, %get3A_22] : memref<1x128xf32, #tpu.memory_space<vmem>>, vector<1x128xf32>
    %add3A_24 = vector.broadcast %get3A_23 : vector<1x128xf32> to vector<1280x128xf32>
    %add3A_25 = arith.addf %dot_general3A_20, %add3A_24 : vector<1280x128xf32>
    %swap3A = arith.constant 0 : index
    %swap3A_26 = arith.constant 0 : index
    %swap3A_27 = vector.load %arg8[%swap3A, %swap3A_26] : memref<1280x128xf32, #tpu.memory_space<vmem>>, vector<1280x128xf32>
    tpu.vector_store %arg8[%swap3A, %swap3A_26], %add3A_25 {strides = array<i32>} : memref<1280x128xf32, #tpu.memory_space<vmem>>, vector<1280x128xf32>,
    %get3A_28 = arith.constant 0 : index
    %get3A_29 = arith.constant 0 : index
    %get3A_30 = vector.load %arg6[%get3A_28, %get3A_29] : memref<128x16xf32, #tpu.memory_space<vmem>>, vector<128x16xf32>
    %dot_general3A_31 = arith.constant dense<0.000000e+00> : vector<1280x128xf32>
    %dot_general3A_32 = tpu.matmul %select_n3A, %get3A_30, %dot_general3A_31 {dimension_numbers = #tpu.dot_dimension_numbers<[1], [1], [0], [0], [0, 0, 1, 0], [], []>, precision = #tpu.contract_precision<fp32>, transpose_lhs_hint = false} : vector<1280x16xf32>, vector<128x16xf32>, vector<1280x128xf32> -> vector<1280x128xf32>
    %get3A_33 = arith.constant 0 : index
    %get3A_34 = arith.constant 0 : index
    %get3A_35 = vector.load %arg7[%get3A_33, %get3A_34] : memref<1x128xf32, #tpu.memory_space<vmem>>, vector<1x128xf32>
    %add3A_36 = vector.broadcast %get3A_35 : vector<1x128xf32> to vector<1280x128xf32>
    %add3A_37 = arith.addf %dot_general3A_32, %add3A_36 : vector<1280x128xf32>
    %swap3A_38 = arith.constant 0 : index
    %swap3A_39 = arith.constant 0 : index
    %swap3A_40 = vector.load %arg9[%swap3A_38, %swap3A_39] : memref<1280x128xf32, #tpu.memory_space<vmem>>, vector<1280x128xf32>
    tpu.vector_store %arg9[%swap3A_38, %swap3A_39], %add3A_37 {strides = array<i32>} : memref<1280x128xf32, #tpu.memory_space<vmem>>, vector<1280x128xf32>,
    return
  }
  func.func @transform_0(%arg0: i32) -> (i32, i32) {
    %c0_i32 = arith.constant 0 : i32
    %c0_i32_0 = arith.constant 0 : i32
    return %arg0, %c0_i32 : i32, i32
  }
  func.func @transform_1(%arg0: i32) -> (i32, i32) {
    %c0_i32 = arith.constant 0 : i32
    %c0_i32_0 = arith.constant 0 : i32
    %c0_i32_1 = arith.constant 0 : i32
    return %c0_i32, %c0_i32_0 : i32, i32
  }
  func.func @transform_2(%arg0: i32) -> (i32, i32) {
    %c0_i32 = arith.constant 0 : i32
    %c0_i32_0 = arith.constant 0 : i32
    %c0_i32_1 = arith.constant 0 : i32
    return %c0_i32, %c0_i32_0 : i32, i32
  }
  func.func @transform_3(%arg0: i32) -> (i32, i32) {
    %c0_i32 = arith.constant 0 : i32
    %c0_i32_0 = arith.constant 0 : i32
    %c0_i32_1 = arith.constant 0 : i32
    return %c0_i32, %c0_i32_0 : i32, i32
  }
  func.func @transform_4(%arg0: i32) -> (i32, i32) {
    %c0_i32 = arith.constant 0 : i32
    %c0_i32_0 = arith.constant 0 : i32
    %c0_i32_1 = arith.constant 0 : i32
    return %c0_i32, %c0_i32_0 : i32, i32
  }
  func.func @transform_5(%arg0: i32) -> (i32, i32) {
    %c0_i32 = arith.constant 0 : i32
    %c0_i32_0 = arith.constant 0 : i32
    %c0_i32_1 = arith.constant 0 : i32
    return %c0_i32, %c0_i32_0 : i32, i32
  }
  func.func @transform_6(%arg0: i32) -> (i32, i32) {
    %c0_i32 = arith.constant 0 : i32
    %c0_i32_0 = arith.constant 0 : i32
    %c0_i32_1 = arith.constant 0 : i32
    return %c0_i32, %c0_i32_0 : i32, i32
  }
  func.func @transform_7(%arg0: i32) -> (i32, i32) {
    %c0_i32 = arith.constant 0 : i32
    %c0_i32_0 = arith.constant 0 : i32
    return %arg0, %c0_i32 : i32, i32
  }
  func.func @transform_8(%arg0: i32) -> (i32, i32) {
    %c0_i32 = arith.constant 0 : i32
    %c0_i32_0 = arith.constant 0 : i32
    return %arg0, %c0_i32 : i32, i32
  }
}

module attributes {stable_mosaic.version = 14 : i64} {
  func.func @_k_edge_body(%arg0: i32, %arg1: memref<1x128xf32, #tpu.memory_space<vmem>>, %arg2: memref<128x16xf32, #tpu.memory_space<vmem>>, %arg3: memref<16x128xf32, #tpu.memory_space<vmem>>, %arg4: memref<4096x128xf32, #tpu.memory_space<vmem>>, %arg5: memref<4096x128xf32, #tpu.memory_space<vmem>>, %arg6: memref<4096x128xf32, #tpu.memory_space<vmem>>, %arg7: memref<4096x16xf32, #tpu.memory_space<vmem>>) attributes {dimension_semantics = [#tpu.dimension_semantics<arbitrary>], iteration_bounds = array<i64: 81>, scalar_prefetch = 0 : i64, scratch_operands = 0 : i64, tpu.core_type = #tpu.core_type<tc>, window_params = [{pipeline_mode = #tpu.pipeline_mode<synchronous>, transform_indices = @transform_0, window_bounds = array<i64: 1, 128>}, {pipeline_mode = #tpu.pipeline_mode<synchronous>, transform_indices = @transform_1, window_bounds = array<i64: 128, 16>}, {pipeline_mode = #tpu.pipeline_mode<synchronous>, transform_indices = @transform_2, window_bounds = array<i64: 16, 128>}, {transform_indices = @transform_3, window_bounds = array<i64: 4096, 128>}, {transform_indices = @transform_4, window_bounds = array<i64: 4096, 128>}, {transform_indices = @transform_5, window_bounds = array<i64: 4096, 128>}, {transform_indices = @transform_6, window_bounds = array<i64: 4096, 16>}]} {
    %get3A = arith.constant 0 : index
    %get3A_0 = arith.constant 0 : index
    %get3A_1 = vector.load %arg4[%get3A, %get3A_0] : memref<4096x128xf32, #tpu.memory_space<vmem>>, vector<4096x128xf32>
    %get3A_2 = arith.constant 0 : index
    %get3A_3 = arith.constant 0 : index
    %get3A_4 = vector.load %arg5[%get3A_2, %get3A_3] : memref<4096x128xf32, #tpu.memory_space<vmem>>, vector<4096x128xf32>
    %add3A = arith.addf %get3A_1, %get3A_4 : vector<4096x128xf32>
    %gt3A = arith.constant 0.000000e+00 : f32
    %gt3A_5 = vector.broadcast %gt3A : f32 to vector<4096x128xf32>
    %gt3A_6 = arith.cmpf ogt, %add3A, %gt3A_5 : vector<4096x128xf32>
    %mul3A = arith.constant 2.000000e-01 : f32
    %mul3A_7 = vector.broadcast %mul3A : f32 to vector<4096x128xf32>
    %mul3A_8 = arith.mulf %mul3A_7, %add3A : vector<4096x128xf32>
    %select_n3A = arith.select %gt3A_6, %add3A, %mul3A_8 : vector<4096x128xi1>, vector<4096x128xf32>
    %get3A_9 = arith.constant 0 : index
    %get3A_10 = arith.constant 0 : index
    %get3A_11 = vector.load %arg1[%get3A_9, %get3A_10] : memref<1x128xf32, #tpu.memory_space<vmem>>, vector<1x128xf32>
    %mul3A_12 = vector.broadcast %get3A_11 : vector<1x128xf32> to vector<4096x128xf32>
    %mul3A_13 = arith.mulf %select_n3A, %mul3A_12 : vector<4096x128xf32>
    %get3A_14 = arith.constant 0 : index
    %get3A_15 = arith.constant 0 : index
    %get3A_16 = vector.load %arg2[%get3A_14, %get3A_15] : memref<128x16xf32, #tpu.memory_space<vmem>>, vector<128x16xf32>
    %dot_general3A = arith.constant dense<0.000000e+00> : vector<4096x16xf32>
    %dot_general3A_17 = tpu.matmul %mul3A_13, %get3A_16, %dot_general3A {dimension_numbers = #tpu.dot_dimension_numbers<[1], [0], [0], [1], [0, 0, 1, 1], [], []>, transpose_lhs_hint = false} : vector<4096x128xf32>, vector<128x16xf32>, vector<4096x16xf32> -> vector<4096x16xf32>
    %exp3A = math.exp %dot_general3A_17 : vector<4096x16xf32>
    %swap3A = arith.constant 0 : index
    %swap3A_18 = arith.constant 0 : index
    %swap3A_19 = vector.load %arg7[%swap3A, %swap3A_18] : memref<4096x16xf32, #tpu.memory_space<vmem>>, vector<4096x16xf32>
    tpu.vector_store %arg7[%swap3A, %swap3A_18], %exp3A {strides = array<i32>} : memref<4096x16xf32, #tpu.memory_space<vmem>>, vector<4096x16xf32>,
    %get3A_20 = arith.constant 0 : index
    %get3A_21 = arith.constant 0 : index
    %get3A_22 = vector.load %arg3[%get3A_20, %get3A_21] : memref<16x128xf32, #tpu.memory_space<vmem>>, vector<16x128xf32>
    %dot_general3A_23 = arith.constant dense<0.000000e+00> : vector<4096x128xf32>
    %dot_general3A_24 = tpu.matmul %exp3A, %get3A_22, %dot_general3A_23 {dimension_numbers = #tpu.dot_dimension_numbers<[1], [0], [0], [1], [0, 0, 1, 1], [], []>, transpose_lhs_hint = false} : vector<4096x16xf32>, vector<16x128xf32>, vector<4096x128xf32> -> vector<4096x128xf32>
    %mul3A_25 = arith.mulf %get3A_1, %dot_general3A_24 : vector<4096x128xf32>
    %swap3A_26 = arith.constant 0 : index
    %swap3A_27 = arith.constant 0 : index
    %swap3A_28 = vector.load %arg6[%swap3A_26, %swap3A_27] : memref<4096x128xf32, #tpu.memory_space<vmem>>, vector<4096x128xf32>
    tpu.vector_store %arg6[%swap3A_26, %swap3A_27], %mul3A_25 {strides = array<i32>} : memref<4096x128xf32, #tpu.memory_space<vmem>>, vector<4096x128xf32>,
    return
  }
  func.func @transform_0(%arg0: i32) -> (i32, i32) {
    %c0_i32 = arith.constant 0 : i32
    %c0_i32_0 = arith.constant 0 : i32
    %c0_i32_1 = arith.constant 0 : i32
    return %c0_i32, %c0_i32_0 : i32, i32
  }
  func.func @transform_1(%arg0: i32) -> (i32, i32) {
    %c0_i32 = arith.constant 0 : i32
    %c0_i32_0 = arith.constant 0 : i32
    %c0_i32_1 = arith.constant 0 : i32
    return %c0_i32, %c0_i32_0 : i32, i32
  }
  func.func @transform_2(%arg0: i32) -> (i32, i32) {
    %c0_i32 = arith.constant 0 : i32
    %c0_i32_0 = arith.constant 0 : i32
    %c0_i32_1 = arith.constant 0 : i32
    return %c0_i32, %c0_i32_0 : i32, i32
  }
  func.func @transform_3(%arg0: i32) -> (i32, i32) {
    %c0_i32 = arith.constant 0 : i32
    %c0_i32_0 = arith.constant 0 : i32
    return %arg0, %c0_i32 : i32, i32
  }
  func.func @transform_4(%arg0: i32) -> (i32, i32) {
    %c0_i32 = arith.constant 0 : i32
    %c0_i32_0 = arith.constant 0 : i32
    return %arg0, %c0_i32 : i32, i32
  }
  func.func @transform_5(%arg0: i32) -> (i32, i32) {
    %c0_i32 = arith.constant 0 : i32
    %c0_i32_0 = arith.constant 0 : i32
    return %arg0, %c0_i32 : i32, i32
  }
  func.func @transform_6(%arg0: i32) -> (i32, i32) {
    %c0_i32 = arith.constant 0 : i32
    %c0_i32_0 = arith.constant 0 : i32
    return %arg0, %c0_i32 : i32, i32
  }
}

module attributes {stable_mosaic.version = 14 : i64} {
  func.func @_k_node_mid_body(%arg0: i32, %arg1: memref<1280x128xf32, #tpu.memory_space<vmem>>, %arg2: memref<1280x128xf32, #tpu.memory_space<vmem>>, %arg3: memref<1280x16xf32, #tpu.memory_space<vmem>>, %arg4: memref<1280x16xf32, #tpu.memory_space<vmem>>, %arg5: memref<1x128xf32, #tpu.memory_space<vmem>>, %arg6: memref<128x128xf32, #tpu.memory_space<vmem>>, %arg7: memref<1x128xf32, #tpu.memory_space<vmem>>, %arg8: memref<128x128xf32, #tpu.memory_space<vmem>>, %arg9: memref<1x128xf32, #tpu.memory_space<vmem>>, %arg10: memref<1280x128xf32, #tpu.memory_space<vmem>>, %arg11: memref<1280x128xf32, #tpu.memory_space<vmem>>) attributes {dimension_semantics = [#tpu.dimension_semantics<arbitrary>], iteration_bounds = array<i64: 8>, scalar_prefetch = 0 : i64, scratch_operands = 0 : i64, tpu.core_type = #tpu.core_type<tc>, window_params = [{transform_indices = @transform_0, window_bounds = array<i64: 1280, 128>}, {transform_indices = @transform_1, window_bounds = array<i64: 1280, 128>}, {transform_indices = @transform_2, window_bounds = array<i64: 1280, 16>}, {transform_indices = @transform_3, window_bounds = array<i64: 1280, 16>}, {pipeline_mode = #tpu.pipeline_mode<synchronous>, transform_indices = @transform_4, window_bounds = array<i64: 1, 128>}, {pipeline_mode = #tpu.pipeline_mode<synchronous>, transform_indices = @transform_5, window_bounds = array<i64: 128, 128>}, {pipeline_mode = #tpu.pipeline_mode<synchronous>, transform_indices = @transform_6, window_bounds = array<i64: 1, 128>}, {pipeline_mode = #tpu.pipeline_mode<synchronous>, transform_indices = @transform_7, window_bounds = array<i64: 128, 128>}, {pipeline_mode = #tpu.pipeline_mode<synchronous>, transform_indices = @transform_8, window_bounds = array<i64: 1, 128>}, {transform_indices = @transform_9, window_bounds = array<i64: 1280, 128>}, {transform_indices = @transform_10, window_bounds = array<i64: 1280, 128>}]} {
    %get3A = arith.constant 0 : index
    %get3A_0 = arith.constant 0 : index
    %get3A_1 = vector.load %arg1[%get3A, %get3A_0] : memref<1280x128xf32, #tpu.memory_space<vmem>>, vector<1280x128xf32>
    %get3A_2 = arith.constant 0 : index
    %get3A_3 = arith.constant 0 : index
    %get3A_4 = vector.load %arg2[%get3A_2, %get3A_3] : memref<1280x128xf32, #tpu.memory_space<vmem>>, vector<1280x128xf32>
    %get3A_5 = arith.constant 0 : index
    %get3A_6 = arith.constant 0 : index
    %get3A_7 = vector.load %arg3[%get3A_5, %get3A_6] : memref<1280x16xf32, #tpu.memory_space<vmem>>, vector<1280x16xf32>
    %get3A_8 = arith.constant 0 : index
    %get3A_9 = arith.constant 0 : index
    %get3A_10 = vector.load %arg4[%get3A_8, %get3A_9] : memref<1280x16xf32, #tpu.memory_space<vmem>>, vector<1280x16xf32>
    %get3A_11 = arith.constant 0 : index
    %get3A_12 = arith.constant 0 : index
    %get3A_13 = vector.load %arg5[%get3A_11, %get3A_12] : memref<1x128xf32, #tpu.memory_space<vmem>>, vector<1x128xf32>
    %slice3A = vector.extract_strided_slice %get3A_7 {offsets = [0, 0], sizes = [1280, 8], strides = [1, 1]} : vector<1280x16xf32> to vector<1280x8xf32>
    %slice3A_14 = vector.extract_strided_slice %get3A_10 {offsets = [0, 0], sizes = [1280, 8], strides = [1, 1]} : vector<1280x16xf32> to vector<1280x8xf32>
    %add3A = arith.addf %slice3A, %slice3A_14 : vector<1280x8xf32>
    %slice3A_15 = vector.extract_strided_slice %add3A {offsets = [0, 0], sizes = [1280, 1], strides = [1, 1]} : vector<1280x8xf32> to vector<1280x1xf32>
    %broadcast_in_dim3A = vector.shape_cast %slice3A_15 : vector<1280x1xf32> to vector<1280x1xf32>
    %broadcast_in_dim3A_16 = vector.broadcast %broadcast_in_dim3A : vector<1280x1xf32> to vector<1280x16xf32>
    %slice3A_17 = vector.extract_strided_slice %add3A {offsets = [0, 1], sizes = [1280, 1], strides = [1, 1]} : vector<1280x8xf32> to vector<1280x1xf32>
    %broadcast_in_dim3A_18 = vector.shape_cast %slice3A_17 : vector<1280x1xf32> to vector<1280x1xf32>
    %broadcast_in_dim3A_19 = vector.broadcast %broadcast_in_dim3A_18 : vector<1280x1xf32> to vector<1280x16xf32>
    %slice3A_20 = vector.extract_strided_slice %add3A {offsets = [0, 2], sizes = [1280, 1], strides = [1, 1]} : vector<1280x8xf32> to vector<1280x1xf32>
    %broadcast_in_dim3A_21 = vector.shape_cast %slice3A_20 : vector<1280x1xf32> to vector<1280x1xf32>
    %broadcast_in_dim3A_22 = vector.broadcast %broadcast_in_dim3A_21 : vector<1280x1xf32> to vector<1280x16xf32>
    %slice3A_23 = vector.extract_strided_slice %add3A {offsets = [0, 3], sizes = [1280, 1], strides = [1, 1]} : vector<1280x8xf32> to vector<1280x1xf32>
    %broadcast_in_dim3A_24 = vector.shape_cast %slice3A_23 : vector<1280x1xf32> to vector<1280x1xf32>
    %broadcast_in_dim3A_25 = vector.broadcast %broadcast_in_dim3A_24 : vector<1280x1xf32> to vector<1280x16xf32>
    %slice3A_26 = vector.extract_strided_slice %add3A {offsets = [0, 4], sizes = [1280, 1], strides = [1, 1]} : vector<1280x8xf32> to vector<1280x1xf32>
    %broadcast_in_dim3A_27 = vector.shape_cast %slice3A_26 : vector<1280x1xf32> to vector<1280x1xf32>
    %broadcast_in_dim3A_28 = vector.broadcast %broadcast_in_dim3A_27 : vector<1280x1xf32> to vector<1280x16xf32>
    %slice3A_29 = vector.extract_strided_slice %add3A {offsets = [0, 5], sizes = [1280, 1], strides = [1, 1]} : vector<1280x8xf32> to vector<1280x1xf32>
    %broadcast_in_dim3A_30 = vector.shape_cast %slice3A_29 : vector<1280x1xf32> to vector<1280x1xf32>
    %broadcast_in_dim3A_31 = vector.broadcast %broadcast_in_dim3A_30 : vector<1280x1xf32> to vector<1280x16xf32>
    %slice3A_32 = vector.extract_strided_slice %add3A {offsets = [0, 6], sizes = [1280, 1], strides = [1, 1]} : vector<1280x8xf32> to vector<1280x1xf32>
    %broadcast_in_dim3A_33 = vector.shape_cast %slice3A_32 : vector<1280x1xf32> to vector<1280x1xf32>
    %broadcast_in_dim3A_34 = vector.broadcast %broadcast_in_dim3A_33 : vector<1280x1xf32> to vector<1280x16xf32>
    %slice3A_35 = vector.extract_strided_slice %add3A {offsets = [0, 7], sizes = [1280, 1], strides = [1, 1]} : vector<1280x8xf32> to vector<1280x1xf32>
    %broadcast_in_dim3A_36 = vector.shape_cast %slice3A_35 : vector<1280x1xf32> to vector<1280x1xf32>
    %broadcast_in_dim3A_37 = vector.broadcast %broadcast_in_dim3A_36 : vector<1280x1xf32> to vector<1280x16xf32>
    %concatenate3A = tpu.concatenate %broadcast_in_dim3A_16, %broadcast_in_dim3A_19, %broadcast_in_dim3A_22, %broadcast_in_dim3A_25, %broadcast_in_dim3A_28, %broadcast_in_dim3A_31, %broadcast_in_dim3A_34, %broadcast_in_dim3A_37 in 1 : vector<1280x16xf32>, vector<1280x16xf32>, vector<1280x16xf32>, vector<1280x16xf32>, vector<1280x16xf32>, vector<1280x16xf32>, vector<1280x16xf32>, vector<1280x16xf32> -> vector<1280x128xf32>
    %add3A_38 = arith.constant 1.000000e-16 : f32
    %add3A_39 = vector.broadcast %add3A_38 : f32 to vector<1280x128xf32>
    %add3A_40 = arith.addf %concatenate3A, %add3A_39 : vector<1280x128xf32>
    %add3A_41 = arith.addf %get3A_1, %get3A_4 : vector<1280x128xf32>
    %div3A = arith.divf %add3A_41, %add3A_40 : vector<1280x128xf32>
    %add3A_42 = vector.broadcast %get3A_13 : vector<1x128xf32> to vector<1280x128xf32>
    %add3A_43 = arith.addf %div3A, %add3A_42 : vector<1280x128xf32>
    %gt3A = arith.constant 0.000000e+00 : f32
    %gt3A_44 = vector.broadcast %gt3A : f32 to vector<1280x128xf32>
    %gt3A_45 = arith.cmpf ogt, %add3A_43, %gt3A_44 : vector<1280x128xf32>
    %min3A = arith.constant 0.000000e+00 : f32
    %min3A_46 = vector.broadcast %min3A : f32 to vector<1280x128xf32>
    %min3A_47 = arith.minimumf %add3A_43, %min3A_46 : vector<1280x128xf32>
    %exp3A = math.exp %min3A_47 : vector<1280x128xf32>
    %sub3A = arith.constant 1.000000e+00 : f32
    %sub3A_48 = vector.broadcast %sub3A : f32 to vector<1280x128xf32>
    %sub3A_49 = arith.subf %exp3A, %sub3A_48 : vector<1280x128xf32>
    %select_n3A = arith.select %gt3A_45, %add3A_43, %sub3A_49 : vector<1280x128xi1>, vector<1280x128xf32>
    %get3A_50 = arith.constant 0 : index
    %get3A_51 = arith.constant 0 : index
    %get3A_52 = vector.load %arg6[%get3A_50, %get3A_51] : memref<128x128xf32, #tpu.memory_space<vmem>>, vector<128x128xf32>
    %dot_general3A = arith.constant dense<0.000000e+00> : vector<1280x128xf32>
    %dot_general3A_53 = tpu.matmul %select_n3A, %get3A_52, %dot_general3A {dimension_numbers = #tpu.dot_dimension_numbers<[1], [1], [0], [0], [0, 0, 1, 0], [], []>, precision = #tpu.contract_precision<fp32>, transpose_lhs_hint = false} : vector<1280x128xf32>, vector<128x128xf32>, vector<1280x128xf32> -> vector<1280x128xf32>
    %get3A_54 = arith.constant 0 : index
    %get3A_55 = arith.constant 0 : index
    %get3A_56 = vector.load %arg7[%get3A_54, %get3A_55] : memref<1x128xf32, #tpu.memory_space<vmem>>, vector<1x128xf32>
    %add3A_57 = vector.broadcast %get3A_56 : vector<1x128xf32> to vector<1280x128xf32>
    %add3A_58 = arith.addf %dot_general3A_53, %add3A_57 : vector<1280x128xf32>
    %swap3A = arith.constant 0 : index
    %swap3A_59 = arith.constant 0 : index
    %swap3A_60 = vector.load %arg10[%swap3A, %swap3A_59] : memref<1280x128xf32, #tpu.memory_space<vmem>>, vector<1280x128xf32>
    tpu.vector_store %arg10[%swap3A, %swap3A_59], %add3A_58 {strides = array<i32>} : memref<1280x128xf32, #tpu.memory_space<vmem>>, vector<1280x128xf32>,
    %get3A_61 = arith.constant 0 : index
    %get3A_62 = arith.constant 0 : index
    %get3A_63 = vector.load %arg8[%get3A_61, %get3A_62] : memref<128x128xf32, #tpu.memory_space<vmem>>, vector<128x128xf32>
    %dot_general3A_64 = arith.constant dense<0.000000e+00> : vector<1280x128xf32>
    %dot_general3A_65 = tpu.matmul %select_n3A, %get3A_63, %dot_general3A_64 {dimension_numbers = #tpu.dot_dimension_numbers<[1], [1], [0], [0], [0, 0, 1, 0], [], []>, precision = #tpu.contract_precision<fp32>, transpose_lhs_hint = false} : vector<1280x128xf32>, vector<128x128xf32>, vector<1280x128xf32> -> vector<1280x128xf32>
    %get3A_66 = arith.constant 0 : index
    %get3A_67 = arith.constant 0 : index
    %get3A_68 = vector.load %arg9[%get3A_66, %get3A_67] : memref<1x128xf32, #tpu.memory_space<vmem>>, vector<1x128xf32>
    %add3A_69 = vector.broadcast %get3A_68 : vector<1x128xf32> to vector<1280x128xf32>
    %add3A_70 = arith.addf %dot_general3A_65, %add3A_69 : vector<1280x128xf32>
    %swap3A_71 = arith.constant 0 : index
    %swap3A_72 = arith.constant 0 : index
    %swap3A_73 = vector.load %arg11[%swap3A_71, %swap3A_72] : memref<1280x128xf32, #tpu.memory_space<vmem>>, vector<1280x128xf32>
    tpu.vector_store %arg11[%swap3A_71, %swap3A_72], %add3A_70 {strides = array<i32>} : memref<1280x128xf32, #tpu.memory_space<vmem>>, vector<1280x128xf32>,
    return
  }
  func.func @transform_0(%arg0: i32) -> (i32, i32) {
    %c0_i32 = arith.constant 0 : i32
    %c0_i32_0 = arith.constant 0 : i32
    return %arg0, %c0_i32 : i32, i32
  }
  func.func @transform_1(%arg0: i32) -> (i32, i32) {
    %c0_i32 = arith.constant 0 : i32
    %c0_i32_0 = arith.constant 0 : i32
    return %arg0, %c0_i32 : i32, i32
  }
  func.func @transform_2(%arg0: i32) -> (i32, i32) {
    %c0_i32 = arith.constant 0 : i32
    %c0_i32_0 = arith.constant 0 : i32
    return %arg0, %c0_i32 : i32, i32
  }
  func.func @transform_3(%arg0: i32) -> (i32, i32) {
    %c0_i32 = arith.constant 0 : i32
    %c0_i32_0 = arith.constant 0 : i32
    return %arg0, %c0_i32 : i32, i32
  }
  func.func @transform_4(%arg0: i32) -> (i32, i32) {
    %c0_i32 = arith.constant 0 : i32
    %c0_i32_0 = arith.constant 0 : i32
    %c0_i32_1 = arith.constant 0 : i32
    return %c0_i32, %c0_i32_0 : i32, i32
  }
  func.func @transform_5(%arg0: i32) -> (i32, i32) {
    %c0_i32 = arith.constant 0 : i32
    %c0_i32_0 = arith.constant 0 : i32
    %c0_i32_1 = arith.constant 0 : i32
    return %c0_i32, %c0_i32_0 : i32, i32
  }
  func.func @transform_6(%arg0: i32) -> (i32, i32) {
    %c0_i32 = arith.constant 0 : i32
    %c0_i32_0 = arith.constant 0 : i32
    %c0_i32_1 = arith.constant 0 : i32
    return %c0_i32, %c0_i32_0 : i32, i32
  }
  func.func @transform_7(%arg0: i32) -> (i32, i32) {
    %c0_i32 = arith.constant 0 : i32
    %c0_i32_0 = arith.constant 0 : i32
    %c0_i32_1 = arith.constant 0 : i32
    return %c0_i32, %c0_i32_0 : i32, i32
  }
  func.func @transform_8(%arg0: i32) -> (i32, i32) {
    %c0_i32 = arith.constant 0 : i32
    %c0_i32_0 = arith.constant 0 : i32
    %c0_i32_1 = arith.constant 0 : i32
    return %c0_i32, %c0_i32_0 : i32, i32
  }
  func.func @transform_9(%arg0: i32) -> (i32, i32) {
    %c0_i32 = arith.constant 0 : i32
    %c0_i32_0 = arith.constant 0 : i32
    return %arg0, %c0_i32 : i32, i32
  }
  func.func @transform_10(%arg0: i32) -> (i32, i32) {
    %c0_i32 = arith.constant 0 : i32
    %c0_i32_0 = arith.constant 0 : i32
    return %arg0, %c0_i32 : i32, i32
  }
}

module attributes {stable_mosaic.version = 14 : i64} {
  func.func @_k_pool_body(%arg0: i32, %arg1: memref<1280x128xf32, #tpu.memory_space<vmem>>, %arg2: memref<1280x128xf32, #tpu.memory_space<vmem>>, %arg3: memref<1280x16xf32, #tpu.memory_space<vmem>>, %arg4: memref<1280x16xf32, #tpu.memory_space<vmem>>, %arg5: memref<1x128xf32, #tpu.memory_space<vmem>>, %arg6: memref<1x1x1280xi32, #tpu.memory_space<vmem>>, %arg7: memref<10x128xf32, #tpu.memory_space<vmem>>, %arg8: memref<1x10xf32, #tpu.memory_space<vmem>>, %arg9: memref<64x10xf32, #tpu.memory_space<vmem>>, %arg10: memref<64x128xf32, #tpu.memory_space<vmem>>, %arg11: memref<64x128xf32, #tpu.memory_space<vmem>>) attributes {dimension_semantics = [#tpu.dimension_semantics<arbitrary>], iteration_bounds = array<i64: 8>, scalar_prefetch = 0 : i64, scratch_operands = 2 : i64, tpu.core_type = #tpu.core_type<tc>, window_params = [{transform_indices = @transform_0, window_bounds = array<i64: 1280, 128>}, {transform_indices = @transform_1, window_bounds = array<i64: 1280, 128>}, {transform_indices = @transform_2, window_bounds = array<i64: 1280, 16>}, {transform_indices = @transform_3, window_bounds = array<i64: 1280, 16>}, {pipeline_mode = #tpu.pipeline_mode<synchronous>, transform_indices = @transform_4, window_bounds = array<i64: 1, 128>}, {transform_indices = @transform_5, window_bounds = array<i64: 1, 1, 1280>}, {pipeline_mode = #tpu.pipeline_mode<synchronous>, transform_indices = @transform_6, window_bounds = array<i64: 10, 128>}, {pipeline_mode = #tpu.pipeline_mode<synchronous>, transform_indices = @transform_7, window_bounds = array<i64: 1, 10>}, {pipeline_mode = #tpu.pipeline_mode<synchronous>, transform_indices = @transform_8, window_bounds = array<i64: 64, 10>}]} {
    %eq3A = arith.constant 0 : i32
    %eq3A_0 = arith.cmpi eq, %arg0, %eq3A : i32
    %convert_element_type3A = arith.extui %eq3A_0 : i1 to i32
    %cond3A = arith.constant 0 : i32
    %cond3A_1 = arith.cmpi ne, %convert_element_type3A, %cond3A : i32
    scf.if %cond3A_1 {
      %broadcast_in_dim3A_85 = arith.constant 0.000000e+00 : f32
      %broadcast_in_dim3A_86 = vector.broadcast %broadcast_in_dim3A_85 : f32 to vector<64x128xf32>
      %swap3A_87 = arith.constant 0 : index
      %swap3A_88 = arith.constant 0 : index
      %swap3A_89 = vector.load %arg10[%swap3A_87, %swap3A_88] : memref<64x128xf32, #tpu.memory_space<vmem>>, vector<64x128xf32>
      tpu.vector_store %arg10[%swap3A_87, %swap3A_88], %broadcast_in_dim3A_86 {strides = array<i32>} : memref<64x128xf32, #tpu.memory_space<vmem>>, vector<64x128xf32>,
      %broadcast_in_dim3A_90 = arith.constant 0.000000e+00 : f32
      %broadcast_in_dim3A_91 = vector.broadcast %broadcast_in_dim3A_90 : f32 to vector<64x128xf32>
      %swap3A_92 = arith.constant 0 : index
      %swap3A_93 = arith.constant 0 : index
      %swap3A_94 = vector.load %arg11[%swap3A_92, %swap3A_93] : memref<64x128xf32, #tpu.memory_space<vmem>>, vector<64x128xf32>
      tpu.vector_store %arg11[%swap3A_92, %swap3A_93], %broadcast_in_dim3A_91 {strides = array<i32>} : memref<64x128xf32, #tpu.memory_space<vmem>>, vector<64x128xf32>,
    } else {
    }
    %get3A = arith.constant 0 : index
    %get3A_2 = arith.constant 0 : index
    %get3A_3 = vector.load %arg1[%get3A, %get3A_2] : memref<1280x128xf32, #tpu.memory_space<vmem>>, vector<1280x128xf32>
    %get3A_4 = arith.constant 0 : index
    %get3A_5 = arith.constant 0 : index
    %get3A_6 = vector.load %arg2[%get3A_4, %get3A_5] : memref<1280x128xf32, #tpu.memory_space<vmem>>, vector<1280x128xf32>
    %get3A_7 = arith.constant 0 : index
    %get3A_8 = arith.constant 0 : index
    %get3A_9 = vector.load %arg3[%get3A_7, %get3A_8] : memref<1280x16xf32, #tpu.memory_space<vmem>>, vector<1280x16xf32>
    %get3A_10 = arith.constant 0 : index
    %get3A_11 = arith.constant 0 : index
    %get3A_12 = vector.load %arg4[%get3A_10, %get3A_11] : memref<1280x16xf32, #tpu.memory_space<vmem>>, vector<1280x16xf32>
    %get3A_13 = arith.constant 0 : index
    %get3A_14 = arith.constant 0 : index
    %get3A_15 = vector.load %arg5[%get3A_13, %get3A_14] : memref<1x128xf32, #tpu.memory_space<vmem>>, vector<1x128xf32>
    %slice3A = vector.extract_strided_slice %get3A_9 {offsets = [0, 0], sizes = [1280, 8], strides = [1, 1]} : vector<1280x16xf32> to vector<1280x8xf32>
    %slice3A_16 = vector.extract_strided_slice %get3A_12 {offsets = [0, 0], sizes = [1280, 8], strides = [1, 1]} : vector<1280x16xf32> to vector<1280x8xf32>
    %add3A = arith.addf %slice3A, %slice3A_16 : vector<1280x8xf32>
    %slice3A_17 = vector.extract_strided_slice %add3A {offsets = [0, 0], sizes = [1280, 1], strides = [1, 1]} : vector<1280x8xf32> to vector<1280x1xf32>
    %broadcast_in_dim3A = vector.shape_cast %slice3A_17 : vector<1280x1xf32> to vector<1280x1xf32>
    %broadcast_in_dim3A_18 = vector.broadcast %broadcast_in_dim3A : vector<1280x1xf32> to vector<1280x16xf32>
    %slice3A_19 = vector.extract_strided_slice %add3A {offsets = [0, 1], sizes = [1280, 1], strides = [1, 1]} : vector<1280x8xf32> to vector<1280x1xf32>
    %broadcast_in_dim3A_20 = vector.shape_cast %slice3A_19 : vector<1280x1xf32> to vector<1280x1xf32>
    %broadcast_in_dim3A_21 = vector.broadcast %broadcast_in_dim3A_20 : vector<1280x1xf32> to vector<1280x16xf32>
    %slice3A_22 = vector.extract_strided_slice %add3A {offsets = [0, 2], sizes = [1280, 1], strides = [1, 1]} : vector<1280x8xf32> to vector<1280x1xf32>
    %broadcast_in_dim3A_23 = vector.shape_cast %slice3A_22 : vector<1280x1xf32> to vector<1280x1xf32>
    %broadcast_in_dim3A_24 = vector.broadcast %broadcast_in_dim3A_23 : vector<1280x1xf32> to vector<1280x16xf32>
    %slice3A_25 = vector.extract_strided_slice %add3A {offsets = [0, 3], sizes = [1280, 1], strides = [1, 1]} : vector<1280x8xf32> to vector<1280x1xf32>
    %broadcast_in_dim3A_26 = vector.shape_cast %slice3A_25 : vector<1280x1xf32> to vector<1280x1xf32>
    %broadcast_in_dim3A_27 = vector.broadcast %broadcast_in_dim3A_26 : vector<1280x1xf32> to vector<1280x16xf32>
    %slice3A_28 = vector.extract_strided_slice %add3A {offsets = [0, 4], sizes = [1280, 1], strides = [1, 1]} : vector<1280x8xf32> to vector<1280x1xf32>
    %broadcast_in_dim3A_29 = vector.shape_cast %slice3A_28 : vector<1280x1xf32> to vector<1280x1xf32>
    %broadcast_in_dim3A_30 = vector.broadcast %broadcast_in_dim3A_29 : vector<1280x1xf32> to vector<1280x16xf32>
    %slice3A_31 = vector.extract_strided_slice %add3A {offsets = [0, 5], sizes = [1280, 1], strides = [1, 1]} : vector<1280x8xf32> to vector<1280x1xf32>
    %broadcast_in_dim3A_32 = vector.shape_cast %slice3A_31 : vector<1280x1xf32> to vector<1280x1xf32>
    %broadcast_in_dim3A_33 = vector.broadcast %broadcast_in_dim3A_32 : vector<1280x1xf32> to vector<1280x16xf32>
    %slice3A_34 = vector.extract_strided_slice %add3A {offsets = [0, 6], sizes = [1280, 1], strides = [1, 1]} : vector<1280x8xf32> to vector<1280x1xf32>
    %broadcast_in_dim3A_35 = vector.shape_cast %slice3A_34 : vector<1280x1xf32> to vector<1280x1xf32>
    %broadcast_in_dim3A_36 = vector.broadcast %broadcast_in_dim3A_35 : vector<1280x1xf32> to vector<1280x16xf32>
    %slice3A_37 = vector.extract_strided_slice %add3A {offsets = [0, 7], sizes = [1280, 1], strides = [1, 1]} : vector<1280x8xf32> to vector<1280x1xf32>
    %broadcast_in_dim3A_38 = vector.shape_cast %slice3A_37 : vector<1280x1xf32> to vector<1280x1xf32>
    %broadcast_in_dim3A_39 = vector.broadcast %broadcast_in_dim3A_38 : vector<1280x1xf32> to vector<1280x16xf32>
    %concatenate3A = tpu.concatenate %broadcast_in_dim3A_18, %broadcast_in_dim3A_21, %broadcast_in_dim3A_24, %broadcast_in_dim3A_27, %broadcast_in_dim3A_30, %broadcast_in_dim3A_33, %broadcast_in_dim3A_36, %broadcast_in_dim3A_39 in 1 : vector<1280x16xf32>, vector<1280x16xf32>, vector<1280x16xf32>, vector<1280x16xf32>, vector<1280x16xf32>, vector<1280x16xf32>, vector<1280x16xf32>, vector<1280x16xf32> -> vector<1280x128xf32>
    %add3A_40 = arith.constant 1.000000e-16 : f32
    %add3A_41 = vector.broadcast %add3A_40 : f32 to vector<1280x128xf32>
    %add3A_42 = arith.addf %concatenate3A, %add3A_41 : vector<1280x128xf32>
    %add3A_43 = arith.addf %get3A_3, %get3A_6 : vector<1280x128xf32>
    %div3A = arith.divf %add3A_43, %add3A_42 : vector<1280x128xf32>
    %add3A_44 = vector.broadcast %get3A_15 : vector<1x128xf32> to vector<1280x128xf32>
    %add3A_45 = arith.addf %div3A, %add3A_44 : vector<1280x128xf32>
    %gt3A = arith.constant 0.000000e+00 : f32
    %gt3A_46 = vector.broadcast %gt3A : f32 to vector<1280x128xf32>
    %gt3A_47 = arith.cmpf ogt, %add3A_45, %gt3A_46 : vector<1280x128xf32>
    %min3A = arith.constant 0.000000e+00 : f32
    %min3A_48 = vector.broadcast %min3A : f32 to vector<1280x128xf32>
    %min3A_49 = arith.minimumf %add3A_45, %min3A_48 : vector<1280x128xf32>
    %exp3A = math.exp %min3A_49 : vector<1280x128xf32>
    %sub3A = arith.constant 1.000000e+00 : f32
    %sub3A_50 = vector.broadcast %sub3A : f32 to vector<1280x128xf32>
    %sub3A_51 = arith.subf %exp3A, %sub3A_50 : vector<1280x128xf32>
    %select_n3A = arith.select %gt3A_47, %add3A_45, %sub3A_51 : vector<1280x128xi1>, vector<1280x128xf32>
    %get3A_52 = arith.constant 0 : index
    %get3A_53 = arith.constant 0 : index
    %get3A_54 = arith.constant 0 : index
    %get3A_55 = vector.load %arg6[%get3A_52, %get3A_53, %get3A_54] : memref<1x1x1280xi32, #tpu.memory_space<vmem>>, vector<1x1x1280xi32>
    %get3A_56 = vector.shape_cast %get3A_55 : vector<1x1x1280xi32> to vector<1280xi32>
    %iota3A = tpu.iota {dimensions = array<i32: 0>} : vector<64x1280xi32>
    %broadcast_in_dim3A_57 = vector.shape_cast %get3A_56 : vector<1280xi32> to vector<1x1280xi32>
    %eq3A_58 = vector.broadcast %broadcast_in_dim3A_57 : vector<1x1280xi32> to vector<64x1280xi32>
    %eq3A_59 = arith.cmpi eq, %iota3A, %eq3A_58 : vector<64x1280xi32>
    %convert_element_type3A_60 = arith.extui %eq3A_59 : vector<64x1280xi1> to vector<64x1280xi32>
    %convert_element_type3A_61 = arith.sitofp %convert_element_type3A_60 : vector<64x1280xi32> to vector<64x1280xf32>
    %get3A_62 = arith.constant 0 : index
    %get3A_63 = arith.constant 0 : index
    %get3A_64 = vector.load %arg10[%get3A_62, %get3A_63] : memref<64x128xf32, #tpu.memory_space<vmem>>, vector<64x128xf32>
    %dot_general3A = arith.constant dense<0.000000e+00> : vector<64x128xf32>
    %dot_general3A_65 = tpu.matmul %convert_element_type3A_61, %select_n3A, %dot_general3A {dimension_numbers = #tpu.dot_dimension_numbers<[1], [0], [0], [1], [0, 0, 1, 1], [], []>, precision = #tpu.contract_precision<fp32>, transpose_lhs_hint = false} : vector<64x1280xf32>, vector<1280x128xf32>, vector<64x128xf32> -> vector<64x128xf32>
    %add3A_66 = arith.addf %get3A_64, %dot_general3A_65 : vector<64x128xf32>
    %swap3A = arith.constant 0 : index
    %swap3A_67 = arith.constant 0 : index
    %swap3A_68 = vector.load %arg10[%swap3A, %swap3A_67] : memref<64x128xf32, #tpu.memory_space<vmem>>, vector<64x128xf32>
    tpu.vector_store %arg10[%swap3A, %swap3A_67], %add3A_66 {strides = array<i32>} : memref<64x128xf32, #tpu.memory_space<vmem>>, vector<64x128xf32>,
    %get3A_69 = arith.constant 0 : index
    %get3A_70 = arith.constant 0 : index
    %get3A_71 = vector.load %arg11[%get3A_69, %get3A_70] : memref<64x128xf32, #tpu.memory_space<vmem>>, vector<64x128xf32>
    %reduce_sum3A = arith.constant dense<0.000000e+00> : vector<64xf32>
    %reduce_sum3A_72 = vector.multi_reduction <add>, %convert_element_type3A_61, %reduce_sum3A [1] : vector<64x1280xf32> to vector<64xf32>
    %broadcast_in_dim3A_73 = vector.shape_cast %reduce_sum3A_72 : vector<64xf32> to vector<64x1xf32>
    %broadcast_in_dim3A_74 = vector.shape_cast %broadcast_in_dim3A_73 : vector<64x1xf32> to vector<64x1xf32>
    %broadcast_in_dim3A_75 = vector.broadcast %broadcast_in_dim3A_74 : vector<64x1xf32> to vector<64x128xf32>
    %add3A_76 = arith.addf %get3A_71, %broadcast_in_dim3A_75 : vector<64x128xf32>
    %swap3A_77 = arith.constant 0 : index
    %swap3A_78 = arith.constant 0 : index
    %swap3A_79 = vector.load %arg11[%swap3A_77, %swap3A_78] : memref<64x128xf32, #tpu.memory_space<vmem>>, vector<64x128xf32>
    tpu.vector_store %arg11[%swap3A_77, %swap3A_78], %add3A_76 {strides = array<i32>} : memref<64x128xf32, #tpu.memory_space<vmem>>, vector<64x128xf32>,
    %eq3A_80 = arith.constant 7 : i32
    %eq3A_81 = arith.cmpi eq, %arg0, %eq3A_80 : i32
    %convert_element_type3A_82 = arith.extui %eq3A_81 : i1 to i32
    %cond3A_83 = arith.constant 0 : i32
    %cond3A_84 = arith.cmpi ne, %convert_element_type3A_82, %cond3A_83 : i32
    scf.if %cond3A_84 {
      %get3A_85 = arith.constant 0 : index
      %get3A_86 = arith.constant 0 : index
      %get3A_87 = vector.load %arg10[%get3A_85, %get3A_86] : memref<64x128xf32, #tpu.memory_space<vmem>>, vector<64x128xf32>
      %get3A_88 = arith.constant 0 : index
      %get3A_89 = arith.constant 0 : index
      %get3A_90 = vector.load %arg11[%get3A_88, %get3A_89] : memref<64x128xf32, #tpu.memory_space<vmem>>, vector<64x128xf32>
      %max3A = arith.constant 1.000000e+00 : f32
      %max3A_91 = vector.broadcast %max3A : f32 to vector<64x128xf32>
      %max3A_92 = arith.maximumf %get3A_90, %max3A_91 : vector<64x128xf32>
      %div3A_93 = arith.divf %get3A_87, %max3A_92 : vector<64x128xf32>
      %get3A_94 = arith.constant 0 : index
      %get3A_95 = arith.constant 0 : index
      %get3A_96 = vector.load %arg7[%get3A_94, %get3A_95] : memref<10x128xf32, #tpu.memory_space<vmem>>, vector<10x128xf32>
      %dot_general3A_97 = arith.constant dense<0.000000e+00> : vector<64x10xf32>
      %dot_general3A_98 = tpu.matmul %div3A_93, %get3A_96, %dot_general3A_97 {dimension_numbers = #tpu.dot_dimension_numbers<[1], [1], [0], [0], [0, 0, 1, 0], [], []>, precision = #tpu.contract_precision<fp32>, transpose_lhs_hint = false} : vector<64x128xf32>, vector<10x128xf32>, vector<64x10xf32> -> vector<64x10xf32>
      %get3A_99 = arith.constant 0 : index
      %get3A_100 = arith.constant 0 : index
      %get3A_101 = vector.load %arg8[%get3A_99, %get3A_100] : memref<1x10xf32, #tpu.memory_space<vmem>>, vector<1x10xf32>
      %add3A_102 = vector.broadcast %get3A_101 : vector<1x10xf32> to vector<64x10xf32>
      %add3A_103 = arith.addf %dot_general3A_98, %add3A_102 : vector<64x10xf32>
      %swap3A_104 = arith.constant 0 : index
      %swap3A_105 = arith.constant 0 : index
      %swap3A_106 = vector.load %arg9[%swap3A_104, %swap3A_105] : memref<64x10xf32, #tpu.memory_space<vmem>>, vector<64x10xf32>
      tpu.vector_store %arg9[%swap3A_104, %swap3A_105], %add3A_103 {strides = array<i32>} : memref<64x10xf32, #tpu.memory_space<vmem>>, vector<64x10xf32>,
    } else {
    }
    return
  }
  func.func @transform_0(%arg0: i32) -> (i32, i32) {
    %c0_i32 = arith.constant 0 : i32
    %c0_i32_0 = arith.constant 0 : i32
    return %arg0, %c0_i32 : i32, i32
  }
  func.func @transform_1(%arg0: i32) -> (i32, i32) {
    %c0_i32 = arith.constant 0 : i32
    %c0_i32_0 = arith.constant 0 : i32
    return %arg0, %c0_i32 : i32, i32
  }
  func.func @transform_2(%arg0: i32) -> (i32, i32) {
    %c0_i32 = arith.constant 0 : i32
    %c0_i32_0 = arith.constant 0 : i32
    return %arg0, %c0_i32 : i32, i32
  }
  func.func @transform_3(%arg0: i32) -> (i32, i32) {
    %c0_i32 = arith.constant 0 : i32
    %c0_i32_0 = arith.constant 0 : i32
    return %arg0, %c0_i32 : i32, i32
  }
  func.func @transform_4(%arg0: i32) -> (i32, i32) {
    %c0_i32 = arith.constant 0 : i32
    %c0_i32_0 = arith.constant 0 : i32
    %c0_i32_1 = arith.constant 0 : i32
    return %c0_i32, %c0_i32_0 : i32, i32
  }
  func.func @transform_5(%arg0: i32) -> (i32, i32, i32) {
    %c0_i32 = arith.constant 0 : i32
    %c0_i32_0 = arith.constant 0 : i32
    %c0_i32_1 = arith.constant 0 : i32
    return %arg0, %c0_i32, %c0_i32_0 : i32, i32, i32
  }
  func.func @transform_6(%arg0: i32) -> (i32, i32) {
    %c0_i32 = arith.constant 0 : i32
    %c0_i32_0 = arith.constant 0 : i32
    %c0_i32_1 = arith.constant 0 : i32
    return %c0_i32, %c0_i32_0 : i32, i32
  }
  func.func @transform_7(%arg0: i32) -> (i32, i32) {
    %c0_i32 = arith.constant 0 : i32
    %c0_i32_0 = arith.constant 0 : i32
    %c0_i32_1 = arith.constant 0 : i32
    return %c0_i32, %c0_i32_0 : i32, i32
  }
  func.func @transform_8(%arg0: i32) -> (i32, i32) {
    %c0_i32 = arith.constant 0 : i32
    %c0_i32_0 = arith.constant 0 : i32
    %c0_i32_1 = arith.constant 0 : i32
    return %c0_i32, %c0_i32_0 : i32, i32
  }
}

</mosaic_0001>

<sc_bundles>
// kernel: kernel.18.cloned.1.call-start
scs
__scs_entry_jumppad:
0x0: {  	(pc) =	sbr.rel $0x88, $3  }
0x1: {  	(tag) =	ssettag $0x0;
	lr =	simm.s32 $0x1  }
0x2: {  	[smem:$0x3F88] =	sst lr;
	_ =	strace $0xD0000000  }
0x3: {  	_ = 	snop  }
0x4: {  	_ = 	snop  }
0x5: {  	_ = 	snop  }
0x6: {  	_ = 	snop  }
0x7: {  	_ = 	snop  }
__scs_overlays_trampoline_lowered:
0x8: {  	[smem:$0x3F97] =	sst s0  }
0x9: {  	[smem:$0x3F98] =	sst s1  }
0xa: {  	[smem:$0x3F99] =	sst s2  }
0xb: {  	[smem:$0x3F9A] =	sst s3  }
0xc: {  	[smem:$0x3F9B] =	sst s4  }
0xd: {  	[smem:$0x3F9C] =	sst s5  }
0xe: {  	[smem:$0x3F9D] =	sst s6  }
0xf: {  	[smem:$0x3F9E] =	sst s7  }
0x10: {  	[smem:$0x3F9F] =	sst s8  }
0x11: {  	[smem:$0x3FA0] =	sst s9;
	s0 =	simm.s32 @!p0 $0x0  }
0x12: {  	s1 =	sld [smem:$0x3F86];
	s0 =	simm.s32 @p0 $0x1  }
0x13: {  	[smem:$0x3FA1] =	sst s0;
	s0 =	simm.s32 @!p1 $0x0  }
0x14: {  	s2 =	sld [smem:$0x3F85];
	s0 =	simm.s32 @p1 $0x1  }
0x15: {  	[smem:$0x3FA2] =	sst s0;
	s0 =	simm.s32 @!p2 $0x0  }
0x16: {  	s3 =	sld [smem:$0x3FDB];
	s0 =	simm.s32 @p2 $0x1  }
0x17: {  	s4 =	simm.s32 $0x1BF5;
	[smem:$0x3FA4] =	sst s0  }
0x18: {  	s0 =	sld [smem:$0x3F87];
	_ =	swait.ge [sflag:s4], $0x0  }
0x19: {  	s7 =	sld [smem:$0x3F88]  }
0x1a: {  	s8 =	sadd.s32 $0xFFFFE003, lr  }
0x1b: {  	s9 =	sadd.s32 $0xFFFFFEF7, lr;
	s5 =	simm.s32 $0xFFFFFFFF;
	p2 =	slt.u32 s8, $0xFFFFF086  }
0x1c: {  	p1 =	slt.u32 s9, $0xF7A;
	s5 =	simm.s32 @!p2 $0x0  }
0x1d: {  	s5 =	simm.s32 @p1 $0x1;
	p0 =	seq.s32 s7, s2  }
0x1e: {  	s7 =	smul.u32 @!p0 $0xF7A, s2;
	p2 =	seq.s32 @!p0 s5, $0x0  }
0x1f: {  	s9 =	smul.u32 $0xF7A, s1;
	s8 =	simm.s32 @!p0 $0x1BF5;
	p2 =	por !p2, p0  }
0x20: {  	[sflag:s8] =	ssyncset.s32 @!p0 $0xFFFFF086;
	s6 =	sadd.s32 @!p0 s3, s7;
	s7 =	simm.s32 @!p0 $0x108  }
0x21: {  	s3 =	sadd.s32 s3, s9;
	s6 =	sadd.s32 @!p0 $0x88, s6;
	s7 =	simm.s32 @p2 $0x1082  }
0x22: {  	[simem:s7], [sflag:s8] =	dma.local @!p0 [hbm:s6], $0xF7A  }
0x23: {  	s9 =	sor.u32 $0xD0000000, s2;
	s6 =	simm.s32 $0x108;
	_ =	swait.ge @!p0 [sflag:s8], $0x0  }
0x24: {  	s3 =	sadd.s32 $0x88, s3;
	s6 =	simm.s32 @!p1 $0x1082;
	[sflag:s4] =	ssyncset.s32 $0xFFFFF086  }
0x25: {  	[simem:s6], [sflag:s4] =	dma.local [hbm:s3], $0xF7A  }
0x26: {  	[smem:$0x3F88] =	sst s1;
	(tag) =	ssettag s2;
	_ =	strace s9  }
0x27: {  	s1 =	sld [smem:$0x3F98]  }
0x28: {  	s2 =	sld [smem:$0x3F99]  }
0x29: {  	s4 =	sld [smem:$0x3F9B]  }
0x2a: {  	p0 =	seq.s32 s5, $0x0;
	s5 =	sld [smem:$0x3F9C]  }
0x2b: {  	s6 =	sld [smem:$0x3F9D]  }
0x2c: {  	s7 =	sld [smem:$0x3F9E]  }
0x2d: {  	s3 =	simm.s32 $0x108;
	s8 =	sld [smem:$0x3F9F]  }
0x2e: {  	s3 =	simm.s32 @!p0 $0x1082;
	s9 =	sld [smem:$0x3FA0]  }
0x2f: {  	lr =	sadd.s32 s0, s3;
	s0 =	sld [smem:$0x3F97]  }
0x30: {  	s3 =	sld [smem:$0x3F9A]  }
0x31: {  	[smem:$0x3FA3] =	sst s10  }
0x32: {  	s10 =	sld [smem:$0x3FA1];
	_ =	sdelay $0x3  }
0x33: {  	p0 =	seq.s32 s10, $0x1;
	s10 =	sld [smem:$0x3FA3];
	_ =	sdelay $0x3  }
0x34: {  	[smem:$0x3FA3] =	sst s10  }
0x35: {  	s10 =	sld [smem:$0x3FA2];
	_ =	sdelay $0x3  }
0x36: {  	p1 =	seq.s32 s10, $0x1;
	s10 =	sld [smem:$0x3FA3];
	_ =	sdelay $0x3  }
0x37: {  	[smem:$0x3FA3] =	sst s10  }
0x38: {  	s10 =	sld [smem:$0x3FA4]  }
0x39: {  	_ = 	snop;
	(pc) =	sbr.ind lr, $3  }
0x3a: {  	_ = 	snop  }
0x3b: {  	_ = 	snop  }
0x3c: {  	p2 =	seq.s32 s10, $0x1;
	s10 =	sld [smem:$0x3FA3]  }
0x3d: {  	_ =	shalt  }
0x3e: {  	_ =	shalt  }
0x3f: {  	_ =	shalt  }
0x40: {  	_ =	shalt  }
0x41: {  	_ =	shalt  }
0x42: {  	_ =	shalt  }
0x43: {  	_ =	shalt  }
0x44: {  	_ =	shalt  }
0x45: {  	_ =	shalt  }
0x46: {  	_ =	shalt  }
0x47: {  	_ =	shalt  }
0x48: {  	_ =	shalt  }
0x49: {  	_ =	shalt  }
0x4a: {  	_ =	shalt  }
0x4b: {  	_ =	shalt  }
0x4c: {  	_ =	shalt  }
0x4d: {  	_ =	shalt  }
0x4e: {  	_ =	shalt  }
0x4f: {  	_ =	shalt  }
0x50: {  	_ =	shalt  }
0x51: {  	_ =	shalt  }
0x52: {  	_ =	shalt  }
0x53: {  	_ =	shalt  }
0x54: {  	_ =	shalt  }
0x55: {  	_ =	shalt  }
0x56: {  	_ =	shalt  }
0x57: {  	_ =	shalt  }
0x58: {  	_ =	shalt  }
0x59: {  	_ =	shalt  }
0x5a: {  	_ =	shalt  }
0x5b: {  	_ =	shalt  }
0x5c: {  	_ =	shalt  }
0x5d: {  	_ =	shalt  }
0x5e: {  	_ =	shalt  }
0x5f: {  	_ =	shalt  }
0x60: {  	_ =	shalt  }
0x61: {  	_ =	shalt  }
0x62: {  	_ =	shalt  }
0x63: {  	_ =	shalt  }
0x64: {  	_ =	shalt  }
0x65: {  	_ =	shalt  }
0x66: {  	_ =	shalt  }
0x67: {  	_ =	shalt  }
0x68: {  	_ =	shalt  }
0x69: {  	_ =	shalt  }
0x6a: {  	_ =	shalt  }
0x6b: {  	_ =	shalt  }
0x6c: {  	_ =	shalt  }
0x6d: {  	_ =	shalt  }
0x6e: {  	_ =	shalt  }
0x6f: {  	_ =	shalt  }
0x70: {  	_ =	shalt  }
0x71: {  	_ =	shalt  }
0x72: {  	_ =	shalt  }
0x73: {  	_ =	shalt  }
0x74: {  	_ =	shalt  }
0x75: {  	_ =	shalt  }
0x76: {  	_ =	shalt  }
0x77: {  	_ =	shalt  }
0x78: {  	_ =	shalt  }
0x79: {  	_ =	shalt  }
0x7a: {  	_ =	shalt  }
0x7b: {  	_ =	shalt  }
0x7c: {  	_ =	shalt  }
0x7d: {  	_ =	shalt  }
0x7e: {  	_ =	shalt  }
0x7f: {  	_ =	shalt  }
0x80: {  	_ =	shalt  }
0x81: {  	_ =	shalt  }
0x82: {  	_ =	shalt  }
0x83: {  	_ =	shalt  }
0x84: {  	_ =	shalt  }
0x85: {  	_ =	shalt  }
0x86: {  	_ =	shalt  }
0x87: {  	_ =	shalt  }
.Lfunc_end0:
.L_simem_size_0:
called_computation_lowered:
.L_overlay_start_0:
0x88: {  	s2 =	sld [smem:$0x3FD9]  }
0x89: {  	s3 =	sld [smem:$0x3FFE];
	_ =	sdelay $0x1  }
0x8a: {  	s1 =	srdreg.scid  }
0x8b: {  	s0 =	sand.u32 $0x1, s1  }
0x8c: {  	s16 =	sshll.u32 s0, $0xA;
	s2 =	sadd.s32 s3, s2  }
0x8d: {  	s2 =	sadd.s32 s2, s16  }
0x8e: {  	[smem:$0x3FAF] =	sst s2  }
0x8f: {  	_ = 	snop  }
0x90: {  	(tm) =	ssettm $0x1  }
0x91: {  	s17 =	sld [smem:$0x3FFB];
	_ =	sdelay $0x3  }
0x92: {  	_ =	strace s17  }
0x93: {  	s2 =	sld [smem:$0x3FFC];
	_ =	sdelay $0x3  }
0x94: {  	_ =	strace s2  }
0x95: {  	s2 =	sld [smem:$0x3FFD];
	_ =	sdelay $0x3  }
0x96: {  	_ =	strace s2  }
0x97: {  	_ =	strace $0x8FFFFFFF  }
0x98: {  	s18 =	sld [smem:$0x3FDB];
	_ =	sdelay $0x1  }
0x99: {  	s19 =	simm.s32 $_scs_section_size  }
0x9a: {  	s4 =	simm.s32 $_size__tile_overlayer_lowered;
	s5 =	simm.s32 $_tile_overlayer_lowered  }
0x9b: {  	s22 =	simm.s32 $0x1BFF;
	s21 =	sshll.u32 s5, $0x1;
	s2 =	sadd.s32 s19, s18  }
0x9c: {  	s6 =	simm.s32 $0x0;
	s20 =	sshll.u32 s4, $0x1;
	s4 =	sadd.s32 s21, s2  }
0x9d: {  	[timem:s6], [sflag:s22] =	dma.local [hbm:s4], s20  }
0x9e: {  	_ =	swait.ge [sflag:s22], s20  }
0x9f: {  	s3 =	ssub.s32 $0x0, s20;
	[sflag:s22] =	ssyncset.done $0x0  }
0xa0: {  	[sflag:s22] =	ssyncadd.s32 s3;
	_ =	sdelay $0x1  }
0xa1: {  	s23 =	simm.s32 $0x1B8B  }
0xa2: {  	_ =	swait.ge [sflag:s23], $0x1  }
0xa3: {  	[sflag:s23] =	ssyncset.done $0x0  }
0xa4: {  	s25 =	simm.s32 $0x1B8E;
	s24 =	sld [smem:$0x3FFE];
	[sflag:s23] =	ssyncadd.s32 $0xFFFFFFFF  }
0xa5: {  	s26 =	simm.s32 $execute0_lowered;
	[smem:$0x3FD2] =	sst s25  }
0xa6: {  	s4 =	sshll.u32 s26, $0x1;
	_ =	strace $0x80000046;
	[dreg:$0x1] =	wrdreg $0xFFFFFFFF  }
0xa7: {  	s28 =	simm.s32 $_size_execute0_lowered;
	s2 =	sadd.s32 s2, s4;
	[dreg:$0x0] =	wrdreg $0x0  }
0xa8: {  	s4 =	sshll.u32 s28, $0x1;
	[dreg:$0x2] =	wrdreg s2  }
0xa9: {  	[dreg:$0x3] =	wrdreg s4  }
0xaa: {  	[dreg:$0x4] =	wrdreg $0xC0  }
0xab: {  	_ =	task [dreg:s6], $0x5FFFF  }
0xac: {  	[dreg:$0x1] =	wrdreg $0xFFFFFFFF  }
0xad: {  	[dreg:$0x0] =	wrdreg $0x60  }
0xae: {  	[dreg:$0x2] =	wrdreg s24  }
0xaf: {  	[dreg:$0x3] =	wrdreg $0x9  }
0xb0: {  	_ =	task.clear_ibuf [dreg:s6], $0x4FFFF;
	_ =	strace $0x90000046  }
0xb1: {  	s29 =	simm.s32 $0x9;
	_ =	strace $0x80000048  }
0xb2: {  	_ =	swait.ge [sflag:s29], $0x1  }
0xb3: {  	[sflag:s29] =	ssyncadd.s32 $0xFFFFFFFF  }
0xb4: {  	_ =	strace $0x90000048  }
0xb5: {  	_ =	sfence  }
0xb6: {  	s30 =	sld [smem:$0x0];
	_ =	sdelay $0x2  }
0xb7: {  	s31 =	sshll.u32 s1, $0xD;
	s1 =	sshrl.u32 s1, $0x2  }
0xb8: {  	s3 =	sand.u32 $0x4000, s31;
	s1 =	sadd.s32 s1, s30  }
0xb9: {  	s0 =	sor.u32 s3, s0;
	s1 =	sshll.u32 s1, $0x11  }
0xba: {  	s0 =	sor.u32 s1, s0  }
0xbb: {  	s0 =	sadd.s32 $0x8F2B, s0  }
0xbc: {  	[sflag:s0] =	ssyncadd.remote.s32 $0x1  }
0xbd: {  	_ =	sfence.sel $0xFFFF  }
0xbe: {  	[dreg:$0x0] =	wrdreg $0xFFFFFFFF;
	(pc) =	sbr.abs _section_cstart, $3  }
0xbf: {  	[dreg:$0x1] =	wrdreg $0xFFFFFFFF  }
0xc0: {  	_ =	task.clear_ibuf [dreg:s6], $0x2FFFF;
	_ =	strace $0x9FFFFFFF  }
0xc1: {  	(tm) =	ssettm $0x7FFFFFFF  }
tec
execute0_lowered:
.L_overlay_start_1:
0x0: {  	(tag) =	ssettag $0x1  }
0x1: {  	s5 =	rddreg [dreg:$0x0];
	s1 =	srdreg.scid  }
0x2: {  	s0 =	rddreg [dreg:$0x1];
	s2 =	simm.s32 $0x0;
	s11 =	simm.s32 $0x2C00  }
0x3: {  	s12 =	simm.s32 $0x80;
	s13 =	simm.s32 $0x5800;
	s14 =	simm.s32 $0x9800  }
0x4: {  	s15 =	simm.s32 $0xD800;
	s16 =	simm.s32 $0x11800;
	s17 =	simm.s32 $0x15800  }
0x5: {  	s18 =	simm.s32 $0x19800;
	s19 =	simm.s32 $0x1;
	s20 =	simm.s32 $0x2  }
0x6: {  	s21 =	simm.s32 $0x0;
	s4 =	sand.u32 $0x1, s1;
	[smem:$0x7FF] =	sst s2  }
0x7: {  	s1 =	stileid.u32;
	s3 =	sshll.u32 s4, $0x4;
	_ =	strace $0x80000047  }
0x8: {  	s7 =	smul.u32 $0x288000, s4;
	s8 =	ssub.s32 $0x2, s4;
	s4 =	sadd.s32 $0x46E00, s5  }
0x9: {  	s10 =	smul.u32 $0x28800, s1;
	s3 =	sor.u32 s1, s3;
	s9 =	sshrl.u32 s8, $0x1  }
0xa: {  	s6 =	smul.u32 $0x580, s3;
	s7 =	sadd.s32 s7, s5;
	s8 =	ssub.s32 s8, s9  }
0xb: {  	s3 =	sadd.s32 $0x1EE00, s5;
	s31 =	sadd.s32 s10, s7;
	s7 =	smax.u32 s8, $0x1  }
0xc: {  	s10 =	simm.s32 $0x3;
	s6 =	sadd.s32 s6, s5;
	s8 =	sadd.s32 $0x6EE00, s31  }
0xd: {  	s9 =	sadd.s32 $0x57EE00, s31;
	s5 =	sadd.s32 $0x13E00, s6;
	s6 =	sadd.s32 $0x8E00, s6  }
.LBB2_1:
0xe: {  	[tilespmem:s2], [sflag:$0x3] =	stream.linear.gather [hbm4b:s5+s2], $0x2880, $0x38;
	[tilespmem:$0x1D800] =	vst v63  }
0xf: {  	_ =	swait.ge [sflag:s10], $0x2880  }
0x10: {  	[sflag:s10] =	ssyncset.done $0x0  }
0x11: {  	[sflag:s10] =	ssyncadd.s32 $0xFFFFD780  }
0x12: {  	[tilespmem:s11], [sflag:$0x3] =	stream.linear.gather [hbm4b:s6+s2], $0x2880, $0x38;
	[tilespmem:$0x1D800] =	vst v63  }
0x13: {  	_ =	swait.ge [sflag:s10], $0x2880  }
0x14: {  	p0 =	por $0x1, $0x1;
	[sflag:s10] =	ssyncset.done $0x0  }
0x15: {  	s22 =	simm.s32 @!p0 $0x2;
	[sflag:s10] =	ssyncadd.s32 $0xFFFFD780  }
0x16: {  	_ =	swait.ge @!p0 [sflag:s22], $0x4000  }
0x17: {  	[sflag:s22] =	ssyncset.done @!p0 $0x0  }
0x18: {  	[sflag:s22] =	ssyncadd.s32 @!p0 $0xFFFFC000  }
0x19: {  	_ =	swait.ge @!p0 [sflag:s22], $0x4000  }
0x1a: {  	[sflag:s22] =	ssyncset.done @!p0 $0x0  }
0x1b: {  	[sflag:s22] =	ssyncadd.s32 @!p0 $0xFFFFC000  }
0x1c: {  	_ =	swait.ge @!p0 [sflag:s22], $0x4000  }
0x1d: {  	[sflag:s22] =	ssyncset.done @!p0 $0x0  }
0x1e: {  	[sflag:s22] =	ssyncadd.s32 @!p0 $0xFFFFC000  }
0x1f: {  	_ =	swait.ge @!p0 [sflag:s22], $0x4000  }
0x20: {  	[sflag:s22] =	ssyncset.done @!p0 $0x0  }
0x21: {  	[sflag:s22] =	ssyncadd.s32 @!p0 $0xFFFFC000  }
0x22: {  	_ =	swait.ge @!p0 [sflag:s22], $0x4000  }
0x23: {  	[sflag:s22] =	ssyncset.done @!p0 $0x0  }
0x24: {  	[sflag:s22] =	ssyncadd.s32 @!p0 $0xFFFFC000  }
0x25: {  	_ =	swait.ge @!p0 [sflag:s22], $0x4000  }
0x26: {  	[sflag:s22] =	ssyncset.done @!p0 $0x0  }
0x27: {  	s24 =	simm.s32 $0x0;
	[sflag:s22] =	ssyncadd.s32 @!p0 $0xFFFFC000  }
0x28: {  	[tilespmem:s13], [sflag:$0x1] =	stream.indirect.gather [hbm4b:s3+s12], $0x80, s24, s12, $0xb8;
	[tilespmem:$0x1D800] =	vst v63  }
0x29: {  	s25 =	simm.s32 $0x2C00  }
0x2a: {  	[tilespmem:s14], [sflag:$0x1] =	stream.indirect.gather [hbm4b:s4+s12], $0x80, s25, s12, $0xb8;
	[tilespmem:$0x1D800] =	vst v63  }
0x2b: {  	s26 =	simm.s32 $0x80  }
0x2c: {  	[tilespmem:s15], [sflag:$0x1] =	stream.indirect.gather [hbm4b:s3+s12], $0x80, s26, s12, $0xb8;
	[tilespmem:$0x1D800] =	vst v63  }
0x2d: {  	s29 =	simm.s32 $0x2C80  }
0x2e: {  	[tilespmem:s16], [sflag:$0x1] =	stream.indirect.gather [hbm4b:s4+s12], $0x80, s29, s12, $0xb8;
	[tilespmem:$0x1D800] =	vst v63  }
0x2f: {  	s30 =	simm.s32 $0x100  }
0x30: {  	[tilespmem:s17], [sflag:$0x1] =	stream.indirect.gather [hbm4b:s3+s12], $0x80, s30, s12, $0xb8;
	[tilespmem:$0x1D800] =	vst v63  }
0x31: {  	s22 =	simm.s32 $0x2D00  }
0x32: {  	[tilespmem:s18], [sflag:$0x1] =	stream.indirect.gather [hbm4b:s4+s12], $0x80, s22, s12, $0xb8;
	[tilespmem:$0x1D800] =	vst v63  }
0x33: {  	_ =	swait.ge [sflag:s19], $0x4000  }
0x34: {  	[sflag:s19] =	ssyncset.done $0x0  }
0x35: {  	[sflag:s19] =	ssyncadd.s32 $0xFFFFC000  }
0x36: {  	_ =	swait.ge [sflag:s19], $0x4000  }
0x37: {  	[sflag:s19] =	ssyncset.done $0x0  }
0x38: {  	s23 =	sadd.s32 $0x0, s8;
	[sflag:s19] =	ssyncadd.s32 $0xFFFFC000  }
0x39: {  	[hbm4b:s23+s2] =	stream.linear.scatter [tilespmem:s13], [sflag:$0x2], $0x4000, $0x38;
	[tilespmem:$0x1D800] =	vst v63  }
0x3a: {  	s24 =	sadd.s32 $0x0, s9  }
0x3b: {  	[hbm4b:s24+s2] =	stream.linear.scatter [tilespmem:s14], [sflag:$0x2], $0x4000, $0x38;
	[tilespmem:$0x1D800] =	vst v63  }
0x3c: {  	_ =	swait.ge [sflag:s19], $0x4000  }
0x3d: {  	[sflag:s19] =	ssyncset.done $0x0  }
0x3e: {  	[sflag:s19] =	ssyncadd.s32 $0xFFFFC000  }
0x3f: {  	_ =	swait.ge [sflag:s19], $0x4000  }
0x40: {  	[sflag:s19] =	ssyncset.done $0x0  }
0x41: {  	s25 =	sadd.s32 $0x800, s23;
	[sflag:s19] =	ssyncadd.s32 $0xFFFFC000  }
0x42: {  	[hbm4b:s25+s2] =	stream.linear.scatter [tilespmem:s15], [sflag:$0x2], $0x4000, $0x38;
	[tilespmem:$0x1D800] =	vst v63  }
0x43: {  	s31 =	sadd.s32 $0x800, s24  }
0x44: {  	[hbm4b:s31+s2] =	stream.linear.scatter [tilespmem:s16], [sflag:$0x2], $0x4000, $0x38;
	[tilespmem:$0x1D800] =	vst v63  }
0x45: {  	_ =	swait.ge [sflag:s19], $0x4000  }
0x46: {  	[sflag:s19] =	ssyncset.done $0x0  }
0x47: {  	[sflag:s19] =	ssyncadd.s32 $0xFFFFC000  }
0x48: {  	_ =	swait.ge [sflag:s19], $0x4000  }
0x49: {  	p1 =	por $0x0, $0x0;
	[sflag:s19] =	ssyncset.done $0x0  }
0x4a: {  	s28 =	sadd.s32 $0x1000, s24;
	s23 =	sadd.s32 $0x1000, s23;
	[sflag:s19] =	ssyncadd.s32 $0xFFFFC000  }
0x4b: {  	[hbm4b:s23+s2] =	stream.linear.scatter [tilespmem:s17], [sflag:$0x2], $0x4000, $0x38;
	[tilespmem:$0x1D800] =	vst v63  }
0x4c: {  	s24 =	simm.s32 $0x280;
	s25 =	simm.s32 $0x3000;
	s23 =	simm.s32 $0x1800  }
.LBB2_2:
0x4d: {  	s29 =	simm.s32 @!p1 $0x2  }
0x4e: {  	s22 =	sadd.s32 $0x180, s22;
	s26 =	smov.u32 s25;
	s25 =	sadd.s32 $0x1800, s25  }
0x4f: {  	[hbm4b:s28+s2] =	stream.linear.scatter [tilespmem:s18], [sflag:$0x2], $0x4000, $0x38;
	[tilespmem:$0x1D800] =	vst v63  }
0x50: {  	p0 =	sne.s32 s25, $0x28800;
	_ =	swait.ge @!p1 [sflag:s29], $0x4000  }
0x51: {  	[sflag:s29] =	ssyncset.done @!p1 $0x0  }
0x52: {  	[sflag:s29] =	ssyncadd.s32 @!p1 $0xFFFFC000  }
0x53: {  	_ =	swait.ge @!p1 [sflag:s29], $0x4000  }
0x54: {  	[sflag:s29] =	ssyncset.done @!p1 $0x0  }
0x55: {  	[sflag:s29] =	ssyncadd.s32 @!p1 $0xFFFFC000  }
0x56: {  	_ =	swait.ge @!p1 [sflag:s29], $0x4000  }
0x57: {  	[sflag:s29] =	ssyncset.done @!p1 $0x0  }
0x58: {  	[sflag:s29] =	ssyncadd.s32 @!p1 $0xFFFFC000  }
0x59: {  	_ =	swait.ge @!p1 [sflag:s29], $0x4000  }
0x5a: {  	[sflag:s29] =	ssyncset.done @!p1 $0x0  }
0x5b: {  	[sflag:s29] =	ssyncadd.s32 @!p1 $0xFFFFC000  }
0x5c: {  	_ =	swait.ge @!p1 [sflag:s29], $0x4000  }
0x5d: {  	[sflag:s29] =	ssyncset.done @!p1 $0x0  }
0x5e: {  	[sflag:s29] =	ssyncadd.s32 @!p1 $0xFFFFC000  }
0x5f: {  	_ =	swait.ge @!p1 [sflag:s29], $0x4000  }
0x60: {  	[sflag:s29] =	ssyncset.done @!p1 $0x0  }
0x61: {  	s28 =	sadd.s32 $0xFFFFFF00, s24;
	[sflag:s29] =	ssyncadd.s32 @!p1 $0xFFFFC000  }
0x62: {  	[tilespmem:s13], [sflag:$0x1] =	stream.indirect.gather [hbm4b:s3+s12], $0x80, s28, s12, $0xb8;
	[tilespmem:$0x1D800] =	vst v63  }
0x63: {  	s28 =	sadd.s32 $0xFFFFFF00, s22  }
0x64: {  	[tilespmem:s14], [sflag:$0x1] =	stream.indirect.gather [hbm4b:s4+s12], $0x80, s28, s12, $0xb8;
	[tilespmem:$0x1D800] =	vst v63  }
0x65: {  	s28 =	sadd.s32 $0xFFFFFF80, s24  }
0x66: {  	[tilespmem:s15], [sflag:$0x1] =	stream.indirect.gather [hbm4b:s3+s12], $0x80, s28, s12, $0xb8;
	[tilespmem:$0x1D800] =	vst v63  }
0x67: {  	s28 =	sadd.s32 $0xFFFFFF80, s22  }
0x68: {  	[tilespmem:s16], [sflag:$0x1] =	stream.indirect.gather [hbm4b:s4+s12], $0x80, s28, s12, $0xb8;
	[tilespmem:$0x1D800] =	vst v63  }
0x69: {  	_ = 	snop  }
0x6a: {  	[tilespmem:s17], [sflag:$0x1] =	stream.indirect.gather [hbm4b:s3+s12], $0x80, s24, s12, $0xb8;
	[tilespmem:$0x1D800] =	vst v63  }
0x6b: {  	_ = 	snop  }
0x6c: {  	[tilespmem:s18], [sflag:$0x1] =	stream.indirect.gather [hbm4b:s4+s12], $0x80, s22, s12, $0xb8;
	[tilespmem:$0x1D800] =	vst v63  }
0x6d: {  	_ =	swait.ge [sflag:s19], $0x4000  }
0x6e: {  	[sflag:s19] =	ssyncset.done $0x0  }
0x6f: {  	[sflag:s19] =	ssyncadd.s32 $0xFFFFC000  }
0x70: {  	_ =	swait.ge [sflag:s19], $0x4000  }
0x71: {  	[sflag:s19] =	ssyncset.done $0x0  }
0x72: {  	s29 =	sadd.s32 s23, s8;
	[sflag:s19] =	ssyncadd.s32 $0xFFFFC000  }
0x73: {  	[hbm4b:s29+s2] =	stream.linear.scatter [tilespmem:s13], [sflag:$0x2], $0x4000, $0x38;
	[tilespmem:$0x1D800] =	vst v63  }
0x74: {  	s28 =	sadd.s32 s23, s9;
	s23 =	smov.u32 s26  }
0x75: {  	[hbm4b:s28+s2] =	stream.linear.scatter [tilespmem:s14], [sflag:$0x2], $0x4000, $0x38;
	[tilespmem:$0x1D800] =	vst v63  }
0x76: {  	_ =	swait.ge [sflag:s19], $0x4000  }
0x77: {  	[sflag:s19] =	ssyncset.done $0x0  }
0x78: {  	[sflag:s19] =	ssyncadd.s32 $0xFFFFC000  }
0x79: {  	_ =	swait.ge [sflag:s19], $0x4000  }
0x7a: {  	[sflag:s19] =	ssyncset.done $0x0  }
0x7b: {  	s26 =	sadd.s32 $0x800, s29;
	[sflag:s19] =	ssyncadd.s32 $0xFFFFC000  }
0x7c: {  	[hbm4b:s26+s2] =	stream.linear.scatter [tilespmem:s15], [sflag:$0x2], $0x4000, $0x38;
	[tilespmem:$0x1D800] =	vst v63  }
0x7d: {  	s26 =	sadd.s32 $0x800, s28  }
0x7e: {  	[hbm4b:s26+s2] =	stream.linear.scatter [tilespmem:s16], [sflag:$0x2], $0x4000, $0x38;
	[tilespmem:$0x1D800] =	vst v63  }
0x7f: {  	_ =	swait.ge [sflag:s19], $0x4000  }
0x80: {  	[sflag:s19] =	ssyncset.done $0x0  }
.Ltmp0:
0x81: {  	[sflag:s19] =	ssyncadd.s32 $0xFFFFC000;
	(pc) =	sbr.rel @p0 .LBB2_2-.Ltmp0, $4  }
0x82: {  	_ =	swait.ge [sflag:s19], $0x4000  }
0x83: {  	s24 =	sadd.s32 $0x180, s24;
	s28 =	sadd.s32 $0x1000, s28;
	[sflag:s19] =	ssyncset.done $0x0  }
0x84: {  	p1 =	seq.s32 s23, $0x0;
	s26 =	sadd.s32 $0x1000, s29;
	[sflag:s19] =	ssyncadd.s32 $0xFFFFC000  }
0x85: {  	[hbm4b:s26+s2] =	stream.linear.scatter [tilespmem:s17], [sflag:$0x2], $0x4000, $0x38;
	[tilespmem:$0x1D800] =	vst v63  }
0x86: {  	s25 =	simm.s32 @!p1 $0x2  }
0x87: {  	[hbm4b:s28+s2] =	stream.linear.scatter [tilespmem:s18], [sflag:$0x2], $0x4000, $0x38;
	[tilespmem:$0x1D800] =	vst v63  }
0x88: {  	_ =	swait.ge @!p1 [sflag:s25], $0x4000  }
0x89: {  	[sflag:s25] =	ssyncset.done @!p1 $0x0  }
0x8a: {  	[sflag:s25] =	ssyncadd.s32 @!p1 $0xFFFFC000  }
0x8b: {  	_ =	swait.ge @!p1 [sflag:s25], $0x4000  }
0x8c: {  	[sflag:s25] =	ssyncset.done @!p1 $0x0  }
0x8d: {  	[sflag:s25] =	ssyncadd.s32 @!p1 $0xFFFFC000  }
0x8e: {  	_ =	swait.ge @!p1 [sflag:s25], $0x4000  }
0x8f: {  	[sflag:s25] =	ssyncset.done @!p1 $0x0  }
0x90: {  	[sflag:s25] =	ssyncadd.s32 @!p1 $0xFFFFC000  }
0x91: {  	_ =	swait.ge @!p1 [sflag:s25], $0x4000  }
0x92: {  	[sflag:s25] =	ssyncset.done @!p1 $0x0  }
0x93: {  	[sflag:s25] =	ssyncadd.s32 @!p1 $0xFFFFC000  }
0x94: {  	_ =	swait.ge @!p1 [sflag:s25], $0x4000  }
0x95: {  	[sflag:s25] =	ssyncset.done @!p1 $0x0  }
0x96: {  	[sflag:s25] =	ssyncadd.s32 @!p1 $0xFFFFC000  }
0x97: {  	_ =	swait.ge @!p1 [sflag:s25], $0x4000  }
0x98: {  	[sflag:s25] =	ssyncset.done @!p1 $0x0  }
0x99: {  	s22 =	sadd.s32 $0x180, s22;
	s28 =	sadd.s32 $0xFFFFFF00, s24;
	[sflag:s25] =	ssyncadd.s32 @!p1 $0xFFFFC000  }
0x9a: {  	[tilespmem:s13], [sflag:$0x1] =	stream.indirect.gather [hbm4b:s3+s12], $0x80, s28, s12, $0xb8;
	[tilespmem:$0x1D800] =	vst v63  }
0x9b: {  	s29 =	sadd.s32 $0xFFFFFF00, s22  }
0x9c: {  	[tilespmem:s14], [sflag:$0x1] =	stream.indirect.gather [hbm4b:s4+s12], $0x80, s29, s12, $0xb8;
	[tilespmem:$0x1D800] =	vst v63  }
0x9d: {  	s30 =	sadd.s32 $0xFFFFFF80, s24  }
0x9e: {  	[tilespmem:s15], [sflag:$0x1] =	stream.indirect.gather [hbm4b:s3+s12], $0x80, s30, s12, $0xb8;
	[tilespmem:$0x1D800] =	vst v63  }
0x9f: {  	s31 =	sadd.s32 $0xFFFFFF80, s22  }
0xa0: {  	[tilespmem:s16], [sflag:$0x1] =	stream.indirect.gather [hbm4b:s4+s12], $0x80, s31, s12, $0xb8;
	[tilespmem:$0x1D800] =	vst v63  }
0xa1: {  	_ = 	snop  }
0xa2: {  	[tilespmem:s17], [sflag:$0x1] =	stream.indirect.gather [hbm4b:s3+s12], $0x80, s24, s12, $0xb8;
	[tilespmem:$0x1D800] =	vst v63  }
0xa3: {  	_ = 	snop  }
0xa4: {  	[tilespmem:s18], [sflag:$0x1] =	stream.indirect.gather [hbm4b:s4+s12], $0x80, s22, s12, $0xb8;
	[tilespmem:$0x1D800] =	vst v63  }
0xa5: {  	_ =	swait.ge [sflag:s19], $0x4000  }
0xa6: {  	[sflag:s19] =	ssyncset.done $0x0  }
0xa7: {  	[sflag:s19] =	ssyncadd.s32 $0xFFFFC000  }
0xa8: {  	_ =	swait.ge [sflag:s19], $0x4000  }
0xa9: {  	[sflag:s19] =	ssyncset.done $0x0  }
0xaa: {  	s26 =	sadd.s32 s23, s8;
	[sflag:s19] =	ssyncadd.s32 $0xFFFFC000  }
0xab: {  	[hbm4b:s26+s2] =	stream.linear.scatter [tilespmem:s13], [sflag:$0x2], $0x4000, $0x38;
	[tilespmem:$0x1D800] =	vst v63  }
0xac: {  	s28 =	sadd.s32 s23, s9  }
0xad: {  	[hbm4b:s28+s2] =	stream.linear.scatter [tilespmem:s14], [sflag:$0x2], $0x4000, $0x38;
	[tilespmem:$0x1D800] =	vst v63  }
0xae: {  	_ =	swait.ge [sflag:s19], $0x4000  }
0xaf: {  	[sflag:s19] =	ssyncset.done $0x0  }
0xb0: {  	[sflag:s19] =	ssyncadd.s32 $0xFFFFC000  }
0xb1: {  	_ =	swait.ge [sflag:s19], $0x4000  }
0xb2: {  	[sflag:s19] =	ssyncset.done $0x0  }
0xb3: {  	s29 =	sadd.s32 $0x800, s26;
	[sflag:s19] =	ssyncadd.s32 $0xFFFFC000  }
0xb4: {  	[hbm4b:s29+s2] =	stream.linear.scatter [tilespmem:s15], [sflag:$0x2], $0x4000, $0x38;
	[tilespmem:$0x1D800] =	vst v63  }
0xb5: {  	s30 =	sadd.s32 $0x800, s28  }
0xb6: {  	[hbm4b:s30+s2] =	stream.linear.scatter [tilespmem:s16], [sflag:$0x2], $0x4000, $0x38;
	[tilespmem:$0x1D800] =	vst v63  }
0xb7: {  	_ =	swait.ge [sflag:s19], $0x4000  }
0xb8: {  	[sflag:s19] =	ssyncset.done $0x0  }
0xb9: {  	[sflag:s19] =	ssyncadd.s32 $0xFFFFC000  }
0xba: {  	_ =	swait.ge [sflag:s19], $0x4000  }
0xbb: {  	[sflag:s19] =	ssyncset.done $0x0  }
0xbc: {  	s22 =	sadd.s32 $0x1000, s26;
	[sflag:s19] =	ssyncadd.s32 $0xFFFFC000  }
0xbd: {  	[hbm4b:s22+s2] =	stream.linear.scatter [tilespmem:s17], [sflag:$0x2], $0x4000, $0x38;
	[tilespmem:$0x1D800] =	vst v63  }
0xbe: {  	s31 =	sadd.s32 $0x1000, s28  }
0xbf: {  	[hbm4b:s31+s2] =	stream.linear.scatter [tilespmem:s18], [sflag:$0x2], $0x4000, $0x38;
	[tilespmem:$0x1D800] =	vst v63  }
0xc0: {  	_ =	swait.ge [sflag:s20], $0x4000  }
0xc1: {  	[sflag:s20] =	ssyncset.done $0x0  }
0xc2: {  	[sflag:s20] =	ssyncadd.s32 $0xFFFFC000  }
0xc3: {  	_ =	swait.ge [sflag:s20], $0x4000  }
0xc4: {  	[sflag:s20] =	ssyncset.done $0x0  }
0xc5: {  	[sflag:s20] =	ssyncadd.s32 $0xFFFFC000  }
0xc6: {  	_ =	swait.ge [sflag:s20], $0x4000  }
0xc7: {  	[sflag:s20] =	ssyncset.done $0x0  }
0xc8: {  	[sflag:s20] =	ssyncadd.s32 $0xFFFFC000  }
0xc9: {  	_ =	swait.ge [sflag:s20], $0x4000  }
0xca: {  	[sflag:s20] =	ssyncset.done $0x0  }
0xcb: {  	s21 =	sadd.s32 $0x1, s21;
	[sflag:s20] =	ssyncadd.s32 $0xFFFFC000  }
0xcc: {  	p0 =	sne.s32 s21, s7;
	_ =	swait.ge [sflag:s20], $0x4000  }
.Ltmp1:
0xcd: {  	[sflag:s20] =	ssyncset.done $0x0;
	(pc) =	sbr.rel @p0 .LBB2_1-.Ltmp1, $4  }
0xce: {  	[sflag:s20] =	ssyncadd.s32 $0xFFFFC000  }
0xcf: {  	_ =	swait.ge [sflag:s20], $0x4000  }
0xd0: {  	[sflag:s20] =	ssyncset.done $0x0  }
0xd1: {  	[sflag:s20] =	ssyncadd.s32 $0xFFFFC000  }
0xd2: {  	_ =	sfence.sel $0x180000  }
0xd3: {  	[bflag:$0x0] =	sbarrier.arrive $0xFFFF  }
0xd4: {  	p0 =	sne.s32 s1, $0x0;
	_ =	strace $0x90000047  }
0xd5: {  	s0 =	sadd.s32 @!p0 $0x100000, s0;
	[bflag:$0x2] =	sbarrier.arrive $0xFFFF  }
0xd6: {  	[sflag:s0] =	ssyncadd.tile.s32 @!p0 $0x1;
	_ =	shalt  }
.Lfunc_end2:
_tile_overlayer_lowered:
.L_overlay_start_2:
0xd7: {  	(tag) =	ssettag $0x2  }
0xd8: {  	s0 =	rddreg [dreg:$0x0];
	s2 =	stileid.u32  }
0xd9: {  	s1 =	rddreg [dreg:$0x1];
	p0 =	sne.s32 s2, $0x0  }
0xda: {  	s3 =	rddreg [dreg:$0x2];
	[bflag:$0x3] =	sbarrier.arrive $0xFFFF;
	s2 =	simm.s32 @!p0 $0x1C03  }
0xdb: {  	[timem:s3], [sflag:s2] =	dma.local @!p0 [hbm:s0], s1  }
0xdc: {  	s0 =	simm.s32 @!p0 $0x3  }
0xdd: {  	_ =	swait.ge @!p0 [sflag:s0], s1  }
0xde: {  	s1 =	ssub.s32 @!p0 $0x0, s1;
	[sflag:s0] =	ssyncset.done @!p0 $0x0  }
0xdf: {  	[sflag:s0] =	ssyncadd.s32 @!p0 s1  }
0xe0: {  	[bflag:$0x3] =	sbarrier.arrive $0xFFFF  }
0xe1: {  	_ =	shalt  }

// kernel: kernel.21.cloned.1.call-start
scs
__scs_entry_jumppad:
0x0: {  	(pc) =	sbr.rel $0x88, $3  }
0x1: {  	(tag) =	ssettag $0x0;
	lr =	simm.s32 $0x1  }
0x2: {  	[smem:$0x3F88] =	sst lr;
	_ =	strace $0xD0000000  }
0x3: {  	_ = 	snop  }
0x4: {  	_ = 	snop  }
0x5: {  	_ = 	snop  }
0x6: {  	_ = 	snop  }
0x7: {  	_ = 	snop  }
__scs_overlays_trampoline_lowered:
0x8: {  	[smem:$0x3F97] =	sst s0  }
0x9: {  	[smem:$0x3F98] =	sst s1  }
0xa: {  	[smem:$0x3F99] =	sst s2  }
0xb: {  	[smem:$0x3F9A] =	sst s3  }
0xc: {  	[smem:$0x3F9B] =	sst s4  }
0xd: {  	[smem:$0x3F9C] =	sst s5  }
0xe: {  	[smem:$0x3F9D] =	sst s6  }
0xf: {  	[smem:$0x3F9E] =	sst s7  }
0x10: {  	[smem:$0x3F9F] =	sst s8  }
0x11: {  	[smem:$0x3FA0] =	sst s9;
	s0 =	simm.s32 @!p0 $0x0  }
0x12: {  	s1 =	sld [smem:$0x3F86];
	s0 =	simm.s32 @p0 $0x1  }
0x13: {  	[smem:$0x3FA1] =	sst s0;
	s0 =	simm.s32 @!p1 $0x0  }
0x14: {  	s2 =	sld [smem:$0x3F85];
	s0 =	simm.s32 @p1 $0x1  }
0x15: {  	[smem:$0x3FA2] =	sst s0;
	s0 =	simm.s32 @!p2 $0x0  }
0x16: {  	s3 =	sld [smem:$0x3FDB];
	s0 =	simm.s32 @p2 $0x1  }
0x17: {  	s4 =	simm.s32 $0x1BF5;
	[smem:$0x3FA4] =	sst s0  }
0x18: {  	s0 =	sld [smem:$0x3F87];
	_ =	swait.ge [sflag:s4], $0x0  }
0x19: {  	s7 =	sld [smem:$0x3F88]  }
0x1a: {  	s8 =	sadd.s32 $0xFFFFE003, lr  }
0x1b: {  	s9 =	sadd.s32 $0xFFFFFEF7, lr;
	s5 =	simm.s32 $0xFFFFFFFF;
	p2 =	slt.u32 s8, $0xFFFFF086  }
0x1c: {  	p1 =	slt.u32 s9, $0xF7A;
	s5 =	simm.s32 @!p2 $0x0  }
0x1d: {  	s5 =	simm.s32 @p1 $0x1;
	p0 =	seq.s32 s7, s2  }
0x1e: {  	s7 =	smul.u32 @!p0 $0xF7A, s2;
	p2 =	seq.s32 @!p0 s5, $0x0  }
0x1f: {  	s9 =	smul.u32 $0xF7A, s1;
	s8 =	simm.s32 @!p0 $0x1BF5;
	p2 =	por !p2, p0  }
0x20: {  	[sflag:s8] =	ssyncset.s32 @!p0 $0xFFFFF086;
	s6 =	sadd.s32 @!p0 s3, s7;
	s7 =	simm.s32 @!p0 $0x108  }
0x21: {  	s3 =	sadd.s32 s3, s9;
	s6 =	sadd.s32 @!p0 $0x88, s6;
	s7 =	simm.s32 @p2 $0x1082  }
0x22: {  	[simem:s7], [sflag:s8] =	dma.local @!p0 [hbm:s6], $0xF7A  }
0x23: {  	s9 =	sor.u32 $0xD0000000, s2;
	s6 =	simm.s32 $0x108;
	_ =	swait.ge @!p0 [sflag:s8], $0x0  }
0x24: {  	s3 =	sadd.s32 $0x88, s3;
	s6 =	simm.s32 @!p1 $0x1082;
	[sflag:s4] =	ssyncset.s32 $0xFFFFF086  }
0x25: {  	[simem:s6], [sflag:s4] =	dma.local [hbm:s3], $0xF7A  }
0x26: {  	[smem:$0x3F88] =	sst s1;
	(tag) =	ssettag s2;
	_ =	strace s9  }
0x27: {  	s1 =	sld [smem:$0x3F98]  }
0x28: {  	s2 =	sld [smem:$0x3F99]  }
0x29: {  	s4 =	sld [smem:$0x3F9B]  }
0x2a: {  	p0 =	seq.s32 s5, $0x0;
	s5 =	sld [smem:$0x3F9C]  }
0x2b: {  	s6 =	sld [smem:$0x3F9D]  }
0x2c: {  	s7 =	sld [smem:$0x3F9E]  }
0x2d: {  	s3 =	simm.s32 $0x108;
	s8 =	sld [smem:$0x3F9F]  }
0x2e: {  	s3 =	simm.s32 @!p0 $0x1082;
	s9 =	sld [smem:$0x3FA0]  }
0x2f: {  	lr =	sadd.s32 s0, s3;
	s0 =	sld [smem:$0x3F97]  }
0x30: {  	s3 =	sld [smem:$0x3F9A]  }
0x31: {  	[smem:$0x3FA3] =	sst s10  }
0x32: {  	s10 =	sld [smem:$0x3FA1];
	_ =	sdelay $0x3  }
0x33: {  	p0 =	seq.s32 s10, $0x1;
	s10 =	sld [smem:$0x3FA3];
	_ =	sdelay $0x3  }
0x34: {  	[smem:$0x3FA3] =	sst s10  }
0x35: {  	s10 =	sld [smem:$0x3FA2];
	_ =	sdelay $0x3  }
0x36: {  	p1 =	seq.s32 s10, $0x1;
	s10 =	sld [smem:$0x3FA3];
	_ =	sdelay $0x3  }
0x37: {  	[smem:$0x3FA3] =	sst s10  }
0x38: {  	s10 =	sld [smem:$0x3FA4]  }
0x39: {  	_ = 	snop;
	(pc) =	sbr.ind lr, $3  }
0x3a: {  	_ = 	snop  }
0x3b: {  	_ = 	snop  }
0x3c: {  	p2 =	seq.s32 s10, $0x1;
	s10 =	sld [smem:$0x3FA3]  }
0x3d: {  	_ =	shalt  }
0x3e: {  	_ =	shalt  }
0x3f: {  	_ =	shalt  }
0x40: {  	_ =	shalt  }
0x41: {  	_ =	shalt  }
0x42: {  	_ =	shalt  }
0x43: {  	_ =	shalt  }
0x44: {  	_ =	shalt  }
0x45: {  	_ =	shalt  }
0x46: {  	_ =	shalt  }
0x47: {  	_ =	shalt  }
0x48: {  	_ =	shalt  }
0x49: {  	_ =	shalt  }
0x4a: {  	_ =	shalt  }
0x4b: {  	_ =	shalt  }
0x4c: {  	_ =	shalt  }
0x4d: {  	_ =	shalt  }
0x4e: {  	_ =	shalt  }
0x4f: {  	_ =	shalt  }
0x50: {  	_ =	shalt  }
0x51: {  	_ =	shalt  }
0x52: {  	_ =	shalt  }
0x53: {  	_ =	shalt  }
0x54: {  	_ =	shalt  }
0x55: {  	_ =	shalt  }
0x56: {  	_ =	shalt  }
0x57: {  	_ =	shalt  }
0x58: {  	_ =	shalt  }
0x59: {  	_ =	shalt  }
0x5a: {  	_ =	shalt  }
0x5b: {  	_ =	shalt  }
0x5c: {  	_ =	shalt  }
0x5d: {  	_ =	shalt  }
0x5e: {  	_ =	shalt  }
0x5f: {  	_ =	shalt  }
0x60: {  	_ =	shalt  }
0x61: {  	_ =	shalt  }
0x62: {  	_ =	shalt  }
0x63: {  	_ =	shalt  }
0x64: {  	_ =	shalt  }
0x65: {  	_ =	shalt  }
0x66: {  	_ =	shalt  }
0x67: {  	_ =	shalt  }
0x68: {  	_ =	shalt  }
0x69: {  	_ =	shalt  }
0x6a: {  	_ =	shalt  }
0x6b: {  	_ =	shalt  }
0x6c: {  	_ =	shalt  }
0x6d: {  	_ =	shalt  }
0x6e: {  	_ =	shalt  }
0x6f: {  	_ =	shalt  }
0x70: {  	_ =	shalt  }
0x71: {  	_ =	shalt  }
0x72: {  	_ =	shalt  }
0x73: {  	_ =	shalt  }
0x74: {  	_ =	shalt  }
0x75: {  	_ =	shalt  }
0x76: {  	_ =	shalt  }
0x77: {  	_ =	shalt  }
0x78: {  	_ =	shalt  }
0x79: {  	_ =	shalt  }
0x7a: {  	_ =	shalt  }
0x7b: {  	_ =	shalt  }
0x7c: {  	_ =	shalt  }
0x7d: {  	_ =	shalt  }
0x7e: {  	_ =	shalt  }
0x7f: {  	_ =	shalt  }
0x80: {  	_ =	shalt  }
0x81: {  	_ =	shalt  }
0x82: {  	_ =	shalt  }
0x83: {  	_ =	shalt  }
0x84: {  	_ =	shalt  }
0x85: {  	_ =	shalt  }
0x86: {  	_ =	shalt  }
0x87: {  	_ =	shalt  }
.Lfunc_end0:
.L_simem_size_0:
called_computation.1_lowered:
.L_overlay_start_0:
0x88: {  	s2 =	sld [smem:$0x3FD9]  }
0x89: {  	s3 =	sld [smem:$0x3FFE];
	_ =	sdelay $0x1  }
0x8a: {  	s1 =	srdreg.scid  }
0x8b: {  	s0 =	sand.u32 $0x1, s1  }
0x8c: {  	s17 =	sshll.u32 s0, $0xA;
	s2 =	sadd.s32 s3, s2  }
0x8d: {  	s2 =	sadd.s32 s2, s17  }
0x8e: {  	[smem:$0x3FAF] =	sst s2  }
0x8f: {  	_ = 	snop  }
0x90: {  	(tm) =	ssettm $0x1  }
0x91: {  	s18 =	sld [smem:$0x3FFB];
	_ =	sdelay $0x3  }
0x92: {  	_ =	strace s18  }
0x93: {  	s2 =	sld [smem:$0x3FFC];
	_ =	sdelay $0x3  }
0x94: {  	_ =	strace s2  }
0x95: {  	s2 =	sld [smem:$0x3FFD];
	_ =	sdelay $0x3  }
0x96: {  	_ =	strace s2  }
0x97: {  	_ =	strace $0x8FFFFFFF  }
0x98: {  	s19 =	sld [smem:$0x3FDB];
	_ =	sdelay $0x1  }
0x99: {  	s20 =	simm.s32 $_scs_section_size  }
0x9a: {  	s4 =	simm.s32 $_size__tile_overlayer_lowered;
	s5 =	simm.s32 $_tile_overlayer_lowered  }
0x9b: {  	s6 =	simm.s32 $0x1BFF;
	s21 =	sshll.u32 s5, $0x1;
	s3 =	sadd.s32 s20, s19  }
0x9c: {  	s22 =	simm.s32 $0x0;
	s4 =	sshll.u32 s4, $0x1;
	s5 =	sadd.s32 s21, s3  }
0x9d: {  	[timem:s22], [sflag:s6] =	dma.local [hbm:s5], s4  }
0x9e: {  	_ =	swait.ge [sflag:s6], s4  }
0x9f: {  	s4 =	ssub.s32 $0x0, s4;
	[sflag:s6] =	ssyncset.done $0x0  }
0xa0: {  	[sflag:s6] =	ssyncadd.s32 s4;
	_ =	sdelay $0x1  }
0xa1: {  	s23 =	simm.s32 $0x1B8B  }
0xa2: {  	_ =	swait.ge [sflag:s23], $0x1  }
0xa3: {  	[sflag:s23] =	ssyncset.done $0x0  }
0xa4: {  	[sflag:s23] =	ssyncadd.s32 $0xFFFFFFFF  }
0xa5: {  	s4 =	sld [smem:$0x0]  }
0xa6: {  	s5 =	sand.u32 $0xFFFFFFFE, s1  }
0xa7: {  	p0 =	sne.s32 s1, s5  }
0xa8: {  	s5 =	sshll.u32 @p0 s5, $0xE  }
0xa9: {  	s5 =	sadd.s32 @p0 $0x11B8D, s5;
	s6 =	sshll.u32 @p0 s4, $0x11  }
0xaa: {  	s5 =	sor.u32 @p0 s6, s5  }
0xab: {  	[sflag:s5] =	ssyncadd.remote.s32 @p0 $0x1;
	_ =	sdelay $0x1  }
0xac: {  	s5 =	simm.s32 @p0 $0x1B8D  }
0xad: {  	_ =	swait.eq @p0 [sflag:s5], $0x1  }
0xae: {  	[sflag:s5] =	ssyncadd.s32 @p0 $0xFFFFFFFF  }
0xaf: {  	s6 =	sshll.u32 @!p0 s1, $0xE  }
0xb0: {  	s6 =	sor.u32 @!p0 $0x4000, s6;
	s5 =	simm.s32 @!p0 $0x1B8D  }
0xb1: {  	s4 =	sshll.u32 @!p0 s4, $0x11;
	s6 =	sadd.s32 @!p0 $0x11B8D, s6;
	_ =	swait.eq @!p0 [sflag:s5], $0x1  }
0xb2: {  	s4 =	sor.u32 @!p0 s4, s6;
	[sflag:s5] =	ssyncadd.s32 @!p0 $0xFFFFFFFF  }
0xb3: {  	s25 =	simm.s32 $0x1B8E;
	s24 =	sld [smem:$0x3FFE];
	[sflag:s4] =	ssyncadd.remote.s32 @!p0 $0x1  }
0xb4: {  	s26 =	simm.s32 $execute0_lowered;
	[smem:$0x3FD2] =	sst s25  }
0xb5: {  	s5 =	sshll.u32 s26, $0x1;
	_ =	strace $0x8000004C;
	[dreg:$0x1] =	wrdreg $0xFFFFFFFF  }
0xb6: {  	s28 =	simm.s32 $_size_execute0_lowered;
	s3 =	sadd.s32 s3, s5;
	[dreg:$0x0] =	wrdreg $0x0  }
0xb7: {  	s5 =	sshll.u32 s28, $0x1;
	[dreg:$0x2] =	wrdreg s3  }
0xb8: {  	[dreg:$0x3] =	wrdreg s5  }
0xb9: {  	[dreg:$0x4] =	wrdreg $0xC0  }
0xba: {  	_ =	task [dreg:s22], $0x5FFFF  }
0xbb: {  	[dreg:$0x1] =	wrdreg $0xFFFFFFFF  }
0xbc: {  	[dreg:$0x0] =	wrdreg $0x60  }
0xbd: {  	[dreg:$0x2] =	wrdreg s24  }
0xbe: {  	[dreg:$0x3] =	wrdreg $0xAC000  }
0xbf: {  	[dreg:$0x4] =	wrdreg $0x9  }
0xc0: {  	_ =	task.clear_ibuf [dreg:s22], $0x5FFFF;
	_ =	strace $0x9000004C  }
0xc1: {  	s29 =	simm.s32 $0x9;
	_ =	strace $0x8000004E  }
0xc2: {  	_ =	swait.ge [sflag:s29], $0x1  }
0xc3: {  	[sflag:s29] =	ssyncadd.s32 $0xFFFFFFFF  }
0xc4: {  	_ =	strace $0x9000004E  }
0xc5: {  	_ =	sfence  }
0xc6: {  	s30 =	sld [smem:$0x0];
	_ =	sdelay $0x2  }
0xc7: {  	s31 =	sshll.u32 s1, $0xD;
	s1 =	sshrl.u32 s1, $0x2  }
0xc8: {  	s4 =	sand.u32 $0x4000, s31;
	s1 =	sadd.s32 s1, s30  }
0xc9: {  	s0 =	sor.u32 s4, s0;
	s1 =	sshll.u32 s1, $0x11  }
0xca: {  	s0 =	sor.u32 s1, s0  }
0xcb: {  	s0 =	sadd.s32 $0x8F2B, s0  }
0xcc: {  	[sflag:s0] =	ssyncadd.remote.s32 $0x1  }
0xcd: {  	_ =	sfence.sel $0xFFFF  }
0xce: {  	[dreg:$0x0] =	wrdreg $0xFFFFFFFF;
	(pc) =	sbr.abs _section_cstart, $3  }
0xcf: {  	[dreg:$0x1] =	wrdreg $0xFFFFFFFF  }
0xd0: {  	_ =	task.clear_ibuf [dreg:s22], $0x2FFFF;
	_ =	strace $0x9FFFFFFF  }
0xd1: {  	(tm) =	ssettm $0x7FFFFFFF  }
tec
execute0_lowered:
.L_overlay_start_1:
0x0: {  	(tag) =	ssettag $0x1  }
0x1: {  	s0 =	srdreg.scid  }
0x2: {  	s7 =	sand.u32 $0x1, s0;
	s0 =	stileid.u32  }
0x3: {  	s4 =	rddreg [dreg:$0x0];
	s8 =	smul.u32 $0x14000, s0  }
0x4: {  	s2 =	rddreg [dreg:$0x1];
	s9 =	smul.u32 $0x140000, s7  }
0x5: {  	s3 =	simm.s32 $0x0;
	s16 =	simm.s32 $0x1;
	s24 =	smul.u32 $0x50000, s0  }
0x6: {  	s17 =	simm.s32 $0x80;
	s18 =	simm.s32 $0x2800;
	s29 =	smul.u32 $0x1440000, s7  }
0x7: {  	s19 =	simm.s32 $0x0;
	[smem:$0x7FF] =	sst s3;
	s14 =	smul.u32 $0x144000, s0  }
0x8: {  	s10 =	sadd.s32 $0xF9F600, s4;
	s1 =	sshll.u32 s7, $0x4;
	s15 =	smul.u32 $0x288000, s7  }
0x9: {  	s12 =	ssub.s32 $0x2, s7;
	s28 =	sshll.u32 s0, $0x6;
	s31 =	smul.u32 $0x28800, s0  }
0xa: {  	s5 =	sor.u32 s0, s1;
	s1 =	rddreg [dreg:$0x2];
	_ =	strace $0x8000004D  }
0xb: {  	s25 =	sshrl.u32 s12, $0x1;
	s6 =	smul.u32 $0x580, s5;
	s11 =	sshrl.u32 s8, $0x3  }
0xc: {  	s8 =	sadd.s32 s8, s9;
	s9 =	sshrl.u32 s24, $0x2;
	s12 =	ssub.s32 s12, s25  }
0xd: {  	s26 =	smul.u32 $0x144000, s5;
	s5 =	sor.u32 $0x1C02, s28;
	s30 =	sadd.s32 s14, s29  }
0xe: {  	s15 =	sadd.s32 s15, s10;
	s11 =	sadd.s32 s11, s4;
	s8 =	sshrl.u32 s8, $0x3  }
0xf: {  	s13 =	sadd.s32 s9, s2;
	s14 =	sshrl.u32 s30, $0x3;
	s6 =	sadd.s32 s6, s4  }
0x10: {  	s8 =	sadd.s32 s8, s4;
	s4 =	sadd.s32 $0x96E00, s11;
	s9 =	sshrl.u32 s26, $0x3  }
0x11: {  	s11 =	sadd.s32 s31, s15;
	s15 =	simm.s32 $0x6C00;
	s6 =	sadd.s32 $0x8E00, s6  }
0x12: {  	s9 =	sadd.s32 s10, s9;
	s8 =	sadd.s32 $0xBEE00, s8;
	s10 =	sadd.s32 s14, s10  }
0x13: {  	s11 =	sadd.s32 $0x800, s11;
	s14 =	simm.s32 $0x2C00;
	s7 =	sadd.s32 $0x28000, s9  }
0x14: {  	s9 =	smax.u32 s12, $0x1;
	s12 =	sshrl.u32 s13, $0x3;
	s13 =	simm.s32 $0x2  }
.LBB2_1:
0x15: {  	[spmem:s12], [sflag:s5] =	dma.local [hbm:s4], $0x2800  }
0x16: {  	_ =	swait.ge [sflag:s13], $0x2800  }
0x17: {  	[sflag:s13] =	ssyncset.done $0x0  }
0x18: {  	[sflag:s13] =	ssyncadd.s32 $0xFFFFD800  }
0x19: {  	[bflag:$0x0] =	sbarrier.arrive $0xFFFF  }
0x1a: {  	[tilespmem:s3], [sflag:$0x2] =	stream.linear.gather [hbm4b:s6+s3], $0x2880, $0x38;
	[tilespmem:$0x1EC00] =	vst v63  }
0x1b: {  	_ =	swait.ge [sflag:s13], $0x2880  }
0x1c: {  	[sflag:s13] =	ssyncset.done $0x0  }
0x1d: {  	s20 =	sadd.s32 $0x0, s10;
	[sflag:s13] =	ssyncadd.s32 $0xFFFFD780  }
0x1e: {  	[tilespmem:s14], [sflag:$0x1] =	stream.linear.gather [hbm4b:s20+s3], $0x4000, $0x38;
	[tilespmem:$0x1EC00] =	vst v63  }
0x1f: {  	s30 =	sadd.s32 $0x0, s11  }
0x20: {  	[tilespmem:s15], [sflag:$0x1] =	stream.linear.gather [hbm4b:s30+s3], $0x4000, $0x38;
	[tilespmem:$0x1EC00] =	vst v63  }
0x21: {  	_ =	swait.ge [sflag:s16], $0x4000  }
0x22: {  	[sflag:s16] =	ssyncset.done $0x0  }
0x23: {  	[sflag:s16] =	ssyncadd.s32 $0xFFFFC000  }
0x24: {  	[spmem:s2] =	stream.indirect.scatter.add.f32 [tilespmem:s14], [sflag:$0x2], $0x80, s3, s17, $0xb8;
	[tilespmem:$0x1EC00] =	vst v63  }
0x25: {  	_ =	swait.ge [sflag:s13], $0x4000  }
0x26: {  	[sflag:s13] =	ssyncset.done $0x0  }
0x27: {  	[sflag:s13] =	ssyncadd.s32 $0xFFFFC000  }
0x28: {  	_ =	swait.ge [sflag:s16], $0x4000  }
0x29: {  	[sflag:s16] =	ssyncset.done $0x0  }
0x2a: {  	s31 =	simm.s32 $0x80;
	[sflag:s16] =	ssyncadd.s32 $0xFFFFC000  }
0x2b: {  	[spmem:s2] =	stream.indirect.scatter.add.f32 [tilespmem:s15], [sflag:$0x2], $0x80, s31, s17, $0xb8;
	[tilespmem:$0x1EC00] =	vst v63  }
0x2c: {  	s21 =	simm.s32 $0x1000;
	_ =	swait.ge [sflag:s13], $0x4000  }
0x2d: {  	s22 =	simm.s32 $0x2000;
	s20 =	simm.s32 $0x100;
	[sflag:s13] =	ssyncset.done $0x0  }
.LBB2_2:
0x2e: {  	s23 =	sadd.s32 s21, s10  }
0x2f: {  	[sflag:s13] =	ssyncadd.s32 $0xFFFFC000;
	s24 =	smov.u32 s22;
	s25 =	sadd.s32 $0x1000, s22  }
0x30: {  	[tilespmem:s14], [sflag:$0x1] =	stream.linear.gather [hbm4b:s23+s3], $0x4000, $0x38;
	[tilespmem:$0x1EC00] =	vst v63  }
0x31: {  	p0 =	sne.s32 s22, $0x27000;
	s22 =	sadd.s32 s21, s11;
	s21 =	smov.u32 s24  }
0x32: {  	[tilespmem:s15], [sflag:$0x1] =	stream.linear.gather [hbm4b:s22+s3], $0x4000, $0x38;
	[tilespmem:$0x1EC00] =	vst v63  }
0x33: {  	_ =	swait.ge [sflag:s16], $0x4000  }
0x34: {  	[sflag:s16] =	ssyncset.done $0x0  }
0x35: {  	[sflag:s16] =	ssyncadd.s32 $0xFFFFC000  }
0x36: {  	[spmem:s2] =	stream.indirect.scatter.add.f32 [tilespmem:s14], [sflag:$0x2], $0x80, s20, s17, $0xb8;
	[tilespmem:$0x1EC00] =	vst v63  }
0x37: {  	_ =	swait.ge [sflag:s13], $0x4000  }
0x38: {  	[sflag:s13] =	ssyncset.done $0x0  }
0x39: {  	[sflag:s13] =	ssyncadd.s32 $0xFFFFC000  }
0x3a: {  	_ =	swait.ge [sflag:s16], $0x4000  }
.Ltmp0:
0x3b: {  	[sflag:s16] =	ssyncset.done $0x0;
	(pc) =	sbr.rel @p0 .LBB2_2-.Ltmp0, $4  }
0x3c: {  	s22 =	sadd.s32 $0x80, s20;
	[sflag:s16] =	ssyncadd.s32 $0xFFFFC000  }
0x3d: {  	[spmem:s2] =	stream.indirect.scatter.add.f32 [tilespmem:s15], [sflag:$0x2], $0x80, s22, s17, $0xb8;
	[tilespmem:$0x1EC00] =	vst v63  }
0x3e: {  	_ =	swait.ge [sflag:s13], $0x4000  }
0x3f: {  	s20 =	sadd.s32 $0x100, s20;
	s22 =	smov.u32 s25;
	[sflag:s13] =	ssyncset.done $0x0  }
0x40: {  	s22 =	sadd.s32 s21, s10;
	[sflag:s13] =	ssyncadd.s32 $0xFFFFC000  }
0x41: {  	[tilespmem:s14], [sflag:$0x1] =	stream.linear.gather [hbm4b:s22+s3], $0x4000, $0x38;
	[tilespmem:$0x1EC00] =	vst v63  }
0x42: {  	s30 =	sadd.s32 s21, s11  }
0x43: {  	[tilespmem:s15], [sflag:$0x1] =	stream.linear.gather [hbm4b:s30+s3], $0x4000, $0x38;
	[tilespmem:$0x1EC00] =	vst v63  }
0x44: {  	_ =	swait.ge [sflag:s16], $0x4000  }
0x45: {  	[sflag:s16] =	ssyncset.done $0x0  }
0x46: {  	[sflag:s16] =	ssyncadd.s32 $0xFFFFC000  }
0x47: {  	[spmem:s2] =	stream.indirect.scatter.add.f32 [tilespmem:s14], [sflag:$0x2], $0x80, s20, s17, $0xb8;
	[tilespmem:$0x1EC00] =	vst v63  }
0x48: {  	_ =	swait.ge [sflag:s13], $0x4000  }
0x49: {  	[sflag:s13] =	ssyncset.done $0x0  }
0x4a: {  	[sflag:s13] =	ssyncadd.s32 $0xFFFFC000  }
0x4b: {  	_ =	swait.ge [sflag:s16], $0x4000  }
0x4c: {  	[sflag:s16] =	ssyncset.done $0x0  }
0x4d: {  	s31 =	sadd.s32 $0x80, s20;
	[sflag:s16] =	ssyncadd.s32 $0xFFFFC000  }
0x4e: {  	[spmem:s2] =	stream.indirect.scatter.add.f32 [tilespmem:s15], [sflag:$0x2], $0x80, s31, s17, $0xb8;
	[tilespmem:$0x1EC00] =	vst v63  }
0x4f: {  	_ =	swait.ge [sflag:s13], $0x4000  }
0x50: {  	[sflag:s13] =	ssyncset.done $0x0  }
0x51: {  	[sflag:s13] =	ssyncadd.s32 $0xFFFFC000  }
0x52: {  	[tilespmem:s14], [sflag:$0x2] =	stream.linear.gather [hbm4b:s7+s3], $0x4000, $0x38;
	[tilespmem:$0x1EC00] =	vst v63  }
0x53: {  	_ =	swait.ge [sflag:s13], $0x4000  }
0x54: {  	[sflag:s13] =	ssyncset.done $0x0  }
0x55: {  	[sflag:s13] =	ssyncadd.s32 $0xFFFFC000  }
0x56: {  	[spmem:s2] =	stream.indirect.scatter.add.f32 [tilespmem:s14], [sflag:$0x2], $0x80, s18, s17, $0xb8;
	[tilespmem:$0x1EC00] =	vst v63  }
0x57: {  	_ =	swait.ge [sflag:s13], $0x4000  }
0x58: {  	s19 =	sadd.s32 $0x1, s19;
	[sflag:s13] =	ssyncset.done $0x0  }
0x59: {  	p0 =	sne.s32 s19, s9;
	[sflag:s13] =	ssyncadd.s32 $0xFFFFC000  }
.Ltmp1:
0x5a: {  	[bflag:$0x0] =	sbarrier.arrive $0xFFFF;
	(pc) =	sbr.rel @p0 .LBB2_1-.Ltmp1, $4  }
0x5b: {  	[hbm:s8], [sflag:s5] =	dma.local [spmem:s12], $0x2800  }
0x5c: {  	_ =	swait.ge [sflag:s13], $0x2800  }
0x5d: {  	[sflag:s13] =	ssyncset.done $0x0  }
0x5e: {  	[sflag:s13] =	ssyncadd.s32 $0xFFFFD800  }
0x5f: {  	_ =	sfence.sel $0x180000  }
0x60: {  	[bflag:$0x0] =	sbarrier.arrive $0xFFFF  }
0x61: {  	p0 =	sne.s32 s0, $0x0;
	_ =	strace $0x9000004D  }
0x62: {  	s0 =	sadd.s32 @!p0 $0x100000, s1;
	[bflag:$0x2] =	sbarrier.arrive $0xFFFF  }
0x63: {  	[sflag:s0] =	ssyncadd.tile.s32 @!p0 $0x1;
	_ =	shalt  }
.Lfunc_end2:
_tile_overlayer_lowered:
.L_overlay_start_2:
0x64: {  	(tag) =	ssettag $0x2  }
0x65: {  	s0 =	rddreg [dreg:$0x0];
	s2 =	stileid.u32  }
0x66: {  	s1 =	rddreg [dreg:$0x1];
	p0 =	sne.s32 s2, $0x0  }
0x67: {  	s3 =	rddreg [dreg:$0x2];
	[bflag:$0x3] =	sbarrier.arrive $0xFFFF;
	s2 =	simm.s32 @!p0 $0x1C02  }
0x68: {  	[timem:s3], [sflag:s2] =	dma.local @!p0 [hbm:s0], s1  }
0x69: {  	s0 =	simm.s32 @!p0 $0x2  }
0x6a: {  	_ =	swait.ge @!p0 [sflag:s0], s1  }
0x6b: {  	s1 =	ssub.s32 @!p0 $0x0, s1;
	[sflag:s0] =	ssyncset.done @!p0 $0x0  }
0x6c: {  	[sflag:s0] =	ssyncadd.s32 @!p0 s1  }
0x6d: {  	[bflag:$0x3] =	sbarrier.arrive $0xFFFF  }
0x6e: {  	_ =	shalt  }

// kernel: kernel.24.cloned.1.call-start
scs
__scs_entry_jumppad:
0x0: {  	(pc) =	sbr.rel $0x88, $3  }
0x1: {  	(tag) =	ssettag $0x0;
	lr =	simm.s32 $0x1  }
0x2: {  	[smem:$0x3F88] =	sst lr;
	_ =	strace $0xD0000000  }
0x3: {  	_ = 	snop  }
0x4: {  	_ = 	snop  }
0x5: {  	_ = 	snop  }
0x6: {  	_ = 	snop  }
0x7: {  	_ = 	snop  }
__scs_overlays_trampoline_lowered:
0x8: {  	[smem:$0x3F97] =	sst s0  }
0x9: {  	[smem:$0x3F98] =	sst s1  }
0xa: {  	[smem:$0x3F99] =	sst s2  }
0xb: {  	[smem:$0x3F9A] =	sst s3  }
0xc: {  	[smem:$0x3F9B] =	sst s4  }
0xd: {  	[smem:$0x3F9C] =	sst s5  }
0xe: {  	[smem:$0x3F9D] =	sst s6  }
0xf: {  	[smem:$0x3F9E] =	sst s7  }
0x10: {  	[smem:$0x3F9F] =	sst s8  }
0x11: {  	[smem:$0x3FA0] =	sst s9;
	s0 =	simm.s32 @!p0 $0x0  }
0x12: {  	s1 =	sld [smem:$0x3F86];
	s0 =	simm.s32 @p0 $0x1  }
0x13: {  	[smem:$0x3FA1] =	sst s0;
	s0 =	simm.s32 @!p1 $0x0  }
0x14: {  	s2 =	sld [smem:$0x3F85];
	s0 =	simm.s32 @p1 $0x1  }
0x15: {  	[smem:$0x3FA2] =	sst s0;
	s0 =	simm.s32 @!p2 $0x0  }
0x16: {  	s3 =	sld [smem:$0x3FDB];
	s0 =	simm.s32 @p2 $0x1  }
0x17: {  	s4 =	simm.s32 $0x1BF5;
	[smem:$0x3FA4] =	sst s0  }
0x18: {  	s0 =	sld [smem:$0x3F87];
	_ =	swait.ge [sflag:s4], $0x0  }
0x19: {  	s7 =	sld [smem:$0x3F88]  }
0x1a: {  	s8 =	sadd.s32 $0xFFFFE003, lr  }
0x1b: {  	s9 =	sadd.s32 $0xFFFFFEF7, lr;
	s5 =	simm.s32 $0xFFFFFFFF;
	p2 =	slt.u32 s8, $0xFFFFF086  }
0x1c: {  	p1 =	slt.u32 s9, $0xF7A;
	s5 =	simm.s32 @!p2 $0x0  }
0x1d: {  	s5 =	simm.s32 @p1 $0x1;
	p0 =	seq.s32 s7, s2  }
0x1e: {  	s7 =	smul.u32 @!p0 $0xF7A, s2;
	p2 =	seq.s32 @!p0 s5, $0x0  }
0x1f: {  	s9 =	smul.u32 $0xF7A, s1;
	s8 =	simm.s32 @!p0 $0x1BF5;
	p2 =	por !p2, p0  }
0x20: {  	[sflag:s8] =	ssyncset.s32 @!p0 $0xFFFFF086;
	s6 =	sadd.s32 @!p0 s3, s7;
	s7 =	simm.s32 @!p0 $0x108  }
0x21: {  	s3 =	sadd.s32 s3, s9;
	s6 =	sadd.s32 @!p0 $0x88, s6;
	s7 =	simm.s32 @p2 $0x1082  }
0x22: {  	[simem:s7], [sflag:s8] =	dma.local @!p0 [hbm:s6], $0xF7A  }
0x23: {  	s9 =	sor.u32 $0xD0000000, s2;
	s6 =	simm.s32 $0x108;
	_ =	swait.ge @!p0 [sflag:s8], $0x0  }
0x24: {  	s3 =	sadd.s32 $0x88, s3;
	s6 =	simm.s32 @!p1 $0x1082;
	[sflag:s4] =	ssyncset.s32 $0xFFFFF086  }
0x25: {  	[simem:s6], [sflag:s4] =	dma.local [hbm:s3], $0xF7A  }
0x26: {  	[smem:$0x3F88] =	sst s1;
	(tag) =	ssettag s2;
	_ =	strace s9  }
0x27: {  	s1 =	sld [smem:$0x3F98]  }
0x28: {  	s2 =	sld [smem:$0x3F99]  }
0x29: {  	s4 =	sld [smem:$0x3F9B]  }
0x2a: {  	p0 =	seq.s32 s5, $0x0;
	s5 =	sld [smem:$0x3F9C]  }
0x2b: {  	s6 =	sld [smem:$0x3F9D]  }
0x2c: {  	s7 =	sld [smem:$0x3F9E]  }
0x2d: {  	s3 =	simm.s32 $0x108;
	s8 =	sld [smem:$0x3F9F]  }
0x2e: {  	s3 =	simm.s32 @!p0 $0x1082;
	s9 =	sld [smem:$0x3FA0]  }
0x2f: {  	lr =	sadd.s32 s0, s3;
	s0 =	sld [smem:$0x3F97]  }
0x30: {  	s3 =	sld [smem:$0x3F9A]  }
0x31: {  	[smem:$0x3FA3] =	sst s10  }
0x32: {  	s10 =	sld [smem:$0x3FA1];
	_ =	sdelay $0x3  }
0x33: {  	p0 =	seq.s32 s10, $0x1;
	s10 =	sld [smem:$0x3FA3];
	_ =	sdelay $0x3  }
0x34: {  	[smem:$0x3FA3] =	sst s10  }
0x35: {  	s10 =	sld [smem:$0x3FA2];
	_ =	sdelay $0x3  }
0x36: {  	p1 =	seq.s32 s10, $0x1;
	s10 =	sld [smem:$0x3FA3];
	_ =	sdelay $0x3  }
0x37: {  	[smem:$0x3FA3] =	sst s10  }
0x38: {  	s10 =	sld [smem:$0x3FA4]  }
0x39: {  	_ = 	snop;
	(pc) =	sbr.ind lr, $3  }
0x3a: {  	_ = 	snop  }
0x3b: {  	_ = 	snop  }
0x3c: {  	p2 =	seq.s32 s10, $0x1;
	s10 =	sld [smem:$0x3FA3]  }
0x3d: {  	_ =	shalt  }
0x3e: {  	_ =	shalt  }
0x3f: {  	_ =	shalt  }
0x40: {  	_ =	shalt  }
0x41: {  	_ =	shalt  }
0x42: {  	_ =	shalt  }
0x43: {  	_ =	shalt  }
0x44: {  	_ =	shalt  }
0x45: {  	_ =	shalt  }
0x46: {  	_ =	shalt  }
0x47: {  	_ =	shalt  }
0x48: {  	_ =	shalt  }
0x49: {  	_ =	shalt  }
0x4a: {  	_ =	shalt  }
0x4b: {  	_ =	shalt  }
0x4c: {  	_ =	shalt  }
0x4d: {  	_ =	shalt  }
0x4e: {  	_ =	shalt  }
0x4f: {  	_ =	shalt  }
0x50: {  	_ =	shalt  }
0x51: {  	_ =	shalt  }
0x52: {  	_ =	shalt  }
0x53: {  	_ =	shalt  }
0x54: {  	_ =	shalt  }
0x55: {  	_ =	shalt  }
0x56: {  	_ =	shalt  }
0x57: {  	_ =	shalt  }
0x58: {  	_ =	shalt  }
0x59: {  	_ =	shalt  }
0x5a: {  	_ =	shalt  }
0x5b: {  	_ =	shalt  }
0x5c: {  	_ =	shalt  }
0x5d: {  	_ =	shalt  }
0x5e: {  	_ =	shalt  }
0x5f: {  	_ =	shalt  }
0x60: {  	_ =	shalt  }
0x61: {  	_ =	shalt  }
0x62: {  	_ =	shalt  }
0x63: {  	_ =	shalt  }
0x64: {  	_ =	shalt  }
0x65: {  	_ =	shalt  }
0x66: {  	_ =	shalt  }
0x67: {  	_ =	shalt  }
0x68: {  	_ =	shalt  }
0x69: {  	_ =	shalt  }
0x6a: {  	_ =	shalt  }
0x6b: {  	_ =	shalt  }
0x6c: {  	_ =	shalt  }
0x6d: {  	_ =	shalt  }
0x6e: {  	_ =	shalt  }
0x6f: {  	_ =	shalt  }
0x70: {  	_ =	shalt  }
0x71: {  	_ =	shalt  }
0x72: {  	_ =	shalt  }
0x73: {  	_ =	shalt  }
0x74: {  	_ =	shalt  }
0x75: {  	_ =	shalt  }
0x76: {  	_ =	shalt  }
0x77: {  	_ =	shalt  }
0x78: {  	_ =	shalt  }
0x79: {  	_ =	shalt  }
0x7a: {  	_ =	shalt  }
0x7b: {  	_ =	shalt  }
0x7c: {  	_ =	shalt  }
0x7d: {  	_ =	shalt  }
0x7e: {  	_ =	shalt  }
0x7f: {  	_ =	shalt  }
0x80: {  	_ =	shalt  }
0x81: {  	_ =	shalt  }
0x82: {  	_ =	shalt  }
0x83: {  	_ =	shalt  }
0x84: {  	_ =	shalt  }
0x85: {  	_ =	shalt  }
0x86: {  	_ =	shalt  }
0x87: {  	_ =	shalt  }
.Lfunc_end0:
.L_simem_size_0:
called_computation.2_lowered:
.L_overlay_start_0:
0x88: {  	s2 =	sld [smem:$0x3FD9]  }
0x89: {  	s3 =	sld [smem:$0x3FFE];
	_ =	sdelay $0x1  }
0x8a: {  	s1 =	srdreg.scid  }
0x8b: {  	s0 =	sand.u32 $0x1, s1  }
0x8c: {  	s16 =	sshll.u32 s0, $0xA;
	s2 =	sadd.s32 s3, s2  }
0x8d: {  	s2 =	sadd.s32 s2, s16  }
0x8e: {  	[smem:$0x3FAF] =	sst s2  }
0x8f: {  	_ = 	snop  }
0x90: {  	(tm) =	ssettm $0x1  }
0x91: {  	s17 =	sld [smem:$0x3FFB];
	_ =	sdelay $0x3  }
0x92: {  	_ =	strace s17  }
0x93: {  	s2 =	sld [smem:$0x3FFC];
	_ =	sdelay $0x3  }
0x94: {  	_ =	strace s2  }
0x95: {  	s2 =	sld [smem:$0x3FFD];
	_ =	sdelay $0x3  }
0x96: {  	_ =	strace s2  }
0x97: {  	_ =	strace $0x8FFFFFFF  }
0x98: {  	s18 =	sld [smem:$0x3FDB];
	_ =	sdelay $0x1  }
0x99: {  	s19 =	simm.s32 $_scs_section_size  }
0x9a: {  	s4 =	simm.s32 $_size__tile_overlayer_lowered;
	s5 =	simm.s32 $_tile_overlayer_lowered  }
0x9b: {  	s22 =	simm.s32 $0x1BFF;
	s21 =	sshll.u32 s5, $0x1;
	s2 =	sadd.s32 s19, s18  }
0x9c: {  	s6 =	simm.s32 $0x0;
	s20 =	sshll.u32 s4, $0x1;
	s4 =	sadd.s32 s21, s2  }
0x9d: {  	[timem:s6], [sflag:s22] =	dma.local [hbm:s4], s20  }
0x9e: {  	_ =	swait.ge [sflag:s22], s20  }
0x9f: {  	s3 =	ssub.s32 $0x0, s20;
	[sflag:s22] =	ssyncset.done $0x0  }
0xa0: {  	[sflag:s22] =	ssyncadd.s32 s3;
	_ =	sdelay $0x1  }
0xa1: {  	s23 =	simm.s32 $0x1B8B  }
0xa2: {  	_ =	swait.ge [sflag:s23], $0x1  }
0xa3: {  	[sflag:s23] =	ssyncset.done $0x0  }
0xa4: {  	s25 =	simm.s32 $0x1B8E;
	s24 =	sld [smem:$0x3FFE];
	[sflag:s23] =	ssyncadd.s32 $0xFFFFFFFF  }
0xa5: {  	s26 =	simm.s32 $execute0_lowered;
	[smem:$0x3FD2] =	sst s25  }
0xa6: {  	s4 =	sshll.u32 s26, $0x1;
	_ =	strace $0x80000049;
	[dreg:$0x1] =	wrdreg $0xFFFFFFFF  }
0xa7: {  	s28 =	simm.s32 $_size_execute0_lowered;
	s2 =	sadd.s32 s2, s4;
	[dreg:$0x0] =	wrdreg $0x0  }
0xa8: {  	s4 =	sshll.u32 s28, $0x1;
	[dreg:$0x2] =	wrdreg s2  }
0xa9: {  	[dreg:$0x3] =	wrdreg s4  }
0xaa: {  	[dreg:$0x4] =	wrdreg $0xC0  }
0xab: {  	_ =	task [dreg:s6], $0x5FFFF  }
0xac: {  	[dreg:$0x1] =	wrdreg $0xFFFFFFFF  }
0xad: {  	[dreg:$0x0] =	wrdreg $0x60  }
0xae: {  	[dreg:$0x2] =	wrdreg s24  }
0xaf: {  	[dreg:$0x3] =	wrdreg $0xAC000  }
0xb0: {  	[dreg:$0x4] =	wrdreg $0xA  }
0xb1: {  	_ =	task.clear_ibuf [dreg:s6], $0x5FFFF;
	_ =	strace $0x90000049  }
0xb2: {  	s29 =	simm.s32 $0xA;
	_ =	strace $0x8000004B  }
0xb3: {  	_ =	swait.ge [sflag:s29], $0x1  }
0xb4: {  	[sflag:s29] =	ssyncadd.s32 $0xFFFFFFFF  }
0xb5: {  	_ =	strace $0x9000004B  }
0xb6: {  	_ =	sfence  }
0xb7: {  	s30 =	sld [smem:$0x0];
	_ =	sdelay $0x2  }
0xb8: {  	s31 =	sshll.u32 s1, $0xD;
	s1 =	sshrl.u32 s1, $0x2  }
0xb9: {  	s3 =	sand.u32 $0x4000, s31;
	s1 =	sadd.s32 s1, s30  }
0xba: {  	s0 =	sor.u32 s3, s0;
	s1 =	sshll.u32 s1, $0x11  }
0xbb: {  	s0 =	sor.u32 s1, s0  }
0xbc: {  	s0 =	sadd.s32 $0x8F2B, s0  }
0xbd: {  	[sflag:s0] =	ssyncadd.remote.s32 $0x1  }
0xbe: {  	_ =	sfence.sel $0xFFFF  }
0xbf: {  	[dreg:$0x0] =	wrdreg $0xFFFFFFFF;
	(pc) =	sbr.abs _section_cstart, $3  }
0xc0: {  	[dreg:$0x1] =	wrdreg $0xFFFFFFFF  }
0xc1: {  	_ =	task.clear_ibuf [dreg:s6], $0x2FFFF;
	_ =	strace $0x9FFFFFFF  }
0xc2: {  	(tm) =	ssettm $0x7FFFFFFF  }
0xc3: {  	_ =	shalt  }
tec
execute0_lowered:
.L_overlay_start_1:
0x0: {  	(tag) =	ssettag $0x1  }
0x1: {  	s0 =	srdreg.scid  }
0x2: {  	s7 =	sand.u32 $0x1, s0;
	s0 =	stileid.u32  }
0x3: {  	s4 =	rddreg [dreg:$0x0];
	s8 =	smul.u32 $0x14000, s0  }
0x4: {  	s2 =	rddreg [dreg:$0x1];
	s9 =	smul.u32 $0x140000, s7  }
0x5: {  	s3 =	simm.s32 $0x0;
	s16 =	simm.s32 $0x1;
	s24 =	smul.u32 $0x50000, s0  }
0x6: {  	s17 =	simm.s32 $0x80;
	s18 =	simm.s32 $0x2800;
	s29 =	smul.u32 $0x1440000, s7  }
0x7: {  	s19 =	simm.s32 $0x0;
	[smem:$0x7FF] =	sst s3;
	s14 =	smul.u32 $0x144000, s0  }
0x8: {  	s10 =	sadd.s32 $0xA8F600, s4;
	s1 =	sshll.u32 s7, $0x4;
	s15 =	smul.u32 $0x288000, s7  }
0x9: {  	s12 =	ssub.s32 $0x2, s7;
	s28 =	sshll.u32 s0, $0x6;
	s31 =	smul.u32 $0x28800, s0  }
0xa: {  	s5 =	sor.u32 s0, s1;
	s1 =	rddreg [dreg:$0x2];
	_ =	strace $0x8000004A  }
0xb: {  	s25 =	sshrl.u32 s12, $0x1;
	s6 =	smul.u32 $0x580, s5;
	s11 =	sshrl.u32 s8, $0x3  }
0xc: {  	s8 =	sadd.s32 s8, s9;
	s9 =	sshrl.u32 s24, $0x2;
	s12 =	ssub.s32 s12, s25  }
0xd: {  	s26 =	smul.u32 $0x144000, s5;
	s5 =	sor.u32 $0x1C02, s28;
	s30 =	sadd.s32 s14, s29  }
0xe: {  	s15 =	sadd.s32 s15, s10;
	s11 =	sadd.s32 s11, s4;
	s8 =	sshrl.u32 s8, $0x3  }
0xf: {  	s13 =	sadd.s32 s9, s2;
	s14 =	sshrl.u32 s30, $0x3;
	s6 =	sadd.s32 s6, s4  }
0x10: {  	s8 =	sadd.s32 s8, s4;
	s4 =	sadd.s32 $0x1EE00, s11;
	s9 =	sshrl.u32 s26, $0x3  }
0x11: {  	s11 =	sadd.s32 s31, s15;
	s15 =	simm.s32 $0x6C00;
	s6 =	sadd.s32 $0x8E00, s6  }
0x12: {  	s9 =	sadd.s32 s10, s9;
	s8 =	sadd.s32 $0x46E00, s8;
	s10 =	sadd.s32 s14, s10  }
0x13: {  	s11 =	sadd.s32 $0x800, s11;
	s14 =	simm.s32 $0x2C00;
	s7 =	sadd.s32 $0x28000, s9  }
0x14: {  	s9 =	smax.u32 s12, $0x1;
	s12 =	sshrl.u32 s13, $0x3;
	s13 =	simm.s32 $0x2  }
.LBB2_1:
0x15: {  	[spmem:s12], [sflag:s5] =	dma.local [hbm:s4], $0x2800  }
0x16: {  	_ =	swait.ge [sflag:s13], $0x2800  }
0x17: {  	[sflag:s13] =	ssyncset.done $0x0  }
0x18: {  	[sflag:s13] =	ssyncadd.s32 $0xFFFFD800  }
0x19: {  	[bflag:$0x0] =	sbarrier.arrive $0xFFFF  }
0x1a: {  	[tilespmem:s3], [sflag:$0x2] =	stream.linear.gather [hbm4b:s6+s3], $0x2880, $0x38;
	[tilespmem:$0xD400] =	vst v63  }
0x1b: {  	_ =	swait.ge [sflag:s13], $0x2880  }
0x1c: {  	[sflag:s13] =	ssyncset.done $0x0  }
0x1d: {  	s20 =	sadd.s32 $0x0, s10;
	[sflag:s13] =	ssyncadd.s32 $0xFFFFD780  }
0x1e: {  	[tilespmem:s14], [sflag:$0x1] =	stream.linear.gather [hbm4b:s20+s3], $0x4000, $0x38;
	[tilespmem:$0xD400] =	vst v63  }
0x1f: {  	s30 =	sadd.s32 $0x0, s11  }
0x20: {  	[tilespmem:s15], [sflag:$0x1] =	stream.linear.gather [hbm4b:s30+s3], $0x4000, $0x38;
	[tilespmem:$0xD400] =	vst v63  }
0x21: {  	_ =	swait.ge [sflag:s16], $0x4000  }
0x22: {  	[sflag:s16] =	ssyncset.done $0x0  }
0x23: {  	[sflag:s16] =	ssyncadd.s32 $0xFFFFC000  }
0x24: {  	[spmem:s2] =	stream.indirect.scatter.add.f32 [tilespmem:s14], [sflag:$0x2], $0x10, s3, s17, $0xb8;
	[tilespmem:$0xD400] =	vst v63  }
0x25: {  	_ =	swait.ge [sflag:s13], $0x800  }
0x26: {  	[sflag:s13] =	ssyncset.done $0x0  }
0x27: {  	[sflag:s13] =	ssyncadd.s32 $0xFFFFF800  }
0x28: {  	_ =	swait.ge [sflag:s16], $0x4000  }
0x29: {  	[sflag:s16] =	ssyncset.done $0x0  }
0x2a: {  	s31 =	simm.s32 $0x80;
	[sflag:s16] =	ssyncadd.s32 $0xFFFFC000  }
0x2b: {  	[spmem:s2] =	stream.indirect.scatter.add.f32 [tilespmem:s15], [sflag:$0x2], $0x10, s31, s17, $0xb8;
	[tilespmem:$0xD400] =	vst v63  }
0x2c: {  	s21 =	simm.s32 $0x1000;
	_ =	swait.ge [sflag:s13], $0x800  }
0x2d: {  	s22 =	simm.s32 $0x2000;
	s20 =	simm.s32 $0x100;
	[sflag:s13] =	ssyncset.done $0x0  }
.LBB2_2:
0x2e: {  	s23 =	sadd.s32 s21, s10  }
0x2f: {  	[sflag:s13] =	ssyncadd.s32 $0xFFFFF800;
	s24 =	smov.u32 s22;
	s25 =	sadd.s32 $0x1000, s22  }
0x30: {  	[tilespmem:s14], [sflag:$0x1] =	stream.linear.gather [hbm4b:s23+s3], $0x4000, $0x38;
	[tilespmem:$0xD400] =	vst v63  }
0x31: {  	p0 =	sne.s32 s22, $0x27000;
	s22 =	sadd.s32 s21, s11;
	s21 =	smov.u32 s24  }
0x32: {  	[tilespmem:s15], [sflag:$0x1] =	stream.linear.gather [hbm4b:s22+s3], $0x4000, $0x38;
	[tilespmem:$0xD400] =	vst v63  }
0x33: {  	_ =	swait.ge [sflag:s16], $0x4000  }
0x34: {  	[sflag:s16] =	ssyncset.done $0x0  }
0x35: {  	[sflag:s16] =	ssyncadd.s32 $0xFFFFC000  }
0x36: {  	[spmem:s2] =	stream.indirect.scatter.add.f32 [tilespmem:s14], [sflag:$0x2], $0x10, s20, s17, $0xb8;
	[tilespmem:$0xD400] =	vst v63  }
0x37: {  	_ =	swait.ge [sflag:s13], $0x800  }
0x38: {  	[sflag:s13] =	ssyncset.done $0x0  }
0x39: {  	[sflag:s13] =	ssyncadd.s32 $0xFFFFF800  }
0x3a: {  	_ =	swait.ge [sflag:s16], $0x4000  }
.Ltmp0:
0x3b: {  	[sflag:s16] =	ssyncset.done $0x0;
	(pc) =	sbr.rel @p0 .LBB2_2-.Ltmp0, $4  }
0x3c: {  	s22 =	sadd.s32 $0x80, s20;
	[sflag:s16] =	ssyncadd.s32 $0xFFFFC000  }
0x3d: {  	[spmem:s2] =	stream.indirect.scatter.add.f32 [tilespmem:s15], [sflag:$0x2], $0x10, s22, s17, $0xb8;
	[tilespmem:$0xD400] =	vst v63  }
0x3e: {  	_ =	swait.ge [sflag:s13], $0x800  }
0x3f: {  	s20 =	sadd.s32 $0x100, s20;
	s22 =	smov.u32 s25;
	[sflag:s13] =	ssyncset.done $0x0  }
0x40: {  	s22 =	sadd.s32 s21, s10;
	[sflag:s13] =	ssyncadd.s32 $0xFFFFF800  }
0x41: {  	[tilespmem:s14], [sflag:$0x1] =	stream.linear.gather [hbm4b:s22+s3], $0x4000, $0x38;
	[tilespmem:$0xD400] =	vst v63  }
0x42: {  	s30 =	sadd.s32 s21, s11  }
0x43: {  	[tilespmem:s15], [sflag:$0x1] =	stream.linear.gather [hbm4b:s30+s3], $0x4000, $0x38;
	[tilespmem:$0xD400] =	vst v63  }
0x44: {  	_ =	swait.ge [sflag:s16], $0x4000  }
0x45: {  	[sflag:s16] =	ssyncset.done $0x0  }
0x46: {  	[sflag:s16] =	ssyncadd.s32 $0xFFFFC000  }
0x47: {  	[spmem:s2] =	stream.indirect.scatter.add.f32 [tilespmem:s14], [sflag:$0x2], $0x10, s20, s17, $0xb8;
	[tilespmem:$0xD400] =	vst v63  }
0x48: {  	_ =	swait.ge [sflag:s13], $0x800  }
0x49: {  	[sflag:s13] =	ssyncset.done $0x0  }
0x4a: {  	[sflag:s13] =	ssyncadd.s32 $0xFFFFF800  }
0x4b: {  	_ =	swait.ge [sflag:s16], $0x4000  }
0x4c: {  	[sflag:s16] =	ssyncset.done $0x0  }
0x4d: {  	s31 =	sadd.s32 $0x80, s20;
	[sflag:s16] =	ssyncadd.s32 $0xFFFFC000  }
0x4e: {  	[spmem:s2] =	stream.indirect.scatter.add.f32 [tilespmem:s15], [sflag:$0x2], $0x10, s31, s17, $0xb8;
	[tilespmem:$0xD400] =	vst v63  }
0x4f: {  	_ =	swait.ge [sflag:s13], $0x800  }
0x50: {  	[sflag:s13] =	ssyncset.done $0x0  }
0x51: {  	[sflag:s13] =	ssyncadd.s32 $0xFFFFF800  }
0x52: {  	[tilespmem:s14], [sflag:$0x2] =	stream.linear.gather [hbm4b:s7+s3], $0x4000, $0x38;
	[tilespmem:$0xD400] =	vst v63  }
0x53: {  	_ =	swait.ge [sflag:s13], $0x4000  }
0x54: {  	[sflag:s13] =	ssyncset.done $0x0  }
0x55: {  	[sflag:s13] =	ssyncadd.s32 $0xFFFFC000  }
0x56: {  	[spmem:s2] =	stream.indirect.scatter.add.f32 [tilespmem:s14], [sflag:$0x2], $0x10, s18, s17, $0xb8;
	[tilespmem:$0xD400] =	vst v63  }
0x57: {  	_ =	swait.ge [sflag:s13], $0x800  }
0x58: {  	s19 =	sadd.s32 $0x1, s19;
	[sflag:s13] =	ssyncset.done $0x0  }
0x59: {  	p0 =	sne.s32 s19, s9;
	[sflag:s13] =	ssyncadd.s32 $0xFFFFF800  }
.Ltmp1:
0x5a: {  	[bflag:$0x0] =	sbarrier.arrive $0xFFFF;
	(pc) =	sbr.rel @p0 .LBB2_1-.Ltmp1, $4  }
0x5b: {  	[hbm:s8], [sflag:s5] =	dma.local [spmem:s12], $0x2800  }
0x5c: {  	_ =	swait.ge [sflag:s13], $0x2800  }
0x5d: {  	[sflag:s13] =	ssyncset.done $0x0  }
0x5e: {  	[sflag:s13] =	ssyncadd.s32 $0xFFFFD800  }
0x5f: {  	_ =	sfence.sel $0x180000  }
0x60: {  	[bflag:$0x0] =	sbarrier.arrive $0xFFFF  }
0x61: {  	p0 =	sne.s32 s0, $0x0;
	_ =	strace $0x9000004A  }
0x62: {  	s0 =	sadd.s32 @!p0 $0x100000, s1;
	[bflag:$0x2] =	sbarrier.arrive $0xFFFF  }
0x63: {  	[sflag:s0] =	ssyncadd.tile.s32 @!p0 $0x1;
	_ =	shalt  }
.Lfunc_end2:
_tile_overlayer_lowered:
.L_overlay_start_2:
0x64: {  	(tag) =	ssettag $0x2  }
0x65: {  	s0 =	rddreg [dreg:$0x0];
	s2 =	stileid.u32  }
0x66: {  	s1 =	rddreg [dreg:$0x1];
	p0 =	sne.s32 s2, $0x0  }
0x67: {  	s3 =	rddreg [dreg:$0x2];
	[bflag:$0x3] =	sbarrier.arrive $0xFFFF;
	s2 =	simm.s32 @!p0 $0x1C02  }
0x68: {  	[timem:s3], [sflag:s2] =	dma.local @!p0 [hbm:s0], s1  }
0x69: {  	s0 =	simm.s32 @!p0 $0x2  }
0x6a: {  	_ =	swait.ge @!p0 [sflag:s0], s1  }
0x6b: {  	s1 =	ssub.s32 @!p0 $0x0, s1;
	[sflag:s0] =	ssyncset.done @!p0 $0x0  }
0x6c: {  	[sflag:s0] =	ssyncadd.s32 @!p0 s1  }
0x6d: {  	[bflag:$0x3] =	sbarrier.arrive $0xFFFF  }
0x6e: {  	_ =	shalt  }

// kernel: kernel.27.cloned.1.call-start
scs
__scs_entry_jumppad:
0x0: {  	(pc) =	sbr.rel $0x88, $3  }
0x1: {  	(tag) =	ssettag $0x0;
	lr =	simm.s32 $0x1  }
0x2: {  	[smem:$0x3F88] =	sst lr;
	_ =	strace $0xD0000000  }
0x3: {  	_ = 	snop  }
0x4: {  	_ = 	snop  }
0x5: {  	_ = 	snop  }
0x6: {  	_ = 	snop  }
0x7: {  	_ = 	snop  }
__scs_overlays_trampoline_lowered:
0x8: {  	[smem:$0x3F97] =	sst s0  }
0x9: {  	[smem:$0x3F98] =	sst s1  }
0xa: {  	[smem:$0x3F99] =	sst s2  }
0xb: {  	[smem:$0x3F9A] =	sst s3  }
0xc: {  	[smem:$0x3F9B] =	sst s4  }
0xd: {  	[smem:$0x3F9C] =	sst s5  }
0xe: {  	[smem:$0x3F9D] =	sst s6  }
0xf: {  	[smem:$0x3F9E] =	sst s7  }
0x10: {  	[smem:$0x3F9F] =	sst s8  }
0x11: {  	[smem:$0x3FA0] =	sst s9;
	s0 =	simm.s32 @!p0 $0x0  }
0x12: {  	s1 =	sld [smem:$0x3F86];
	s0 =	simm.s32 @p0 $0x1  }
0x13: {  	[smem:$0x3FA1] =	sst s0;
	s0 =	simm.s32 @!p1 $0x0  }
0x14: {  	s2 =	sld [smem:$0x3F85];
	s0 =	simm.s32 @p1 $0x1  }
0x15: {  	[smem:$0x3FA2] =	sst s0;
	s0 =	simm.s32 @!p2 $0x0  }
0x16: {  	s3 =	sld [smem:$0x3FDB];
	s0 =	simm.s32 @p2 $0x1  }
0x17: {  	s4 =	simm.s32 $0x1BF5;
	[smem:$0x3FA4] =	sst s0  }
0x18: {  	s0 =	sld [smem:$0x3F87];
	_ =	swait.ge [sflag:s4], $0x0  }
0x19: {  	s7 =	sld [smem:$0x3F88]  }
0x1a: {  	s8 =	sadd.s32 $0xFFFFE003, lr  }
0x1b: {  	s9 =	sadd.s32 $0xFFFFFEF7, lr;
	s5 =	simm.s32 $0xFFFFFFFF;
	p2 =	slt.u32 s8, $0xFFFFF086  }
0x1c: {  	p1 =	slt.u32 s9, $0xF7A;
	s5 =	simm.s32 @!p2 $0x0  }
0x1d: {  	s5 =	simm.s32 @p1 $0x1;
	p0 =	seq.s32 s7, s2  }
0x1e: {  	s7 =	smul.u32 @!p0 $0xF7A, s2;
	p2 =	seq.s32 @!p0 s5, $0x0  }
0x1f: {  	s9 =	smul.u32 $0xF7A, s1;
	s8 =	simm.s32 @!p0 $0x1BF5;
	p2 =	por !p2, p0  }
0x20: {  	[sflag:s8] =	ssyncset.s32 @!p0 $0xFFFFF086;
	s6 =	sadd.s32 @!p0 s3, s7;
	s7 =	simm.s32 @!p0 $0x108  }
0x21: {  	s3 =	sadd.s32 s3, s9;
	s6 =	sadd.s32 @!p0 $0x88, s6;
	s7 =	simm.s32 @p2 $0x1082  }
0x22: {  	[simem:s7], [sflag:s8] =	dma.local @!p0 [hbm:s6], $0xF7A  }
0x23: {  	s9 =	sor.u32 $0xD0000000, s2;
	s6 =	simm.s32 $0x108;
	_ =	swait.ge @!p0 [sflag:s8], $0x0  }
0x24: {  	s3 =	sadd.s32 $0x88, s3;
	s6 =	simm.s32 @!p1 $0x1082;
	[sflag:s4] =	ssyncset.s32 $0xFFFFF086  }
0x25: {  	[simem:s6], [sflag:s4] =	dma.local [hbm:s3], $0xF7A  }
0x26: {  	[smem:$0x3F88] =	sst s1;
	(tag) =	ssettag s2;
	_ =	strace s9  }
0x27: {  	s1 =	sld [smem:$0x3F98]  }
0x28: {  	s2 =	sld [smem:$0x3F99]  }
0x29: {  	s4 =	sld [smem:$0x3F9B]  }
0x2a: {  	p0 =	seq.s32 s5, $0x0;
	s5 =	sld [smem:$0x3F9C]  }
0x2b: {  	s6 =	sld [smem:$0x3F9D]  }
0x2c: {  	s7 =	sld [smem:$0x3F9E]  }
0x2d: {  	s3 =	simm.s32 $0x108;
	s8 =	sld [smem:$0x3F9F]  }
0x2e: {  	s3 =	simm.s32 @!p0 $0x1082;
	s9 =	sld [smem:$0x3FA0]  }
0x2f: {  	lr =	sadd.s32 s0, s3;
	s0 =	sld [smem:$0x3F97]  }
0x30: {  	s3 =	sld [smem:$0x3F9A]  }
0x31: {  	[smem:$0x3FA3] =	sst s10  }
0x32: {  	s10 =	sld [smem:$0x3FA1];
	_ =	sdelay $0x3  }
0x33: {  	p0 =	seq.s32 s10, $0x1;
	s10 =	sld [smem:$0x3FA3];
	_ =	sdelay $0x3  }
0x34: {  	[smem:$0x3FA3] =	sst s10  }
0x35: {  	s10 =	sld [smem:$0x3FA2];
	_ =	sdelay $0x3  }
0x36: {  	p1 =	seq.s32 s10, $0x1;
	s10 =	sld [smem:$0x3FA3];
	_ =	sdelay $0x3  }
0x37: {  	[smem:$0x3FA3] =	sst s10  }
0x38: {  	s10 =	sld [smem:$0x3FA4]  }
0x39: {  	_ = 	snop;
	(pc) =	sbr.ind lr, $3  }
0x3a: {  	_ = 	snop  }
0x3b: {  	_ = 	snop  }
0x3c: {  	p2 =	seq.s32 s10, $0x1;
	s10 =	sld [smem:$0x3FA3]  }
0x3d: {  	_ =	shalt  }
0x3e: {  	_ =	shalt  }
0x3f: {  	_ =	shalt  }
0x40: {  	_ =	shalt  }
0x41: {  	_ =	shalt  }
0x42: {  	_ =	shalt  }
0x43: {  	_ =	shalt  }
0x44: {  	_ =	shalt  }
0x45: {  	_ =	shalt  }
0x46: {  	_ =	shalt  }
0x47: {  	_ =	shalt  }
0x48: {  	_ =	shalt  }
0x49: {  	_ =	shalt  }
0x4a: {  	_ =	shalt  }
0x4b: {  	_ =	shalt  }
0x4c: {  	_ =	shalt  }
0x4d: {  	_ =	shalt  }
0x4e: {  	_ =	shalt  }
0x4f: {  	_ =	shalt  }
0x50: {  	_ =	shalt  }
0x51: {  	_ =	shalt  }
0x52: {  	_ =	shalt  }
0x53: {  	_ =	shalt  }
0x54: {  	_ =	shalt  }
0x55: {  	_ =	shalt  }
0x56: {  	_ =	shalt  }
0x57: {  	_ =	shalt  }
0x58: {  	_ =	shalt  }
0x59: {  	_ =	shalt  }
0x5a: {  	_ =	shalt  }
0x5b: {  	_ =	shalt  }
0x5c: {  	_ =	shalt  }
0x5d: {  	_ =	shalt  }
0x5e: {  	_ =	shalt  }
0x5f: {  	_ =	shalt  }
0x60: {  	_ =	shalt  }
0x61: {  	_ =	shalt  }
0x62: {  	_ =	shalt  }
0x63: {  	_ =	shalt  }
0x64: {  	_ =	shalt  }
0x65: {  	_ =	shalt  }
0x66: {  	_ =	shalt  }
0x67: {  	_ =	shalt  }
0x68: {  	_ =	shalt  }
0x69: {  	_ =	shalt  }
0x6a: {  	_ =	shalt  }
0x6b: {  	_ =	shalt  }
0x6c: {  	_ =	shalt  }
0x6d: {  	_ =	shalt  }
0x6e: {  	_ =	shalt  }
0x6f: {  	_ =	shalt  }
0x70: {  	_ =	shalt  }
0x71: {  	_ =	shalt  }
0x72: {  	_ =	shalt  }
0x73: {  	_ =	shalt  }
0x74: {  	_ =	shalt  }
0x75: {  	_ =	shalt  }
0x76: {  	_ =	shalt  }
0x77: {  	_ =	shalt  }
0x78: {  	_ =	shalt  }
0x79: {  	_ =	shalt  }
0x7a: {  	_ =	shalt  }
0x7b: {  	_ =	shalt  }
0x7c: {  	_ =	shalt  }
0x7d: {  	_ =	shalt  }
0x7e: {  	_ =	shalt  }
0x7f: {  	_ =	shalt  }
0x80: {  	_ =	shalt  }
0x81: {  	_ =	shalt  }
0x82: {  	_ =	shalt  }
0x83: {  	_ =	shalt  }
0x84: {  	_ =	shalt  }
0x85: {  	_ =	shalt  }
0x86: {  	_ =	shalt  }
0x87: {  	_ =	shalt  }
.Lfunc_end0:
.L_simem_size_0:
called_computation.3_lowered:
.L_overlay_start_0:
0x88: {  	s2 =	sld [smem:$0x3FD9]  }
0x89: {  	s3 =	sld [smem:$0x3FFE];
	_ =	sdelay $0x1  }
0x8a: {  	s1 =	srdreg.scid  }
0x8b: {  	s0 =	sand.u32 $0x1, s1  }
0x8c: {  	s16 =	sshll.u32 s0, $0xA;
	s2 =	sadd.s32 s3, s2  }
0x8d: {  	s2 =	sadd.s32 s2, s16  }
0x8e: {  	[smem:$0x3FAF] =	sst s2  }
0x8f: {  	_ = 	snop  }
0x90: {  	(tm) =	ssettm $0x1  }
0x91: {  	s17 =	sld [smem:$0x3FFB];
	_ =	sdelay $0x3  }
0x92: {  	_ =	strace s17  }
0x93: {  	s2 =	sld [smem:$0x3FFC];
	_ =	sdelay $0x3  }
0x94: {  	_ =	strace s2  }
0x95: {  	s2 =	sld [smem:$0x3FFD];
	_ =	sdelay $0x3  }
0x96: {  	_ =	strace s2  }
0x97: {  	_ =	strace $0x8FFFFFFF  }
0x98: {  	s18 =	sld [smem:$0x3FDB];
	_ =	sdelay $0x1  }
0x99: {  	s19 =	simm.s32 $_scs_section_size  }
0x9a: {  	s4 =	simm.s32 $_size__tile_overlayer_lowered;
	s5 =	simm.s32 $_tile_overlayer_lowered  }
0x9b: {  	s22 =	simm.s32 $0x1BFF;
	s21 =	sshll.u32 s5, $0x1;
	s2 =	sadd.s32 s19, s18  }
0x9c: {  	s6 =	simm.s32 $0x0;
	s20 =	sshll.u32 s4, $0x1;
	s4 =	sadd.s32 s21, s2  }
0x9d: {  	[timem:s6], [sflag:s22] =	dma.local [hbm:s4], s20  }
0x9e: {  	_ =	swait.ge [sflag:s22], s20  }
0x9f: {  	s3 =	ssub.s32 $0x0, s20;
	[sflag:s22] =	ssyncset.done $0x0  }
0xa0: {  	[sflag:s22] =	ssyncadd.s32 s3;
	_ =	sdelay $0x1  }
0xa1: {  	s23 =	simm.s32 $0x1B8B  }
0xa2: {  	_ =	swait.ge [sflag:s23], $0x1  }
0xa3: {  	[sflag:s23] =	ssyncset.done $0x0  }
0xa4: {  	s25 =	simm.s32 $0x1B8E;
	s24 =	sld [smem:$0x3FFE];
	[sflag:s23] =	ssyncadd.s32 $0xFFFFFFFF  }
0xa5: {  	s26 =	simm.s32 $execute0_lowered;
	[smem:$0x3FD2] =	sst s25  }
0xa6: {  	s4 =	sshll.u32 s26, $0x1;
	_ =	strace $0x8000004F;
	[dreg:$0x1] =	wrdreg $0xFFFFFFFF  }
0xa7: {  	s28 =	simm.s32 $_size_execute0_lowered;
	s2 =	sadd.s32 s2, s4;
	[dreg:$0x0] =	wrdreg $0x0  }
0xa8: {  	s4 =	sshll.u32 s28, $0x1;
	[dreg:$0x2] =	wrdreg s2  }
0xa9: {  	[dreg:$0x3] =	wrdreg s4  }
0xaa: {  	[dreg:$0x4] =	wrdreg $0xC0  }
0xab: {  	_ =	task [dreg:s6], $0x5FFFF  }
0xac: {  	[dreg:$0x1] =	wrdreg $0xFFFFFFFF  }
0xad: {  	[dreg:$0x0] =	wrdreg $0x60  }
0xae: {  	[dreg:$0x2] =	wrdreg s24  }
0xaf: {  	[dreg:$0x3] =	wrdreg $0x9  }
0xb0: {  	_ =	task.clear_ibuf [dreg:s6], $0x4FFFF;
	_ =	strace $0x9000004F  }
0xb1: {  	s29 =	simm.s32 $0x9;
	_ =	strace $0x80000051  }
0xb2: {  	_ =	swait.ge [sflag:s29], $0x1  }
0xb3: {  	[sflag:s29] =	ssyncadd.s32 $0xFFFFFFFF  }
0xb4: {  	_ =	strace $0x90000051  }
0xb5: {  	_ =	sfence  }
0xb6: {  	s30 =	sld [smem:$0x0];
	_ =	sdelay $0x2  }
0xb7: {  	s31 =	sshll.u32 s1, $0xD;
	s1 =	sshrl.u32 s1, $0x2  }
0xb8: {  	s3 =	sand.u32 $0x4000, s31;
	s1 =	sadd.s32 s1, s30  }
0xb9: {  	s0 =	sor.u32 s3, s0;
	s1 =	sshll.u32 s1, $0x11  }
0xba: {  	s0 =	sor.u32 s1, s0  }
0xbb: {  	s0 =	sadd.s32 $0x8F2B, s0  }
0xbc: {  	[sflag:s0] =	ssyncadd.remote.s32 $0x1  }
0xbd: {  	_ =	sfence.sel $0xFFFF  }
0xbe: {  	[dreg:$0x0] =	wrdreg $0xFFFFFFFF;
	(pc) =	sbr.abs _section_cstart, $3  }
0xbf: {  	[dreg:$0x1] =	wrdreg $0xFFFFFFFF  }
0xc0: {  	_ =	task.clear_ibuf [dreg:s6], $0x2FFFF;
	_ =	strace $0x9FFFFFFF  }
0xc1: {  	(tm) =	ssettm $0x7FFFFFFF  }
tec
execute0_lowered:
.L_overlay_start_1:
0x0: {  	(tag) =	ssettag $0x1  }
0x1: {  	s5 =	rddreg [dreg:$0x0];
	s1 =	srdreg.scid  }
0x2: {  	s0 =	rddreg [dreg:$0x1];
	s2 =	simm.s32 $0x0;
	s11 =	simm.s32 $0x2C00  }
0x3: {  	s12 =	simm.s32 $0x80;
	s13 =	simm.s32 $0x5800;
	s14 =	simm.s32 $0x9800  }
0x4: {  	s15 =	simm.s32 $0xD800;
	s16 =	simm.s32 $0x11800;
	s17 =	simm.s32 $0x15800  }
0x5: {  	s18 =	simm.s32 $0x19800;
	s19 =	simm.s32 $0x1;
	s20 =	simm.s32 $0x2  }
0x6: {  	s21 =	simm.s32 $0x0;
	s4 =	sand.u32 $0x1, s1;
	[smem:$0x7FF] =	sst s2  }
0x7: {  	s1 =	stileid.u32;
	s3 =	sshll.u32 s4, $0x4;
	_ =	strace $0x80000050  }
0x8: {  	s7 =	smul.u32 $0x288000, s4;
	s8 =	ssub.s32 $0x2, s4;
	s4 =	sadd.s32 $0x6EE00, s5  }
0x9: {  	s10 =	smul.u32 $0x28800, s1;
	s3 =	sor.u32 s1, s3;
	s9 =	sshrl.u32 s8, $0x1  }
0xa: {  	s6 =	smul.u32 $0x580, s3;
	s7 =	sadd.s32 s7, s5;
	s8 =	ssub.s32 s8, s9  }
0xb: {  	s3 =	sadd.s32 $0x46E00, s5;
	s31 =	sadd.s32 s10, s7;
	s7 =	smax.u32 s8, $0x1  }
0xc: {  	s10 =	simm.s32 $0x3;
	s6 =	sadd.s32 s6, s5;
	s8 =	sadd.s32 $0xBEE00, s31  }
0xd: {  	s9 =	sadd.s32 $0xA8F600, s31;
	s5 =	sadd.s32 $0x13E00, s6;
	s6 =	sadd.s32 $0x8E00, s6  }
.LBB2_1:
0xe: {  	[tilespmem:s2], [sflag:$0x3] =	stream.linear.gather [hbm4b:s5+s2], $0x2880, $0x38;
	[tilespmem:$0x1D800] =	vst v63  }
0xf: {  	_ =	swait.ge [sflag:s10], $0x2880  }
0x10: {  	[sflag:s10] =	ssyncset.done $0x0  }
0x11: {  	[sflag:s10] =	ssyncadd.s32 $0xFFFFD780  }
0x12: {  	[tilespmem:s11], [sflag:$0x3] =	stream.linear.gather [hbm4b:s6+s2], $0x2880, $0x38;
	[tilespmem:$0x1D800] =	vst v63  }
0x13: {  	_ =	swait.ge [sflag:s10], $0x2880  }
0x14: {  	p0 =	por $0x1, $0x1;
	[sflag:s10] =	ssyncset.done $0x0  }
0x15: {  	s22 =	simm.s32 @!p0 $0x2;
	[sflag:s10] =	ssyncadd.s32 $0xFFFFD780  }
0x16: {  	_ =	swait.ge @!p0 [sflag:s22], $0x4000  }
0x17: {  	[sflag:s22] =	ssyncset.done @!p0 $0x0  }
0x18: {  	[sflag:s22] =	ssyncadd.s32 @!p0 $0xFFFFC000  }
0x19: {  	_ =	swait.ge @!p0 [sflag:s22], $0x4000  }
0x1a: {  	[sflag:s22] =	ssyncset.done @!p0 $0x0  }
0x1b: {  	[sflag:s22] =	ssyncadd.s32 @!p0 $0xFFFFC000  }
0x1c: {  	_ =	swait.ge @!p0 [sflag:s22], $0x4000  }
0x1d: {  	[sflag:s22] =	ssyncset.done @!p0 $0x0  }
0x1e: {  	[sflag:s22] =	ssyncadd.s32 @!p0 $0xFFFFC000  }
0x1f: {  	_ =	swait.ge @!p0 [sflag:s22], $0x4000  }
0x20: {  	[sflag:s22] =	ssyncset.done @!p0 $0x0  }
0x21: {  	[sflag:s22] =	ssyncadd.s32 @!p0 $0xFFFFC000  }
0x22: {  	_ =	swait.ge @!p0 [sflag:s22], $0x4000  }
0x23: {  	[sflag:s22] =	ssyncset.done @!p0 $0x0  }
0x24: {  	[sflag:s22] =	ssyncadd.s32 @!p0 $0xFFFFC000  }
0x25: {  	_ =	swait.ge @!p0 [sflag:s22], $0x4000  }
0x26: {  	[sflag:s22] =	ssyncset.done @!p0 $0x0  }
0x27: {  	s24 =	simm.s32 $0x0;
	[sflag:s22] =	ssyncadd.s32 @!p0 $0xFFFFC000  }
0x28: {  	[tilespmem:s13], [sflag:$0x1] =	stream.indirect.gather [hbm4b:s3+s12], $0x80, s24, s12, $0xb8;
	[tilespmem:$0x1D800] =	vst v63  }
0x29: {  	s25 =	simm.s32 $0x2C00  }
0x2a: {  	[tilespmem:s14], [sflag:$0x1] =	stream.indirect.gather [hbm4b:s4+s12], $0x80, s25, s12, $0xb8;
	[tilespmem:$0x1D800] =	vst v63  }
0x2b: {  	s26 =	simm.s32 $0x80  }
0x2c: {  	[tilespmem:s15], [sflag:$0x1] =	stream.indirect.gather [hbm4b:s3+s12], $0x80, s26, s12, $0xb8;
	[tilespmem:$0x1D800] =	vst v63  }
0x2d: {  	s29 =	simm.s32 $0x2C80  }
0x2e: {  	[tilespmem:s16], [sflag:$0x1] =	stream.indirect.gather [hbm4b:s4+s12], $0x80, s29, s12, $0xb8;
	[tilespmem:$0x1D800] =	vst v63  }
0x2f: {  	s30 =	simm.s32 $0x100  }
0x30: {  	[tilespmem:s17], [sflag:$0x1] =	stream.indirect.gather [hbm4b:s3+s12], $0x80, s30, s12, $0xb8;
	[tilespmem:$0x1D800] =	vst v63  }
0x31: {  	s22 =	simm.s32 $0x2D00  }
0x32: {  	[tilespmem:s18], [sflag:$0x1] =	stream.indirect.gather [hbm4b:s4+s12], $0x80, s22, s12, $0xb8;
	[tilespmem:$0x1D800] =	vst v63  }
0x33: {  	_ =	swait.ge [sflag:s19], $0x4000  }
0x34: {  	[sflag:s19] =	ssyncset.done $0x0  }
0x35: {  	[sflag:s19] =	ssyncadd.s32 $0xFFFFC000  }
0x36: {  	_ =	swait.ge [sflag:s19], $0x4000  }
0x37: {  	[sflag:s19] =	ssyncset.done $0x0  }
0x38: {  	s23 =	sadd.s32 $0x0, s8;
	[sflag:s19] =	ssyncadd.s32 $0xFFFFC000  }
0x39: {  	[hbm4b:s23+s2] =	stream.linear.scatter [tilespmem:s13], [sflag:$0x2], $0x4000, $0x38;
	[tilespmem:$0x1D800] =	vst v63  }
0x3a: {  	s24 =	sadd.s32 $0x0, s9  }
0x3b: {  	[hbm4b:s24+s2] =	stream.linear.scatter [tilespmem:s14], [sflag:$0x2], $0x4000, $0x38;
	[tilespmem:$0x1D800] =	vst v63  }
0x3c: {  	_ =	swait.ge [sflag:s19], $0x4000  }
0x3d: {  	[sflag:s19] =	ssyncset.done $0x0  }
0x3e: {  	[sflag:s19] =	ssyncadd.s32 $0xFFFFC000  }
0x3f: {  	_ =	swait.ge [sflag:s19], $0x4000  }
0x40: {  	[sflag:s19] =	ssyncset.done $0x0  }
0x41: {  	s25 =	sadd.s32 $0x800, s23;
	[sflag:s19] =	ssyncadd.s32 $0xFFFFC000  }
0x42: {  	[hbm4b:s25+s2] =	stream.linear.scatter [tilespmem:s15], [sflag:$0x2], $0x4000, $0x38;
	[tilespmem:$0x1D800] =	vst v63  }
0x43: {  	s31 =	sadd.s32 $0x800, s24  }
0x44: {  	[hbm4b:s31+s2] =	stream.linear.scatter [tilespmem:s16], [sflag:$0x2], $0x4000, $0x38;
	[tilespmem:$0x1D800] =	vst v63  }
0x45: {  	_ =	swait.ge [sflag:s19], $0x4000  }
0x46: {  	[sflag:s19] =	ssyncset.done $0x0  }
0x47: {  	[sflag:s19] =	ssyncadd.s32 $0xFFFFC000  }
0x48: {  	_ =	swait.ge [sflag:s19], $0x4000  }
0x49: {  	p1 =	por $0x0, $0x0;
	[sflag:s19] =	ssyncset.done $0x0  }
0x4a: {  	s28 =	sadd.s32 $0x1000, s24;
	s23 =	sadd.s32 $0x1000, s23;
	[sflag:s19] =	ssyncadd.s32 $0xFFFFC000  }
0x4b: {  	[hbm4b:s23+s2] =	stream.linear.scatter [tilespmem:s17], [sflag:$0x2], $0x4000, $0x38;
	[tilespmem:$0x1D800] =	vst v63  }
0x4c: {  	s24 =	simm.s32 $0x280;
	s25 =	simm.s32 $0x3000;
	s23 =	simm.s32 $0x1800  }
.LBB2_2:
0x4d: {  	s29 =	simm.s32 @!p1 $0x2  }
0x4e: {  	s22 =	sadd.s32 $0x180, s22;
	s26 =	smov.u32 s25;
	s25 =	sadd.s32 $0x1800, s25  }
0x4f: {  	[hbm4b:s28+s2] =	stream.linear.scatter [tilespmem:s18], [sflag:$0x2], $0x4000, $0x38;
	[tilespmem:$0x1D800] =	vst v63  }
0x50: {  	p0 =	sne.s32 s25, $0x28800;
	_ =	swait.ge @!p1 [sflag:s29], $0x4000  }
0x51: {  	[sflag:s29] =	ssyncset.done @!p1 $0x0  }
0x52: {  	[sflag:s29] =	ssyncadd.s32 @!p1 $0xFFFFC000  }
0x53: {  	_ =	swait.ge @!p1 [sflag:s29], $0x4000  }
0x54: {  	[sflag:s29] =	ssyncset.done @!p1 $0x0  }
0x55: {  	[sflag:s29] =	ssyncadd.s32 @!p1 $0xFFFFC000  }
0x56: {  	_ =	swait.ge @!p1 [sflag:s29], $0x4000  }
0x57: {  	[sflag:s29] =	ssyncset.done @!p1 $0x0  }
0x58: {  	[sflag:s29] =	ssyncadd.s32 @!p1 $0xFFFFC000  }
0x59: {  	_ =	swait.ge @!p1 [sflag:s29], $0x4000  }
0x5a: {  	[sflag:s29] =	ssyncset.done @!p1 $0x0  }
0x5b: {  	[sflag:s29] =	ssyncadd.s32 @!p1 $0xFFFFC000  }
0x5c: {  	_ =	swait.ge @!p1 [sflag:s29], $0x4000  }
0x5d: {  	[sflag:s29] =	ssyncset.done @!p1 $0x0  }
0x5e: {  	[sflag:s29] =	ssyncadd.s32 @!p1 $0xFFFFC000  }
0x5f: {  	_ =	swait.ge @!p1 [sflag:s29], $0x4000  }
0x60: {  	[sflag:s29] =	ssyncset.done @!p1 $0x0  }
0x61: {  	s28 =	sadd.s32 $0xFFFFFF00, s24;
	[sflag:s29] =	ssyncadd.s32 @!p1 $0xFFFFC000  }
0x62: {  	[tilespmem:s13], [sflag:$0x1] =	stream.indirect.gather [hbm4b:s3+s12], $0x80, s28, s12, $0xb8;
	[tilespmem:$0x1D800] =	vst v63  }
0x63: {  	s28 =	sadd.s32 $0xFFFFFF00, s22  }
0x64: {  	[tilespmem:s14], [sflag:$0x1] =	stream.indirect.gather [hbm4b:s4+s12], $0x80, s28, s12, $0xb8;
	[tilespmem:$0x1D800] =	vst v63  }
0x65: {  	s28 =	sadd.s32 $0xFFFFFF80, s24  }
0x66: {  	[tilespmem:s15], [sflag:$0x1] =	stream.indirect.gather [hbm4b:s3+s12], $0x80, s28, s12, $0xb8;
	[tilespmem:$0x1D800] =	vst v63  }
0x67: {  	s28 =	sadd.s32 $0xFFFFFF80, s22  }
0x68: {  	[tilespmem:s16], [sflag:$0x1] =	stream.indirect.gather [hbm4b:s4+s12], $0x80, s28, s12, $0xb8;
	[tilespmem:$0x1D800] =	vst v63  }
0x69: {  	_ = 	snop  }
0x6a: {  	[tilespmem:s17], [sflag:$0x1] =	stream.indirect.gather [hbm4b:s3+s12], $0x80, s24, s12, $0xb8;
	[tilespmem:$0x1D800] =	vst v63  }
0x6b: {  	_ = 	snop  }
0x6c: {  	[tilespmem:s18], [sflag:$0x1] =	stream.indirect.gather [hbm4b:s4+s12], $0x80, s22, s12, $0xb8;
	[tilespmem:$0x1D800] =	vst v63  }
0x6d: {  	_ =	swait.ge [sflag:s19], $0x4000  }
0x6e: {  	[sflag:s19] =	ssyncset.done $0x0  }
0x6f: {  	[sflag:s19] =	ssyncadd.s32 $0xFFFFC000  }
0x70: {  	_ =	swait.ge [sflag:s19], $0x4000  }
0x71: {  	[sflag:s19] =	ssyncset.done $0x0  }
0x72: {  	s29 =	sadd.s32 s23, s8;
	[sflag:s19] =	ssyncadd.s32 $0xFFFFC000  }
0x73: {  	[hbm4b:s29+s2] =	stream.linear.scatter [tilespmem:s13], [sflag:$0x2], $0x4000, $0x38;
	[tilespmem:$0x1D800] =	vst v63  }
0x74: {  	s28 =	sadd.s32 s23, s9;
	s23 =	smov.u32 s26  }
0x75: {  	[hbm4b:s28+s2] =	stream.linear.scatter [tilespmem:s14], [sflag:$0x2], $0x4000, $0x38;
	[tilespmem:$0x1D800] =	vst v63  }
0x76: {  	_ =	swait.ge [sflag:s19], $0x4000  }
0x77: {  	[sflag:s19] =	ssyncset.done $0x0  }
0x78: {  	[sflag:s19] =	ssyncadd.s32 $0xFFFFC000  }
0x79: {  	_ =	swait.ge [sflag:s19], $0x4000  }
0x7a: {  	[sflag:s19] =	ssyncset.done $0x0  }
0x7b: {  	s26 =	sadd.s32 $0x800, s29;
	[sflag:s19] =	ssyncadd.s32 $0xFFFFC000  }
0x7c: {  	[hbm4b:s26+s2] =	stream.linear.scatter [tilespmem:s15], [sflag:$0x2], $0x4000, $0x38;
	[tilespmem:$0x1D800] =	vst v63  }
0x7d: {  	s26 =	sadd.s32 $0x800, s28  }
0x7e: {  	[hbm4b:s26+s2] =	stream.linear.scatter [tilespmem:s16], [sflag:$0x2], $0x4000, $0x38;
	[tilespmem:$0x1D800] =	vst v63  }
0x7f: {  	_ =	swait.ge [sflag:s19], $0x4000  }
0x80: {  	[sflag:s19] =	ssyncset.done $0x0  }
.Ltmp0:
0x81: {  	[sflag:s19] =	ssyncadd.s32 $0xFFFFC000;
	(pc) =	sbr.rel @p0 .LBB2_2-.Ltmp0, $4  }
0x82: {  	_ =	swait.ge [sflag:s19], $0x4000  }
0x83: {  	s24 =	sadd.s32 $0x180, s24;
	s28 =	sadd.s32 $0x1000, s28;
	[sflag:s19] =	ssyncset.done $0x0  }
0x84: {  	p1 =	seq.s32 s23, $0x0;
	s26 =	sadd.s32 $0x1000, s29;
	[sflag:s19] =	ssyncadd.s32 $0xFFFFC000  }
0x85: {  	[hbm4b:s26+s2] =	stream.linear.scatter [tilespmem:s17], [sflag:$0x2], $0x4000, $0x38;
	[tilespmem:$0x1D800] =	vst v63  }
0x86: {  	s25 =	simm.s32 @!p1 $0x2  }
0x87: {  	[hbm4b:s28+s2] =	stream.linear.scatter [tilespmem:s18], [sflag:$0x2], $0x4000, $0x38;
	[tilespmem:$0x1D800] =	vst v63  }
0x88: {  	_ =	swait.ge @!p1 [sflag:s25], $0x4000  }
0x89: {  	[sflag:s25] =	ssyncset.done @!p1 $0x0  }
0x8a: {  	[sflag:s25] =	ssyncadd.s32 @!p1 $0xFFFFC000  }
0x8b: {  	_ =	swait.ge @!p1 [sflag:s25], $0x4000  }
0x8c: {  	[sflag:s25] =	ssyncset.done @!p1 $0x0  }
0x8d: {  	[sflag:s25] =	ssyncadd.s32 @!p1 $0xFFFFC000  }
0x8e: {  	_ =	swait.ge @!p1 [sflag:s25], $0x4000  }
0x8f: {  	[sflag:s25] =	ssyncset.done @!p1 $0x0  }
0x90: {  	[sflag:s25] =	ssyncadd.s32 @!p1 $0xFFFFC000  }
0x91: {  	_ =	swait.ge @!p1 [sflag:s25], $0x4000  }
0x92: {  	[sflag:s25] =	ssyncset.done @!p1 $0x0  }
0x93: {  	[sflag:s25] =	ssyncadd.s32 @!p1 $0xFFFFC000  }
0x94: {  	_ =	swait.ge @!p1 [sflag:s25], $0x4000  }
0x95: {  	[sflag:s25] =	ssyncset.done @!p1 $0x0  }
0x96: {  	[sflag:s25] =	ssyncadd.s32 @!p1 $0xFFFFC000  }
0x97: {  	_ =	swait.ge @!p1 [sflag:s25], $0x4000  }
0x98: {  	[sflag:s25] =	ssyncset.done @!p1 $0x0  }
0x99: {  	s22 =	sadd.s32 $0x180, s22;
	s28 =	sadd.s32 $0xFFFFFF00, s24;
	[sflag:s25] =	ssyncadd.s32 @!p1 $0xFFFFC000  }
0x9a: {  	[tilespmem:s13], [sflag:$0x1] =	stream.indirect.gather [hbm4b:s3+s12], $0x80, s28, s12, $0xb8;
	[tilespmem:$0x1D800] =	vst v63  }
0x9b: {  	s29 =	sadd.s32 $0xFFFFFF00, s22  }
0x9c: {  	[tilespmem:s14], [sflag:$0x1] =	stream.indirect.gather [hbm4b:s4+s12], $0x80, s29, s12, $0xb8;
	[tilespmem:$0x1D800] =	vst v63  }
0x9d: {  	s30 =	sadd.s32 $0xFFFFFF80, s24  }
0x9e: {  	[tilespmem:s15], [sflag:$0x1] =	stream.indirect.gather [hbm4b:s3+s12], $0x80, s30, s12, $0xb8;
	[tilespmem:$0x1D800] =	vst v63  }
0x9f: {  	s31 =	sadd.s32 $0xFFFFFF80, s22  }
0xa0: {  	[tilespmem:s16], [sflag:$0x1] =	stream.indirect.gather [hbm4b:s4+s12], $0x80, s31, s12, $0xb8;
	[tilespmem:$0x1D800] =	vst v63  }
0xa1: {  	_ = 	snop  }
0xa2: {  	[tilespmem:s17], [sflag:$0x1] =	stream.indirect.gather [hbm4b:s3+s12], $0x80, s24, s12, $0xb8;
	[tilespmem:$0x1D800] =	vst v63  }
0xa3: {  	_ = 	snop  }
0xa4: {  	[tilespmem:s18], [sflag:$0x1] =	stream.indirect.gather [hbm4b:s4+s12], $0x80, s22, s12, $0xb8;
	[tilespmem:$0x1D800] =	vst v63  }
0xa5: {  	_ =	swait.ge [sflag:s19], $0x4000  }
0xa6: {  	[sflag:s19] =	ssyncset.done $0x0  }
0xa7: {  	[sflag:s19] =	ssyncadd.s32 $0xFFFFC000  }
0xa8: {  	_ =	swait.ge [sflag:s19], $0x4000  }
0xa9: {  	[sflag:s19] =	ssyncset.done $0x0  }
0xaa: {  	s26 =	sadd.s32 s23, s8;
	[sflag:s19] =	ssyncadd.s32 $0xFFFFC000  }
0xab: {  	[hbm4b:s26+s2] =	stream.linear.scatter [tilespmem:s13], [sflag:$0x2], $0x4000, $0x38;
	[tilespmem:$0x1D800] =	vst v63  }
0xac: {  	s28 =	sadd.s32 s23, s9  }
0xad: {  	[hbm4b:s28+s2] =	stream.linear.scatter [tilespmem:s14], [sflag:$0x2], $0x4000, $0x38;
	[tilespmem:$0x1D800] =	vst v63  }
0xae: {  	_ =	swait.ge [sflag:s19], $0x4000  }
0xaf: {  	[sflag:s19] =	ssyncset.done $0x0  }
0xb0: {  	[sflag:s19] =	ssyncadd.s32 $0xFFFFC000  }
0xb1: {  	_ =	swait.ge [sflag:s19], $0x4000  }
0xb2: {  	[sflag:s19] =	ssyncset.done $0x0  }
0xb3: {  	s29 =	sadd.s32 $0x800, s26;
	[sflag:s19] =	ssyncadd.s32 $0xFFFFC000  }
0xb4: {  	[hbm4b:s29+s2] =	stream.linear.scatter [tilespmem:s15], [sflag:$0x2], $0x4000, $0x38;
	[tilespmem:$0x1D800] =	vst v63  }
0xb5: {  	s30 =	sadd.s32 $0x800, s28  }
0xb6: {  	[hbm4b:s30+s2] =	stream.linear.scatter [tilespmem:s16], [sflag:$0x2], $0x4000, $0x38;
	[tilespmem:$0x1D800] =	vst v63  }
0xb7: {  	_ =	swait.ge [sflag:s19], $0x4000  }
0xb8: {  	[sflag:s19] =	ssyncset.done $0x0  }
0xb9: {  	[sflag:s19] =	ssyncadd.s32 $0xFFFFC000  }
0xba: {  	_ =	swait.ge [sflag:s19], $0x4000  }
0xbb: {  	[sflag:s19] =	ssyncset.done $0x0  }
0xbc: {  	s22 =	sadd.s32 $0x1000, s26;
	[sflag:s19] =	ssyncadd.s32 $0xFFFFC000  }
0xbd: {  	[hbm4b:s22+s2] =	stream.linear.scatter [tilespmem:s17], [sflag:$0x2], $0x4000, $0x38;
	[tilespmem:$0x1D800] =	vst v63  }
0xbe: {  	s31 =	sadd.s32 $0x1000, s28  }
0xbf: {  	[hbm4b:s31+s2] =	stream.linear.scatter [tilespmem:s18], [sflag:$0x2], $0x4000, $0x38;
	[tilespmem:$0x1D800] =	vst v63  }
0xc0: {  	_ =	swait.ge [sflag:s20], $0x4000  }
0xc1: {  	[sflag:s20] =	ssyncset.done $0x0  }
0xc2: {  	[sflag:s20] =	ssyncadd.s32 $0xFFFFC000  }
0xc3: {  	_ =	swait.ge [sflag:s20], $0x4000  }
0xc4: {  	[sflag:s20] =	ssyncset.done $0x0  }
0xc5: {  	[sflag:s20] =	ssyncadd.s32 $0xFFFFC000  }
0xc6: {  	_ =	swait.ge [sflag:s20], $0x4000  }
0xc7: {  	[sflag:s20] =	ssyncset.done $0x0  }
0xc8: {  	[sflag:s20] =	ssyncadd.s32 $0xFFFFC000  }
0xc9: {  	_ =	swait.ge [sflag:s20], $0x4000  }
0xca: {  	[sflag:s20] =	ssyncset.done $0x0  }
0xcb: {  	s21 =	sadd.s32 $0x1, s21;
	[sflag:s20] =	ssyncadd.s32 $0xFFFFC000  }
0xcc: {  	p0 =	sne.s32 s21, s7;
	_ =	swait.ge [sflag:s20], $0x4000  }
.Ltmp1:
0xcd: {  	[sflag:s20] =	ssyncset.done $0x0;
	(pc) =	sbr.rel @p0 .LBB2_1-.Ltmp1, $4  }
0xce: {  	[sflag:s20] =	ssyncadd.s32 $0xFFFFC000  }
0xcf: {  	_ =	swait.ge [sflag:s20], $0x4000  }
0xd0: {  	[sflag:s20] =	ssyncset.done $0x0  }
0xd1: {  	[sflag:s20] =	ssyncadd.s32 $0xFFFFC000  }
0xd2: {  	_ =	sfence.sel $0x180000  }
0xd3: {  	[bflag:$0x0] =	sbarrier.arrive $0xFFFF  }
0xd4: {  	p0 =	sne.s32 s1, $0x0;
	_ =	strace $0x90000050  }
0xd5: {  	s0 =	sadd.s32 @!p0 $0x100000, s0;
	[bflag:$0x2] =	sbarrier.arrive $0xFFFF  }
0xd6: {  	[sflag:s0] =	ssyncadd.tile.s32 @!p0 $0x1;
	_ =	shalt  }
.Lfunc_end2:
_tile_overlayer_lowered:
.L_overlay_start_2:
0xd7: {  	(tag) =	ssettag $0x2  }
0xd8: {  	s0 =	rddreg [dreg:$0x0];
	s2 =	stileid.u32  }
0xd9: {  	s1 =	rddreg [dreg:$0x1];
	p0 =	sne.s32 s2, $0x0  }
0xda: {  	s3 =	rddreg [dreg:$0x2];
	[bflag:$0x3] =	sbarrier.arrive $0xFFFF;
	s2 =	simm.s32 @!p0 $0x1C03  }
0xdb: {  	[timem:s3], [sflag:s2] =	dma.local @!p0 [hbm:s0], s1  }
0xdc: {  	s0 =	simm.s32 @!p0 $0x3  }
0xdd: {  	_ =	swait.ge @!p0 [sflag:s0], s1  }
0xde: {  	s1 =	ssub.s32 @!p0 $0x0, s1;
	[sflag:s0] =	ssyncset.done @!p0 $0x0  }
0xdf: {  	[sflag:s0] =	ssyncadd.s32 @!p0 s1  }
0xe0: {  	[bflag:$0x3] =	sbarrier.arrive $0xFFFF  }
0xe1: {  	_ =	shalt  }

// kernel: kernel.30.cloned.1.call-start
scs
__scs_entry_jumppad:
0x0: {  	(pc) =	sbr.rel $0x88, $3  }
0x1: {  	(tag) =	ssettag $0x0;
	lr =	simm.s32 $0x1  }
0x2: {  	[smem:$0x3F88] =	sst lr;
	_ =	strace $0xD0000000  }
0x3: {  	_ = 	snop  }
0x4: {  	_ = 	snop  }
0x5: {  	_ = 	snop  }
0x6: {  	_ = 	snop  }
0x7: {  	_ = 	snop  }
__scs_overlays_trampoline_lowered:
0x8: {  	[smem:$0x3F97] =	sst s0  }
0x9: {  	[smem:$0x3F98] =	sst s1  }
0xa: {  	[smem:$0x3F99] =	sst s2  }
0xb: {  	[smem:$0x3F9A] =	sst s3  }
0xc: {  	[smem:$0x3F9B] =	sst s4  }
0xd: {  	[smem:$0x3F9C] =	sst s5  }
0xe: {  	[smem:$0x3F9D] =	sst s6  }
0xf: {  	[smem:$0x3F9E] =	sst s7  }
0x10: {  	[smem:$0x3F9F] =	sst s8  }
0x11: {  	[smem:$0x3FA0] =	sst s9;
	s0 =	simm.s32 @!p0 $0x0  }
0x12: {  	s1 =	sld [smem:$0x3F86];
	s0 =	simm.s32 @p0 $0x1  }
0x13: {  	[smem:$0x3FA1] =	sst s0;
	s0 =	simm.s32 @!p1 $0x0  }
0x14: {  	s2 =	sld [smem:$0x3F85];
	s0 =	simm.s32 @p1 $0x1  }
0x15: {  	[smem:$0x3FA2] =	sst s0;
	s0 =	simm.s32 @!p2 $0x0  }
0x16: {  	s3 =	sld [smem:$0x3FDB];
	s0 =	simm.s32 @p2 $0x1  }
0x17: {  	s4 =	simm.s32 $0x1BF5;
	[smem:$0x3FA4] =	sst s0  }
0x18: {  	s0 =	sld [smem:$0x3F87];
	_ =	swait.ge [sflag:s4], $0x0  }
0x19: {  	s7 =	sld [smem:$0x3F88]  }
0x1a: {  	s8 =	sadd.s32 $0xFFFFE003, lr  }
0x1b: {  	s9 =	sadd.s32 $0xFFFFFEF7, lr;
	s5 =	simm.s32 $0xFFFFFFFF;
	p2 =	slt.u32 s8, $0xFFFFF086  }
0x1c: {  	p1 =	slt.u32 s9, $0xF7A;
	s5 =	simm.s32 @!p2 $0x0  }
0x1d: {  	s5 =	simm.s32 @p1 $0x1;
	p0 =	seq.s32 s7, s2  }
0x1e: {  	s7 =	smul.u32 @!p0 $0xF7A, s2;
	p2 =	seq.s32 @!p0 s5, $0x0  }
0x1f: {  	s9 =	smul.u32 $0xF7A, s1;
	s8 =	simm.s32 @!p0 $0x1BF5;
	p2 =	por !p2, p0  }
0x20: {  	[sflag:s8] =	ssyncset.s32 @!p0 $0xFFFFF086;
	s6 =	sadd.s32 @!p0 s3, s7;
	s7 =	simm.s32 @!p0 $0x108  }
0x21: {  	s3 =	sadd.s32 s3, s9;
	s6 =	sadd.s32 @!p0 $0x88, s6;
	s7 =	simm.s32 @p2 $0x1082  }
0x22: {  	[simem:s7], [sflag:s8] =	dma.local @!p0 [hbm:s6], $0xF7A  }
0x23: {  	s9 =	sor.u32 $0xD0000000, s2;
	s6 =	simm.s32 $0x108;
	_ =	swait.ge @!p0 [sflag:s8], $0x0  }
0x24: {  	s3 =	sadd.s32 $0x88, s3;
	s6 =	simm.s32 @!p1 $0x1082;
	[sflag:s4] =	ssyncset.s32 $0xFFFFF086  }
0x25: {  	[simem:s6], [sflag:s4] =	dma.local [hbm:s3], $0xF7A  }
0x26: {  	[smem:$0x3F88] =	sst s1;
	(tag) =	ssettag s2;
	_ =	strace s9  }
0x27: {  	s1 =	sld [smem:$0x3F98]  }
0x28: {  	s2 =	sld [smem:$0x3F99]  }
0x29: {  	s4 =	sld [smem:$0x3F9B]  }
0x2a: {  	p0 =	seq.s32 s5, $0x0;
	s5 =	sld [smem:$0x3F9C]  }
0x2b: {  	s6 =	sld [smem:$0x3F9D]  }
0x2c: {  	s7 =	sld [smem:$0x3F9E]  }
0x2d: {  	s3 =	simm.s32 $0x108;
	s8 =	sld [smem:$0x3F9F]  }
0x2e: {  	s3 =	simm.s32 @!p0 $0x1082;
	s9 =	sld [smem:$0x3FA0]  }
0x2f: {  	lr =	sadd.s32 s0, s3;
	s0 =	sld [smem:$0x3F97]  }
0x30: {  	s3 =	sld [smem:$0x3F9A]  }
0x31: {  	[smem:$0x3FA3] =	sst s10  }
0x32: {  	s10 =	sld [smem:$0x3FA1];
	_ =	sdelay $0x3  }
0x33: {  	p0 =	seq.s32 s10, $0x1;
	s10 =	sld [smem:$0x3FA3];
	_ =	sdelay $0x3  }
0x34: {  	[smem:$0x3FA3] =	sst s10  }
0x35: {  	s10 =	sld [smem:$0x3FA2];
	_ =	sdelay $0x3  }
0x36: {  	p1 =	seq.s32 s10, $0x1;
	s10 =	sld [smem:$0x3FA3];
	_ =	sdelay $0x3  }
0x37: {  	[smem:$0x3FA3] =	sst s10  }
0x38: {  	s10 =	sld [smem:$0x3FA4]  }
0x39: {  	_ = 	snop;
	(pc) =	sbr.ind lr, $3  }
0x3a: {  	_ = 	snop  }
0x3b: {  	_ = 	snop  }
0x3c: {  	p2 =	seq.s32 s10, $0x1;
	s10 =	sld [smem:$0x3FA3]  }
0x3d: {  	_ =	shalt  }
0x3e: {  	_ =	shalt  }
0x3f: {  	_ =	shalt  }
0x40: {  	_ =	shalt  }
0x41: {  	_ =	shalt  }
0x42: {  	_ =	shalt  }
0x43: {  	_ =	shalt  }
0x44: {  	_ =	shalt  }
0x45: {  	_ =	shalt  }
0x46: {  	_ =	shalt  }
0x47: {  	_ =	shalt  }
0x48: {  	_ =	shalt  }
0x49: {  	_ =	shalt  }
0x4a: {  	_ =	shalt  }
0x4b: {  	_ =	shalt  }
0x4c: {  	_ =	shalt  }
0x4d: {  	_ =	shalt  }
0x4e: {  	_ =	shalt  }
0x4f: {  	_ =	shalt  }
0x50: {  	_ =	shalt  }
0x51: {  	_ =	shalt  }
0x52: {  	_ =	shalt  }
0x53: {  	_ =	shalt  }
0x54: {  	_ =	shalt  }
0x55: {  	_ =	shalt  }
0x56: {  	_ =	shalt  }
0x57: {  	_ =	shalt  }
0x58: {  	_ =	shalt  }
0x59: {  	_ =	shalt  }
0x5a: {  	_ =	shalt  }
0x5b: {  	_ =	shalt  }
0x5c: {  	_ =	shalt  }
0x5d: {  	_ =	shalt  }
0x5e: {  	_ =	shalt  }
0x5f: {  	_ =	shalt  }
0x60: {  	_ =	shalt  }
0x61: {  	_ =	shalt  }
0x62: {  	_ =	shalt  }
0x63: {  	_ =	shalt  }
0x64: {  	_ =	shalt  }
0x65: {  	_ =	shalt  }
0x66: {  	_ =	shalt  }
0x67: {  	_ =	shalt  }
0x68: {  	_ =	shalt  }
0x69: {  	_ =	shalt  }
0x6a: {  	_ =	shalt  }
0x6b: {  	_ =	shalt  }
0x6c: {  	_ =	shalt  }
0x6d: {  	_ =	shalt  }
0x6e: {  	_ =	shalt  }
0x6f: {  	_ =	shalt  }
0x70: {  	_ =	shalt  }
0x71: {  	_ =	shalt  }
0x72: {  	_ =	shalt  }
0x73: {  	_ =	shalt  }
0x74: {  	_ =	shalt  }
0x75: {  	_ =	shalt  }
0x76: {  	_ =	shalt  }
0x77: {  	_ =	shalt  }
0x78: {  	_ =	shalt  }
0x79: {  	_ =	shalt  }
0x7a: {  	_ =	shalt  }
0x7b: {  	_ =	shalt  }
0x7c: {  	_ =	shalt  }
0x7d: {  	_ =	shalt  }
0x7e: {  	_ =	shalt  }
0x7f: {  	_ =	shalt  }
0x80: {  	_ =	shalt  }
0x81: {  	_ =	shalt  }
0x82: {  	_ =	shalt  }
0x83: {  	_ =	shalt  }
0x84: {  	_ =	shalt  }
0x85: {  	_ =	shalt  }
0x86: {  	_ =	shalt  }
0x87: {  	_ =	shalt  }
.Lfunc_end0:
.L_simem_size_0:
called_computation.4_lowered:
.L_overlay_start_0:
0x88: {  	s2 =	sld [smem:$0x3FD9]  }
0x89: {  	s3 =	sld [smem:$0x3FFE];
	_ =	sdelay $0x1  }
0x8a: {  	s1 =	srdreg.scid  }
0x8b: {  	s0 =	sand.u32 $0x1, s1  }
0x8c: {  	s17 =	sshll.u32 s0, $0xA;
	s2 =	sadd.s32 s3, s2  }
0x8d: {  	s2 =	sadd.s32 s2, s17  }
0x8e: {  	[smem:$0x3FAF] =	sst s2  }
0x8f: {  	_ = 	snop  }
0x90: {  	(tm) =	ssettm $0x1  }
0x91: {  	s18 =	sld [smem:$0x3FFB];
	_ =	sdelay $0x3  }
0x92: {  	_ =	strace s18  }
0x93: {  	s2 =	sld [smem:$0x3FFC];
	_ =	sdelay $0x3  }
0x94: {  	_ =	strace s2  }
0x95: {  	s2 =	sld [smem:$0x3FFD];
	_ =	sdelay $0x3  }
0x96: {  	_ =	strace s2  }
0x97: {  	_ =	strace $0x8FFFFFFF  }
0x98: {  	s19 =	sld [smem:$0x3FDB];
	_ =	sdelay $0x1  }
0x99: {  	s20 =	simm.s32 $_scs_section_size  }
0x9a: {  	s4 =	simm.s32 $_size__tile_overlayer_lowered;
	s5 =	simm.s32 $_tile_overlayer_lowered  }
0x9b: {  	s6 =	simm.s32 $0x1BFF;
	s21 =	sshll.u32 s5, $0x1;
	s3 =	sadd.s32 s20, s19  }
0x9c: {  	s22 =	simm.s32 $0x0;
	s4 =	sshll.u32 s4, $0x1;
	s5 =	sadd.s32 s21, s3  }
0x9d: {  	[timem:s22], [sflag:s6] =	dma.local [hbm:s5], s4  }
0x9e: {  	_ =	swait.ge [sflag:s6], s4  }
0x9f: {  	s4 =	ssub.s32 $0x0, s4;
	[sflag:s6] =	ssyncset.done $0x0  }
0xa0: {  	[sflag:s6] =	ssyncadd.s32 s4;
	_ =	sdelay $0x1  }
0xa1: {  	s23 =	simm.s32 $0x1B8B  }
0xa2: {  	_ =	swait.ge [sflag:s23], $0x1  }
0xa3: {  	[sflag:s23] =	ssyncset.done $0x0  }
0xa4: {  	[sflag:s23] =	ssyncadd.s32 $0xFFFFFFFF  }
0xa5: {  	s4 =	sld [smem:$0x0]  }
0xa6: {  	s5 =	sand.u32 $0xFFFFFFFE, s1  }
0xa7: {  	p0 =	sne.s32 s1, s5  }
0xa8: {  	s5 =	sshll.u32 @p0 s5, $0xE  }
0xa9: {  	s5 =	sadd.s32 @p0 $0x11B8D, s5;
	s6 =	sshll.u32 @p0 s4, $0x11  }
0xaa: {  	s5 =	sor.u32 @p0 s6, s5  }
0xab: {  	[sflag:s5] =	ssyncadd.remote.s32 @p0 $0x1;
	_ =	sdelay $0x1  }
0xac: {  	s5 =	simm.s32 @p0 $0x1B8D  }
0xad: {  	_ =	swait.eq @p0 [sflag:s5], $0x1  }
0xae: {  	[sflag:s5] =	ssyncadd.s32 @p0 $0xFFFFFFFF  }
0xaf: {  	s6 =	sshll.u32 @!p0 s1, $0xE  }
0xb0: {  	s6 =	sor.u32 @!p0 $0x4000, s6;
	s5 =	simm.s32 @!p0 $0x1B8D  }
0xb1: {  	s4 =	sshll.u32 @!p0 s4, $0x11;
	s6 =	sadd.s32 @!p0 $0x11B8D, s6;
	_ =	swait.eq @!p0 [sflag:s5], $0x1  }
0xb2: {  	s4 =	sor.u32 @!p0 s4, s6;
	[sflag:s5] =	ssyncadd.s32 @!p0 $0xFFFFFFFF  }
0xb3: {  	s25 =	simm.s32 $0x1B8E;
	s24 =	sld [smem:$0x3FFE];
	[sflag:s4] =	ssyncadd.remote.s32 @!p0 $0x1  }
0xb4: {  	s26 =	simm.s32 $execute0_lowered;
	[smem:$0x3FD2] =	sst s25  }
0xb5: {  	s5 =	sshll.u32 s26, $0x1;
	_ =	strace $0x80000055;
	[dreg:$0x1] =	wrdreg $0xFFFFFFFF  }
0xb6: {  	s28 =	simm.s32 $_size_execute0_lowered;
	s3 =	sadd.s32 s3, s5;
	[dreg:$0x0] =	wrdreg $0x0  }
0xb7: {  	s5 =	sshll.u32 s28, $0x1;
	[dreg:$0x2] =	wrdreg s3  }
0xb8: {  	[dreg:$0x3] =	wrdreg s5  }
0xb9: {  	[dreg:$0x4] =	wrdreg $0xC0  }
0xba: {  	_ =	task [dreg:s22], $0x5FFFF  }
0xbb: {  	[dreg:$0x1] =	wrdreg $0xFFFFFFFF  }
0xbc: {  	[dreg:$0x0] =	wrdreg $0x60  }
0xbd: {  	[dreg:$0x2] =	wrdreg s24  }
0xbe: {  	[dreg:$0x3] =	wrdreg $0xAC000  }
0xbf: {  	[dreg:$0x4] =	wrdreg $0x9  }
0xc0: {  	_ =	task.clear_ibuf [dreg:s22], $0x5FFFF;
	_ =	strace $0x90000055  }
0xc1: {  	s29 =	simm.s32 $0x9;
	_ =	strace $0x80000057  }
0xc2: {  	_ =	swait.ge [sflag:s29], $0x1  }
0xc3: {  	[sflag:s29] =	ssyncadd.s32 $0xFFFFFFFF  }
0xc4: {  	_ =	strace $0x90000057  }
0xc5: {  	_ =	sfence  }
0xc6: {  	s30 =	sld [smem:$0x0];
	_ =	sdelay $0x2  }
0xc7: {  	s31 =	sshll.u32 s1, $0xD;
	s1 =	sshrl.u32 s1, $0x2  }
0xc8: {  	s4 =	sand.u32 $0x4000, s31;
	s1 =	sadd.s32 s1, s30  }
0xc9: {  	s0 =	sor.u32 s4, s0;
	s1 =	sshll.u32 s1, $0x11  }
0xca: {  	s0 =	sor.u32 s1, s0  }
0xcb: {  	s0 =	sadd.s32 $0x8F2B, s0  }
0xcc: {  	[sflag:s0] =	ssyncadd.remote.s32 $0x1  }
0xcd: {  	_ =	sfence.sel $0xFFFF  }
0xce: {  	[dreg:$0x0] =	wrdreg $0xFFFFFFFF;
	(pc) =	sbr.abs _section_cstart, $3  }
0xcf: {  	[dreg:$0x1] =	wrdreg $0xFFFFFFFF  }
0xd0: {  	_ =	task.clear_ibuf [dreg:s22], $0x2FFFF;
	_ =	strace $0x9FFFFFFF  }
0xd1: {  	(tm) =	ssettm $0x7FFFFFFF  }
tec
execute0_lowered:
.L_overlay_start_1:
0x0: {  	(tag) =	ssettag $0x1  }
0x1: {  	s0 =	srdreg.scid  }
0x2: {  	s7 =	sand.u32 $0x1, s0;
	s0 =	stileid.u32  }
0x3: {  	s4 =	rddreg [dreg:$0x0];
	s8 =	smul.u32 $0x14000, s0  }
0x4: {  	s2 =	rddreg [dreg:$0x1];
	s9 =	smul.u32 $0x140000, s7  }
0x5: {  	s3 =	simm.s32 $0x0;
	s16 =	simm.s32 $0x1;
	s24 =	smul.u32 $0x50000, s0  }
0x6: {  	s17 =	simm.s32 $0x80;
	s18 =	simm.s32 $0x2800;
	s29 =	smul.u32 $0x1440000, s7  }
0x7: {  	s19 =	simm.s32 $0x0;
	[smem:$0x7FF] =	sst s3;
	s14 =	smul.u32 $0x144000, s0  }
0x8: {  	s10 =	sadd.s32 $0x14AF600, s4;
	s1 =	sshll.u32 s7, $0x4;
	s15 =	smul.u32 $0x288000, s7  }
0x9: {  	s12 =	ssub.s32 $0x2, s7;
	s28 =	sshll.u32 s0, $0x6;
	s31 =	smul.u32 $0x28800, s0  }
0xa: {  	s5 =	sor.u32 s0, s1;
	s1 =	rddreg [dreg:$0x2];
	_ =	strace $0x80000056  }
0xb: {  	s25 =	sshrl.u32 s12, $0x1;
	s6 =	smul.u32 $0x580, s5;
	s11 =	sshrl.u32 s8, $0x3  }
0xc: {  	s8 =	sadd.s32 s8, s9;
	s9 =	sshrl.u32 s24, $0x2;
	s12 =	ssub.s32 s12, s25  }
0xd: {  	s26 =	smul.u32 $0x144000, s5;
	s5 =	sor.u32 $0x1C02, s28;
	s30 =	sadd.s32 s14, s29  }
0xe: {  	s15 =	sadd.s32 s15, s10;
	s11 =	sadd.s32 s11, s4;
	s8 =	sshrl.u32 s8, $0x3  }
0xf: {  	s13 =	sadd.s32 s9, s2;
	s14 =	sshrl.u32 s30, $0x3;
	s6 =	sadd.s32 s6, s4  }
0x10: {  	s8 =	sadd.s32 s8, s4;
	s4 =	sadd.s32 $0x96E00, s11;
	s9 =	sshrl.u32 s26, $0x3  }
0x11: {  	s11 =	sadd.s32 s31, s15;
	s15 =	simm.s32 $0x6C00;
	s6 =	sadd.s32 $0x8E00, s6  }
0x12: {  	s9 =	sadd.s32 s10, s9;
	s8 =	sadd.s32 $0xA8F600, s8;
	s10 =	sadd.s32 s14, s10  }
0x13: {  	s11 =	sadd.s32 $0x800, s11;
	s14 =	simm.s32 $0x2C00;
	s7 =	sadd.s32 $0x28000, s9  }
0x14: {  	s9 =	smax.u32 s12, $0x1;
	s12 =	sshrl.u32 s13, $0x3;
	s13 =	simm.s32 $0x2  }
.LBB2_1:
0x15: {  	[spmem:s12], [sflag:s5] =	dma.local [hbm:s4], $0x2800  }
0x16: {  	_ =	swait.ge [sflag:s13], $0x2800  }
0x17: {  	[sflag:s13] =	ssyncset.done $0x0  }
0x18: {  	[sflag:s13] =	ssyncadd.s32 $0xFFFFD800  }
0x19: {  	[bflag:$0x0] =	sbarrier.arrive $0xFFFF  }
0x1a: {  	[tilespmem:s3], [sflag:$0x2] =	stream.linear.gather [hbm4b:s6+s3], $0x2880, $0x38;
	[tilespmem:$0x1EC00] =	vst v63  }
0x1b: {  	_ =	swait.ge [sflag:s13], $0x2880  }
0x1c: {  	[sflag:s13] =	ssyncset.done $0x0  }
0x1d: {  	s20 =	sadd.s32 $0x0, s10;
	[sflag:s13] =	ssyncadd.s32 $0xFFFFD780  }
0x1e: {  	[tilespmem:s14], [sflag:$0x1] =	stream.linear.gather [hbm4b:s20+s3], $0x4000, $0x38;
	[tilespmem:$0x1EC00] =	vst v63  }
0x1f: {  	s30 =	sadd.s32 $0x0, s11  }
0x20: {  	[tilespmem:s15], [sflag:$0x1] =	stream.linear.gather [hbm4b:s30+s3], $0x4000, $0x38;
	[tilespmem:$0x1EC00] =	vst v63  }
0x21: {  	_ =	swait.ge [sflag:s16], $0x4000  }
0x22: {  	[sflag:s16] =	ssyncset.done $0x0  }
0x23: {  	[sflag:s16] =	ssyncadd.s32 $0xFFFFC000  }
0x24: {  	[spmem:s2] =	stream.indirect.scatter.add.f32 [tilespmem:s14], [sflag:$0x2], $0x80, s3, s17, $0xb8;
	[tilespmem:$0x1EC00] =	vst v63  }
0x25: {  	_ =	swait.ge [sflag:s13], $0x4000  }
0x26: {  	[sflag:s13] =	ssyncset.done $0x0  }
0x27: {  	[sflag:s13] =	ssyncadd.s32 $0xFFFFC000  }
0x28: {  	_ =	swait.ge [sflag:s16], $0x4000  }
0x29: {  	[sflag:s16] =	ssyncset.done $0x0  }
0x2a: {  	s31 =	simm.s32 $0x80;
	[sflag:s16] =	ssyncadd.s32 $0xFFFFC000  }
0x2b: {  	[spmem:s2] =	stream.indirect.scatter.add.f32 [tilespmem:s15], [sflag:$0x2], $0x80, s31, s17, $0xb8;
	[tilespmem:$0x1EC00] =	vst v63  }
0x2c: {  	s21 =	simm.s32 $0x1000;
	_ =	swait.ge [sflag:s13], $0x4000  }
0x2d: {  	s22 =	simm.s32 $0x2000;
	s20 =	simm.s32 $0x100;
	[sflag:s13] =	ssyncset.done $0x0  }
.LBB2_2:
0x2e: {  	s23 =	sadd.s32 s21, s10  }
0x2f: {  	[sflag:s13] =	ssyncadd.s32 $0xFFFFC000;
	s24 =	smov.u32 s22;
	s25 =	sadd.s32 $0x1000, s22  }
0x30: {  	[tilespmem:s14], [sflag:$0x1] =	stream.linear.gather [hbm4b:s23+s3], $0x4000, $0x38;
	[tilespmem:$0x1EC00] =	vst v63  }
0x31: {  	p0 =	sne.s32 s22, $0x27000;
	s22 =	sadd.s32 s21, s11;
	s21 =	smov.u32 s24  }
0x32: {  	[tilespmem:s15], [sflag:$0x1] =	stream.linear.gather [hbm4b:s22+s3], $0x4000, $0x38;
	[tilespmem:$0x1EC00] =	vst v63  }
0x33: {  	_ =	swait.ge [sflag:s16], $0x4000  }
0x34: {  	[sflag:s16] =	ssyncset.done $0x0  }
0x35: {  	[sflag:s16] =	ssyncadd.s32 $0xFFFFC000  }
0x36: {  	[spmem:s2] =	stream.indirect.scatter.add.f32 [tilespmem:s14], [sflag:$0x2], $0x80, s20, s17, $0xb8;
	[tilespmem:$0x1EC00] =	vst v63  }
0x37: {  	_ =	swait.ge [sflag:s13], $0x4000  }
0x38: {  	[sflag:s13] =	ssyncset.done $0x0  }
0x39: {  	[sflag:s13] =	ssyncadd.s32 $0xFFFFC000  }
0x3a: {  	_ =	swait.ge [sflag:s16], $0x4000  }
.Ltmp0:
0x3b: {  	[sflag:s16] =	ssyncset.done $0x0;
	(pc) =	sbr.rel @p0 .LBB2_2-.Ltmp0, $4  }
0x3c: {  	s22 =	sadd.s32 $0x80, s20;
	[sflag:s16] =	ssyncadd.s32 $0xFFFFC000  }
0x3d: {  	[spmem:s2] =	stream.indirect.scatter.add.f32 [tilespmem:s15], [sflag:$0x2], $0x80, s22, s17, $0xb8;
	[tilespmem:$0x1EC00] =	vst v63  }
0x3e: {  	_ =	swait.ge [sflag:s13], $0x4000  }
0x3f: {  	s20 =	sadd.s32 $0x100, s20;
	s22 =	smov.u32 s25;
	[sflag:s13] =	ssyncset.done $0x0  }
0x40: {  	s22 =	sadd.s32 s21, s10;
	[sflag:s13] =	ssyncadd.s32 $0xFFFFC000  }
0x41: {  	[tilespmem:s14], [sflag:$0x1] =	stream.linear.gather [hbm4b:s22+s3], $0x4000, $0x38;
	[tilespmem:$0x1EC00] =	vst v63  }
0x42: {  	s30 =	sadd.s32 s21, s11  }
0x43: {  	[tilespmem:s15], [sflag:$0x1] =	stream.linear.gather [hbm4b:s30+s3], $0x4000, $0x38;
	[tilespmem:$0x1EC00] =	vst v63  }
0x44: {  	_ =	swait.ge [sflag:s16], $0x4000  }
0x45: {  	[sflag:s16] =	ssyncset.done $0x0  }
0x46: {  	[sflag:s16] =	ssyncadd.s32 $0xFFFFC000  }
0x47: {  	[spmem:s2] =	stream.indirect.scatter.add.f32 [tilespmem:s14], [sflag:$0x2], $0x80, s20, s17, $0xb8;
	[tilespmem:$0x1EC00] =	vst v63  }
0x48: {  	_ =	swait.ge [sflag:s13], $0x4000  }
0x49: {  	[sflag:s13] =	ssyncset.done $0x0  }
0x4a: {  	[sflag:s13] =	ssyncadd.s32 $0xFFFFC000  }
0x4b: {  	_ =	swait.ge [sflag:s16], $0x4000  }
0x4c: {  	[sflag:s16] =	ssyncset.done $0x0  }
0x4d: {  	s31 =	sadd.s32 $0x80, s20;
	[sflag:s16] =	ssyncadd.s32 $0xFFFFC000  }
0x4e: {  	[spmem:s2] =	stream.indirect.scatter.add.f32 [tilespmem:s15], [sflag:$0x2], $0x80, s31, s17, $0xb8;
	[tilespmem:$0x1EC00] =	vst v63  }
0x4f: {  	_ =	swait.ge [sflag:s13], $0x4000  }
0x50: {  	[sflag:s13] =	ssyncset.done $0x0  }
0x51: {  	[sflag:s13] =	ssyncadd.s32 $0xFFFFC000  }
0x52: {  	[tilespmem:s14], [sflag:$0x2] =	stream.linear.gather [hbm4b:s7+s3], $0x4000, $0x38;
	[tilespmem:$0x1EC00] =	vst v63  }
0x53: {  	_ =	swait.ge [sflag:s13], $0x4000  }
0x54: {  	[sflag:s13] =	ssyncset.done $0x0  }
0x55: {  	[sflag:s13] =	ssyncadd.s32 $0xFFFFC000  }
0x56: {  	[spmem:s2] =	stream.indirect.scatter.add.f32 [tilespmem:s14], [sflag:$0x2], $0x80, s18, s17, $0xb8;
	[tilespmem:$0x1EC00] =	vst v63  }
0x57: {  	_ =	swait.ge [sflag:s13], $0x4000  }
0x58: {  	s19 =	sadd.s32 $0x1, s19;
	[sflag:s13] =	ssyncset.done $0x0  }
0x59: {  	p0 =	sne.s32 s19, s9;
	[sflag:s13] =	ssyncadd.s32 $0xFFFFC000  }
.Ltmp1:
0x5a: {  	[bflag:$0x0] =	sbarrier.arrive $0xFFFF;
	(pc) =	sbr.rel @p0 .LBB2_1-.Ltmp1, $4  }
0x5b: {  	[hbm:s8], [sflag:s5] =	dma.local [spmem:s12], $0x2800  }
0x5c: {  	_ =	swait.ge [sflag:s13], $0x2800  }
0x5d: {  	[sflag:s13] =	ssyncset.done $0x0  }
0x5e: {  	[sflag:s13] =	ssyncadd.s32 $0xFFFFD800  }
0x5f: {  	_ =	sfence.sel $0x180000  }
0x60: {  	[bflag:$0x0] =	sbarrier.arrive $0xFFFF  }
0x61: {  	p0 =	sne.s32 s0, $0x0;
	_ =	strace $0x90000056  }
0x62: {  	s0 =	sadd.s32 @!p0 $0x100000, s1;
	[bflag:$0x2] =	sbarrier.arrive $0xFFFF  }
0x63: {  	[sflag:s0] =	ssyncadd.tile.s32 @!p0 $0x1;
	_ =	shalt  }
.Lfunc_end2:
_tile_overlayer_lowered:
.L_overlay_start_2:
0x64: {  	(tag) =	ssettag $0x2  }
0x65: {  	s0 =	rddreg [dreg:$0x0];
	s2 =	stileid.u32  }
0x66: {  	s1 =	rddreg [dreg:$0x1];
	p0 =	sne.s32 s2, $0x0  }
0x67: {  	s3 =	rddreg [dreg:$0x2];
	[bflag:$0x3] =	sbarrier.arrive $0xFFFF;
	s2 =	simm.s32 @!p0 $0x1C02  }
0x68: {  	[timem:s3], [sflag:s2] =	dma.local @!p0 [hbm:s0], s1  }
0x69: {  	s0 =	simm.s32 @!p0 $0x2  }
0x6a: {  	_ =	swait.ge @!p0 [sflag:s0], s1  }
0x6b: {  	s1 =	ssub.s32 @!p0 $0x0, s1;
	[sflag:s0] =	ssyncset.done @!p0 $0x0  }
0x6c: {  	[sflag:s0] =	ssyncadd.s32 @!p0 s1  }
0x6d: {  	[bflag:$0x3] =	sbarrier.arrive $0xFFFF  }
0x6e: {  	_ =	shalt  }

// kernel: kernel.33.cloned.1.call-start
scs
__scs_entry_jumppad:
0x0: {  	(pc) =	sbr.rel $0x88, $3  }
0x1: {  	(tag) =	ssettag $0x0;
	lr =	simm.s32 $0x1  }
0x2: {  	[smem:$0x3F88] =	sst lr;
	_ =	strace $0xD0000000  }
0x3: {  	_ = 	snop  }
0x4: {  	_ = 	snop  }
0x5: {  	_ = 	snop  }
0x6: {  	_ = 	snop  }
0x7: {  	_ = 	snop  }
__scs_overlays_trampoline_lowered:
0x8: {  	[smem:$0x3F97] =	sst s0  }
0x9: {  	[smem:$0x3F98] =	sst s1  }
0xa: {  	[smem:$0x3F99] =	sst s2  }
0xb: {  	[smem:$0x3F9A] =	sst s3  }
0xc: {  	[smem:$0x3F9B] =	sst s4  }
0xd: {  	[smem:$0x3F9C] =	sst s5  }
0xe: {  	[smem:$0x3F9D] =	sst s6  }
0xf: {  	[smem:$0x3F9E] =	sst s7  }
0x10: {  	[smem:$0x3F9F] =	sst s8  }
0x11: {  	[smem:$0x3FA0] =	sst s9;
	s0 =	simm.s32 @!p0 $0x0  }
0x12: {  	s1 =	sld [smem:$0x3F86];
	s0 =	simm.s32 @p0 $0x1  }
0x13: {  	[smem:$0x3FA1] =	sst s0;
	s0 =	simm.s32 @!p1 $0x0  }
0x14: {  	s2 =	sld [smem:$0x3F85];
	s0 =	simm.s32 @p1 $0x1  }
0x15: {  	[smem:$0x3FA2] =	sst s0;
	s0 =	simm.s32 @!p2 $0x0  }
0x16: {  	s3 =	sld [smem:$0x3FDB];
	s0 =	simm.s32 @p2 $0x1  }
0x17: {  	s4 =	simm.s32 $0x1BF5;
	[smem:$0x3FA4] =	sst s0  }
0x18: {  	s0 =	sld [smem:$0x3F87];
	_ =	swait.ge [sflag:s4], $0x0  }
0x19: {  	s7 =	sld [smem:$0x3F88]  }
0x1a: {  	s8 =	sadd.s32 $0xFFFFE003, lr  }
0x1b: {  	s9 =	sadd.s32 $0xFFFFFEF7, lr;
	s5 =	simm.s32 $0xFFFFFFFF;
	p2 =	slt.u32 s8, $0xFFFFF086  }
0x1c: {  	p1 =	slt.u32 s9, $0xF7A;
	s5 =	simm.s32 @!p2 $0x0  }
0x1d: {  	s5 =	simm.s32 @p1 $0x1;
	p0 =	seq.s32 s7, s2  }
0x1e: {  	s7 =	smul.u32 @!p0 $0xF7A, s2;
	p2 =	seq.s32 @!p0 s5, $0x0  }
0x1f: {  	s9 =	smul.u32 $0xF7A, s1;
	s8 =	simm.s32 @!p0 $0x1BF5;
	p2 =	por !p2, p0  }
0x20: {  	[sflag:s8] =	ssyncset.s32 @!p0 $0xFFFFF086;
	s6 =	sadd.s32 @!p0 s3, s7;
	s7 =	simm.s32 @!p0 $0x108  }
0x21: {  	s3 =	sadd.s32 s3, s9;
	s6 =	sadd.s32 @!p0 $0x88, s6;
	s7 =	simm.s32 @p2 $0x1082  }
0x22: {  	[simem:s7], [sflag:s8] =	dma.local @!p0 [hbm:s6], $0xF7A  }
0x23: {  	s9 =	sor.u32 $0xD0000000, s2;
	s6 =	simm.s32 $0x108;
	_ =	swait.ge @!p0 [sflag:s8], $0x0  }
0x24: {  	s3 =	sadd.s32 $0x88, s3;
	s6 =	simm.s32 @!p1 $0x1082;
	[sflag:s4] =	ssyncset.s32 $0xFFFFF086  }
0x25: {  	[simem:s6], [sflag:s4] =	dma.local [hbm:s3], $0xF7A  }
0x26: {  	[smem:$0x3F88] =	sst s1;
	(tag) =	ssettag s2;
	_ =	strace s9  }
0x27: {  	s1 =	sld [smem:$0x3F98]  }
0x28: {  	s2 =	sld [smem:$0x3F99]  }
0x29: {  	s4 =	sld [smem:$0x3F9B]  }
0x2a: {  	p0 =	seq.s32 s5, $0x0;
	s5 =	sld [smem:$0x3F9C]  }
0x2b: {  	s6 =	sld [smem:$0x3F9D]  }
0x2c: {  	s7 =	sld [smem:$0x3F9E]  }
0x2d: {  	s3 =	simm.s32 $0x108;
	s8 =	sld [smem:$0x3F9F]  }
0x2e: {  	s3 =	simm.s32 @!p0 $0x1082;
	s9 =	sld [smem:$0x3FA0]  }
0x2f: {  	lr =	sadd.s32 s0, s3;
	s0 =	sld [smem:$0x3F97]  }
0x30: {  	s3 =	sld [smem:$0x3F9A]  }
0x31: {  	[smem:$0x3FA3] =	sst s10  }
0x32: {  	s10 =	sld [smem:$0x3FA1];
	_ =	sdelay $0x3  }
0x33: {  	p0 =	seq.s32 s10, $0x1;
	s10 =	sld [smem:$0x3FA3];
	_ =	sdelay $0x3  }
0x34: {  	[smem:$0x3FA3] =	sst s10  }
0x35: {  	s10 =	sld [smem:$0x3FA2];
	_ =	sdelay $0x3  }
0x36: {  	p1 =	seq.s32 s10, $0x1;
	s10 =	sld [smem:$0x3FA3];
	_ =	sdelay $0x3  }
0x37: {  	[smem:$0x3FA3] =	sst s10  }
0x38: {  	s10 =	sld [smem:$0x3FA4]  }
0x39: {  	_ = 	snop;
	(pc) =	sbr.ind lr, $3  }
0x3a: {  	_ = 	snop  }
0x3b: {  	_ = 	snop  }
0x3c: {  	p2 =	seq.s32 s10, $0x1;
	s10 =	sld [smem:$0x3FA3]  }
0x3d: {  	_ =	shalt  }
0x3e: {  	_ =	shalt  }
0x3f: {  	_ =	shalt  }
0x40: {  	_ =	shalt  }
0x41: {  	_ =	shalt  }
0x42: {  	_ =	shalt  }
0x43: {  	_ =	shalt  }
0x44: {  	_ =	shalt  }
0x45: {  	_ =	shalt  }
0x46: {  	_ =	shalt  }
0x47: {  	_ =	shalt  }
0x48: {  	_ =	shalt  }
0x49: {  	_ =	shalt  }
0x4a: {  	_ =	shalt  }
0x4b: {  	_ =	shalt  }
0x4c: {  	_ =	shalt  }
0x4d: {  	_ =	shalt  }
0x4e: {  	_ =	shalt  }
0x4f: {  	_ =	shalt  }
0x50: {  	_ =	shalt  }
0x51: {  	_ =	shalt  }
0x52: {  	_ =	shalt  }
0x53: {  	_ =	shalt  }
0x54: {  	_ =	shalt  }
0x55: {  	_ =	shalt  }
0x56: {  	_ =	shalt  }
0x57: {  	_ =	shalt  }
0x58: {  	_ =	shalt  }
0x59: {  	_ =	shalt  }
0x5a: {  	_ =	shalt  }
0x5b: {  	_ =	shalt  }
0x5c: {  	_ =	shalt  }
0x5d: {  	_ =	shalt  }
0x5e: {  	_ =	shalt  }
0x5f: {  	_ =	shalt  }
0x60: {  	_ =	shalt  }
0x61: {  	_ =	shalt  }
0x62: {  	_ =	shalt  }
0x63: {  	_ =	shalt  }
0x64: {  	_ =	shalt  }
0x65: {  	_ =	shalt  }
0x66: {  	_ =	shalt  }
0x67: {  	_ =	shalt  }
0x68: {  	_ =	shalt  }
0x69: {  	_ =	shalt  }
0x6a: {  	_ =	shalt  }
0x6b: {  	_ =	shalt  }
0x6c: {  	_ =	shalt  }
0x6d: {  	_ =	shalt  }
0x6e: {  	_ =	shalt  }
0x6f: {  	_ =	shalt  }
0x70: {  	_ =	shalt  }
0x71: {  	_ =	shalt  }
0x72: {  	_ =	shalt  }
0x73: {  	_ =	shalt  }
0x74: {  	_ =	shalt  }
0x75: {  	_ =	shalt  }
0x76: {  	_ =	shalt  }
0x77: {  	_ =	shalt  }
0x78: {  	_ =	shalt  }
0x79: {  	_ =	shalt  }
0x7a: {  	_ =	shalt  }
0x7b: {  	_ =	shalt  }
0x7c: {  	_ =	shalt  }
0x7d: {  	_ =	shalt  }
0x7e: {  	_ =	shalt  }
0x7f: {  	_ =	shalt  }
0x80: {  	_ =	shalt  }
0x81: {  	_ =	shalt  }
0x82: {  	_ =	shalt  }
0x83: {  	_ =	shalt  }
0x84: {  	_ =	shalt  }
0x85: {  	_ =	shalt  }
0x86: {  	_ =	shalt  }
0x87: {  	_ =	shalt  }
.Lfunc_end0:
.L_simem_size_0:
called_computation.5_lowered:
.L_overlay_start_0:
0x88: {  	s2 =	sld [smem:$0x3FD9]  }
0x89: {  	s3 =	sld [smem:$0x3FFE];
	_ =	sdelay $0x1  }
0x8a: {  	s1 =	srdreg.scid  }
0x8b: {  	s0 =	sand.u32 $0x1, s1  }
0x8c: {  	s16 =	sshll.u32 s0, $0xA;
	s2 =	sadd.s32 s3, s2  }
0x8d: {  	s2 =	sadd.s32 s2, s16  }
0x8e: {  	[smem:$0x3FAF] =	sst s2  }
0x8f: {  	_ = 	snop  }
0x90: {  	(tm) =	ssettm $0x1  }
0x91: {  	s17 =	sld [smem:$0x3FFB];
	_ =	sdelay $0x3  }
0x92: {  	_ =	strace s17  }
0x93: {  	s2 =	sld [smem:$0x3FFC];
	_ =	sdelay $0x3  }
0x94: {  	_ =	strace s2  }
0x95: {  	s2 =	sld [smem:$0x3FFD];
	_ =	sdelay $0x3  }
0x96: {  	_ =	strace s2  }
0x97: {  	_ =	strace $0x8FFFFFFF  }
0x98: {  	s18 =	sld [smem:$0x3FDB];
	_ =	sdelay $0x1  }
0x99: {  	s19 =	simm.s32 $_scs_section_size  }
0x9a: {  	s4 =	simm.s32 $_size__tile_overlayer_lowered;
	s5 =	simm.s32 $_tile_overlayer_lowered  }
0x9b: {  	s22 =	simm.s32 $0x1BFF;
	s21 =	sshll.u32 s5, $0x1;
	s2 =	sadd.s32 s19, s18  }
0x9c: {  	s6 =	simm.s32 $0x0;
	s20 =	sshll.u32 s4, $0x1;
	s4 =	sadd.s32 s21, s2  }
0x9d: {  	[timem:s6], [sflag:s22] =	dma.local [hbm:s4], s20  }
0x9e: {  	_ =	swait.ge [sflag:s22], s20  }
0x9f: {  	s3 =	ssub.s32 $0x0, s20;
	[sflag:s22] =	ssyncset.done $0x0  }
0xa0: {  	[sflag:s22] =	ssyncadd.s32 s3;
	_ =	sdelay $0x1  }
0xa1: {  	s23 =	simm.s32 $0x1B8B  }
0xa2: {  	_ =	swait.ge [sflag:s23], $0x1  }
0xa3: {  	[sflag:s23] =	ssyncset.done $0x0  }
0xa4: {  	s25 =	simm.s32 $0x1B8E;
	s24 =	sld [smem:$0x3FFE];
	[sflag:s23] =	ssyncadd.s32 $0xFFFFFFFF  }
0xa5: {  	s26 =	simm.s32 $execute0_lowered;
	[smem:$0x3FD2] =	sst s25  }
0xa6: {  	s4 =	sshll.u32 s26, $0x1;
	_ =	strace $0x80000052;
	[dreg:$0x1] =	wrdreg $0xFFFFFFFF  }
0xa7: {  	s28 =	simm.s32 $_size_execute0_lowered;
	s2 =	sadd.s32 s2, s4;
	[dreg:$0x0] =	wrdreg $0x0  }
0xa8: {  	s4 =	sshll.u32 s28, $0x1;
	[dreg:$0x2] =	wrdreg s2  }
0xa9: {  	[dreg:$0x3] =	wrdreg s4  }
0xaa: {  	[dreg:$0x4] =	wrdreg $0xC0  }
0xab: {  	_ =	task [dreg:s6], $0x5FFFF  }
0xac: {  	[dreg:$0x1] =	wrdreg $0xFFFFFFFF  }
0xad: {  	[dreg:$0x0] =	wrdreg $0x60  }
0xae: {  	[dreg:$0x2] =	wrdreg s24  }
0xaf: {  	[dreg:$0x3] =	wrdreg $0xAC000  }
0xb0: {  	[dreg:$0x4] =	wrdreg $0xA  }
0xb1: {  	_ =	task.clear_ibuf [dreg:s6], $0x5FFFF;
	_ =	strace $0x90000052  }
0xb2: {  	s29 =	simm.s32 $0xA;
	_ =	strace $0x80000054  }
0xb3: {  	_ =	swait.ge [sflag:s29], $0x1  }
0xb4: {  	[sflag:s29] =	ssyncadd.s32 $0xFFFFFFFF  }
0xb5: {  	_ =	strace $0x90000054  }
0xb6: {  	_ =	sfence  }
0xb7: {  	s30 =	sld [smem:$0x0];
	_ =	sdelay $0x2  }
0xb8: {  	s31 =	sshll.u32 s1, $0xD;
	s1 =	sshrl.u32 s1, $0x2  }
0xb9: {  	s3 =	sand.u32 $0x4000, s31;
	s1 =	sadd.s32 s1, s30  }
0xba: {  	s0 =	sor.u32 s3, s0;
	s1 =	sshll.u32 s1, $0x11  }
0xbb: {  	s0 =	sor.u32 s1, s0  }
0xbc: {  	s0 =	sadd.s32 $0x8F2B, s0  }
0xbd: {  	[sflag:s0] =	ssyncadd.remote.s32 $0x1  }
0xbe: {  	_ =	sfence.sel $0xFFFF  }
0xbf: {  	[dreg:$0x0] =	wrdreg $0xFFFFFFFF;
	(pc) =	sbr.abs _section_cstart, $3  }
0xc0: {  	[dreg:$0x1] =	wrdreg $0xFFFFFFFF  }
0xc1: {  	_ =	task.clear_ibuf [dreg:s6], $0x2FFFF;
	_ =	strace $0x9FFFFFFF  }
0xc2: {  	(tm) =	ssettm $0x7FFFFFFF  }
0xc3: {  	_ =	shalt  }
tec
execute0_lowered:
.L_overlay_start_1:
0x0: {  	(tag) =	ssettag $0x1  }
0x1: {  	s0 =	srdreg.scid  }
0x2: {  	s7 =	sand.u32 $0x1, s0;
	s0 =	stileid.u32  }
0x3: {  	s4 =	rddreg [dreg:$0x0];
	s8 =	smul.u32 $0x14000, s0  }
0x4: {  	s2 =	rddreg [dreg:$0x1];
	s9 =	smul.u32 $0x140000, s7  }
0x5: {  	s3 =	simm.s32 $0x0;
	s16 =	simm.s32 $0x1;
	s24 =	smul.u32 $0x50000, s0  }
0x6: {  	s17 =	simm.s32 $0x80;
	s18 =	simm.s32 $0x2800;
	s29 =	smul.u32 $0x1440000, s7  }
0x7: {  	s19 =	simm.s32 $0x0;
	[smem:$0x7FF] =	sst s3;
	s14 =	smul.u32 $0x144000, s0  }
0x8: {  	s10 =	sadd.s32 $0xF9F600, s4;
	s1 =	sshll.u32 s7, $0x4;
	s15 =	smul.u32 $0x288000, s7  }
0x9: {  	s12 =	ssub.s32 $0x2, s7;
	s28 =	sshll.u32 s0, $0x6;
	s31 =	smul.u32 $0x28800, s0  }
0xa: {  	s5 =	sor.u32 s0, s1;
	s1 =	rddreg [dreg:$0x2];
	_ =	strace $0x80000053  }
0xb: {  	s25 =	sshrl.u32 s12, $0x1;
	s6 =	smul.u32 $0x580, s5;
	s11 =	sshrl.u32 s8, $0x3  }
0xc: {  	s8 =	sadd.s32 s8, s9;
	s9 =	sshrl.u32 s24, $0x2;
	s12 =	ssub.s32 s12, s25  }
0xd: {  	s26 =	smul.u32 $0x144000, s5;
	s5 =	sor.u32 $0x1C02, s28;
	s30 =	sadd.s32 s14, s29  }
0xe: {  	s15 =	sadd.s32 s15, s10;
	s11 =	sadd.s32 s11, s4;
	s8 =	sshrl.u32 s8, $0x3  }
0xf: {  	s13 =	sadd.s32 s9, s2;
	s14 =	sshrl.u32 s30, $0x3;
	s6 =	sadd.s32 s6, s4  }
0x10: {  	s8 =	sadd.s32 s8, s4;
	s4 =	sadd.s32 $0x1EE00, s11;
	s9 =	sshrl.u32 s26, $0x3  }
0x11: {  	s11 =	sadd.s32 s31, s15;
	s15 =	simm.s32 $0x6C00;
	s6 =	sadd.s32 $0x8E00, s6  }
0x12: {  	s9 =	sadd.s32 s10, s9;
	s8 =	sadd.s32 $0x46E00, s8;
	s10 =	sadd.s32 s14, s10  }
0x13: {  	s11 =	sadd.s32 $0x800, s11;
	s14 =	simm.s32 $0x2C00;
	s7 =	sadd.s32 $0x28000, s9  }
0x14: {  	s9 =	smax.u32 s12, $0x1;
	s12 =	sshrl.u32 s13, $0x3;
	s13 =	simm.s32 $0x2  }
.LBB2_1:
0x15: {  	[spmem:s12], [sflag:s5] =	dma.local [hbm:s4], $0x2800  }
0x16: {  	_ =	swait.ge [sflag:s13], $0x2800  }
0x17: {  	[sflag:s13] =	ssyncset.done $0x0  }
0x18: {  	[sflag:s13] =	ssyncadd.s32 $0xFFFFD800  }
0x19: {  	[bflag:$0x0] =	sbarrier.arrive $0xFFFF  }
0x1a: {  	[tilespmem:s3], [sflag:$0x2] =	stream.linear.gather [hbm4b:s6+s3], $0x2880, $0x38;
	[tilespmem:$0xD400] =	vst v63  }
0x1b: {  	_ =	swait.ge [sflag:s13], $0x2880  }
0x1c: {  	[sflag:s13] =	ssyncset.done $0x0  }
0x1d: {  	s20 =	sadd.s32 $0x0, s10;
	[sflag:s13] =	ssyncadd.s32 $0xFFFFD780  }
0x1e: {  	[tilespmem:s14], [sflag:$0x1] =	stream.linear.gather [hbm4b:s20+s3], $0x4000, $0x38;
	[tilespmem:$0xD400] =	vst v63  }
0x1f: {  	s30 =	sadd.s32 $0x0, s11  }
0x20: {  	[tilespmem:s15], [sflag:$0x1] =	stream.linear.gather [hbm4b:s30+s3], $0x4000, $0x38;
	[tilespmem:$0xD400] =	vst v63  }
0x21: {  	_ =	swait.ge [sflag:s16], $0x4000  }
0x22: {  	[sflag:s16] =	ssyncset.done $0x0  }
0x23: {  	[sflag:s16] =	ssyncadd.s32 $0xFFFFC000  }
0x24: {  	[spmem:s2] =	stream.indirect.scatter.add.f32 [tilespmem:s14], [sflag:$0x2], $0x10, s3, s17, $0xb8;
	[tilespmem:$0xD400] =	vst v63  }
0x25: {  	_ =	swait.ge [sflag:s13], $0x800  }
0x26: {  	[sflag:s13] =	ssyncset.done $0x0  }
0x27: {  	[sflag:s13] =	ssyncadd.s32 $0xFFFFF800  }
0x28: {  	_ =	swait.ge [sflag:s16], $0x4000  }
0x29: {  	[sflag:s16] =	ssyncset.done $0x0  }
0x2a: {  	s31 =	simm.s32 $0x80;
	[sflag:s16] =	ssyncadd.s32 $0xFFFFC000  }
0x2b: {  	[spmem:s2] =	stream.indirect.scatter.add.f32 [tilespmem:s15], [sflag:$0x2], $0x10, s31, s17, $0xb8;
	[tilespmem:$0xD400] =	vst v63  }
0x2c: {  	s21 =	simm.s32 $0x1000;
	_ =	swait.ge [sflag:s13], $0x800  }
0x2d: {  	s22 =	simm.s32 $0x2000;
	s20 =	simm.s32 $0x100;
	[sflag:s13] =	ssyncset.done $0x0  }
.LBB2_2:
0x2e: {  	s23 =	sadd.s32 s21, s10  }
0x2f: {  	[sflag:s13] =	ssyncadd.s32 $0xFFFFF800;
	s24 =	smov.u32 s22;
	s25 =	sadd.s32 $0x1000, s22  }
0x30: {  	[tilespmem:s14], [sflag:$0x1] =	stream.linear.gather [hbm4b:s23+s3], $0x4000, $0x38;
	[tilespmem:$0xD400] =	vst v63  }
0x31: {  	p0 =	sne.s32 s22, $0x27000;
	s22 =	sadd.s32 s21, s11;
	s21 =	smov.u32 s24  }
0x32: {  	[tilespmem:s15], [sflag:$0x1] =	stream.linear.gather [hbm4b:s22+s3], $0x4000, $0x38;
	[tilespmem:$0xD400] =	vst v63  }
0x33: {  	_ =	swait.ge [sflag:s16], $0x4000  }
0x34: {  	[sflag:s16] =	ssyncset.done $0x0  }
0x35: {  	[sflag:s16] =	ssyncadd.s32 $0xFFFFC000  }
0x36: {  	[spmem:s2] =	stream.indirect.scatter.add.f32 [tilespmem:s14], [sflag:$0x2], $0x10, s20, s17, $0xb8;
	[tilespmem:$0xD400] =	vst v63  }
0x37: {  	_ =	swait.ge [sflag:s13], $0x800  }
0x38: {  	[sflag:s13] =	ssyncset.done $0x0  }
0x39: {  	[sflag:s13] =	ssyncadd.s32 $0xFFFFF800  }
0x3a: {  	_ =	swait.ge [sflag:s16], $0x4000  }
.Ltmp0:
0x3b: {  	[sflag:s16] =	ssyncset.done $0x0;
	(pc) =	sbr.rel @p0 .LBB2_2-.Ltmp0, $4  }
0x3c: {  	s22 =	sadd.s32 $0x80, s20;
	[sflag:s16] =	ssyncadd.s32 $0xFFFFC000  }
0x3d: {  	[spmem:s2] =	stream.indirect.scatter.add.f32 [tilespmem:s15], [sflag:$0x2], $0x10, s22, s17, $0xb8;
	[tilespmem:$0xD400] =	vst v63  }
0x3e: {  	_ =	swait.ge [sflag:s13], $0x800  }
0x3f: {  	s20 =	sadd.s32 $0x100, s20;
	s22 =	smov.u32 s25;
	[sflag:s13] =	ssyncset.done $0x0  }
0x40: {  	s22 =	sadd.s32 s21, s10;
	[sflag:s13] =	ssyncadd.s32 $0xFFFFF800  }
0x41: {  	[tilespmem:s14], [sflag:$0x1] =	stream.linear.gather [hbm4b:s22+s3], $0x4000, $0x38;
	[tilespmem:$0xD400] =	vst v63  }
0x42: {  	s30 =	sadd.s32 s21, s11  }
0x43: {  	[tilespmem:s15], [sflag:$0x1] =	stream.linear.gather [hbm4b:s30+s3], $0x4000, $0x38;
	[tilespmem:$0xD400] =	vst v63  }
0x44: {  	_ =	swait.ge [sflag:s16], $0x4000  }
0x45: {  	[sflag:s16] =	ssyncset.done $0x0  }
0x46: {  	[sflag:s16] =	ssyncadd.s32 $0xFFFFC000  }
0x47: {  	[spmem:s2] =	stream.indirect.scatter.add.f32 [tilespmem:s14], [sflag:$0x2], $0x10, s20, s17, $0xb8;
	[tilespmem:$0xD400] =	vst v63  }
0x48: {  	_ =	swait.ge [sflag:s13], $0x800  }
0x49: {  	[sflag:s13] =	ssyncset.done $0x0  }
0x4a: {  	[sflag:s13] =	ssyncadd.s32 $0xFFFFF800  }
0x4b: {  	_ =	swait.ge [sflag:s16], $0x4000  }
0x4c: {  	[sflag:s16] =	ssyncset.done $0x0  }
0x4d: {  	s31 =	sadd.s32 $0x80, s20;
	[sflag:s16] =	ssyncadd.s32 $0xFFFFC000  }
0x4e: {  	[spmem:s2] =	stream.indirect.scatter.add.f32 [tilespmem:s15], [sflag:$0x2], $0x10, s31, s17, $0xb8;
	[tilespmem:$0xD400] =	vst v63  }
0x4f: {  	_ =	swait.ge [sflag:s13], $0x800  }
0x50: {  	[sflag:s13] =	ssyncset.done $0x0  }
0x51: {  	[sflag:s13] =	ssyncadd.s32 $0xFFFFF800  }
0x52: {  	[tilespmem:s14], [sflag:$0x2] =	stream.linear.gather [hbm4b:s7+s3], $0x4000, $0x38;
	[tilespmem:$0xD400] =	vst v63  }
0x53: {  	_ =	swait.ge [sflag:s13], $0x4000  }
0x54: {  	[sflag:s13] =	ssyncset.done $0x0  }
0x55: {  	[sflag:s13] =	ssyncadd.s32 $0xFFFFC000  }
0x56: {  	[spmem:s2] =	stream.indirect.scatter.add.f32 [tilespmem:s14], [sflag:$0x2], $0x10, s18, s17, $0xb8;
	[tilespmem:$0xD400] =	vst v63  }
0x57: {  	_ =	swait.ge [sflag:s13], $0x800  }
0x58: {  	s19 =	sadd.s32 $0x1, s19;
	[sflag:s13] =	ssyncset.done $0x0  }
0x59: {  	p0 =	sne.s32 s19, s9;
	[sflag:s13] =	ssyncadd.s32 $0xFFFFF800  }
.Ltmp1:
0x5a: {  	[bflag:$0x0] =	sbarrier.arrive $0xFFFF;
	(pc) =	sbr.rel @p0 .LBB2_1-.Ltmp1, $4  }
0x5b: {  	[hbm:s8], [sflag:s5] =	dma.local [spmem:s12], $0x2800  }
0x5c: {  	_ =	swait.ge [sflag:s13], $0x2800  }
0x5d: {  	[sflag:s13] =	ssyncset.done $0x0  }
0x5e: {  	[sflag:s13] =	ssyncadd.s32 $0xFFFFD800  }
0x5f: {  	_ =	sfence.sel $0x180000  }
0x60: {  	[bflag:$0x0] =	sbarrier.arrive $0xFFFF  }
0x61: {  	p0 =	sne.s32 s0, $0x0;
	_ =	strace $0x90000053  }
0x62: {  	s0 =	sadd.s32 @!p0 $0x100000, s1;
	[bflag:$0x2] =	sbarrier.arrive $0xFFFF  }
0x63: {  	[sflag:s0] =	ssyncadd.tile.s32 @!p0 $0x1;
	_ =	shalt  }
.Lfunc_end2:
_tile_overlayer_lowered:
.L_overlay_start_2:
0x64: {  	(tag) =	ssettag $0x2  }
0x65: {  	s0 =	rddreg [dreg:$0x0];
	s2 =	stileid.u32  }
0x66: {  	s1 =	rddreg [dreg:$0x1];
	p0 =	sne.s32 s2, $0x0  }
0x67: {  	s3 =	rddreg [dreg:$0x2];
	[bflag:$0x3] =	sbarrier.arrive $0xFFFF;
	s2 =	simm.s32 @!p0 $0x1C02  }
0x68: {  	[timem:s3], [sflag:s2] =	dma.local @!p0 [hbm:s0], s1  }
0x69: {  	s0 =	simm.s32 @!p0 $0x2  }
0x6a: {  	_ =	swait.ge @!p0 [sflag:s0], s1  }
0x6b: {  	s1 =	ssub.s32 @!p0 $0x0, s1;
	[sflag:s0] =	ssyncset.done @!p0 $0x0  }
0x6c: {  	[sflag:s0] =	ssyncadd.s32 @!p0 s1  }
0x6d: {  	[bflag:$0x3] =	sbarrier.arrive $0xFFFF  }
0x6e: {  	_ =	shalt  }

// kernel: kernel.36.cloned.1.call-start
scs
__scs_entry_jumppad:
0x0: {  	(pc) =	sbr.rel $0x88, $3  }
0x1: {  	(tag) =	ssettag $0x0;
	lr =	simm.s32 $0x1  }
0x2: {  	[smem:$0x3F88] =	sst lr;
	_ =	strace $0xD0000000  }
0x3: {  	_ = 	snop  }
0x4: {  	_ = 	snop  }
0x5: {  	_ = 	snop  }
0x6: {  	_ = 	snop  }
0x7: {  	_ = 	snop  }
__scs_overlays_trampoline_lowered:
0x8: {  	[smem:$0x3F97] =	sst s0  }
0x9: {  	[smem:$0x3F98] =	sst s1  }
0xa: {  	[smem:$0x3F99] =	sst s2  }
0xb: {  	[smem:$0x3F9A] =	sst s3  }
0xc: {  	[smem:$0x3F9B] =	sst s4  }
0xd: {  	[smem:$0x3F9C] =	sst s5  }
0xe: {  	[smem:$0x3F9D] =	sst s6  }
0xf: {  	[smem:$0x3F9E] =	sst s7  }
0x10: {  	[smem:$0x3F9F] =	sst s8  }
0x11: {  	[smem:$0x3FA0] =	sst s9;
	s0 =	simm.s32 @!p0 $0x0  }
0x12: {  	s1 =	sld [smem:$0x3F86];
	s0 =	simm.s32 @p0 $0x1  }
0x13: {  	[smem:$0x3FA1] =	sst s0;
	s0 =	simm.s32 @!p1 $0x0  }
0x14: {  	s2 =	sld [smem:$0x3F85];
	s0 =	simm.s32 @p1 $0x1  }
0x15: {  	[smem:$0x3FA2] =	sst s0;
	s0 =	simm.s32 @!p2 $0x0  }
0x16: {  	s3 =	sld [smem:$0x3FDB];
	s0 =	simm.s32 @p2 $0x1  }
0x17: {  	s4 =	simm.s32 $0x1BF5;
	[smem:$0x3FA4] =	sst s0  }
0x18: {  	s0 =	sld [smem:$0x3F87];
	_ =	swait.ge [sflag:s4], $0x0  }
0x19: {  	s7 =	sld [smem:$0x3F88]  }
0x1a: {  	s8 =	sadd.s32 $0xFFFFE003, lr  }
0x1b: {  	s9 =	sadd.s32 $0xFFFFFEF7, lr;
	s5 =	simm.s32 $0xFFFFFFFF;
	p2 =	slt.u32 s8, $0xFFFFF086  }
0x1c: {  	p1 =	slt.u32 s9, $0xF7A;
	s5 =	simm.s32 @!p2 $0x0  }
0x1d: {  	s5 =	simm.s32 @p1 $0x1;
	p0 =	seq.s32 s7, s2  }
0x1e: {  	s7 =	smul.u32 @!p0 $0xF7A, s2;
	p2 =	seq.s32 @!p0 s5, $0x0  }
0x1f: {  	s9 =	smul.u32 $0xF7A, s1;
	s8 =	simm.s32 @!p0 $0x1BF5;
	p2 =	por !p2, p0  }
0x20: {  	[sflag:s8] =	ssyncset.s32 @!p0 $0xFFFFF086;
	s6 =	sadd.s32 @!p0 s3, s7;
	s7 =	simm.s32 @!p0 $0x108  }
0x21: {  	s3 =	sadd.s32 s3, s9;
	s6 =	sadd.s32 @!p0 $0x88, s6;
	s7 =	simm.s32 @p2 $0x1082  }
0x22: {  	[simem:s7], [sflag:s8] =	dma.local @!p0 [hbm:s6], $0xF7A  }
0x23: {  	s9 =	sor.u32 $0xD0000000, s2;
	s6 =	simm.s32 $0x108;
	_ =	swait.ge @!p0 [sflag:s8], $0x0  }
0x24: {  	s3 =	sadd.s32 $0x88, s3;
	s6 =	simm.s32 @!p1 $0x1082;
	[sflag:s4] =	ssyncset.s32 $0xFFFFF086  }
0x25: {  	[simem:s6], [sflag:s4] =	dma.local [hbm:s3], $0xF7A  }
0x26: {  	[smem:$0x3F88] =	sst s1;
	(tag) =	ssettag s2;
	_ =	strace s9  }
0x27: {  	s1 =	sld [smem:$0x3F98]  }
0x28: {  	s2 =	sld [smem:$0x3F99]  }
0x29: {  	s4 =	sld [smem:$0x3F9B]  }
0x2a: {  	p0 =	seq.s32 s5, $0x0;
	s5 =	sld [smem:$0x3F9C]  }
0x2b: {  	s6 =	sld [smem:$0x3F9D]  }
0x2c: {  	s7 =	sld [smem:$0x3F9E]  }
0x2d: {  	s3 =	simm.s32 $0x108;
	s8 =	sld [smem:$0x3F9F]  }
0x2e: {  	s3 =	simm.s32 @!p0 $0x1082;
	s9 =	sld [smem:$0x3FA0]  }
0x2f: {  	lr =	sadd.s32 s0, s3;
	s0 =	sld [smem:$0x3F97]  }
0x30: {  	s3 =	sld [smem:$0x3F9A]  }
0x31: {  	[smem:$0x3FA3] =	sst s10  }
0x32: {  	s10 =	sld [smem:$0x3FA1];
	_ =	sdelay $0x3  }
0x33: {  	p0 =	seq.s32 s10, $0x1;
	s10 =	sld [smem:$0x3FA3];
	_ =	sdelay $0x3  }
0x34: {  	[smem:$0x3FA3] =	sst s10  }
0x35: {  	s10 =	sld [smem:$0x3FA2];
	_ =	sdelay $0x3  }
0x36: {  	p1 =	seq.s32 s10, $0x1;
	s10 =	sld [smem:$0x3FA3];
	_ =	sdelay $0x3  }
0x37: {  	[smem:$0x3FA3] =	sst s10  }
0x38: {  	s10 =	sld [smem:$0x3FA4]  }
0x39: {  	_ = 	snop;
	(pc) =	sbr.ind lr, $3  }
0x3a: {  	_ = 	snop  }
0x3b: {  	_ = 	snop  }
0x3c: {  	p2 =	seq.s32 s10, $0x1;
	s10 =	sld [smem:$0x3FA3]  }
0x3d: {  	_ =	shalt  }
0x3e: {  	_ =	shalt  }
0x3f: {  	_ =	shalt  }
0x40: {  	_ =	shalt  }
0x41: {  	_ =	shalt  }
0x42: {  	_ =	shalt  }
0x43: {  	_ =	shalt  }
0x44: {  	_ =	shalt  }
0x45: {  	_ =	shalt  }
0x46: {  	_ =	shalt  }
0x47: {  	_ =	shalt  }
0x48: {  	_ =	shalt  }
0x49: {  	_ =	shalt  }
0x4a: {  	_ =	shalt  }
0x4b: {  	_ =	shalt  }
0x4c: {  	_ =	shalt  }
0x4d: {  	_ =	shalt  }
0x4e: {  	_ =	shalt  }
0x4f: {  	_ =	shalt  }
0x50: {  	_ =	shalt  }
0x51: {  	_ =	shalt  }
0x52: {  	_ =	shalt  }
0x53: {  	_ =	shalt  }
0x54: {  	_ =	shalt  }
0x55: {  	_ =	shalt  }
0x56: {  	_ =	shalt  }
0x57: {  	_ =	shalt  }
0x58: {  	_ =	shalt  }
0x59: {  	_ =	shalt  }
0x5a: {  	_ =	shalt  }
0x5b: {  	_ =	shalt  }
0x5c: {  	_ =	shalt  }
0x5d: {  	_ =	shalt  }
0x5e: {  	_ =	shalt  }
0x5f: {  	_ =	shalt  }
0x60: {  	_ =	shalt  }
0x61: {  	_ =	shalt  }
0x62: {  	_ =	shalt  }
0x63: {  	_ =	shalt  }
0x64: {  	_ =	shalt  }
0x65: {  	_ =	shalt  }
0x66: {  	_ =	shalt  }
0x67: {  	_ =	shalt  }
0x68: {  	_ =	shalt  }
0x69: {  	_ =	shalt  }
0x6a: {  	_ =	shalt  }
0x6b: {  	_ =	shalt  }
0x6c: {  	_ =	shalt  }
0x6d: {  	_ =	shalt  }
0x6e: {  	_ =	shalt  }
0x6f: {  	_ =	shalt  }
0x70: {  	_ =	shalt  }
0x71: {  	_ =	shalt  }
0x72: {  	_ =	shalt  }
0x73: {  	_ =	shalt  }
0x74: {  	_ =	shalt  }
0x75: {  	_ =	shalt  }
0x76: {  	_ =	shalt  }
0x77: {  	_ =	shalt  }
0x78: {  	_ =	shalt  }
0x79: {  	_ =	shalt  }
0x7a: {  	_ =	shalt  }
0x7b: {  	_ =	shalt  }
0x7c: {  	_ =	shalt  }
0x7d: {  	_ =	shalt  }
0x7e: {  	_ =	shalt  }
0x7f: {  	_ =	shalt  }
0x80: {  	_ =	shalt  }
0x81: {  	_ =	shalt  }
0x82: {  	_ =	shalt  }
0x83: {  	_ =	shalt  }
0x84: {  	_ =	shalt  }
0x85: {  	_ =	shalt  }
0x86: {  	_ =	shalt  }
0x87: {  	_ =	shalt  }
.Lfunc_end0:
.L_simem_size_0:
called_computation.6_lowered:
.L_overlay_start_0:
0x88: {  	s2 =	sld [smem:$0x3FD9]  }
0x89: {  	s3 =	sld [smem:$0x3FFE];
	_ =	sdelay $0x1  }
0x8a: {  	s1 =	srdreg.scid  }
0x8b: {  	s0 =	sand.u32 $0x1, s1  }
0x8c: {  	s16 =	sshll.u32 s0, $0xA;
	s2 =	sadd.s32 s3, s2  }
0x8d: {  	s2 =	sadd.s32 s2, s16  }
0x8e: {  	[smem:$0x3FAF] =	sst s2  }
0x8f: {  	_ = 	snop  }
0x90: {  	(tm) =	ssettm $0x1  }
0x91: {  	s17 =	sld [smem:$0x3FFB];
	_ =	sdelay $0x3  }
0x92: {  	_ =	strace s17  }
0x93: {  	s2 =	sld [smem:$0x3FFC];
	_ =	sdelay $0x3  }
0x94: {  	_ =	strace s2  }
0x95: {  	s2 =	sld [smem:$0x3FFD];
	_ =	sdelay $0x3  }
0x96: {  	_ =	strace s2  }
0x97: {  	_ =	strace $0x8FFFFFFF  }
0x98: {  	s18 =	sld [smem:$0x3FDB];
	_ =	sdelay $0x1  }
0x99: {  	s19 =	simm.s32 $_scs_section_size  }
0x9a: {  	s4 =	simm.s32 $_size__tile_overlayer_lowered;
	s5 =	simm.s32 $_tile_overlayer_lowered  }
0x9b: {  	s22 =	simm.s32 $0x1BFF;
	s21 =	sshll.u32 s5, $0x1;
	s2 =	sadd.s32 s19, s18  }
0x9c: {  	s6 =	simm.s32 $0x0;
	s20 =	sshll.u32 s4, $0x1;
	s4 =	sadd.s32 s21, s2  }
0x9d: {  	[timem:s6], [sflag:s22] =	dma.local [hbm:s4], s20  }
0x9e: {  	_ =	swait.ge [sflag:s22], s20  }
0x9f: {  	s3 =	ssub.s32 $0x0, s20;
	[sflag:s22] =	ssyncset.done $0x0  }
0xa0: {  	[sflag:s22] =	ssyncadd.s32 s3;
	_ =	sdelay $0x1  }
0xa1: {  	s23 =	simm.s32 $0x1B8B  }
0xa2: {  	_ =	swait.ge [sflag:s23], $0x1  }
0xa3: {  	[sflag:s23] =	ssyncset.done $0x0  }
0xa4: {  	s25 =	simm.s32 $0x1B8E;
	s24 =	sld [smem:$0x3FFE];
	[sflag:s23] =	ssyncadd.s32 $0xFFFFFFFF  }
0xa5: {  	s26 =	simm.s32 $execute0_lowered;
	[smem:$0x3FD2] =	sst s25  }
0xa6: {  	s4 =	sshll.u32 s26, $0x1;
	_ =	strace $0x80000058;
	[dreg:$0x1] =	wrdreg $0xFFFFFFFF  }
0xa7: {  	s28 =	simm.s32 $_size_execute0_lowered;
	s2 =	sadd.s32 s2, s4;
	[dreg:$0x0] =	wrdreg $0x0  }
0xa8: {  	s4 =	sshll.u32 s28, $0x1;
	[dreg:$0x2] =	wrdreg s2  }
0xa9: {  	[dreg:$0x3] =	wrdreg s4  }
0xaa: {  	[dreg:$0x4] =	wrdreg $0xC0  }
0xab: {  	_ =	task [dreg:s6], $0x5FFFF  }
0xac: {  	[dreg:$0x1] =	wrdreg $0xFFFFFFFF  }
0xad: {  	[dreg:$0x0] =	wrdreg $0x60  }
0xae: {  	[dreg:$0x2] =	wrdreg s24  }
0xaf: {  	[dreg:$0x3] =	wrdreg $0x9  }
0xb0: {  	_ =	task.clear_ibuf [dreg:s6], $0x4FFFF;
	_ =	strace $0x90000058  }
0xb1: {  	s29 =	simm.s32 $0x9;
	_ =	strace $0x8000005A  }
0xb2: {  	_ =	swait.ge [sflag:s29], $0x1  }
0xb3: {  	[sflag:s29] =	ssyncadd.s32 $0xFFFFFFFF  }
0xb4: {  	_ =	strace $0x9000005A  }
0xb5: {  	_ =	sfence  }
0xb6: {  	s30 =	sld [smem:$0x0];
	_ =	sdelay $0x2  }
0xb7: {  	s31 =	sshll.u32 s1, $0xD;
	s1 =	sshrl.u32 s1, $0x2  }
0xb8: {  	s3 =	sand.u32 $0x4000, s31;
	s1 =	sadd.s32 s1, s30  }
0xb9: {  	s0 =	sor.u32 s3, s0;
	s1 =	sshll.u32 s1, $0x11  }
0xba: {  	s0 =	sor.u32 s1, s0  }
0xbb: {  	s0 =	sadd.s32 $0x8F2B, s0  }
0xbc: {  	[sflag:s0] =	ssyncadd.remote.s32 $0x1  }
0xbd: {  	_ =	sfence.sel $0xFFFF  }
0xbe: {  	[dreg:$0x0] =	wrdreg $0xFFFFFFFF;
	(pc) =	sbr.abs _section_cstart, $3  }
0xbf: {  	[dreg:$0x1] =	wrdreg $0xFFFFFFFF  }
0xc0: {  	_ =	task.clear_ibuf [dreg:s6], $0x2FFFF;
	_ =	strace $0x9FFFFFFF  }
0xc1: {  	(tm) =	ssettm $0x7FFFFFFF  }
tec
execute0_lowered:
.L_overlay_start_1:
0x0: {  	(tag) =	ssettag $0x1  }
0x1: {  	s5 =	rddreg [dreg:$0x0];
	s1 =	srdreg.scid  }
0x2: {  	s0 =	rddreg [dreg:$0x1];
	s2 =	simm.s32 $0x0;
	s11 =	simm.s32 $0x2C00  }
0x3: {  	s12 =	simm.s32 $0x80;
	s13 =	simm.s32 $0x5800;
	s14 =	simm.s32 $0x9800  }
0x4: {  	s15 =	simm.s32 $0xD800;
	s16 =	simm.s32 $0x11800;
	s17 =	simm.s32 $0x15800  }
0x5: {  	s18 =	simm.s32 $0x19800;
	s19 =	simm.s32 $0x1;
	s20 =	simm.s32 $0x2  }
0x6: {  	s21 =	simm.s32 $0x0;
	s4 =	sand.u32 $0x1, s1;
	[smem:$0x7FF] =	sst s2  }
0x7: {  	s1 =	stileid.u32;
	s3 =	sshll.u32 s4, $0x4;
	_ =	strace $0x80000059  }
0x8: {  	s7 =	smul.u32 $0x288000, s4;
	s8 =	ssub.s32 $0x2, s4;
	s4 =	sadd.s32 $0x6EE00, s5  }
0x9: {  	s10 =	smul.u32 $0x28800, s1;
	s3 =	sor.u32 s1, s3;
	s9 =	sshrl.u32 s8, $0x1  }
0xa: {  	s6 =	smul.u32 $0x580, s3;
	s7 =	sadd.s32 s7, s5;
	s8 =	ssub.s32 s8, s9  }
0xb: {  	s3 =	sadd.s32 $0x46E00, s5;
	s31 =	sadd.s32 s10, s7;
	s7 =	smax.u32 s8, $0x1  }
0xc: {  	s10 =	simm.s32 $0x3;
	s6 =	sadd.s32 s6, s5;
	s8 =	sadd.s32 $0xBEE00, s31  }
0xd: {  	s9 =	sadd.s32 $0xA8F600, s31;
	s5 =	sadd.s32 $0x13E00, s6;
	s6 =	sadd.s32 $0x8E00, s6  }
.LBB2_1:
0xe: {  	[tilespmem:s2], [sflag:$0x3] =	stream.linear.gather [hbm4b:s5+s2], $0x2880, $0x38;
	[tilespmem:$0x1D800] =	vst v63  }
0xf: {  	_ =	swait.ge [sflag:s10], $0x2880  }
0x10: {  	[sflag:s10] =	ssyncset.done $0x0  }
0x11: {  	[sflag:s10] =	ssyncadd.s32 $0xFFFFD780  }
0x12: {  	[tilespmem:s11], [sflag:$0x3] =	stream.linear.gather [hbm4b:s6+s2], $0x2880, $0x38;
	[tilespmem:$0x1D800] =	vst v63  }
0x13: {  	_ =	swait.ge [sflag:s10], $0x2880  }
0x14: {  	p0 =	por $0x1, $0x1;
	[sflag:s10] =	ssyncset.done $0x0  }
0x15: {  	s22 =	simm.s32 @!p0 $0x2;
	[sflag:s10] =	ssyncadd.s32 $0xFFFFD780  }
0x16: {  	_ =	swait.ge @!p0 [sflag:s22], $0x4000  }
0x17: {  	[sflag:s22] =	ssyncset.done @!p0 $0x0  }
0x18: {  	[sflag:s22] =	ssyncadd.s32 @!p0 $0xFFFFC000  }
0x19: {  	_ =	swait.ge @!p0 [sflag:s22], $0x4000  }
0x1a: {  	[sflag:s22] =	ssyncset.done @!p0 $0x0  }
0x1b: {  	[sflag:s22] =	ssyncadd.s32 @!p0 $0xFFFFC000  }
0x1c: {  	_ =	swait.ge @!p0 [sflag:s22], $0x4000  }
0x1d: {  	[sflag:s22] =	ssyncset.done @!p0 $0x0  }
0x1e: {  	[sflag:s22] =	ssyncadd.s32 @!p0 $0xFFFFC000  }
0x1f: {  	_ =	swait.ge @!p0 [sflag:s22], $0x4000  }
0x20: {  	[sflag:s22] =	ssyncset.done @!p0 $0x0  }
0x21: {  	[sflag:s22] =	ssyncadd.s32 @!p0 $0xFFFFC000  }
0x22: {  	_ =	swait.ge @!p0 [sflag:s22], $0x4000  }
0x23: {  	[sflag:s22] =	ssyncset.done @!p0 $0x0  }
0x24: {  	[sflag:s22] =	ssyncadd.s32 @!p0 $0xFFFFC000  }
0x25: {  	_ =	swait.ge @!p0 [sflag:s22], $0x4000  }
0x26: {  	[sflag:s22] =	ssyncset.done @!p0 $0x0  }
0x27: {  	s24 =	simm.s32 $0x0;
	[sflag:s22] =	ssyncadd.s32 @!p0 $0xFFFFC000  }
0x28: {  	[tilespmem:s13], [sflag:$0x1] =	stream.indirect.gather [hbm4b:s3+s12], $0x80, s24, s12, $0xb8;
	[tilespmem:$0x1D800] =	vst v63  }
0x29: {  	s25 =	simm.s32 $0x2C00  }
0x2a: {  	[tilespmem:s14], [sflag:$0x1] =	stream.indirect.gather [hbm4b:s4+s12], $0x80, s25, s12, $0xb8;
	[tilespmem:$0x1D800] =	vst v63  }
0x2b: {  	s26 =	simm.s32 $0x80  }
0x2c: {  	[tilespmem:s15], [sflag:$0x1] =	stream.indirect.gather [hbm4b:s3+s12], $0x80, s26, s12, $0xb8;
	[tilespmem:$0x1D800] =	vst v63  }
0x2d: {  	s29 =	simm.s32 $0x2C80  }
0x2e: {  	[tilespmem:s16], [sflag:$0x1] =	stream.indirect.gather [hbm4b:s4+s12], $0x80, s29, s12, $0xb8;
	[tilespmem:$0x1D800] =	vst v63  }
0x2f: {  	s30 =	simm.s32 $0x100  }
0x30: {  	[tilespmem:s17], [sflag:$0x1] =	stream.indirect.gather [hbm4b:s3+s12], $0x80, s30, s12, $0xb8;
	[tilespmem:$0x1D800] =	vst v63  }
0x31: {  	s22 =	simm.s32 $0x2D00  }
0x32: {  	[tilespmem:s18], [sflag:$0x1] =	stream.indirect.gather [hbm4b:s4+s12], $0x80, s22, s12, $0xb8;
	[tilespmem:$0x1D800] =	vst v63  }
0x33: {  	_ =	swait.ge [sflag:s19], $0x4000  }
0x34: {  	[sflag:s19] =	ssyncset.done $0x0  }
0x35: {  	[sflag:s19] =	ssyncadd.s32 $0xFFFFC000  }
0x36: {  	_ =	swait.ge [sflag:s19], $0x4000  }
0x37: {  	[sflag:s19] =	ssyncset.done $0x0  }
0x38: {  	s23 =	sadd.s32 $0x0, s8;
	[sflag:s19] =	ssyncadd.s32 $0xFFFFC000  }
0x39: {  	[hbm4b:s23+s2] =	stream.linear.scatter [tilespmem:s13], [sflag:$0x2], $0x4000, $0x38;
	[tilespmem:$0x1D800] =	vst v63  }
0x3a: {  	s24 =	sadd.s32 $0x0, s9  }
0x3b: {  	[hbm4b:s24+s2] =	stream.linear.scatter [tilespmem:s14], [sflag:$0x2], $0x4000, $0x38;
	[tilespmem:$0x1D800] =	vst v63  }
0x3c: {  	_ =	swait.ge [sflag:s19], $0x4000  }
0x3d: {  	[sflag:s19] =	ssyncset.done $0x0  }
0x3e: {  	[sflag:s19] =	ssyncadd.s32 $0xFFFFC000  }
0x3f: {  	_ =	swait.ge [sflag:s19], $0x4000  }
0x40: {  	[sflag:s19] =	ssyncset.done $0x0  }
0x41: {  	s25 =	sadd.s32 $0x800, s23;
	[sflag:s19] =	ssyncadd.s32 $0xFFFFC000  }
0x42: {  	[hbm4b:s25+s2] =	stream.linear.scatter [tilespmem:s15], [sflag:$0x2], $0x4000, $0x38;
	[tilespmem:$0x1D800] =	vst v63  }
0x43: {  	s31 =	sadd.s32 $0x800, s24  }
0x44: {  	[hbm4b:s31+s2] =	stream.linear.scatter [tilespmem:s16], [sflag:$0x2], $0x4000, $0x38;
	[tilespmem:$0x1D800] =	vst v63  }
0x45: {  	_ =	swait.ge [sflag:s19], $0x4000  }
0x46: {  	[sflag:s19] =	ssyncset.done $0x0  }
0x47: {  	[sflag:s19] =	ssyncadd.s32 $0xFFFFC000  }
0x48: {  	_ =	swait.ge [sflag:s19], $0x4000  }
0x49: {  	p1 =	por $0x0, $0x0;
	[sflag:s19] =	ssyncset.done $0x0  }
0x4a: {  	s28 =	sadd.s32 $0x1000, s24;
	s23 =	sadd.s32 $0x1000, s23;
	[sflag:s19] =	ssyncadd.s32 $0xFFFFC000  }
0x4b: {  	[hbm4b:s23+s2] =	stream.linear.scatter [tilespmem:s17], [sflag:$0x2], $0x4000, $0x38;
	[tilespmem:$0x1D800] =	vst v63  }
0x4c: {  	s24 =	simm.s32 $0x280;
	s25 =	simm.s32 $0x3000;
	s23 =	simm.s32 $0x1800  }
.LBB2_2:
0x4d: {  	s29 =	simm.s32 @!p1 $0x2  }
0x4e: {  	s22 =	sadd.s32 $0x180, s22;
	s26 =	smov.u32 s25;
	s25 =	sadd.s32 $0x1800, s25  }
0x4f: {  	[hbm4b:s28+s2] =	stream.linear.scatter [tilespmem:s18], [sflag:$0x2], $0x4000, $0x38;
	[tilespmem:$0x1D800] =	vst v63  }
0x50: {  	p0 =	sne.s32 s25, $0x28800;
	_ =	swait.ge @!p1 [sflag:s29], $0x4000  }
0x51: {  	[sflag:s29] =	ssyncset.done @!p1 $0x0  }
0x52: {  	[sflag:s29] =	ssyncadd.s32 @!p1 $0xFFFFC000  }
0x53: {  	_ =	swait.ge @!p1 [sflag:s29], $0x4000  }
0x54: {  	[sflag:s29] =	ssyncset.done @!p1 $0x0  }
0x55: {  	[sflag:s29] =	ssyncadd.s32 @!p1 $0xFFFFC000  }
0x56: {  	_ =	swait.ge @!p1 [sflag:s29], $0x4000  }
0x57: {  	[sflag:s29] =	ssyncset.done @!p1 $0x0  }
0x58: {  	[sflag:s29] =	ssyncadd.s32 @!p1 $0xFFFFC000  }
0x59: {  	_ =	swait.ge @!p1 [sflag:s29], $0x4000  }
0x5a: {  	[sflag:s29] =	ssyncset.done @!p1 $0x0  }
0x5b: {  	[sflag:s29] =	ssyncadd.s32 @!p1 $0xFFFFC000  }
0x5c: {  	_ =	swait.ge @!p1 [sflag:s29], $0x4000  }
0x5d: {  	[sflag:s29] =	ssyncset.done @!p1 $0x0  }
0x5e: {  	[sflag:s29] =	ssyncadd.s32 @!p1 $0xFFFFC000  }
0x5f: {  	_ =	swait.ge @!p1 [sflag:s29], $0x4000  }
0x60: {  	[sflag:s29] =	ssyncset.done @!p1 $0x0  }
0x61: {  	s28 =	sadd.s32 $0xFFFFFF00, s24;
	[sflag:s29] =	ssyncadd.s32 @!p1 $0xFFFFC000  }
0x62: {  	[tilespmem:s13], [sflag:$0x1] =	stream.indirect.gather [hbm4b:s3+s12], $0x80, s28, s12, $0xb8;
	[tilespmem:$0x1D800] =	vst v63  }
0x63: {  	s28 =	sadd.s32 $0xFFFFFF00, s22  }
0x64: {  	[tilespmem:s14], [sflag:$0x1] =	stream.indirect.gather [hbm4b:s4+s12], $0x80, s28, s12, $0xb8;
	[tilespmem:$0x1D800] =	vst v63  }
0x65: {  	s28 =	sadd.s32 $0xFFFFFF80, s24  }
0x66: {  	[tilespmem:s15], [sflag:$0x1] =	stream.indirect.gather [hbm4b:s3+s12], $0x80, s28, s12, $0xb8;
	[tilespmem:$0x1D800] =	vst v63  }
0x67: {  	s28 =	sadd.s32 $0xFFFFFF80, s22  }
0x68: {  	[tilespmem:s16], [sflag:$0x1] =	stream.indirect.gather [hbm4b:s4+s12], $0x80, s28, s12, $0xb8;
	[tilespmem:$0x1D800] =	vst v63  }
0x69: {  	_ = 	snop  }
0x6a: {  	[tilespmem:s17], [sflag:$0x1] =	stream.indirect.gather [hbm4b:s3+s12], $0x80, s24, s12, $0xb8;
	[tilespmem:$0x1D800] =	vst v63  }
0x6b: {  	_ = 	snop  }
0x6c: {  	[tilespmem:s18], [sflag:$0x1] =	stream.indirect.gather [hbm4b:s4+s12], $0x80, s22, s12, $0xb8;
	[tilespmem:$0x1D800] =	vst v63  }
0x6d: {  	_ =	swait.ge [sflag:s19], $0x4000  }
0x6e: {  	[sflag:s19] =	ssyncset.done $0x0  }
0x6f: {  	[sflag:s19] =	ssyncadd.s32 $0xFFFFC000  }
0x70: {  	_ =	swait.ge [sflag:s19], $0x4000  }
0x71: {  	[sflag:s19] =	ssyncset.done $0x0  }
0x72: {  	s29 =	sadd.s32 s23, s8;
	[sflag:s19] =	ssyncadd.s32 $0xFFFFC000  }
0x73: {  	[hbm4b:s29+s2] =	stream.linear.scatter [tilespmem:s13], [sflag:$0x2], $0x4000, $0x38;
	[tilespmem:$0x1D800] =	vst v63  }
0x74: {  	s28 =	sadd.s32 s23, s9;
	s23 =	smov.u32 s26  }
0x75: {  	[hbm4b:s28+s2] =	stream.linear.scatter [tilespmem:s14], [sflag:$0x2], $0x4000, $0x38;
	[tilespmem:$0x1D800] =	vst v63  }
0x76: {  	_ =	swait.ge [sflag:s19], $0x4000  }
0x77: {  	[sflag:s19] =	ssyncset.done $0x0  }
0x78: {  	[sflag:s19] =	ssyncadd.s32 $0xFFFFC000  }
0x79: {  	_ =	swait.ge [sflag:s19], $0x4000  }
0x7a: {  	[sflag:s19] =	ssyncset.done $0x0  }
0x7b: {  	s26 =	sadd.s32 $0x800, s29;
	[sflag:s19] =	ssyncadd.s32 $0xFFFFC000  }
0x7c: {  	[hbm4b:s26+s2] =	stream.linear.scatter [tilespmem:s15], [sflag:$0x2], $0x4000, $0x38;
	[tilespmem:$0x1D800] =	vst v63  }
0x7d: {  	s26 =	sadd.s32 $0x800, s28  }
0x7e: {  	[hbm4b:s26+s2] =	stream.linear.scatter [tilespmem:s16], [sflag:$0x2], $0x4000, $0x38;
	[tilespmem:$0x1D800] =	vst v63  }
0x7f: {  	_ =	swait.ge [sflag:s19], $0x4000  }
0x80: {  	[sflag:s19] =	ssyncset.done $0x0  }
.Ltmp0:
0x81: {  	[sflag:s19] =	ssyncadd.s32 $0xFFFFC000;
	(pc) =	sbr.rel @p0 .LBB2_2-.Ltmp0, $4  }
0x82: {  	_ =	swait.ge [sflag:s19], $0x4000  }
0x83: {  	s24 =	sadd.s32 $0x180, s24;
	s28 =	sadd.s32 $0x1000, s28;
	[sflag:s19] =	ssyncset.done $0x0  }
0x84: {  	p1 =	seq.s32 s23, $0x0;
	s26 =	sadd.s32 $0x1000, s29;
	[sflag:s19] =	ssyncadd.s32 $0xFFFFC000  }
0x85: {  	[hbm4b:s26+s2] =	stream.linear.scatter [tilespmem:s17], [sflag:$0x2], $0x4000, $0x38;
	[tilespmem:$0x1D800] =	vst v63  }
0x86: {  	s25 =	simm.s32 @!p1 $0x2  }
0x87: {  	[hbm4b:s28+s2] =	stream.linear.scatter [tilespmem:s18], [sflag:$0x2], $0x4000, $0x38;
	[tilespmem:$0x1D800] =	vst v63  }
0x88: {  	_ =	swait.ge @!p1 [sflag:s25], $0x4000  }
0x89: {  	[sflag:s25] =	ssyncset.done @!p1 $0x0  }
0x8a: {  	[sflag:s25] =	ssyncadd.s32 @!p1 $0xFFFFC000  }
0x8b: {  	_ =	swait.ge @!p1 [sflag:s25], $0x4000  }
0x8c: {  	[sflag:s25] =	ssyncset.done @!p1 $0x0  }
0x8d: {  	[sflag:s25] =	ssyncadd.s32 @!p1 $0xFFFFC000  }
0x8e: {  	_ =	swait.ge @!p1 [sflag:s25], $0x4000  }
0x8f: {  	[sflag:s25] =	ssyncset.done @!p1 $0x0  }
0x90: {  	[sflag:s25] =	ssyncadd.s32 @!p1 $0xFFFFC000  }
0x91: {  	_ =	swait.ge @!p1 [sflag:s25], $0x4000  }
0x92: {  	[sflag:s25] =	ssyncset.done @!p1 $0x0  }
0x93: {  	[sflag:s25] =	ssyncadd.s32 @!p1 $0xFFFFC000  }
0x94: {  	_ =	swait.ge @!p1 [sflag:s25], $0x4000  }
0x95: {  	[sflag:s25] =	ssyncset.done @!p1 $0x0  }
0x96: {  	[sflag:s25] =	ssyncadd.s32 @!p1 $0xFFFFC000  }
0x97: {  	_ =	swait.ge @!p1 [sflag:s25], $0x4000  }
0x98: {  	[sflag:s25] =	ssyncset.done @!p1 $0x0  }
0x99: {  	s22 =	sadd.s32 $0x180, s22;
	s28 =	sadd.s32 $0xFFFFFF00, s24;
	[sflag:s25] =	ssyncadd.s32 @!p1 $0xFFFFC000  }
0x9a: {  	[tilespmem:s13], [sflag:$0x1] =	stream.indirect.gather [hbm4b:s3+s12], $0x80, s28, s12, $0xb8;
	[tilespmem:$0x1D800] =	vst v63  }
0x9b: {  	s29 =	sadd.s32 $0xFFFFFF00, s22  }
0x9c: {  	[tilespmem:s14], [sflag:$0x1] =	stream.indirect.gather [hbm4b:s4+s12], $0x80, s29, s12, $0xb8;
	[tilespmem:$0x1D800] =	vst v63  }
0x9d: {  	s30 =	sadd.s32 $0xFFFFFF80, s24  }
0x9e: {  	[tilespmem:s15], [sflag:$0x1] =	stream.indirect.gather [hbm4b:s3+s12], $0x80, s30, s12, $0xb8;
	[tilespmem:$0x1D800] =	vst v63  }
0x9f: {  	s31 =	sadd.s32 $0xFFFFFF80, s22  }
0xa0: {  	[tilespmem:s16], [sflag:$0x1] =	stream.indirect.gather [hbm4b:s4+s12], $0x80, s31, s12, $0xb8;
	[tilespmem:$0x1D800] =	vst v63  }
0xa1: {  	_ = 	snop  }
0xa2: {  	[tilespmem:s17], [sflag:$0x1] =	stream.indirect.gather [hbm4b:s3+s12], $0x80, s24, s12, $0xb8;
	[tilespmem:$0x1D800] =	vst v63  }
0xa3: {  	_ = 	snop  }
0xa4: {  	[tilespmem:s18], [sflag:$0x1] =	stream.indirect.gather [hbm4b:s4+s12], $0x80, s22, s12, $0xb8;
	[tilespmem:$0x1D800] =	vst v63  }
0xa5: {  	_ =	swait.ge [sflag:s19], $0x4000  }
0xa6: {  	[sflag:s19] =	ssyncset.done $0x0  }
0xa7: {  	[sflag:s19] =	ssyncadd.s32 $0xFFFFC000  }
0xa8: {  	_ =	swait.ge [sflag:s19], $0x4000  }
0xa9: {  	[sflag:s19] =	ssyncset.done $0x0  }
0xaa: {  	s26 =	sadd.s32 s23, s8;
	[sflag:s19] =	ssyncadd.s32 $0xFFFFC000  }
0xab: {  	[hbm4b:s26+s2] =	stream.linear.scatter [tilespmem:s13], [sflag:$0x2], $0x4000, $0x38;
	[tilespmem:$0x1D800] =	vst v63  }
0xac: {  	s28 =	sadd.s32 s23, s9  }
0xad: {  	[hbm4b:s28+s2] =	stream.linear.scatter [tilespmem:s14], [sflag:$0x2], $0x4000, $0x38;
	[tilespmem:$0x1D800] =	vst v63  }
0xae: {  	_ =	swait.ge [sflag:s19], $0x4000  }
0xaf: {  	[sflag:s19] =	ssyncset.done $0x0  }
0xb0: {  	[sflag:s19] =	ssyncadd.s32 $0xFFFFC000  }
0xb1: {  	_ =	swait.ge [sflag:s19], $0x4000  }
0xb2: {  	[sflag:s19] =	ssyncset.done $0x0  }
0xb3: {  	s29 =	sadd.s32 $0x800, s26;
	[sflag:s19] =	ssyncadd.s32 $0xFFFFC000  }
0xb4: {  	[hbm4b:s29+s2] =	stream.linear.scatter [tilespmem:s15], [sflag:$0x2], $0x4000, $0x38;
	[tilespmem:$0x1D800] =	vst v63  }
0xb5: {  	s30 =	sadd.s32 $0x800, s28  }
0xb6: {  	[hbm4b:s30+s2] =	stream.linear.scatter [tilespmem:s16], [sflag:$0x2], $0x4000, $0x38;
	[tilespmem:$0x1D800] =	vst v63  }
0xb7: {  	_ =	swait.ge [sflag:s19], $0x4000  }
0xb8: {  	[sflag:s19] =	ssyncset.done $0x0  }
0xb9: {  	[sflag:s19] =	ssyncadd.s32 $0xFFFFC000  }
0xba: {  	_ =	swait.ge [sflag:s19], $0x4000  }
0xbb: {  	[sflag:s19] =	ssyncset.done $0x0  }
0xbc: {  	s22 =	sadd.s32 $0x1000, s26;
	[sflag:s19] =	ssyncadd.s32 $0xFFFFC000  }
0xbd: {  	[hbm4b:s22+s2] =	stream.linear.scatter [tilespmem:s17], [sflag:$0x2], $0x4000, $0x38;
	[tilespmem:$0x1D800] =	vst v63  }
0xbe: {  	s31 =	sadd.s32 $0x1000, s28  }
0xbf: {  	[hbm4b:s31+s2] =	stream.linear.scatter [tilespmem:s18], [sflag:$0x2], $0x4000, $0x38;
	[tilespmem:$0x1D800] =	vst v63  }
0xc0: {  	_ =	swait.ge [sflag:s20], $0x4000  }
0xc1: {  	[sflag:s20] =	ssyncset.done $0x0  }
0xc2: {  	[sflag:s20] =	ssyncadd.s32 $0xFFFFC000  }
0xc3: {  	_ =	swait.ge [sflag:s20], $0x4000  }
0xc4: {  	[sflag:s20] =	ssyncset.done $0x0  }
0xc5: {  	[sflag:s20] =	ssyncadd.s32 $0xFFFFC000  }
0xc6: {  	_ =	swait.ge [sflag:s20], $0x4000  }
0xc7: {  	[sflag:s20] =	ssyncset.done $0x0  }
0xc8: {  	[sflag:s20] =	ssyncadd.s32 $0xFFFFC000  }
0xc9: {  	_ =	swait.ge [sflag:s20], $0x4000  }
0xca: {  	[sflag:s20] =	ssyncset.done $0x0  }
0xcb: {  	s21 =	sadd.s32 $0x1, s21;
	[sflag:s20] =	ssyncadd.s32 $0xFFFFC000  }
0xcc: {  	p0 =	sne.s32 s21, s7;
	_ =	swait.ge [sflag:s20], $0x4000  }
.Ltmp1:
0xcd: {  	[sflag:s20] =	ssyncset.done $0x0;
	(pc) =	sbr.rel @p0 .LBB2_1-.Ltmp1, $4  }
0xce: {  	[sflag:s20] =	ssyncadd.s32 $0xFFFFC000  }
0xcf: {  	_ =	swait.ge [sflag:s20], $0x4000  }
0xd0: {  	[sflag:s20] =	ssyncset.done $0x0  }
0xd1: {  	[sflag:s20] =	ssyncadd.s32 $0xFFFFC000  }
0xd2: {  	_ =	sfence.sel $0x180000  }
0xd3: {  	[bflag:$0x0] =	sbarrier.arrive $0xFFFF  }
0xd4: {  	p0 =	sne.s32 s1, $0x0;
	_ =	strace $0x90000059  }
0xd5: {  	s0 =	sadd.s32 @!p0 $0x100000, s0;
	[bflag:$0x2] =	sbarrier.arrive $0xFFFF  }
0xd6: {  	[sflag:s0] =	ssyncadd.tile.s32 @!p0 $0x1;
	_ =	shalt  }
.Lfunc_end2:
_tile_overlayer_lowered:
.L_overlay_start_2:
0xd7: {  	(tag) =	ssettag $0x2  }
0xd8: {  	s0 =	rddreg [dreg:$0x0];
	s2 =	stileid.u32  }
0xd9: {  	s1 =	rddreg [dreg:$0x1];
	p0 =	sne.s32 s2, $0x0  }
0xda: {  	s3 =	rddreg [dreg:$0x2];
	[bflag:$0x3] =	sbarrier.arrive $0xFFFF;
	s2 =	simm.s32 @!p0 $0x1C03  }
0xdb: {  	[timem:s3], [sflag:s2] =	dma.local @!p0 [hbm:s0], s1  }
0xdc: {  	s0 =	simm.s32 @!p0 $0x3  }
0xdd: {  	_ =	swait.ge @!p0 [sflag:s0], s1  }
0xde: {  	s1 =	ssub.s32 @!p0 $0x0, s1;
	[sflag:s0] =	ssyncset.done @!p0 $0x0  }
0xdf: {  	[sflag:s0] =	ssyncadd.s32 @!p0 s1  }
0xe0: {  	[bflag:$0x3] =	sbarrier.arrive $0xFFFF  }
0xe1: {  	_ =	shalt  }

// kernel: kernel.39.cloned.1.call-start
scs
__scs_entry_jumppad:
0x0: {  	(pc) =	sbr.rel $0x88, $3  }
0x1: {  	(tag) =	ssettag $0x0;
	lr =	simm.s32 $0x1  }
0x2: {  	[smem:$0x3F88] =	sst lr;
	_ =	strace $0xD0000000  }
0x3: {  	_ = 	snop  }
0x4: {  	_ = 	snop  }
0x5: {  	_ = 	snop  }
0x6: {  	_ = 	snop  }
0x7: {  	_ = 	snop  }
__scs_overlays_trampoline_lowered:
0x8: {  	[smem:$0x3F97] =	sst s0  }
0x9: {  	[smem:$0x3F98] =	sst s1  }
0xa: {  	[smem:$0x3F99] =	sst s2  }
0xb: {  	[smem:$0x3F9A] =	sst s3  }
0xc: {  	[smem:$0x3F9B] =	sst s4  }
0xd: {  	[smem:$0x3F9C] =	sst s5  }
0xe: {  	[smem:$0x3F9D] =	sst s6  }
0xf: {  	[smem:$0x3F9E] =	sst s7  }
0x10: {  	[smem:$0x3F9F] =	sst s8  }
0x11: {  	[smem:$0x3FA0] =	sst s9;
	s0 =	simm.s32 @!p0 $0x0  }
0x12: {  	s1 =	sld [smem:$0x3F86];
	s0 =	simm.s32 @p0 $0x1  }
0x13: {  	[smem:$0x3FA1] =	sst s0;
	s0 =	simm.s32 @!p1 $0x0  }
0x14: {  	s2 =	sld [smem:$0x3F85];
	s0 =	simm.s32 @p1 $0x1  }
0x15: {  	[smem:$0x3FA2] =	sst s0;
	s0 =	simm.s32 @!p2 $0x0  }
0x16: {  	s3 =	sld [smem:$0x3FDB];
	s0 =	simm.s32 @p2 $0x1  }
0x17: {  	s4 =	simm.s32 $0x1BF5;
	[smem:$0x3FA4] =	sst s0  }
0x18: {  	s0 =	sld [smem:$0x3F87];
	_ =	swait.ge [sflag:s4], $0x0  }
0x19: {  	s7 =	sld [smem:$0x3F88]  }
0x1a: {  	s8 =	sadd.s32 $0xFFFFE003, lr  }
0x1b: {  	s9 =	sadd.s32 $0xFFFFFEF7, lr;
	s5 =	simm.s32 $0xFFFFFFFF;
	p2 =	slt.u32 s8, $0xFFFFF086  }
0x1c: {  	p1 =	slt.u32 s9, $0xF7A;
	s5 =	simm.s32 @!p2 $0x0  }
0x1d: {  	s5 =	simm.s32 @p1 $0x1;
	p0 =	seq.s32 s7, s2  }
0x1e: {  	s7 =	smul.u32 @!p0 $0xF7A, s2;
	p2 =	seq.s32 @!p0 s5, $0x0  }
0x1f: {  	s9 =	smul.u32 $0xF7A, s1;
	s8 =	simm.s32 @!p0 $0x1BF5;
	p2 =	por !p2, p0  }
0x20: {  	[sflag:s8] =	ssyncset.s32 @!p0 $0xFFFFF086;
	s6 =	sadd.s32 @!p0 s3, s7;
	s7 =	simm.s32 @!p0 $0x108  }
0x21: {  	s3 =	sadd.s32 s3, s9;
	s6 =	sadd.s32 @!p0 $0x88, s6;
	s7 =	simm.s32 @p2 $0x1082  }
0x22: {  	[simem:s7], [sflag:s8] =	dma.local @!p0 [hbm:s6], $0xF7A  }
0x23: {  	s9 =	sor.u32 $0xD0000000, s2;
	s6 =	simm.s32 $0x108;
	_ =	swait.ge @!p0 [sflag:s8], $0x0  }
0x24: {  	s3 =	sadd.s32 $0x88, s3;
	s6 =	simm.s32 @!p1 $0x1082;
	[sflag:s4] =	ssyncset.s32 $0xFFFFF086  }
0x25: {  	[simem:s6], [sflag:s4] =	dma.local [hbm:s3], $0xF7A  }
0x26: {  	[smem:$0x3F88] =	sst s1;
	(tag) =	ssettag s2;
	_ =	strace s9  }
0x27: {  	s1 =	sld [smem:$0x3F98]  }
0x28: {  	s2 =	sld [smem:$0x3F99]  }
0x29: {  	s4 =	sld [smem:$0x3F9B]  }
0x2a: {  	p0 =	seq.s32 s5, $0x0;
	s5 =	sld [smem:$0x3F9C]  }
0x2b: {  	s6 =	sld [smem:$0x3F9D]  }
0x2c: {  	s7 =	sld [smem:$0x3F9E]  }
0x2d: {  	s3 =	simm.s32 $0x108;
	s8 =	sld [smem:$0x3F9F]  }
0x2e: {  	s3 =	simm.s32 @!p0 $0x1082;
	s9 =	sld [smem:$0x3FA0]  }
0x2f: {  	lr =	sadd.s32 s0, s3;
	s0 =	sld [smem:$0x3F97]  }
0x30: {  	s3 =	sld [smem:$0x3F9A]  }
0x31: {  	[smem:$0x3FA3] =	sst s10  }
0x32: {  	s10 =	sld [smem:$0x3FA1];
	_ =	sdelay $0x3  }
0x33: {  	p0 =	seq.s32 s10, $0x1;
	s10 =	sld [smem:$0x3FA3];
	_ =	sdelay $0x3  }
0x34: {  	[smem:$0x3FA3] =	sst s10  }
0x35: {  	s10 =	sld [smem:$0x3FA2];
	_ =	sdelay $0x3  }
0x36: {  	p1 =	seq.s32 s10, $0x1;
	s10 =	sld [smem:$0x3FA3];
	_ =	sdelay $0x3  }
0x37: {  	[smem:$0x3FA3] =	sst s10  }
0x38: {  	s10 =	sld [smem:$0x3FA4]  }
0x39: {  	_ = 	snop;
	(pc) =	sbr.ind lr, $3  }
0x3a: {  	_ = 	snop  }
0x3b: {  	_ = 	snop  }
0x3c: {  	p2 =	seq.s32 s10, $0x1;
	s10 =	sld [smem:$0x3FA3]  }
0x3d: {  	_ =	shalt  }
0x3e: {  	_ =	shalt  }
0x3f: {  	_ =	shalt  }
0x40: {  	_ =	shalt  }
0x41: {  	_ =	shalt  }
0x42: {  	_ =	shalt  }
0x43: {  	_ =	shalt  }
0x44: {  	_ =	shalt  }
0x45: {  	_ =	shalt  }
0x46: {  	_ =	shalt  }
0x47: {  	_ =	shalt  }
0x48: {  	_ =	shalt  }
0x49: {  	_ =	shalt  }
0x4a: {  	_ =	shalt  }
0x4b: {  	_ =	shalt  }
0x4c: {  	_ =	shalt  }
0x4d: {  	_ =	shalt  }
0x4e: {  	_ =	shalt  }
0x4f: {  	_ =	shalt  }
0x50: {  	_ =	shalt  }
0x51: {  	_ =	shalt  }
0x52: {  	_ =	shalt  }
0x53: {  	_ =	shalt  }
0x54: {  	_ =	shalt  }
0x55: {  	_ =	shalt  }
0x56: {  	_ =	shalt  }
0x57: {  	_ =	shalt  }
0x58: {  	_ =	shalt  }
0x59: {  	_ =	shalt  }
0x5a: {  	_ =	shalt  }
0x5b: {  	_ =	shalt  }
0x5c: {  	_ =	shalt  }
0x5d: {  	_ =	shalt  }
0x5e: {  	_ =	shalt  }
0x5f: {  	_ =	shalt  }
0x60: {  	_ =	shalt  }
0x61: {  	_ =	shalt  }
0x62: {  	_ =	shalt  }
0x63: {  	_ =	shalt  }
0x64: {  	_ =	shalt  }
0x65: {  	_ =	shalt  }
0x66: {  	_ =	shalt  }
0x67: {  	_ =	shalt  }
0x68: {  	_ =	shalt  }
0x69: {  	_ =	shalt  }
0x6a: {  	_ =	shalt  }
0x6b: {  	_ =	shalt  }
0x6c: {  	_ =	shalt  }
0x6d: {  	_ =	shalt  }
0x6e: {  	_ =	shalt  }
0x6f: {  	_ =	shalt  }
0x70: {  	_ =	shalt  }
0x71: {  	_ =	shalt  }
0x72: {  	_ =	shalt  }
0x73: {  	_ =	shalt  }
0x74: {  	_ =	shalt  }
0x75: {  	_ =	shalt  }
0x76: {  	_ =	shalt  }
0x77: {  	_ =	shalt  }
0x78: {  	_ =	shalt  }
0x79: {  	_ =	shalt  }
0x7a: {  	_ =	shalt  }
0x7b: {  	_ =	shalt  }
0x7c: {  	_ =	shalt  }
0x7d: {  	_ =	shalt  }
0x7e: {  	_ =	shalt  }
0x7f: {  	_ =	shalt  }
0x80: {  	_ =	shalt  }
0x81: {  	_ =	shalt  }
0x82: {  	_ =	shalt  }
0x83: {  	_ =	shalt  }
0x84: {  	_ =	shalt  }
0x85: {  	_ =	shalt  }
0x86: {  	_ =	shalt  }
0x87: {  	_ =	shalt  }
.Lfunc_end0:
.L_simem_size_0:
called_computation.7_lowered:
.L_overlay_start_0:
0x88: {  	s2 =	sld [smem:$0x3FD9]  }
0x89: {  	s3 =	sld [smem:$0x3FFE];
	_ =	sdelay $0x1  }
0x8a: {  	s1 =	srdreg.scid  }
0x8b: {  	s0 =	sand.u32 $0x1, s1  }
0x8c: {  	s17 =	sshll.u32 s0, $0xA;
	s2 =	sadd.s32 s3, s2  }
0x8d: {  	s2 =	sadd.s32 s2, s17  }
0x8e: {  	[smem:$0x3FAF] =	sst s2  }
0x8f: {  	_ = 	snop  }
0x90: {  	(tm) =	ssettm $0x1  }
0x91: {  	s18 =	sld [smem:$0x3FFB];
	_ =	sdelay $0x3  }
0x92: {  	_ =	strace s18  }
0x93: {  	s2 =	sld [smem:$0x3FFC];
	_ =	sdelay $0x3  }
0x94: {  	_ =	strace s2  }
0x95: {  	s2 =	sld [smem:$0x3FFD];
	_ =	sdelay $0x3  }
0x96: {  	_ =	strace s2  }
0x97: {  	_ =	strace $0x8FFFFFFF  }
0x98: {  	s19 =	sld [smem:$0x3FDB];
	_ =	sdelay $0x1  }
0x99: {  	s20 =	simm.s32 $_scs_section_size  }
0x9a: {  	s4 =	simm.s32 $_size__tile_overlayer_lowered;
	s5 =	simm.s32 $_tile_overlayer_lowered  }
0x9b: {  	s6 =	simm.s32 $0x1BFF;
	s21 =	sshll.u32 s5, $0x1;
	s3 =	sadd.s32 s20, s19  }
0x9c: {  	s22 =	simm.s32 $0x0;
	s4 =	sshll.u32 s4, $0x1;
	s5 =	sadd.s32 s21, s3  }
0x9d: {  	[timem:s22], [sflag:s6] =	dma.local [hbm:s5], s4  }
0x9e: {  	_ =	swait.ge [sflag:s6], s4  }
0x9f: {  	s4 =	ssub.s32 $0x0, s4;
	[sflag:s6] =	ssyncset.done $0x0  }
0xa0: {  	[sflag:s6] =	ssyncadd.s32 s4;
	_ =	sdelay $0x1  }
0xa1: {  	s23 =	simm.s32 $0x1B8B  }
0xa2: {  	_ =	swait.ge [sflag:s23], $0x1  }
0xa3: {  	[sflag:s23] =	ssyncset.done $0x0  }
0xa4: {  	[sflag:s23] =	ssyncadd.s32 $0xFFFFFFFF  }
0xa5: {  	s4 =	sld [smem:$0x0]  }
0xa6: {  	s5 =	sand.u32 $0xFFFFFFFE, s1  }
0xa7: {  	p0 =	sne.s32 s1, s5  }
0xa8: {  	s5 =	sshll.u32 @p0 s5, $0xE  }
0xa9: {  	s5 =	sadd.s32 @p0 $0x11B8D, s5;
	s6 =	sshll.u32 @p0 s4, $0x11  }
0xaa: {  	s5 =	sor.u32 @p0 s6, s5  }
0xab: {  	[sflag:s5] =	ssyncadd.remote.s32 @p0 $0x1;
	_ =	sdelay $0x1  }
0xac: {  	s5 =	simm.s32 @p0 $0x1B8D  }
0xad: {  	_ =	swait.eq @p0 [sflag:s5], $0x1  }
0xae: {  	[sflag:s5] =	ssyncadd.s32 @p0 $0xFFFFFFFF  }
0xaf: {  	s6 =	sshll.u32 @!p0 s1, $0xE  }
0xb0: {  	s6 =	sor.u32 @!p0 $0x4000, s6;
	s5 =	simm.s32 @!p0 $0x1B8D  }
0xb1: {  	s4 =	sshll.u32 @!p0 s4, $0x11;
	s6 =	sadd.s32 @!p0 $0x11B8D, s6;
	_ =	swait.eq @!p0 [sflag:s5], $0x1  }
0xb2: {  	s4 =	sor.u32 @!p0 s4, s6;
	[sflag:s5] =	ssyncadd.s32 @!p0 $0xFFFFFFFF  }
0xb3: {  	s25 =	simm.s32 $0x1B8E;
	s24 =	sld [smem:$0x3FFE];
	[sflag:s4] =	ssyncadd.remote.s32 @!p0 $0x1  }
0xb4: {  	s26 =	simm.s32 $execute0_lowered;
	[smem:$0x3FD2] =	sst s25  }
0xb5: {  	s5 =	sshll.u32 s26, $0x1;
	_ =	strace $0x8000005E;
	[dreg:$0x1] =	wrdreg $0xFFFFFFFF  }
0xb6: {  	s28 =	simm.s32 $_size_execute0_lowered;
	s3 =	sadd.s32 s3, s5;
	[dreg:$0x0] =	wrdreg $0x0  }
0xb7: {  	s5 =	sshll.u32 s28, $0x1;
	[dreg:$0x2] =	wrdreg s3  }
0xb8: {  	[dreg:$0x3] =	wrdreg s5  }
0xb9: {  	[dreg:$0x4] =	wrdreg $0xC0  }
0xba: {  	_ =	task [dreg:s22], $0x5FFFF  }
0xbb: {  	[dreg:$0x1] =	wrdreg $0xFFFFFFFF  }
0xbc: {  	[dreg:$0x0] =	wrdreg $0x60  }
0xbd: {  	[dreg:$0x2] =	wrdreg s24  }
0xbe: {  	[dreg:$0x3] =	wrdreg $0xAC000  }
0xbf: {  	[dreg:$0x4] =	wrdreg $0x9  }
0xc0: {  	_ =	task.clear_ibuf [dreg:s22], $0x5FFFF;
	_ =	strace $0x9000005E  }
0xc1: {  	s29 =	simm.s32 $0x9;
	_ =	strace $0x80000060  }
0xc2: {  	_ =	swait.ge [sflag:s29], $0x1  }
0xc3: {  	[sflag:s29] =	ssyncadd.s32 $0xFFFFFFFF  }
0xc4: {  	_ =	strace $0x90000060  }
0xc5: {  	_ =	sfence  }
0xc6: {  	s30 =	sld [smem:$0x0];
	_ =	sdelay $0x2  }
0xc7: {  	s31 =	sshll.u32 s1, $0xD;
	s1 =	sshrl.u32 s1, $0x2  }
0xc8: {  	s4 =	sand.u32 $0x4000, s31;
	s1 =	sadd.s32 s1, s30  }
0xc9: {  	s0 =	sor.u32 s4, s0;
	s1 =	sshll.u32 s1, $0x11  }
0xca: {  	s0 =	sor.u32 s1, s0  }
0xcb: {  	s0 =	sadd.s32 $0x8F2B, s0  }
0xcc: {  	[sflag:s0] =	ssyncadd.remote.s32 $0x1  }
0xcd: {  	_ =	sfence.sel $0xFFFF  }
0xce: {  	[dreg:$0x0] =	wrdreg $0xFFFFFFFF;
	(pc) =	sbr.abs _section_cstart, $3  }
0xcf: {  	[dreg:$0x1] =	wrdreg $0xFFFFFFFF  }
0xd0: {  	_ =	task.clear_ibuf [dreg:s22], $0x2FFFF;
	_ =	strace $0x9FFFFFFF  }
0xd1: {  	(tm) =	ssettm $0x7FFFFFFF  }
tec
execute0_lowered:
.L_overlay_start_1:
0x0: {  	(tag) =	ssettag $0x1  }
0x1: {  	s0 =	srdreg.scid  }
0x2: {  	s7 =	sand.u32 $0x1, s0;
	s0 =	stileid.u32  }
0x3: {  	s4 =	rddreg [dreg:$0x0];
	s8 =	smul.u32 $0x14000, s0  }
0x4: {  	s2 =	rddreg [dreg:$0x1];
	s9 =	smul.u32 $0x140000, s7  }
0x5: {  	s3 =	simm.s32 $0x0;
	s16 =	simm.s32 $0x1;
	s24 =	smul.u32 $0x50000, s0  }
0x6: {  	s17 =	simm.s32 $0x80;
	s18 =	simm.s32 $0x2800;
	s29 =	smul.u32 $0x1440000, s7  }
0x7: {  	s19 =	simm.s32 $0x0;
	[smem:$0x7FF] =	sst s3;
	s14 =	smul.u32 $0x144000, s0  }
0x8: {  	s10 =	sadd.s32 $0x14AF600, s4;
	s1 =	sshll.u32 s7, $0x4;
	s15 =	smul.u32 $0x288000, s7  }
0x9: {  	s12 =	ssub.s32 $0x2, s7;
	s28 =	sshll.u32 s0, $0x6;
	s31 =	smul.u32 $0x28800, s0  }
0xa: {  	s5 =	sor.u32 s0, s1;
	s1 =	rddreg [dreg:$0x2];
	_ =	strace $0x8000005F  }
0xb: {  	s25 =	sshrl.u32 s12, $0x1;
	s6 =	smul.u32 $0x580, s5;
	s11 =	sshrl.u32 s8, $0x3  }
0xc: {  	s8 =	sadd.s32 s8, s9;
	s9 =	sshrl.u32 s24, $0x2;
	s12 =	ssub.s32 s12, s25  }
0xd: {  	s26 =	smul.u32 $0x144000, s5;
	s5 =	sor.u32 $0x1C02, s28;
	s30 =	sadd.s32 s14, s29  }
0xe: {  	s15 =	sadd.s32 s15, s10;
	s11 =	sadd.s32 s11, s4;
	s8 =	sshrl.u32 s8, $0x3  }
0xf: {  	s13 =	sadd.s32 s9, s2;
	s14 =	sshrl.u32 s30, $0x3;
	s6 =	sadd.s32 s6, s4  }
0x10: {  	s8 =	sadd.s32 s8, s4;
	s4 =	sadd.s32 $0x96E00, s11;
	s9 =	sshrl.u32 s26, $0x3  }
0x11: {  	s11 =	sadd.s32 s31, s15;
	s15 =	simm.s32 $0x6C00;
	s6 =	sadd.s32 $0x8E00, s6  }
0x12: {  	s9 =	sadd.s32 s10, s9;
	s8 =	sadd.s32 $0xBEE00, s8;
	s10 =	sadd.s32 s14, s10  }
0x13: {  	s11 =	sadd.s32 $0x800, s11;
	s14 =	simm.s32 $0x2C00;
	s7 =	sadd.s32 $0x28000, s9  }
0x14: {  	s9 =	smax.u32 s12, $0x1;
	s12 =	sshrl.u32 s13, $0x3;
	s13 =	simm.s32 $0x2  }
.LBB2_1:
0x15: {  	[spmem:s12], [sflag:s5] =	dma.local [hbm:s4], $0x2800  }
0x16: {  	_ =	swait.ge [sflag:s13], $0x2800  }
0x17: {  	[sflag:s13] =	ssyncset.done $0x0  }
0x18: {  	[sflag:s13] =	ssyncadd.s32 $0xFFFFD800  }
0x19: {  	[bflag:$0x0] =	sbarrier.arrive $0xFFFF  }
0x1a: {  	[tilespmem:s3], [sflag:$0x2] =	stream.linear.gather [hbm4b:s6+s3], $0x2880, $0x38;
	[tilespmem:$0x1EC00] =	vst v63  }
0x1b: {  	_ =	swait.ge [sflag:s13], $0x2880  }
0x1c: {  	[sflag:s13] =	ssyncset.done $0x0  }
0x1d: {  	s20 =	sadd.s32 $0x0, s10;
	[sflag:s13] =	ssyncadd.s32 $0xFFFFD780  }
0x1e: {  	[tilespmem:s14], [sflag:$0x1] =	stream.linear.gather [hbm4b:s20+s3], $0x4000, $0x38;
	[tilespmem:$0x1EC00] =	vst v63  }
0x1f: {  	s30 =	sadd.s32 $0x0, s11  }
0x20: {  	[tilespmem:s15], [sflag:$0x1] =	stream.linear.gather [hbm4b:s30+s3], $0x4000, $0x38;
	[tilespmem:$0x1EC00] =	vst v63  }
0x21: {  	_ =	swait.ge [sflag:s16], $0x4000  }
0x22: {  	[sflag:s16] =	ssyncset.done $0x0  }
0x23: {  	[sflag:s16] =	ssyncadd.s32 $0xFFFFC000  }
0x24: {  	[spmem:s2] =	stream.indirect.scatter.add.f32 [tilespmem:s14], [sflag:$0x2], $0x80, s3, s17, $0xb8;
	[tilespmem:$0x1EC00] =	vst v63  }
0x25: {  	_ =	swait.ge [sflag:s13], $0x4000  }
0x26: {  	[sflag:s13] =	ssyncset.done $0x0  }
0x27: {  	[sflag:s13] =	ssyncadd.s32 $0xFFFFC000  }
0x28: {  	_ =	swait.ge [sflag:s16], $0x4000  }
0x29: {  	[sflag:s16] =	ssyncset.done $0x0  }
0x2a: {  	s31 =	simm.s32 $0x80;
	[sflag:s16] =	ssyncadd.s32 $0xFFFFC000  }
0x2b: {  	[spmem:s2] =	stream.indirect.scatter.add.f32 [tilespmem:s15], [sflag:$0x2], $0x80, s31, s17, $0xb8;
	[tilespmem:$0x1EC00] =	vst v63  }
0x2c: {  	s21 =	simm.s32 $0x1000;
	_ =	swait.ge [sflag:s13], $0x4000  }
0x2d: {  	s22 =	simm.s32 $0x2000;
	s20 =	simm.s32 $0x100;
	[sflag:s13] =	ssyncset.done $0x0  }
.LBB2_2:
0x2e: {  	s23 =	sadd.s32 s21, s10  }
0x2f: {  	[sflag:s13] =	ssyncadd.s32 $0xFFFFC000;
	s24 =	smov.u32 s22;
	s25 =	sadd.s32 $0x1000, s22  }
0x30: {  	[tilespmem:s14], [sflag:$0x1] =	stream.linear.gather [hbm4b:s23+s3], $0x4000, $0x38;
	[tilespmem:$0x1EC00] =	vst v63  }
0x31: {  	p0 =	sne.s32 s22, $0x27000;
	s22 =	sadd.s32 s21, s11;
	s21 =	smov.u32 s24  }
0x32: {  	[tilespmem:s15], [sflag:$0x1] =	stream.linear.gather [hbm4b:s22+s3], $0x4000, $0x38;
	[tilespmem:$0x1EC00] =	vst v63  }
0x33: {  	_ =	swait.ge [sflag:s16], $0x4000  }
0x34: {  	[sflag:s16] =	ssyncset.done $0x0  }
0x35: {  	[sflag:s16] =	ssyncadd.s32 $0xFFFFC000  }
0x36: {  	[spmem:s2] =	stream.indirect.scatter.add.f32 [tilespmem:s14], [sflag:$0x2], $0x80, s20, s17, $0xb8;
	[tilespmem:$0x1EC00] =	vst v63  }
0x37: {  	_ =	swait.ge [sflag:s13], $0x4000  }
0x38: {  	[sflag:s13] =	ssyncset.done $0x0  }
0x39: {  	[sflag:s13] =	ssyncadd.s32 $0xFFFFC000  }
0x3a: {  	_ =	swait.ge [sflag:s16], $0x4000  }
.Ltmp0:
0x3b: {  	[sflag:s16] =	ssyncset.done $0x0;
	(pc) =	sbr.rel @p0 .LBB2_2-.Ltmp0, $4  }
0x3c: {  	s22 =	sadd.s32 $0x80, s20;
	[sflag:s16] =	ssyncadd.s32 $0xFFFFC000  }
0x3d: {  	[spmem:s2] =	stream.indirect.scatter.add.f32 [tilespmem:s15], [sflag:$0x2], $0x80, s22, s17, $0xb8;
	[tilespmem:$0x1EC00] =	vst v63  }
0x3e: {  	_ =	swait.ge [sflag:s13], $0x4000  }
0x3f: {  	s20 =	sadd.s32 $0x100, s20;
	s22 =	smov.u32 s25;
	[sflag:s13] =	ssyncset.done $0x0  }
0x40: {  	s22 =	sadd.s32 s21, s10;
	[sflag:s13] =	ssyncadd.s32 $0xFFFFC000  }
0x41: {  	[tilespmem:s14], [sflag:$0x1] =	stream.linear.gather [hbm4b:s22+s3], $0x4000, $0x38;
	[tilespmem:$0x1EC00] =	vst v63  }
0x42: {  	s30 =	sadd.s32 s21, s11  }
0x43: {  	[tilespmem:s15], [sflag:$0x1] =	stream.linear.gather [hbm4b:s30+s3], $0x4000, $0x38;
	[tilespmem:$0x1EC00] =	vst v63  }
0x44: {  	_ =	swait.ge [sflag:s16], $0x4000  }
0x45: {  	[sflag:s16] =	ssyncset.done $0x0  }
0x46: {  	[sflag:s16] =	ssyncadd.s32 $0xFFFFC000  }
0x47: {  	[spmem:s2] =	stream.indirect.scatter.add.f32 [tilespmem:s14], [sflag:$0x2], $0x80, s20, s17, $0xb8;
	[tilespmem:$0x1EC00] =	vst v63  }
0x48: {  	_ =	swait.ge [sflag:s13], $0x4000  }
0x49: {  	[sflag:s13] =	ssyncset.done $0x0  }
0x4a: {  	[sflag:s13] =	ssyncadd.s32 $0xFFFFC000  }
0x4b: {  	_ =	swait.ge [sflag:s16], $0x4000  }
0x4c: {  	[sflag:s16] =	ssyncset.done $0x0  }
0x4d: {  	s31 =	sadd.s32 $0x80, s20;
	[sflag:s16] =	ssyncadd.s32 $0xFFFFC000  }
0x4e: {  	[spmem:s2] =	stream.indirect.scatter.add.f32 [tilespmem:s15], [sflag:$0x2], $0x80, s31, s17, $0xb8;
	[tilespmem:$0x1EC00] =	vst v63  }
0x4f: {  	_ =	swait.ge [sflag:s13], $0x4000  }
0x50: {  	[sflag:s13] =	ssyncset.done $0x0  }
0x51: {  	[sflag:s13] =	ssyncadd.s32 $0xFFFFC000  }
0x52: {  	[tilespmem:s14], [sflag:$0x2] =	stream.linear.gather [hbm4b:s7+s3], $0x4000, $0x38;
	[tilespmem:$0x1EC00] =	vst v63  }
0x53: {  	_ =	swait.ge [sflag:s13], $0x4000  }
0x54: {  	[sflag:s13] =	ssyncset.done $0x0  }
0x55: {  	[sflag:s13] =	ssyncadd.s32 $0xFFFFC000  }
0x56: {  	[spmem:s2] =	stream.indirect.scatter.add.f32 [tilespmem:s14], [sflag:$0x2], $0x80, s18, s17, $0xb8;
	[tilespmem:$0x1EC00] =	vst v63  }
0x57: {  	_ =	swait.ge [sflag:s13], $0x4000  }
0x58: {  	s19 =	sadd.s32 $0x1, s19;
	[sflag:s13] =	ssyncset.done $0x0  }
0x59: {  	p0 =	sne.s32 s19, s9;
	[sflag:s13] =	ssyncadd.s32 $0xFFFFC000  }
.Ltmp1:
0x5a: {  	[bflag:$0x0] =	sbarrier.arrive $0xFFFF;
	(pc) =	sbr.rel @p0 .LBB2_1-.Ltmp1, $4  }
0x5b: {  	[hbm:s8], [sflag:s5] =	dma.local [spmem:s12], $0x2800  }
0x5c: {  	_ =	swait.ge [sflag:s13], $0x2800  }
0x5d: {  	[sflag:s13] =	ssyncset.done $0x0  }
0x5e: {  	[sflag:s13] =	ssyncadd.s32 $0xFFFFD800  }
0x5f: {  	_ =	sfence.sel $0x180000  }
0x60: {  	[bflag:$0x0] =	sbarrier.arrive $0xFFFF  }
0x61: {  	p0 =	sne.s32 s0, $0x0;
	_ =	strace $0x9000005F  }
0x62: {  	s0 =	sadd.s32 @!p0 $0x100000, s1;
	[bflag:$0x2] =	sbarrier.arrive $0xFFFF  }
0x63: {  	[sflag:s0] =	ssyncadd.tile.s32 @!p0 $0x1;
	_ =	shalt  }
.Lfunc_end2:
_tile_overlayer_lowered:
.L_overlay_start_2:
0x64: {  	(tag) =	ssettag $0x2  }
0x65: {  	s0 =	rddreg [dreg:$0x0];
	s2 =	stileid.u32  }
0x66: {  	s1 =	rddreg [dreg:$0x1];
	p0 =	sne.s32 s2, $0x0  }
0x67: {  	s3 =	rddreg [dreg:$0x2];
	[bflag:$0x3] =	sbarrier.arrive $0xFFFF;
	s2 =	simm.s32 @!p0 $0x1C02  }
0x68: {  	[timem:s3], [sflag:s2] =	dma.local @!p0 [hbm:s0], s1  }
0x69: {  	s0 =	simm.s32 @!p0 $0x2  }
0x6a: {  	_ =	swait.ge @!p0 [sflag:s0], s1  }
0x6b: {  	s1 =	ssub.s32 @!p0 $0x0, s1;
	[sflag:s0] =	ssyncset.done @!p0 $0x0  }
0x6c: {  	[sflag:s0] =	ssyncadd.s32 @!p0 s1  }
0x6d: {  	[bflag:$0x3] =	sbarrier.arrive $0xFFFF  }
0x6e: {  	_ =	shalt  }

// kernel: kernel.42.cloned.1.call-start
scs
__scs_entry_jumppad:
0x0: {  	(pc) =	sbr.rel $0x88, $3  }
0x1: {  	(tag) =	ssettag $0x0;
	lr =	simm.s32 $0x1  }
0x2: {  	[smem:$0x3F88] =	sst lr;
	_ =	strace $0xD0000000  }
0x3: {  	_ = 	snop  }
0x4: {  	_ = 	snop  }
0x5: {  	_ = 	snop  }
0x6: {  	_ = 	snop  }
0x7: {  	_ = 	snop  }
__scs_overlays_trampoline_lowered:
0x8: {  	[smem:$0x3F97] =	sst s0  }
0x9: {  	[smem:$0x3F98] =	sst s1  }
0xa: {  	[smem:$0x3F99] =	sst s2  }
0xb: {  	[smem:$0x3F9A] =	sst s3  }
0xc: {  	[smem:$0x3F9B] =	sst s4  }
0xd: {  	[smem:$0x3F9C] =	sst s5  }
0xe: {  	[smem:$0x3F9D] =	sst s6  }
0xf: {  	[smem:$0x3F9E] =	sst s7  }
0x10: {  	[smem:$0x3F9F] =	sst s8  }
0x11: {  	[smem:$0x3FA0] =	sst s9;
	s0 =	simm.s32 @!p0 $0x0  }
0x12: {  	s1 =	sld [smem:$0x3F86];
	s0 =	simm.s32 @p0 $0x1  }
0x13: {  	[smem:$0x3FA1] =	sst s0;
	s0 =	simm.s32 @!p1 $0x0  }
0x14: {  	s2 =	sld [smem:$0x3F85];
	s0 =	simm.s32 @p1 $0x1  }
0x15: {  	[smem:$0x3FA2] =	sst s0;
	s0 =	simm.s32 @!p2 $0x0  }
0x16: {  	s3 =	sld [smem:$0x3FDB];
	s0 =	simm.s32 @p2 $0x1  }
0x17: {  	s4 =	simm.s32 $0x1BF5;
	[smem:$0x3FA4] =	sst s0  }
0x18: {  	s0 =	sld [smem:$0x3F87];
	_ =	swait.ge [sflag:s4], $0x0  }
0x19: {  	s7 =	sld [smem:$0x3F88]  }
0x1a: {  	s8 =	sadd.s32 $0xFFFFE003, lr  }
0x1b: {  	s9 =	sadd.s32 $0xFFFFFEF7, lr;
	s5 =	simm.s32 $0xFFFFFFFF;
	p2 =	slt.u32 s8, $0xFFFFF086  }
0x1c: {  	p1 =	slt.u32 s9, $0xF7A;
	s5 =	simm.s32 @!p2 $0x0  }
0x1d: {  	s5 =	simm.s32 @p1 $0x1;
	p0 =	seq.s32 s7, s2  }
0x1e: {  	s7 =	smul.u32 @!p0 $0xF7A, s2;
	p2 =	seq.s32 @!p0 s5, $0x0  }
0x1f: {  	s9 =	smul.u32 $0xF7A, s1;
	s8 =	simm.s32 @!p0 $0x1BF5;
	p2 =	por !p2, p0  }
0x20: {  	[sflag:s8] =	ssyncset.s32 @!p0 $0xFFFFF086;
	s6 =	sadd.s32 @!p0 s3, s7;
	s7 =	simm.s32 @!p0 $0x108  }
0x21: {  	s3 =	sadd.s32 s3, s9;
	s6 =	sadd.s32 @!p0 $0x88, s6;
	s7 =	simm.s32 @p2 $0x1082  }
0x22: {  	[simem:s7], [sflag:s8] =	dma.local @!p0 [hbm:s6], $0xF7A  }
0x23: {  	s9 =	sor.u32 $0xD0000000, s2;
	s6 =	simm.s32 $0x108;
	_ =	swait.ge @!p0 [sflag:s8], $0x0  }
0x24: {  	s3 =	sadd.s32 $0x88, s3;
	s6 =	simm.s32 @!p1 $0x1082;
	[sflag:s4] =	ssyncset.s32 $0xFFFFF086  }
0x25: {  	[simem:s6], [sflag:s4] =	dma.local [hbm:s3], $0xF7A  }
0x26: {  	[smem:$0x3F88] =	sst s1;
	(tag) =	ssettag s2;
	_ =	strace s9  }
0x27: {  	s1 =	sld [smem:$0x3F98]  }
0x28: {  	s2 =	sld [smem:$0x3F99]  }
0x29: {  	s4 =	sld [smem:$0x3F9B]  }
0x2a: {  	p0 =	seq.s32 s5, $0x0;
	s5 =	sld [smem:$0x3F9C]  }
0x2b: {  	s6 =	sld [smem:$0x3F9D]  }
0x2c: {  	s7 =	sld [smem:$0x3F9E]  }
0x2d: {  	s3 =	simm.s32 $0x108;
	s8 =	sld [smem:$0x3F9F]  }
0x2e: {  	s3 =	simm.s32 @!p0 $0x1082;
	s9 =	sld [smem:$0x3FA0]  }
0x2f: {  	lr =	sadd.s32 s0, s3;
	s0 =	sld [smem:$0x3F97]  }
0x30: {  	s3 =	sld [smem:$0x3F9A]  }
0x31: {  	[smem:$0x3FA3] =	sst s10  }
0x32: {  	s10 =	sld [smem:$0x3FA1];
	_ =	sdelay $0x3  }
0x33: {  	p0 =	seq.s32 s10, $0x1;
	s10 =	sld [smem:$0x3FA3];
	_ =	sdelay $0x3  }
0x34: {  	[smem:$0x3FA3] =	sst s10  }
0x35: {  	s10 =	sld [smem:$0x3FA2];
	_ =	sdelay $0x3  }
0x36: {  	p1 =	seq.s32 s10, $0x1;
	s10 =	sld [smem:$0x3FA3];
	_ =	sdelay $0x3  }
0x37: {  	[smem:$0x3FA3] =	sst s10  }
0x38: {  	s10 =	sld [smem:$0x3FA4]  }
0x39: {  	_ = 	snop;
	(pc) =	sbr.ind lr, $3  }
0x3a: {  	_ = 	snop  }
0x3b: {  	_ = 	snop  }
0x3c: {  	p2 =	seq.s32 s10, $0x1;
	s10 =	sld [smem:$0x3FA3]  }
0x3d: {  	_ =	shalt  }
0x3e: {  	_ =	shalt  }
0x3f: {  	_ =	shalt  }
0x40: {  	_ =	shalt  }
0x41: {  	_ =	shalt  }
0x42: {  	_ =	shalt  }
0x43: {  	_ =	shalt  }
0x44: {  	_ =	shalt  }
0x45: {  	_ =	shalt  }
0x46: {  	_ =	shalt  }
0x47: {  	_ =	shalt  }
0x48: {  	_ =	shalt  }
0x49: {  	_ =	shalt  }
0x4a: {  	_ =	shalt  }
0x4b: {  	_ =	shalt  }
0x4c: {  	_ =	shalt  }
0x4d: {  	_ =	shalt  }
0x4e: {  	_ =	shalt  }
0x4f: {  	_ =	shalt  }
0x50: {  	_ =	shalt  }
0x51: {  	_ =	shalt  }
0x52: {  	_ =	shalt  }
0x53: {  	_ =	shalt  }
0x54: {  	_ =	shalt  }
0x55: {  	_ =	shalt  }
0x56: {  	_ =	shalt  }
0x57: {  	_ =	shalt  }
0x58: {  	_ =	shalt  }
0x59: {  	_ =	shalt  }
0x5a: {  	_ =	shalt  }
0x5b: {  	_ =	shalt  }
0x5c: {  	_ =	shalt  }
0x5d: {  	_ =	shalt  }
0x5e: {  	_ =	shalt  }
0x5f: {  	_ =	shalt  }
0x60: {  	_ =	shalt  }
0x61: {  	_ =	shalt  }
0x62: {  	_ =	shalt  }
0x63: {  	_ =	shalt  }
0x64: {  	_ =	shalt  }
0x65: {  	_ =	shalt  }
0x66: {  	_ =	shalt  }
0x67: {  	_ =	shalt  }
0x68: {  	_ =	shalt  }
0x69: {  	_ =	shalt  }
0x6a: {  	_ =	shalt  }
0x6b: {  	_ =	shalt  }
0x6c: {  	_ =	shalt  }
0x6d: {  	_ =	shalt  }
0x6e: {  	_ =	shalt  }
0x6f: {  	_ =	shalt  }
0x70: {  	_ =	shalt  }
0x71: {  	_ =	shalt  }
0x72: {  	_ =	shalt  }
0x73: {  	_ =	shalt  }
0x74: {  	_ =	shalt  }
0x75: {  	_ =	shalt  }
0x76: {  	_ =	shalt  }
0x77: {  	_ =	shalt  }
0x78: {  	_ =	shalt  }
0x79: {  	_ =	shalt  }
0x7a: {  	_ =	shalt  }
0x7b: {  	_ =	shalt  }
0x7c: {  	_ =	shalt  }
0x7d: {  	_ =	shalt  }
0x7e: {  	_ =	shalt  }
0x7f: {  	_ =	shalt  }
0x80: {  	_ =	shalt  }
0x81: {  	_ =	shalt  }
0x82: {  	_ =	shalt  }
0x83: {  	_ =	shalt  }
0x84: {  	_ =	shalt  }
0x85: {  	_ =	shalt  }
0x86: {  	_ =	shalt  }
0x87: {  	_ =	shalt  }
.Lfunc_end0:
.L_simem_size_0:
called_computation.8_lowered:
.L_overlay_start_0:
0x88: {  	s2 =	sld [smem:$0x3FD9]  }
0x89: {  	s3 =	sld [smem:$0x3FFE];
	_ =	sdelay $0x1  }
0x8a: {  	s1 =	srdreg.scid  }
0x8b: {  	s0 =	sand.u32 $0x1, s1  }
0x8c: {  	s16 =	sshll.u32 s0, $0xA;
	s2 =	sadd.s32 s3, s2  }
0x8d: {  	s2 =	sadd.s32 s2, s16  }
0x8e: {  	[smem:$0x3FAF] =	sst s2  }
0x8f: {  	_ = 	snop  }
0x90: {  	(tm) =	ssettm $0x1  }
0x91: {  	s17 =	sld [smem:$0x3FFB];
	_ =	sdelay $0x3  }
0x92: {  	_ =	strace s17  }
0x93: {  	s2 =	sld [smem:$0x3FFC];
	_ =	sdelay $0x3  }
0x94: {  	_ =	strace s2  }
0x95: {  	s2 =	sld [smem:$0x3FFD];
	_ =	sdelay $0x3  }
0x96: {  	_ =	strace s2  }
0x97: {  	_ =	strace $0x8FFFFFFF  }
0x98: {  	s18 =	sld [smem:$0x3FDB];
	_ =	sdelay $0x1  }
0x99: {  	s19 =	simm.s32 $_scs_section_size  }
0x9a: {  	s4 =	simm.s32 $_size__tile_overlayer_lowered;
	s5 =	simm.s32 $_tile_overlayer_lowered  }
0x9b: {  	s22 =	simm.s32 $0x1BFF;
	s21 =	sshll.u32 s5, $0x1;
	s2 =	sadd.s32 s19, s18  }
0x9c: {  	s6 =	simm.s32 $0x0;
	s20 =	sshll.u32 s4, $0x1;
	s4 =	sadd.s32 s21, s2  }
0x9d: {  	[timem:s6], [sflag:s22] =	dma.local [hbm:s4], s20  }
0x9e: {  	_ =	swait.ge [sflag:s22], s20  }
0x9f: {  	s3 =	ssub.s32 $0x0, s20;
	[sflag:s22] =	ssyncset.done $0x0  }
0xa0: {  	[sflag:s22] =	ssyncadd.s32 s3;
	_ =	sdelay $0x1  }
0xa1: {  	s23 =	simm.s32 $0x1B8B  }
0xa2: {  	_ =	swait.ge [sflag:s23], $0x1  }
0xa3: {  	[sflag:s23] =	ssyncset.done $0x0  }
0xa4: {  	s25 =	simm.s32 $0x1B8E;
	s24 =	sld [smem:$0x3FFE];
	[sflag:s23] =	ssyncadd.s32 $0xFFFFFFFF  }
0xa5: {  	s26 =	simm.s32 $execute0_lowered;
	[smem:$0x3FD2] =	sst s25  }
0xa6: {  	s4 =	sshll.u32 s26, $0x1;
	_ =	strace $0x8000005B;
	[dreg:$0x1] =	wrdreg $0xFFFFFFFF  }
0xa7: {  	s28 =	simm.s32 $_size_execute0_lowered;
	s2 =	sadd.s32 s2, s4;
	[dreg:$0x0] =	wrdreg $0x0  }
0xa8: {  	s4 =	sshll.u32 s28, $0x1;
	[dreg:$0x2] =	wrdreg s2  }
0xa9: {  	[dreg:$0x3] =	wrdreg s4  }
0xaa: {  	[dreg:$0x4] =	wrdreg $0xC0  }
0xab: {  	_ =	task [dreg:s6], $0x5FFFF  }
0xac: {  	[dreg:$0x1] =	wrdreg $0xFFFFFFFF  }
0xad: {  	[dreg:$0x0] =	wrdreg $0x60  }
0xae: {  	[dreg:$0x2] =	wrdreg s24  }
0xaf: {  	[dreg:$0x3] =	wrdreg $0xAC000  }
0xb0: {  	[dreg:$0x4] =	wrdreg $0xA  }
0xb1: {  	_ =	task.clear_ibuf [dreg:s6], $0x5FFFF;
	_ =	strace $0x9000005B  }
0xb2: {  	s29 =	simm.s32 $0xA;
	_ =	strace $0x8000005D  }
0xb3: {  	_ =	swait.ge [sflag:s29], $0x1  }
0xb4: {  	[sflag:s29] =	ssyncadd.s32 $0xFFFFFFFF  }
0xb5: {  	_ =	strace $0x9000005D  }
0xb6: {  	_ =	sfence  }
0xb7: {  	s30 =	sld [smem:$0x0];
	_ =	sdelay $0x2  }
0xb8: {  	s31 =	sshll.u32 s1, $0xD;
	s1 =	sshrl.u32 s1, $0x2  }
0xb9: {  	s3 =	sand.u32 $0x4000, s31;
	s1 =	sadd.s32 s1, s30  }
0xba: {  	s0 =	sor.u32 s3, s0;
	s1 =	sshll.u32 s1, $0x11  }
0xbb: {  	s0 =	sor.u32 s1, s0  }
0xbc: {  	s0 =	sadd.s32 $0x8F2B, s0  }
0xbd: {  	[sflag:s0] =	ssyncadd.remote.s32 $0x1  }
0xbe: {  	_ =	sfence.sel $0xFFFF  }
0xbf: {  	[dreg:$0x0] =	wrdreg $0xFFFFFFFF;
	(pc) =	sbr.abs _section_cstart, $3  }
0xc0: {  	[dreg:$0x1] =	wrdreg $0xFFFFFFFF  }
0xc1: {  	_ =	task.clear_ibuf [dreg:s6], $0x2FFFF;
	_ =	strace $0x9FFFFFFF  }
0xc2: {  	(tm) =	ssettm $0x7FFFFFFF  }
0xc3: {  	_ =	shalt  }
tec
execute0_lowered:
.L_overlay_start_1:
0x0: {  	(tag) =	ssettag $0x1  }
0x1: {  	s0 =	srdreg.scid  }
0x2: {  	s7 =	sand.u32 $0x1, s0;
	s0 =	stileid.u32  }
0x3: {  	s4 =	rddreg [dreg:$0x0];
	s8 =	smul.u32 $0x14000, s0  }
0x4: {  	s2 =	rddreg [dreg:$0x1];
	s9 =	smul.u32 $0x140000, s7  }
0x5: {  	s3 =	simm.s32 $0x0;
	s16 =	simm.s32 $0x1;
	s24 =	smul.u32 $0x50000, s0  }
0x6: {  	s17 =	simm.s32 $0x80;
	s18 =	simm.s32 $0x2800;
	s29 =	smul.u32 $0x1440000, s7  }
0x7: {  	s19 =	simm.s32 $0x0;
	[smem:$0x7FF] =	sst s3;
	s14 =	smul.u32 $0x144000, s0  }
0x8: {  	s10 =	sadd.s32 $0xF9F600, s4;
	s1 =	sshll.u32 s7, $0x4;
	s15 =	smul.u32 $0x288000, s7  }
0x9: {  	s12 =	ssub.s32 $0x2, s7;
	s28 =	sshll.u32 s0, $0x6;
	s31 =	smul.u32 $0x28800, s0  }
0xa: {  	s5 =	sor.u32 s0, s1;
	s1 =	rddreg [dreg:$0x2];
	_ =	strace $0x8000005C  }
0xb: {  	s25 =	sshrl.u32 s12, $0x1;
	s6 =	smul.u32 $0x580, s5;
	s11 =	sshrl.u32 s8, $0x3  }
0xc: {  	s8 =	sadd.s32 s8, s9;
	s9 =	sshrl.u32 s24, $0x2;
	s12 =	ssub.s32 s12, s25  }
0xd: {  	s26 =	smul.u32 $0x144000, s5;
	s5 =	sor.u32 $0x1C02, s28;
	s30 =	sadd.s32 s14, s29  }
0xe: {  	s15 =	sadd.s32 s15, s10;
	s11 =	sadd.s32 s11, s4;
	s8 =	sshrl.u32 s8, $0x3  }
0xf: {  	s13 =	sadd.s32 s9, s2;
	s14 =	sshrl.u32 s30, $0x3;
	s6 =	sadd.s32 s6, s4  }
0x10: {  	s8 =	sadd.s32 s8, s4;
	s4 =	sadd.s32 $0x1EE00, s11;
	s9 =	sshrl.u32 s26, $0x3  }
0x11: {  	s11 =	sadd.s32 s31, s15;
	s15 =	simm.s32 $0x6C00;
	s6 =	sadd.s32 $0x8E00, s6  }
0x12: {  	s9 =	sadd.s32 s10, s9;
	s8 =	sadd.s32 $0x46E00, s8;
	s10 =	sadd.s32 s14, s10  }
0x13: {  	s11 =	sadd.s32 $0x800, s11;
	s14 =	simm.s32 $0x2C00;
	s7 =	sadd.s32 $0x28000, s9  }
0x14: {  	s9 =	smax.u32 s12, $0x1;
	s12 =	sshrl.u32 s13, $0x3;
	s13 =	simm.s32 $0x2  }
.LBB2_1:
0x15: {  	[spmem:s12], [sflag:s5] =	dma.local [hbm:s4], $0x2800  }
0x16: {  	_ =	swait.ge [sflag:s13], $0x2800  }
0x17: {  	[sflag:s13] =	ssyncset.done $0x0  }
0x18: {  	[sflag:s13] =	ssyncadd.s32 $0xFFFFD800  }
0x19: {  	[bflag:$0x0] =	sbarrier.arrive $0xFFFF  }
0x1a: {  	[tilespmem:s3], [sflag:$0x2] =	stream.linear.gather [hbm4b:s6+s3], $0x2880, $0x38;
	[tilespmem:$0xD400] =	vst v63  }
0x1b: {  	_ =	swait.ge [sflag:s13], $0x2880  }
0x1c: {  	[sflag:s13] =	ssyncset.done $0x0  }
0x1d: {  	s20 =	sadd.s32 $0x0, s10;
	[sflag:s13] =	ssyncadd.s32 $0xFFFFD780  }
0x1e: {  	[tilespmem:s14], [sflag:$0x1] =	stream.linear.gather [hbm4b:s20+s3], $0x4000, $0x38;
	[tilespmem:$0xD400] =	vst v63  }
0x1f: {  	s30 =	sadd.s32 $0x0, s11  }
0x20: {  	[tilespmem:s15], [sflag:$0x1] =	stream.linear.gather [hbm4b:s30+s3], $0x4000, $0x38;
	[tilespmem:$0xD400] =	vst v63  }
0x21: {  	_ =	swait.ge [sflag:s16], $0x4000  }
0x22: {  	[sflag:s16] =	ssyncset.done $0x0  }
0x23: {  	[sflag:s16] =	ssyncadd.s32 $0xFFFFC000  }
0x24: {  	[spmem:s2] =	stream.indirect.scatter.add.f32 [tilespmem:s14], [sflag:$0x2], $0x10, s3, s17, $0xb8;
	[tilespmem:$0xD400] =	vst v63  }
0x25: {  	_ =	swait.ge [sflag:s13], $0x800  }
0x26: {  	[sflag:s13] =	ssyncset.done $0x0  }
0x27: {  	[sflag:s13] =	ssyncadd.s32 $0xFFFFF800  }
0x28: {  	_ =	swait.ge [sflag:s16], $0x4000  }
0x29: {  	[sflag:s16] =	ssyncset.done $0x0  }
0x2a: {  	s31 =	simm.s32 $0x80;
	[sflag:s16] =	ssyncadd.s32 $0xFFFFC000  }
0x2b: {  	[spmem:s2] =	stream.indirect.scatter.add.f32 [tilespmem:s15], [sflag:$0x2], $0x10, s31, s17, $0xb8;
	[tilespmem:$0xD400] =	vst v63  }
0x2c: {  	s21 =	simm.s32 $0x1000;
	_ =	swait.ge [sflag:s13], $0x800  }
0x2d: {  	s22 =	simm.s32 $0x2000;
	s20 =	simm.s32 $0x100;
	[sflag:s13] =	ssyncset.done $0x0  }
.LBB2_2:
0x2e: {  	s23 =	sadd.s32 s21, s10  }
0x2f: {  	[sflag:s13] =	ssyncadd.s32 $0xFFFFF800;
	s24 =	smov.u32 s22;
	s25 =	sadd.s32 $0x1000, s22  }
0x30: {  	[tilespmem:s14], [sflag:$0x1] =	stream.linear.gather [hbm4b:s23+s3], $0x4000, $0x38;
	[tilespmem:$0xD400] =	vst v63  }
0x31: {  	p0 =	sne.s32 s22, $0x27000;
	s22 =	sadd.s32 s21, s11;
	s21 =	smov.u32 s24  }
0x32: {  	[tilespmem:s15], [sflag:$0x1] =	stream.linear.gather [hbm4b:s22+s3], $0x4000, $0x38;
	[tilespmem:$0xD400] =	vst v63  }
0x33: {  	_ =	swait.ge [sflag:s16], $0x4000  }
0x34: {  	[sflag:s16] =	ssyncset.done $0x0  }
0x35: {  	[sflag:s16] =	ssyncadd.s32 $0xFFFFC000  }
0x36: {  	[spmem:s2] =	stream.indirect.scatter.add.f32 [tilespmem:s14], [sflag:$0x2], $0x10, s20, s17, $0xb8;
	[tilespmem:$0xD400] =	vst v63  }
0x37: {  	_ =	swait.ge [sflag:s13], $0x800  }
0x38: {  	[sflag:s13] =	ssyncset.done $0x0  }
0x39: {  	[sflag:s13] =	ssyncadd.s32 $0xFFFFF800  }
0x3a: {  	_ =	swait.ge [sflag:s16], $0x4000  }
.Ltmp0:
0x3b: {  	[sflag:s16] =	ssyncset.done $0x0;
	(pc) =	sbr.rel @p0 .LBB2_2-.Ltmp0, $4  }
0x3c: {  	s22 =	sadd.s32 $0x80, s20;
	[sflag:s16] =	ssyncadd.s32 $0xFFFFC000  }
0x3d: {  	[spmem:s2] =	stream.indirect.scatter.add.f32 [tilespmem:s15], [sflag:$0x2], $0x10, s22, s17, $0xb8;
	[tilespmem:$0xD400] =	vst v63  }
0x3e: {  	_ =	swait.ge [sflag:s13], $0x800  }
0x3f: {  	s20 =	sadd.s32 $0x100, s20;
	s22 =	smov.u32 s25;
	[sflag:s13] =	ssyncset.done $0x0  }
0x40: {  	s22 =	sadd.s32 s21, s10;
	[sflag:s13] =	ssyncadd.s32 $0xFFFFF800  }
0x41: {  	[tilespmem:s14], [sflag:$0x1] =	stream.linear.gather [hbm4b:s22+s3], $0x4000, $0x38;
	[tilespmem:$0xD400] =	vst v63  }
0x42: {  	s30 =	sadd.s32 s21, s11  }
0x43: {  	[tilespmem:s15], [sflag:$0x1] =	stream.linear.gather [hbm4b:s30+s3], $0x4000, $0x38;
	[tilespmem:$0xD400] =	vst v63  }
0x44: {  	_ =	swait.ge [sflag:s16], $0x4000  }
0x45: {  	[sflag:s16] =	ssyncset.done $0x0  }
0x46: {  	[sflag:s16] =	ssyncadd.s32 $0xFFFFC000  }
0x47: {  	[spmem:s2] =	stream.indirect.scatter.add.f32 [tilespmem:s14], [sflag:$0x2], $0x10, s20, s17, $0xb8;
	[tilespmem:$0xD400] =	vst v63  }
0x48: {  	_ =	swait.ge [sflag:s13], $0x800  }
0x49: {  	[sflag:s13] =	ssyncset.done $0x0  }
0x4a: {  	[sflag:s13] =	ssyncadd.s32 $0xFFFFF800  }
0x4b: {  	_ =	swait.ge [sflag:s16], $0x4000  }
0x4c: {  	[sflag:s16] =	ssyncset.done $0x0  }
0x4d: {  	s31 =	sadd.s32 $0x80, s20;
	[sflag:s16] =	ssyncadd.s32 $0xFFFFC000  }
0x4e: {  	[spmem:s2] =	stream.indirect.scatter.add.f32 [tilespmem:s15], [sflag:$0x2], $0x10, s31, s17, $0xb8;
	[tilespmem:$0xD400] =	vst v63  }
0x4f: {  	_ =	swait.ge [sflag:s13], $0x800  }
0x50: {  	[sflag:s13] =	ssyncset.done $0x0  }
0x51: {  	[sflag:s13] =	ssyncadd.s32 $0xFFFFF800  }
0x52: {  	[tilespmem:s14], [sflag:$0x2] =	stream.linear.gather [hbm4b:s7+s3], $0x4000, $0x38;
	[tilespmem:$0xD400] =	vst v63  }
0x53: {  	_ =	swait.ge [sflag:s13], $0x4000  }
0x54: {  	[sflag:s13] =	ssyncset.done $0x0  }
0x55: {  	[sflag:s13] =	ssyncadd.s32 $0xFFFFC000  }
0x56: {  	[spmem:s2] =	stream.indirect.scatter.add.f32 [tilespmem:s14], [sflag:$0x2], $0x10, s18, s17, $0xb8;
	[tilespmem:$0xD400] =	vst v63  }
0x57: {  	_ =	swait.ge [sflag:s13], $0x800  }
0x58: {  	s19 =	sadd.s32 $0x1, s19;
	[sflag:s13] =	ssyncset.done $0x0  }
0x59: {  	p0 =	sne.s32 s19, s9;
	[sflag:s13] =	ssyncadd.s32 $0xFFFFF800  }
.Ltmp1:
0x5a: {  	[bflag:$0x0] =	sbarrier.arrive $0xFFFF;
	(pc) =	sbr.rel @p0 .LBB2_1-.Ltmp1, $4  }
0x5b: {  	[hbm:s8], [sflag:s5] =	dma.local [spmem:s12], $0x2800  }
0x5c: {  	_ =	swait.ge [sflag:s13], $0x2800  }
0x5d: {  	[sflag:s13] =	ssyncset.done $0x0  }
0x5e: {  	[sflag:s13] =	ssyncadd.s32 $0xFFFFD800  }
0x5f: {  	_ =	sfence.sel $0x180000  }
0x60: {  	[bflag:$0x0] =	sbarrier.arrive $0xFFFF  }
0x61: {  	p0 =	sne.s32 s0, $0x0;
	_ =	strace $0x9000005C  }
0x62: {  	s0 =	sadd.s32 @!p0 $0x100000, s1;
	[bflag:$0x2] =	sbarrier.arrive $0xFFFF  }
0x63: {  	[sflag:s0] =	ssyncadd.tile.s32 @!p0 $0x1;
	_ =	shalt  }
.Lfunc_end2:
_tile_overlayer_lowered:
.L_overlay_start_2:
0x64: {  	(tag) =	ssettag $0x2  }
0x65: {  	s0 =	rddreg [dreg:$0x0];
	s2 =	stileid.u32  }
0x66: {  	s1 =	rddreg [dreg:$0x1];
	p0 =	sne.s32 s2, $0x0  }
0x67: {  	s3 =	rddreg [dreg:$0x2];
	[bflag:$0x3] =	sbarrier.arrive $0xFFFF;
	s2 =	simm.s32 @!p0 $0x1C02  }
0x68: {  	[timem:s3], [sflag:s2] =	dma.local @!p0 [hbm:s0], s1  }
0x69: {  	s0 =	simm.s32 @!p0 $0x2  }
0x6a: {  	_ =	swait.ge @!p0 [sflag:s0], s1  }
0x6b: {  	s1 =	ssub.s32 @!p0 $0x0, s1;
	[sflag:s0] =	ssyncset.done @!p0 $0x0  }
0x6c: {  	[sflag:s0] =	ssyncadd.s32 @!p0 s1  }
0x6d: {  	[bflag:$0x3] =	sbarrier.arrive $0xFFFF  }
0x6e: {  	_ =	shalt  }

</sc_bundles>
